<compile_context>
chip_gen: v7x
topology: tpu7x:2x2x1
jax: 0.10.2.dev20260603
libtpu: 0.0.44.dev20260713+nightly
codegen_flags: <defaults>
</compile_context>

<pallas_src>
import functools

import jax
import jax.numpy as jnp
from jax import lax
from jax.experimental import pallas as pl
from jax.experimental.pallas import tpu as pltpu
from jax.experimental.pallas import tpu_sc as plsc

CH = 256


@functools.lru_cache(maxsize=None)
def _build(b: int, l: int, d: int, vocab: int):
    info = plsc.get_sparse_core_info()
    nc, ns, nl = info.num_cores, info.num_subcores, info.num_lanes
    nw = nc * ns
    n_ch = b // CH
    n_slabs = l * n_ch
    assert b % CH == 0 and n_slabs % (2 * nw) == 0 and d % nl == 0
    slabs_pw = n_slabs // nw

    mesh = plsc.VectorSubcoreMesh(core_axis_name="c", subcore_axis_name="s")

    @functools.partial(
        pl.kernel,
        out_type=jax.ShapeDtypeStruct((l, d, b), jnp.float32),
        mesh=mesh,
        scratch_types=[
            pltpu.VMEM((CH,), jnp.int32),
            pltpu.VMEM((CH,), jnp.int32),
            pltpu.VMEM((CH, d), jnp.float32),
            pltpu.VMEM((CH, d), jnp.float32),
            pltpu.VMEM((d, CH), jnp.float32),
            pltpu.VMEM((d, CH), jnp.float32),
            pltpu.SemaphoreType.DMA,
            pltpu.SemaphoreType.DMA,
            pltpu.SemaphoreType.DMA,
            pltpu.SemaphoreType.DMA,
        ],
        compiler_params=pltpu.CompilerParams(use_tc_tiling_on_sc=False,
                                             needs_layout_passes=False),
    )
    def emb_kernel(x_hbm, emb_hbm, out_hbm, idx_a, idx_b, rows_a, rows_b,
                   t_a, t_b, gsem_a, gsem_b, osem_a, osem_b):
        wid = lax.axis_index("s") * nc + lax.axis_index("c")
        s0 = wid * slabs_pw
        iota = lax.iota(jnp.int32, nl)
        bufs = ((idx_a, rows_a, t_a, gsem_a, osem_a),
                (idx_b, rows_b, t_b, gsem_b, osem_b))

        def slab_lc(g):
            s = s0 + g
            return s // n_ch, lax.rem(s, n_ch)

        def issue(g, idx_v, rows, gsem):
            ll, ch = slab_lc(g)
            pltpu.sync_copy(x_hbm.at[ll, ch], idx_v)
            pltpu.make_async_copy(emb_hbm.at[idx_v], rows, gsem).start()

        rots = [jnp.bitwise_and(iota + j, nl - 1) for j in range(nl)]
        n_blk_b = CH // nl

        def transpose(rows, tbuf):
            @plsc.parallel_loop(0, n_blk_b, step=1, unroll=8)
            def _(bi):
                b0 = bi * nl
                bidx = iota + b0
                for cb in range(d // nl):
                    for j in range(nl):
                        cidx = rots[j] + cb * nl
                        vals = plsc.load_gather(rows, [bidx, cidx])
                        plsc.store_scatter(tbuf, [cidx, bidx], vals)

        issue(0, idx_a, rows_a, gsem_a)
        issue(1, idx_b, rows_b, gsem_b)

        def pair_body(p, carry):
            g = 2 * p
            for parity, (idx_v, rows, tbuf, gsem, osem) in enumerate(bufs):
                gg = g + parity
                pltpu.make_async_copy(emb_hbm.at[idx_v], rows, gsem).wait()

                @pl.when(gg >= 2)
                def _():
                    ll, ch = slab_lc(gg - 2)
                    pltpu.make_async_copy(
                        tbuf, out_hbm.at[ll, :, pl.ds(ch * CH, CH)], osem,
                    ).wait()

                transpose(rows, tbuf)

                @pl.when(gg + 2 < slabs_pw)
                def _():
                    issue(gg + 2, idx_v, rows, gsem)

                ll, ch = slab_lc(gg)
                pltpu.make_async_copy(
                    tbuf, out_hbm.at[ll, :, pl.ds(ch * CH, CH)], osem,
                ).start()

            return carry

        lax.fori_loop(0, slabs_pw // 2, pair_body, 0)

        for parity, (idx_v, rows, tbuf, gsem, osem) in enumerate(bufs):
            ll, ch = slab_lc(slabs_pw - 2 + parity)
            pltpu.make_async_copy(
                tbuf, out_hbm.at[ll, :, pl.ds(ch * CH, CH)], osem,
            ).wait()

    return emb_kernel


def kernel(x, emb):
    b, l = x.shape
    d = emb.shape[1]
    xt = jnp.transpose(x.astype(jnp.int32)).reshape(l, b // CH, CH)
    out = _build(b, l, d, emb.shape[0])(xt, emb)
    return jnp.transpose(out, (2, 0, 1))

# --- scband reference (transcript-rebuilt; emitter-appended) ---
"""Pipeline reference for scband-token-37160057045252 (READ-ONLY COPY).

The authoritative reference and input builder live on the scoring server;
editing this copy changes nothing except your own understanding.
"""

import jax, jax.numpy as jnp
import numpy as np

VOCAB = 1000000
D_MODEL = 64
B = 16384
L = 50

def setup_inputs(seed: int = 0) -> dict:
    key = jax.random.key(seed)
    k1, k2 = jax.random.split(key)
    x = jax.random.randint(k1, (B, L), 0, VOCAB, dtype=jnp.int64 if jax.config.jax_enable_x64 else jnp.int32)
    emb = jax.random.normal(k2, (VOCAB, D_MODEL), dtype=jnp.float32)
    return {"x": x, "emb": emb}

def reference(x, emb):
    # nn.Embedding forward: gather rows of the embedding table
    return jnp.take(emb, x, axis=0)

if __name__ == "__main__":
    import jax
    _d = setup_inputs()
    print(jax.jit(kernel)(*tuple(_d.values())))

</pallas_src>

<mosaic_0001>
#map = affine_map<(d0, d1) -> (0, 0, 0)>
#map1 = affine_map<(d0, d1) -> (0, 0)>
module attributes {stable_mosaic.version = 14 : i64} {
  func.func @emb_kernel(%arg0: i32, %arg1: i32, %arg2: memref<50x64x256xi32, #tpu.memory_space<hbm>>, %arg3: memref<1000000x64xf32, #tpu.memory_space<hbm>>, %arg4: memref<50x64x16384xf32, #tpu.memory_space<hbm>>, %arg5: memref<256xi32, #tpu.memory_space<vmem>>, %arg6: memref<256xi32, #tpu.memory_space<vmem>>, %arg7: memref<256x64xf32, #tpu.memory_space<vmem>>, %arg8: memref<256x64xf32, #tpu.memory_space<vmem>>, %arg9: memref<64x256xf32, #tpu.memory_space<vmem>>, %arg10: memref<64x256xf32, #tpu.memory_space<vmem>>, %arg11: memref<!tpu.dma_semaphore, #tpu.memory_space<semaphore_mem>>, %arg12: memref<!tpu.dma_semaphore, #tpu.memory_space<semaphore_mem>>, %arg13: memref<!tpu.dma_semaphore, #tpu.memory_space<semaphore_mem>>, %arg14: memref<!tpu.dma_semaphore, #tpu.memory_space<semaphore_mem>>) attributes {dimension_semantics = [#tpu.dimension_semantics<core_parallel>, #tpu.dimension_semantics<subcore_parallel>], iteration_bounds = array<i64: 2, 16>, scalar_prefetch = 0 : i64, scratch_operands = 10 : i64, tpu.core_type = #tpu.core_type<sc_vector_subcore>, window_params = [{transform_indices = #map}, {transform_indices = #map1}, {transform_indices = #map}]} {
    %mul3A = arith.constant 2 : i32
    %mul3A_0 = arith.muli %arg1, %mul3A : i32
    %add3A = arith.addi %mul3A_0, %arg0 : i32
    %mul3A_1 = arith.constant 100 : i32
    %mul3A_2 = arith.muli %add3A, %mul3A_1 : i32
    %iota3A = tpu.iota {dimensions = array<i32: 0>} : vector<16xi32>
    %add3A_3 = arith.constant 0 : i32
    %add3A_4 = vector.broadcast %add3A_3 : i32 to vector<16xi32>
    %add3A_5 = arith.addi %iota3A, %add3A_4 : vector<16xi32>
    %and3A = arith.constant 15 : i32
    %and3A_6 = vector.broadcast %and3A : i32 to vector<16xi32>
    %and3A_7 = arith.andi %add3A_5, %and3A_6 : vector<16xi32>
    %add3A_8 = arith.constant 1 : i32
    %add3A_9 = vector.broadcast %add3A_8 : i32 to vector<16xi32>
    %add3A_10 = arith.addi %iota3A, %add3A_9 : vector<16xi32>
    %and3A_11 = arith.constant 15 : i32
    %and3A_12 = vector.broadcast %and3A_11 : i32 to vector<16xi32>
    %and3A_13 = arith.andi %add3A_10, %and3A_12 : vector<16xi32>
    %add3A_14 = arith.constant 2 : i32
    %add3A_15 = vector.broadcast %add3A_14 : i32 to vector<16xi32>
    %add3A_16 = arith.addi %iota3A, %add3A_15 : vector<16xi32>
    %and3A_17 = arith.constant 15 : i32
    %and3A_18 = vector.broadcast %and3A_17 : i32 to vector<16xi32>
    %and3A_19 = arith.andi %add3A_16, %and3A_18 : vector<16xi32>
    %add3A_20 = arith.constant 3 : i32
    %add3A_21 = vector.broadcast %add3A_20 : i32 to vector<16xi32>
    %add3A_22 = arith.addi %iota3A, %add3A_21 : vector<16xi32>
    %and3A_23 = arith.constant 15 : i32
    %and3A_24 = vector.broadcast %and3A_23 : i32 to vector<16xi32>
    %and3A_25 = arith.andi %add3A_22, %and3A_24 : vector<16xi32>
    %add3A_26 = arith.constant 4 : i32
    %add3A_27 = vector.broadcast %add3A_26 : i32 to vector<16xi32>
    %add3A_28 = arith.addi %iota3A, %add3A_27 : vector<16xi32>
    %and3A_29 = arith.constant 15 : i32
    %and3A_30 = vector.broadcast %and3A_29 : i32 to vector<16xi32>
    %and3A_31 = arith.andi %add3A_28, %and3A_30 : vector<16xi32>
    %add3A_32 = arith.constant 5 : i32
    %add3A_33 = vector.broadcast %add3A_32 : i32 to vector<16xi32>
    %add3A_34 = arith.addi %iota3A, %add3A_33 : vector<16xi32>
    %and3A_35 = arith.constant 15 : i32
    %and3A_36 = vector.broadcast %and3A_35 : i32 to vector<16xi32>
    %and3A_37 = arith.andi %add3A_34, %and3A_36 : vector<16xi32>
    %add3A_38 = arith.constant 6 : i32
    %add3A_39 = vector.broadcast %add3A_38 : i32 to vector<16xi32>
    %add3A_40 = arith.addi %iota3A, %add3A_39 : vector<16xi32>
    %and3A_41 = arith.constant 15 : i32
    %and3A_42 = vector.broadcast %and3A_41 : i32 to vector<16xi32>
    %and3A_43 = arith.andi %add3A_40, %and3A_42 : vector<16xi32>
    %add3A_44 = arith.constant 7 : i32
    %add3A_45 = vector.broadcast %add3A_44 : i32 to vector<16xi32>
    %add3A_46 = arith.addi %iota3A, %add3A_45 : vector<16xi32>
    %and3A_47 = arith.constant 15 : i32
    %and3A_48 = vector.broadcast %and3A_47 : i32 to vector<16xi32>
    %and3A_49 = arith.andi %add3A_46, %and3A_48 : vector<16xi32>
    %add3A_50 = arith.constant 8 : i32
    %add3A_51 = vector.broadcast %add3A_50 : i32 to vector<16xi32>
    %add3A_52 = arith.addi %iota3A, %add3A_51 : vector<16xi32>
    %and3A_53 = arith.constant 15 : i32
    %and3A_54 = vector.broadcast %and3A_53 : i32 to vector<16xi32>
    %and3A_55 = arith.andi %add3A_52, %and3A_54 : vector<16xi32>
    %add3A_56 = arith.constant 9 : i32
    %add3A_57 = vector.broadcast %add3A_56 : i32 to vector<16xi32>
    %add3A_58 = arith.addi %iota3A, %add3A_57 : vector<16xi32>
    %and3A_59 = arith.constant 15 : i32
    %and3A_60 = vector.broadcast %and3A_59 : i32 to vector<16xi32>
    %and3A_61 = arith.andi %add3A_58, %and3A_60 : vector<16xi32>
    %add3A_62 = arith.constant 10 : i32
    %add3A_63 = vector.broadcast %add3A_62 : i32 to vector<16xi32>
    %add3A_64 = arith.addi %iota3A, %add3A_63 : vector<16xi32>
    %and3A_65 = arith.constant 15 : i32
    %and3A_66 = vector.broadcast %and3A_65 : i32 to vector<16xi32>
    %and3A_67 = arith.andi %add3A_64, %and3A_66 : vector<16xi32>
    %add3A_68 = arith.constant 11 : i32
    %add3A_69 = vector.broadcast %add3A_68 : i32 to vector<16xi32>
    %add3A_70 = arith.addi %iota3A, %add3A_69 : vector<16xi32>
    %and3A_71 = arith.constant 15 : i32
    %and3A_72 = vector.broadcast %and3A_71 : i32 to vector<16xi32>
    %and3A_73 = arith.andi %add3A_70, %and3A_72 : vector<16xi32>
    %add3A_74 = arith.constant 12 : i32
    %add3A_75 = vector.broadcast %add3A_74 : i32 to vector<16xi32>
    %add3A_76 = arith.addi %iota3A, %add3A_75 : vector<16xi32>
    %and3A_77 = arith.constant 15 : i32
    %and3A_78 = vector.broadcast %and3A_77 : i32 to vector<16xi32>
    %and3A_79 = arith.andi %add3A_76, %and3A_78 : vector<16xi32>
    %add3A_80 = arith.constant 13 : i32
    %add3A_81 = vector.broadcast %add3A_80 : i32 to vector<16xi32>
    %add3A_82 = arith.addi %iota3A, %add3A_81 : vector<16xi32>
    %and3A_83 = arith.constant 15 : i32
    %and3A_84 = vector.broadcast %and3A_83 : i32 to vector<16xi32>
    %and3A_85 = arith.andi %add3A_82, %and3A_84 : vector<16xi32>
    %add3A_86 = arith.constant 14 : i32
    %add3A_87 = vector.broadcast %add3A_86 : i32 to vector<16xi32>
    %add3A_88 = arith.addi %iota3A, %add3A_87 : vector<16xi32>
    %and3A_89 = arith.constant 15 : i32
    %and3A_90 = vector.broadcast %and3A_89 : i32 to vector<16xi32>
    %and3A_91 = arith.andi %add3A_88, %and3A_90 : vector<16xi32>
    %add3A_92 = arith.constant 15 : i32
    %add3A_93 = vector.broadcast %add3A_92 : i32 to vector<16xi32>
    %add3A_94 = arith.addi %iota3A, %add3A_93 : vector<16xi32>
    %and3A_95 = arith.constant 15 : i32
    %and3A_96 = vector.broadcast %and3A_95 : i32 to vector<16xi32>
    %and3A_97 = arith.andi %add3A_94, %and3A_96 : vector<16xi32>
    %add3A_98 = arith.constant 0 : i32
    %add3A_99 = arith.addi %mul3A_2, %add3A_98 : i32
    %jit3A = arith.constant 64 : i32
    %div3A = arith.divsi %add3A_99, %jit3A : i32
    %sign3A = arith.constant 0 : i32
    %sign3A_100 = arith.cmpi sgt, %add3A_99, %sign3A : i32
    %sign3A_101 = arith.extui %sign3A_100 : i1 to i32
    %sign3A_102 = arith.constant 0 : i32
    %sign3A_103 = arith.cmpi slt, %add3A_99, %sign3A_102 : i32
    %sign3A_104 = arith.extui %sign3A_103 : i1 to i32
    %sign3A_105 = arith.subi %sign3A_101, %sign3A_104 : i32
    %sign3A_106 = arith.constant 0 : i32
    %sign3A_107 = arith.cmpi sgt, %jit3A, %sign3A_106 : i32
    %sign3A_108 = arith.extui %sign3A_107 : i1 to i32
    %sign3A_109 = arith.constant 0 : i32
    %sign3A_110 = arith.cmpi slt, %jit3A, %sign3A_109 : i32
    %sign3A_111 = arith.extui %sign3A_110 : i1 to i32
    %sign3A_112 = arith.subi %sign3A_108, %sign3A_111 : i32
    %ne3A = arith.cmpi ne, %sign3A_105, %sign3A_112 : i32
    %rem3A = arith.remsi %add3A_99, %jit3A : i32
    %ne3A_113 = arith.constant 0 : i32
    %ne3A_114 = arith.cmpi ne, %rem3A, %ne3A_113 : i32
    %and3A_115 = arith.andi %ne3A, %ne3A_114 : i1
    %sub3A = arith.constant 1 : i32
    %sub3A_116 = arith.subi %div3A, %sub3A : i32
    %select_n3A = arith.select %and3A_115, %sub3A_116, %div3A : i32
    %rem3A_117 = arith.constant 64 : i32
    %rem3A_118 = arith.remsi %add3A_99, %rem3A_117 : i32
    "tpu.region"() ({
      %run_scoped3A = tpu.sem_alloc : memref<!tpu.dma_semaphore, #tpu.memory_space<semaphore_mem>>
      %dma_start3A_228 = arith.constant 0 : i32
      %dma_start3A_229 = tpu.memref_slice %arg2[%select_n3A, %rem3A_118, %dma_start3A_228] : memref<50x64x256xi32, #tpu.memory_space<hbm>> -> memref<1x1x256xi32, #tpu.memory_space<hbm>>
      %dma_start3A_230 = tpu.memref_squeeze %dma_start3A_229 : memref<1x1x256xi32, #tpu.memory_space<hbm>> -> memref<256xi32, #tpu.memory_space<hbm>>
      %dma_start3A_231 = arith.constant 0 : i32
      %dma_start3A_232 = tpu.memref_slice %arg2[%select_n3A, %rem3A_118, %dma_start3A_231] : memref<50x64x256xi32, #tpu.memory_space<hbm>> -> memref<1x1x256xi32, #tpu.memory_space<hbm>>
      %dma_start3A_233 = tpu.memref_squeeze %dma_start3A_232 : memref<1x1x256xi32, #tpu.memory_space<hbm>> -> memref<256xi32, #tpu.memory_space<hbm>>
      tpu.enqueue_dma source(%dma_start3A_233 : memref<256xi32, #tpu.memory_space<hbm>>) target(%arg5 : memref<256xi32, #tpu.memory_space<vmem>>) target_semaphore(%run_scoped3A : memref<!tpu.dma_semaphore, #tpu.memory_space<semaphore_mem>>)
      %dma_wait3A_234 = arith.constant 0 : i32
      %dma_wait3A_235 = tpu.memref_slice %arg2[%select_n3A, %rem3A_118, %dma_wait3A_234] : memref<50x64x256xi32, #tpu.memory_space<hbm>> -> memref<1x1x256xi32, #tpu.memory_space<hbm>>
      %dma_wait3A_236 = tpu.memref_squeeze %dma_wait3A_235 : memref<1x1x256xi32, #tpu.memory_space<hbm>> -> memref<256xi32, #tpu.memory_space<hbm>>
      %dma_wait3A_237 = arith.constant 0 : i32
      %dma_wait3A_238 = tpu.memref_slice %arg2[%select_n3A, %rem3A_118, %dma_wait3A_237] : memref<50x64x256xi32, #tpu.memory_space<hbm>> -> memref<1x1x256xi32, #tpu.memory_space<hbm>>
      %dma_wait3A_239 = tpu.memref_squeeze %dma_wait3A_238 : memref<1x1x256xi32, #tpu.memory_space<hbm>> -> memref<256xi32, #tpu.memory_space<hbm>>
      tpu.wait_dma2 semaphore(%run_scoped3A : memref<!tpu.dma_semaphore, #tpu.memory_space<semaphore_mem>>) src(%dma_wait3A_239 : memref<256xi32, #tpu.memory_space<hbm>>) dst(%arg5 : memref<256xi32, #tpu.memory_space<vmem>>)
      tpu.yield
    }) : () -> ()
    %dma_start3A = arith.constant 0 : i32
    %dma_start3A_119 = arith.constant 0 : i32
    %dma_start3A_120 = tpu.memref_slice %arg3[%dma_start3A, %dma_start3A_119] : memref<1000000x64xf32, #tpu.memory_space<hbm>> -> memref<1000000x64xf32, #tpu.memory_space<hbm>>
    tpu.enqueue_indirect_dma source(%dma_start3A_120 : memref<1000000x64xf32, #tpu.memory_space<hbm>>) target(%arg7 : memref<256x64xf32, #tpu.memory_space<vmem>>) offsets(%arg5 : memref<256xi32, #tpu.memory_space<vmem>>) semaphore(%arg11 : memref<!tpu.dma_semaphore, #tpu.memory_space<semaphore_mem>>)
    %add3A_121 = arith.constant 1 : i32
    %add3A_122 = arith.addi %mul3A_2, %add3A_121 : i32
    %jit3A_123 = arith.constant 64 : i32
    %div3A_124 = arith.divsi %add3A_122, %jit3A_123 : i32
    %sign3A_125 = arith.constant 0 : i32
    %sign3A_126 = arith.cmpi sgt, %add3A_122, %sign3A_125 : i32
    %sign3A_127 = arith.extui %sign3A_126 : i1 to i32
    %sign3A_128 = arith.constant 0 : i32
    %sign3A_129 = arith.cmpi slt, %add3A_122, %sign3A_128 : i32
    %sign3A_130 = arith.extui %sign3A_129 : i1 to i32
    %sign3A_131 = arith.subi %sign3A_127, %sign3A_130 : i32
    %sign3A_132 = arith.constant 0 : i32
    %sign3A_133 = arith.cmpi sgt, %jit3A_123, %sign3A_132 : i32
    %sign3A_134 = arith.extui %sign3A_133 : i1 to i32
    %sign3A_135 = arith.constant 0 : i32
    %sign3A_136 = arith.cmpi slt, %jit3A_123, %sign3A_135 : i32
    %sign3A_137 = arith.extui %sign3A_136 : i1 to i32
    %sign3A_138 = arith.subi %sign3A_134, %sign3A_137 : i32
    %ne3A_139 = arith.cmpi ne, %sign3A_131, %sign3A_138 : i32
    %rem3A_140 = arith.remsi %add3A_122, %jit3A_123 : i32
    %ne3A_141 = arith.constant 0 : i32
    %ne3A_142 = arith.cmpi ne, %rem3A_140, %ne3A_141 : i32
    %and3A_143 = arith.andi %ne3A_139, %ne3A_142 : i1
    %sub3A_144 = arith.constant 1 : i32
    %sub3A_145 = arith.subi %div3A_124, %sub3A_144 : i32
    %select_n3A_146 = arith.select %and3A_143, %sub3A_145, %div3A_124 : i32
    %rem3A_147 = arith.constant 64 : i32
    %rem3A_148 = arith.remsi %add3A_122, %rem3A_147 : i32
    "tpu.region"() ({
      %run_scoped3A = tpu.sem_alloc : memref<!tpu.dma_semaphore, #tpu.memory_space<semaphore_mem>>
      %dma_start3A_228 = arith.constant 0 : i32
      %dma_start3A_229 = tpu.memref_slice %arg2[%select_n3A_146, %rem3A_148, %dma_start3A_228] : memref<50x64x256xi32, #tpu.memory_space<hbm>> -> memref<1x1x256xi32, #tpu.memory_space<hbm>>
      %dma_start3A_230 = tpu.memref_squeeze %dma_start3A_229 : memref<1x1x256xi32, #tpu.memory_space<hbm>> -> memref<256xi32, #tpu.memory_space<hbm>>
      %dma_start3A_231 = arith.constant 0 : i32
      %dma_start3A_232 = tpu.memref_slice %arg2[%select_n3A_146, %rem3A_148, %dma_start3A_231] : memref<50x64x256xi32, #tpu.memory_space<hbm>> -> memref<1x1x256xi32, #tpu.memory_space<hbm>>
      %dma_start3A_233 = tpu.memref_squeeze %dma_start3A_232 : memref<1x1x256xi32, #tpu.memory_space<hbm>> -> memref<256xi32, #tpu.memory_space<hbm>>
      tpu.enqueue_dma source(%dma_start3A_233 : memref<256xi32, #tpu.memory_space<hbm>>) target(%arg6 : memref<256xi32, #tpu.memory_space<vmem>>) target_semaphore(%run_scoped3A : memref<!tpu.dma_semaphore, #tpu.memory_space<semaphore_mem>>)
      %dma_wait3A_234 = arith.constant 0 : i32
      %dma_wait3A_235 = tpu.memref_slice %arg2[%select_n3A_146, %rem3A_148, %dma_wait3A_234] : memref<50x64x256xi32, #tpu.memory_space<hbm>> -> memref<1x1x256xi32, #tpu.memory_space<hbm>>
      %dma_wait3A_236 = tpu.memref_squeeze %dma_wait3A_235 : memref<1x1x256xi32, #tpu.memory_space<hbm>> -> memref<256xi32, #tpu.memory_space<hbm>>
      %dma_wait3A_237 = arith.constant 0 : i32
      %dma_wait3A_238 = tpu.memref_slice %arg2[%select_n3A_146, %rem3A_148, %dma_wait3A_237] : memref<50x64x256xi32, #tpu.memory_space<hbm>> -> memref<1x1x256xi32, #tpu.memory_space<hbm>>
      %dma_wait3A_239 = tpu.memref_squeeze %dma_wait3A_238 : memref<1x1x256xi32, #tpu.memory_space<hbm>> -> memref<256xi32, #tpu.memory_space<hbm>>
      tpu.wait_dma2 semaphore(%run_scoped3A : memref<!tpu.dma_semaphore, #tpu.memory_space<semaphore_mem>>) src(%dma_wait3A_239 : memref<256xi32, #tpu.memory_space<hbm>>) dst(%arg6 : memref<256xi32, #tpu.memory_space<vmem>>)
      tpu.yield
    }) : () -> ()
    %dma_start3A_149 = arith.constant 0 : i32
    %dma_start3A_150 = arith.constant 0 : i32
    %dma_start3A_151 = tpu.memref_slice %arg3[%dma_start3A_149, %dma_start3A_150] : memref<1000000x64xf32, #tpu.memory_space<hbm>> -> memref<1000000x64xf32, #tpu.memory_space<hbm>>
    tpu.enqueue_indirect_dma source(%dma_start3A_151 : memref<1000000x64xf32, #tpu.memory_space<hbm>>) target(%arg8 : memref<256x64xf32, #tpu.memory_space<vmem>>) offsets(%arg6 : memref<256xi32, #tpu.memory_space<vmem>>) semaphore(%arg12 : memref<!tpu.dma_semaphore, #tpu.memory_space<semaphore_mem>>)
    %scan3A = arith.constant 0 : i32
    %scan3A_152 = arith.constant 0 : i32
    %scan3A_153 = arith.constant 50 : i32
    %scan3A_154 = arith.addi %scan3A_152, %scan3A_153 : i32
    %scan3A_155 = arith.constant 1 : i32
    scf.for %scan3A_228 = %scan3A_152 to %scan3A_154 step %scan3A_155  : i32 {
      %mul3A_229 = arith.constant 2 : i32
      %mul3A_230 = arith.muli %mul3A_229, %scan3A_228 : i32
      %add3A_231 = arith.constant 0 : i32
      %add3A_232 = arith.addi %mul3A_230, %add3A_231 : i32
      %dma_wait3A_233 = arith.constant 0 : i32
      %dma_wait3A_234 = arith.constant 0 : i32
      %dma_wait3A_235 = tpu.memref_slice %arg3[%dma_wait3A_233, %dma_wait3A_234] : memref<1000000x64xf32, #tpu.memory_space<hbm>> -> memref<1000000x64xf32, #tpu.memory_space<hbm>>
      tpu.wait_indirect_dma semaphore(%arg11 : memref<!tpu.dma_semaphore, #tpu.memory_space<semaphore_mem>>) src(%dma_wait3A_235 : memref<1000000x64xf32, #tpu.memory_space<hbm>>) dst(%arg7 : memref<256x64xf32, #tpu.memory_space<vmem>>)
      %ge3A = arith.constant 2 : i32
      %ge3A_236 = arith.cmpi sge, %add3A_232, %ge3A : i32
      %convert_element_type3A = arith.extui %ge3A_236 : i1 to i32
      %cond3A = arith.constant 0 : i32
      %cond3A_237 = arith.cmpi ne, %convert_element_type3A, %cond3A : i32
      scf.if %cond3A_237 {
        %sub3A_336 = arith.constant 2 : i32
        %sub3A_337 = arith.subi %add3A_232, %sub3A_336 : i32
        %add3A_338 = arith.addi %mul3A_2, %sub3A_337 : i32
        %jit3A_339 = arith.constant 64 : i32
        %div3A_340 = arith.divsi %add3A_338, %jit3A_339 : i32
        %sign3A_341 = arith.constant 0 : i32
        %sign3A_342 = arith.cmpi sgt, %add3A_338, %sign3A_341 : i32
        %sign3A_343 = arith.extui %sign3A_342 : i1 to i32
        %sign3A_344 = arith.constant 0 : i32
        %sign3A_345 = arith.cmpi slt, %add3A_338, %sign3A_344 : i32
        %sign3A_346 = arith.extui %sign3A_345 : i1 to i32
        %sign3A_347 = arith.subi %sign3A_343, %sign3A_346 : i32
        %sign3A_348 = arith.constant 0 : i32
        %sign3A_349 = arith.cmpi sgt, %jit3A_339, %sign3A_348 : i32
        %sign3A_350 = arith.extui %sign3A_349 : i1 to i32
        %sign3A_351 = arith.constant 0 : i32
        %sign3A_352 = arith.cmpi slt, %jit3A_339, %sign3A_351 : i32
        %sign3A_353 = arith.extui %sign3A_352 : i1 to i32
        %sign3A_354 = arith.subi %sign3A_350, %sign3A_353 : i32
        %ne3A_355 = arith.cmpi ne, %sign3A_347, %sign3A_354 : i32
        %rem3A_356 = arith.remsi %add3A_338, %jit3A_339 : i32
        %ne3A_357 = arith.constant 0 : i32
        %ne3A_358 = arith.cmpi ne, %rem3A_356, %ne3A_357 : i32
        %and3A_359 = arith.andi %ne3A_355, %ne3A_358 : i1
        %sub3A_360 = arith.constant 1 : i32
        %sub3A_361 = arith.subi %div3A_340, %sub3A_360 : i32
        %select_n3A_362 = arith.select %and3A_359, %sub3A_361, %div3A_340 : i32
        %rem3A_363 = arith.constant 64 : i32
        %rem3A_364 = arith.remsi %add3A_338, %rem3A_363 : i32
        %mul3A_365 = arith.constant 256 : i32
        %mul3A_366 = arith.muli %rem3A_364, %mul3A_365 : i32
        %dma_wait3A_367 = arith.constant 0 : i32
        %dma_wait3A_368 = tpu.memref_slice %arg4[%select_n3A_362, %dma_wait3A_367, %mul3A_366] : memref<50x64x16384xf32, #tpu.memory_space<hbm>> -> memref<1x64x256xf32, #tpu.memory_space<hbm>>
        %dma_wait3A_369 = tpu.memref_squeeze %dma_wait3A_368 : memref<1x64x256xf32, #tpu.memory_space<hbm>> -> memref<64x256xf32, #tpu.memory_space<hbm>>
        %dma_wait3A_370 = arith.constant 0 : i32
        %dma_wait3A_371 = tpu.memref_slice %arg4[%select_n3A_362, %dma_wait3A_370, %mul3A_366] : memref<50x64x16384xf32, #tpu.memory_space<hbm>> -> memref<1x64x256xf32, #tpu.memory_space<hbm>>
        %dma_wait3A_372 = tpu.memref_squeeze %dma_wait3A_371 : memref<1x64x256xf32, #tpu.memory_space<hbm>> -> memref<64x256xf32, #tpu.memory_space<hbm>>
        tpu.wait_dma2 semaphore(%arg13 : memref<!tpu.dma_semaphore, #tpu.memory_space<semaphore_mem>>) src(%arg9 : memref<64x256xf32, #tpu.memory_space<vmem>>) dst(%dma_wait3A_372 : memref<64x256xf32, #tpu.memory_space<hbm>>)
      } else {
      }
      %parallel_loop3A = arith.constant 0 : i32
      %parallel_loop3A_238 = arith.constant 16 : i32
      %parallel_loop3A_239 = arith.constant 1 : i32
      scf.for %parallel_loop3A_336 = %parallel_loop3A to %parallel_loop3A_238 step %parallel_loop3A_239  : i32 {
        %parallel_loop3A_337 = arith.constant 16 : i32
        %parallel_loop3A_338 = arith.muli %parallel_loop3A_336, %parallel_loop3A_337 : i32
        %parallel_loop3A_339 = vector.broadcast %parallel_loop3A_338 : i32 to vector<16xi32>
        %parallel_loop3A_340 = arith.addi %iota3A, %parallel_loop3A_339 : vector<16xi32>
        %parallel_loop3A_341 = arith.constant 0 : i32
        %parallel_loop3A_342 = vector.broadcast %parallel_loop3A_341 : i32 to vector<16xi32>
        %parallel_loop3A_343 = arith.addi %and3A_7, %parallel_loop3A_342 : vector<16xi32>
        %parallel_loop3A_344 = tpu.vector_load_idx %arg7[%parallel_loop3A_340, %parallel_loop3A_343] : memref<256x64xf32, #tpu.memory_space<vmem>>[vector<16xi32>, vector<16xi32>], vector<16xf32>,
        tpu.vector_store_idx %arg9[%parallel_loop3A_343, %parallel_loop3A_340], %parallel_loop3A_344 : memref<64x256xf32, #tpu.memory_space<vmem>>[vector<16xi32>, vector<16xi32>], vector<16xf32>,
        %parallel_loop3A_345 = arith.constant 0 : i32
        %parallel_loop3A_346 = vector.broadcast %parallel_loop3A_345 : i32 to vector<16xi32>
        %parallel_loop3A_347 = arith.addi %and3A_13, %parallel_loop3A_346 : vector<16xi32>
        %parallel_loop3A_348 = tpu.vector_load_idx %arg7[%parallel_loop3A_340, %parallel_loop3A_347] : memref<256x64xf32, #tpu.memory_space<vmem>>[vector<16xi32>, vector<16xi32>], vector<16xf32>,
        tpu.vector_store_idx %arg9[%parallel_loop3A_347, %parallel_loop3A_340], %parallel_loop3A_348 : memref<64x256xf32, #tpu.memory_space<vmem>>[vector<16xi32>, vector<16xi32>], vector<16xf32>,
        %parallel_loop3A_349 = arith.constant 0 : i32
        %parallel_loop3A_350 = vector.broadcast %parallel_loop3A_349 : i32 to vector<16xi32>
        %parallel_loop3A_351 = arith.addi %and3A_19, %parallel_loop3A_350 : vector<16xi32>
        %parallel_loop3A_352 = tpu.vector_load_idx %arg7[%parallel_loop3A_340, %parallel_loop3A_351] : memref<256x64xf32, #tpu.memory_space<vmem>>[vector<16xi32>, vector<16xi32>], vector<16xf32>,
        tpu.vector_store_idx %arg9[%parallel_loop3A_351, %parallel_loop3A_340], %parallel_loop3A_352 : memref<64x256xf32, #tpu.memory_space<vmem>>[vector<16xi32>, vector<16xi32>], vector<16xf32>,
        %parallel_loop3A_353 = arith.constant 0 : i32
        %parallel_loop3A_354 = vector.broadcast %parallel_loop3A_353 : i32 to vector<16xi32>
        %parallel_loop3A_355 = arith.addi %and3A_25, %parallel_loop3A_354 : vector<16xi32>
        %parallel_loop3A_356 = tpu.vector_load_idx %arg7[%parallel_loop3A_340, %parallel_loop3A_355] : memref<256x64xf32, #tpu.memory_space<vmem>>[vector<16xi32>, vector<16xi32>], vector<16xf32>,
        tpu.vector_store_idx %arg9[%parallel_loop3A_355, %parallel_loop3A_340], %parallel_loop3A_356 : memref<64x256xf32, #tpu.memory_space<vmem>>[vector<16xi32>, vector<16xi32>], vector<16xf32>,
        %parallel_loop3A_357 = arith.constant 0 : i32
        %parallel_loop3A_358 = vector.broadcast %parallel_loop3A_357 : i32 to vector<16xi32>
        %parallel_loop3A_359 = arith.addi %and3A_31, %parallel_loop3A_358 : vector<16xi32>
        %parallel_loop3A_360 = tpu.vector_load_idx %arg7[%parallel_loop3A_340, %parallel_loop3A_359] : memref<256x64xf32, #tpu.memory_space<vmem>>[vector<16xi32>, vector<16xi32>], vector<16xf32>,
        tpu.vector_store_idx %arg9[%parallel_loop3A_359, %parallel_loop3A_340], %parallel_loop3A_360 : memref<64x256xf32, #tpu.memory_space<vmem>>[vector<16xi32>, vector<16xi32>], vector<16xf32>,
        %parallel_loop3A_361 = arith.constant 0 : i32
        %parallel_loop3A_362 = vector.broadcast %parallel_loop3A_361 : i32 to vector<16xi32>
        %parallel_loop3A_363 = arith.addi %and3A_37, %parallel_loop3A_362 : vector<16xi32>
        %parallel_loop3A_364 = tpu.vector_load_idx %arg7[%parallel_loop3A_340, %parallel_loop3A_363] : memref<256x64xf32, #tpu.memory_space<vmem>>[vector<16xi32>, vector<16xi32>], vector<16xf32>,
        tpu.vector_store_idx %arg9[%parallel_loop3A_363, %parallel_loop3A_340], %parallel_loop3A_364 : memref<64x256xf32, #tpu.memory_space<vmem>>[vector<16xi32>, vector<16xi32>], vector<16xf32>,
        %parallel_loop3A_365 = arith.constant 0 : i32
        %parallel_loop3A_366 = vector.broadcast %parallel_loop3A_365 : i32 to vector<16xi32>
        %parallel_loop3A_367 = arith.addi %and3A_43, %parallel_loop3A_366 : vector<16xi32>
        %parallel_loop3A_368 = tpu.vector_load_idx %arg7[%parallel_loop3A_340, %parallel_loop3A_367] : memref<256x64xf32, #tpu.memory_space<vmem>>[vector<16xi32>, vector<16xi32>], vector<16xf32>,
        tpu.vector_store_idx %arg9[%parallel_loop3A_367, %parallel_loop3A_340], %parallel_loop3A_368 : memref<64x256xf32, #tpu.memory_space<vmem>>[vector<16xi32>, vector<16xi32>], vector<16xf32>,
        %parallel_loop3A_369 = arith.constant 0 : i32
        %parallel_loop3A_370 = vector.broadcast %parallel_loop3A_369 : i32 to vector<16xi32>
        %parallel_loop3A_371 = arith.addi %and3A_49, %parallel_loop3A_370 : vector<16xi32>
        %parallel_loop3A_372 = tpu.vector_load_idx %arg7[%parallel_loop3A_340, %parallel_loop3A_371] : memref<256x64xf32, #tpu.memory_space<vmem>>[vector<16xi32>, vector<16xi32>], vector<16xf32>,
        tpu.vector_store_idx %arg9[%parallel_loop3A_371, %parallel_loop3A_340], %parallel_loop3A_372 : memref<64x256xf32, #tpu.memory_space<vmem>>[vector<16xi32>, vector<16xi32>], vector<16xf32>,
        %parallel_loop3A_373 = arith.constant 0 : i32
        %parallel_loop3A_374 = vector.broadcast %parallel_loop3A_373 : i32 to vector<16xi32>
        %parallel_loop3A_375 = arith.addi %and3A_55, %parallel_loop3A_374 : vector<16xi32>
        %parallel_loop3A_376 = tpu.vector_load_idx %arg7[%parallel_loop3A_340, %parallel_loop3A_375] : memref<256x64xf32, #tpu.memory_space<vmem>>[vector<16xi32>, vector<16xi32>], vector<16xf32>,
        tpu.vector_store_idx %arg9[%parallel_loop3A_375, %parallel_loop3A_340], %parallel_loop3A_376 : memref<64x256xf32, #tpu.memory_space<vmem>>[vector<16xi32>, vector<16xi32>], vector<16xf32>,
        %parallel_loop3A_377 = arith.constant 0 : i32
        %parallel_loop3A_378 = vector.broadcast %parallel_loop3A_377 : i32 to vector<16xi32>
        %parallel_loop3A_379 = arith.addi %and3A_61, %parallel_loop3A_378 : vector<16xi32>
        %parallel_loop3A_380 = tpu.vector_load_idx %arg7[%parallel_loop3A_340, %parallel_loop3A_379] : memref<256x64xf32, #tpu.memory_space<vmem>>[vector<16xi32>, vector<16xi32>], vector<16xf32>,
        tpu.vector_store_idx %arg9[%parallel_loop3A_379, %parallel_loop3A_340], %parallel_loop3A_380 : memref<64x256xf32, #tpu.memory_space<vmem>>[vector<16xi32>, vector<16xi32>], vector<16xf32>,
        %parallel_loop3A_381 = arith.constant 0 : i32
        %parallel_loop3A_382 = vector.broadcast %parallel_loop3A_381 : i32 to vector<16xi32>
        %parallel_loop3A_383 = arith.addi %and3A_67, %parallel_loop3A_382 : vector<16xi32>
        %parallel_loop3A_384 = tpu.vector_load_idx %arg7[%parallel_loop3A_340, %parallel_loop3A_383] : memref<256x64xf32, #tpu.memory_space<vmem>>[vector<16xi32>, vector<16xi32>], vector<16xf32>,
        tpu.vector_store_idx %arg9[%parallel_loop3A_383, %parallel_loop3A_340], %parallel_loop3A_384 : memref<64x256xf32, #tpu.memory_space<vmem>>[vector<16xi32>, vector<16xi32>], vector<16xf32>,
        %parallel_loop3A_385 = arith.constant 0 : i32
        %parallel_loop3A_386 = vector.broadcast %parallel_loop3A_385 : i32 to vector<16xi32>
        %parallel_loop3A_387 = arith.addi %and3A_73, %parallel_loop3A_386 : vector<16xi32>
        %parallel_loop3A_388 = tpu.vector_load_idx %arg7[%parallel_loop3A_340, %parallel_loop3A_387] : memref<256x64xf32, #tpu.memory_space<vmem>>[vector<16xi32>, vector<16xi32>], vector<16xf32>,
        tpu.vector_store_idx %arg9[%parallel_loop3A_387, %parallel_loop3A_340], %parallel_loop3A_388 : memref<64x256xf32, #tpu.memory_space<vmem>>[vector<16xi32>, vector<16xi32>], vector<16xf32>,
        %parallel_loop3A_389 = arith.constant 0 : i32
        %parallel_loop3A_390 = vector.broadcast %parallel_loop3A_389 : i32 to vector<16xi32>
        %parallel_loop3A_391 = arith.addi %and3A_79, %parallel_loop3A_390 : vector<16xi32>
        %parallel_loop3A_392 = tpu.vector_load_idx %arg7[%parallel_loop3A_340, %parallel_loop3A_391] : memref<256x64xf32, #tpu.memory_space<vmem>>[vector<16xi32>, vector<16xi32>], vector<16xf32>,
        tpu.vector_store_idx %arg9[%parallel_loop3A_391, %parallel_loop3A_340], %parallel_loop3A_392 : memref<64x256xf32, #tpu.memory_space<vmem>>[vector<16xi32>, vector<16xi32>], vector<16xf32>,
        %parallel_loop3A_393 = arith.constant 0 : i32
        %parallel_loop3A_394 = vector.broadcast %parallel_loop3A_393 : i32 to vector<16xi32>
        %parallel_loop3A_395 = arith.addi %and3A_85, %parallel_loop3A_394 : vector<16xi32>
        %parallel_loop3A_396 = tpu.vector_load_idx %arg7[%parallel_loop3A_340, %parallel_loop3A_395] : memref<256x64xf32, #tpu.memory_space<vmem>>[vector<16xi32>, vector<16xi32>], vector<16xf32>,
        tpu.vector_store_idx %arg9[%parallel_loop3A_395, %parallel_loop3A_340], %parallel_loop3A_396 : memref<64x256xf32, #tpu.memory_space<vmem>>[vector<16xi32>, vector<16xi32>], vector<16xf32>,
        %parallel_loop3A_397 = arith.constant 0 : i32
        %parallel_loop3A_398 = vector.broadcast %parallel_loop3A_397 : i32 to vector<16xi32>
        %parallel_loop3A_399 = arith.addi %and3A_91, %parallel_loop3A_398 : vector<16xi32>
        %parallel_loop3A_400 = tpu.vector_load_idx %arg7[%parallel_loop3A_340, %parallel_loop3A_399] : memref<256x64xf32, #tpu.memory_space<vmem>>[vector<16xi32>, vector<16xi32>], vector<16xf32>,
        tpu.vector_store_idx %arg9[%parallel_loop3A_399, %parallel_loop3A_340], %parallel_loop3A_400 : memref<64x256xf32, #tpu.memory_space<vmem>>[vector<16xi32>, vector<16xi32>], vector<16xf32>,
        %parallel_loop3A_401 = arith.constant 0 : i32
        %parallel_loop3A_402 = vector.broadcast %parallel_loop3A_401 : i32 to vector<16xi32>
        %parallel_loop3A_403 = arith.addi %and3A_97, %parallel_loop3A_402 : vector<16xi32>
        %parallel_loop3A_404 = tpu.vector_load_idx %arg7[%parallel_loop3A_340, %parallel_loop3A_403] : memref<256x64xf32, #tpu.memory_space<vmem>>[vector<16xi32>, vector<16xi32>], vector<16xf32>,
        tpu.vector_store_idx %arg9[%parallel_loop3A_403, %parallel_loop3A_340], %parallel_loop3A_404 : memref<64x256xf32, #tpu.memory_space<vmem>>[vector<16xi32>, vector<16xi32>], vector<16xf32>,
        %parallel_loop3A_405 = arith.constant 16 : i32
        %parallel_loop3A_406 = vector.broadcast %parallel_loop3A_405 : i32 to vector<16xi32>
        %parallel_loop3A_407 = arith.addi %and3A_7, %parallel_loop3A_406 : vector<16xi32>
        %parallel_loop3A_408 = tpu.vector_load_idx %arg7[%parallel_loop3A_340, %parallel_loop3A_407] : memref<256x64xf32, #tpu.memory_space<vmem>>[vector<16xi32>, vector<16xi32>], vector<16xf32>,
        tpu.vector_store_idx %arg9[%parallel_loop3A_407, %parallel_loop3A_340], %parallel_loop3A_408 : memref<64x256xf32, #tpu.memory_space<vmem>>[vector<16xi32>, vector<16xi32>], vector<16xf32>,
        %parallel_loop3A_409 = arith.constant 16 : i32
        %parallel_loop3A_410 = vector.broadcast %parallel_loop3A_409 : i32 to vector<16xi32>
        %parallel_loop3A_411 = arith.addi %and3A_13, %parallel_loop3A_410 : vector<16xi32>
        %parallel_loop3A_412 = tpu.vector_load_idx %arg7[%parallel_loop3A_340, %parallel_loop3A_411] : memref<256x64xf32, #tpu.memory_space<vmem>>[vector<16xi32>, vector<16xi32>], vector<16xf32>,
        tpu.vector_store_idx %arg9[%parallel_loop3A_411, %parallel_loop3A_340], %parallel_loop3A_412 : memref<64x256xf32, #tpu.memory_space<vmem>>[vector<16xi32>, vector<16xi32>], vector<16xf32>,
        %parallel_loop3A_413 = arith.constant 16 : i32
        %parallel_loop3A_414 = vector.broadcast %parallel_loop3A_413 : i32 to vector<16xi32>
        %parallel_loop3A_415 = arith.addi %and3A_19, %parallel_loop3A_414 : vector<16xi32>
        %parallel_loop3A_416 = tpu.vector_load_idx %arg7[%parallel_loop3A_340, %parallel_loop3A_415] : memref<256x64xf32, #tpu.memory_space<vmem>>[vector<16xi32>, vector<16xi32>], vector<16xf32>,
        tpu.vector_store_idx %arg9[%parallel_loop3A_415, %parallel_loop3A_340], %parallel_loop3A_416 : memref<64x256xf32, #tpu.memory_space<vmem>>[vector<16xi32>, vector<16xi32>], vector<16xf32>,
        %parallel_loop3A_417 = arith.constant 16 : i32
        %parallel_loop3A_418 = vector.broadcast %parallel_loop3A_417 : i32 to vector<16xi32>
        %parallel_loop3A_419 = arith.addi %and3A_25, %parallel_loop3A_418 : vector<16xi32>
        %parallel_loop3A_420 = tpu.vector_load_idx %arg7[%parallel_loop3A_340, %parallel_loop3A_419] : memref<256x64xf32, #tpu.memory_space<vmem>>[vector<16xi32>, vector<16xi32>], vector<16xf32>,
        tpu.vector_store_idx %arg9[%parallel_loop3A_419, %parallel_loop3A_340], %parallel_loop3A_420 : memref<64x256xf32, #tpu.memory_space<vmem>>[vector<16xi32>, vector<16xi32>], vector<16xf32>,
        %parallel_loop3A_421 = arith.constant 16 : i32
        %parallel_loop3A_422 = vector.broadcast %parallel_loop3A_421 : i32 to vector<16xi32>
        %parallel_loop3A_423 = arith.addi %and3A_31, %parallel_loop3A_422 : vector<16xi32>
        %parallel_loop3A_424 = tpu.vector_load_idx %arg7[%parallel_loop3A_340, %parallel_loop3A_423] : memref<256x64xf32, #tpu.memory_space<vmem>>[vector<16xi32>, vector<16xi32>], vector<16xf32>,
        tpu.vector_store_idx %arg9[%parallel_loop3A_423, %parallel_loop3A_340], %parallel_loop3A_424 : memref<64x256xf32, #tpu.memory_space<vmem>>[vector<16xi32>, vector<16xi32>], vector<16xf32>,
        %parallel_loop3A_425 = arith.constant 16 : i32
        %parallel_loop3A_426 = vector.broadcast %parallel_loop3A_425 : i32 to vector<16xi32>
        %parallel_loop3A_427 = arith.addi %and3A_37, %parallel_loop3A_426 : vector<16xi32>
        %parallel_loop3A_428 = tpu.vector_load_idx %arg7[%parallel_loop3A_340, %parallel_loop3A_427] : memref<256x64xf32, #tpu.memory_space<vmem>>[vector<16xi32>, vector<16xi32>], vector<16xf32>,
        tpu.vector_store_idx %arg9[%parallel_loop3A_427, %parallel_loop3A_340], %parallel_loop3A_428 : memref<64x256xf32, #tpu.memory_space<vmem>>[vector<16xi32>, vector<16xi32>], vector<16xf32>,
        %parallel_loop3A_429 = arith.constant 16 : i32
        %parallel_loop3A_430 = vector.broadcast %parallel_loop3A_429 : i32 to vector<16xi32>
        %parallel_loop3A_431 = arith.addi %and3A_43, %parallel_loop3A_430 : vector<16xi32>
        %parallel_loop3A_432 = tpu.vector_load_idx %arg7[%parallel_loop3A_340, %parallel_loop3A_431] : memref<256x64xf32, #tpu.memory_space<vmem>>[vector<16xi32>, vector<16xi32>], vector<16xf32>,
        tpu.vector_store_idx %arg9[%parallel_loop3A_431, %parallel_loop3A_340], %parallel_loop3A_432 : memref<64x256xf32, #tpu.memory_space<vmem>>[vector<16xi32>, vector<16xi32>], vector<16xf32>,
        %parallel_loop3A_433 = arith.constant 16 : i32
        %parallel_loop3A_434 = vector.broadcast %parallel_loop3A_433 : i32 to vector<16xi32>
        %parallel_loop3A_435 = arith.addi %and3A_49, %parallel_loop3A_434 : vector<16xi32>
        %parallel_loop3A_436 = tpu.vector_load_idx %arg7[%parallel_loop3A_340, %parallel_loop3A_435] : memref<256x64xf32, #tpu.memory_space<vmem>>[vector<16xi32>, vector<16xi32>], vector<16xf32>,
        tpu.vector_store_idx %arg9[%parallel_loop3A_435, %parallel_loop3A_340], %parallel_loop3A_436 : memref<64x256xf32, #tpu.memory_space<vmem>>[vector<16xi32>, vector<16xi32>], vector<16xf32>,
        %parallel_loop3A_437 = arith.constant 16 : i32
        %parallel_loop3A_438 = vector.broadcast %parallel_loop3A_437 : i32 to vector<16xi32>
        %parallel_loop3A_439 = arith.addi %and3A_55, %parallel_loop3A_438 : vector<16xi32>
        %parallel_loop3A_440 = tpu.vector_load_idx %arg7[%parallel_loop3A_340, %parallel_loop3A_439] : memref<256x64xf32, #tpu.memory_space<vmem>>[vector<16xi32>, vector<16xi32>], vector<16xf32>,
        tpu.vector_store_idx %arg9[%parallel_loop3A_439, %parallel_loop3A_340], %parallel_loop3A_440 : memref<64x256xf32, #tpu.memory_space<vmem>>[vector<16xi32>, vector<16xi32>], vector<16xf32>,
        %parallel_loop3A_441 = arith.constant 16 : i32
        %parallel_loop3A_442 = vector.broadcast %parallel_loop3A_441 : i32 to vector<16xi32>
        %parallel_loop3A_443 = arith.addi %and3A_61, %parallel_loop3A_442 : vector<16xi32>
        %parallel_loop3A_444 = tpu.vector_load_idx %arg7[%parallel_loop3A_340, %parallel_loop3A_443] : memref<256x64xf32, #tpu.memory_space<vmem>>[vector<16xi32>, vector<16xi32>], vector<16xf32>,
        tpu.vector_store_idx %arg9[%parallel_loop3A_443, %parallel_loop3A_340], %parallel_loop3A_444 : memref<64x256xf32, #tpu.memory_space<vmem>>[vector<16xi32>, vector<16xi32>], vector<16xf32>,
        %parallel_loop3A_445 = arith.constant 16 : i32
        %parallel_loop3A_446 = vector.broadcast %parallel_loop3A_445 : i32 to vector<16xi32>
        %parallel_loop3A_447 = arith.addi %and3A_67, %parallel_loop3A_446 : vector<16xi32>
        %parallel_loop3A_448 = tpu.vector_load_idx %arg7[%parallel_loop3A_340, %parallel_loop3A_447] : memref<256x64xf32, #tpu.memory_space<vmem>>[vector<16xi32>, vector<16xi32>], vector<16xf32>,
        tpu.vector_store_idx %arg9[%parallel_loop3A_447, %parallel_loop3A_340], %parallel_loop3A_448 : memref<64x256xf32, #tpu.memory_space<vmem>>[vector<16xi32>, vector<16xi32>], vector<16xf32>,
        %parallel_loop3A_449 = arith.constant 16 : i32
        %parallel_loop3A_450 = vector.broadcast %parallel_loop3A_449 : i32 to vector<16xi32>
        %parallel_loop3A_451 = arith.addi %and3A_73, %parallel_loop3A_450 : vector<16xi32>
        %parallel_loop3A_452 = tpu.vector_load_idx %arg7[%parallel_loop3A_340, %parallel_loop3A_451] : memref<256x64xf32, #tpu.memory_space<vmem>>[vector<16xi32>, vector<16xi32>], vector<16xf32>,
        tpu.vector_store_idx %arg9[%parallel_loop3A_451, %parallel_loop3A_340], %parallel_loop3A_452 : memref<64x256xf32, #tpu.memory_space<vmem>>[vector<16xi32>, vector<16xi32>], vector<16xf32>,
        %parallel_loop3A_453 = arith.constant 16 : i32
        %parallel_loop3A_454 = vector.broadcast %parallel_loop3A_453 : i32 to vector<16xi32>
        %parallel_loop3A_455 = arith.addi %and3A_79, %parallel_loop3A_454 : vector<16xi32>
        %parallel_loop3A_456 = tpu.vector_load_idx %arg7[%parallel_loop3A_340, %parallel_loop3A_455] : memref<256x64xf32, #tpu.memory_space<vmem>>[vector<16xi32>, vector<16xi32>], vector<16xf32>,
        tpu.vector_store_idx %arg9[%parallel_loop3A_455, %parallel_loop3A_340], %parallel_loop3A_456 : memref<64x256xf32, #tpu.memory_space<vmem>>[vector<16xi32>, vector<16xi32>], vector<16xf32>,
        %parallel_loop3A_457 = arith.constant 16 : i32
        %parallel_loop3A_458 = vector.broadcast %parallel_loop3A_457 : i32 to vector<16xi32>
        %parallel_loop3A_459 = arith.addi %and3A_85, %parallel_loop3A_458 : vector<16xi32>
        %parallel_loop3A_460 = tpu.vector_load_idx %arg7[%parallel_loop3A_340, %parallel_loop3A_459] : memref<256x64xf32, #tpu.memory_space<vmem>>[vector<16xi32>, vector<16xi32>], vector<16xf32>,
        tpu.vector_store_idx %arg9[%parallel_loop3A_459, %parallel_loop3A_340], %parallel_loop3A_460 : memref<64x256xf32, #tpu.memory_space<vmem>>[vector<16xi32>, vector<16xi32>], vector<16xf32>,
        %parallel_loop3A_461 = arith.constant 16 : i32
        %parallel_loop3A_462 = vector.broadcast %parallel_loop3A_461 : i32 to vector<16xi32>
        %parallel_loop3A_463 = arith.addi %and3A_91, %parallel_loop3A_462 : vector<16xi32>
        %parallel_loop3A_464 = tpu.vector_load_idx %arg7[%parallel_loop3A_340, %parallel_loop3A_463] : memref<256x64xf32, #tpu.memory_space<vmem>>[vector<16xi32>, vector<16xi32>], vector<16xf32>,
        tpu.vector_store_idx %arg9[%parallel_loop3A_463, %parallel_loop3A_340], %parallel_loop3A_464 : memref<64x256xf32, #tpu.memory_space<vmem>>[vector<16xi32>, vector<16xi32>], vector<16xf32>,
        %parallel_loop3A_465 = arith.constant 16 : i32
        %parallel_loop3A_466 = vector.broadcast %parallel_loop3A_465 : i32 to vector<16xi32>
        %parallel_loop3A_467 = arith.addi %and3A_97, %parallel_loop3A_466 : vector<16xi32>
        %parallel_loop3A_468 = tpu.vector_load_idx %arg7[%parallel_loop3A_340, %parallel_loop3A_467] : memref<256x64xf32, #tpu.memory_space<vmem>>[vector<16xi32>, vector<16xi32>], vector<16xf32>,
        tpu.vector_store_idx %arg9[%parallel_loop3A_467, %parallel_loop3A_340], %parallel_loop3A_468 : memref<64x256xf32, #tpu.memory_space<vmem>>[vector<16xi32>, vector<16xi32>], vector<16xf32>,
        %parallel_loop3A_469 = arith.constant 32 : i32
        %parallel_loop3A_470 = vector.broadcast %parallel_loop3A_469 : i32 to vector<16xi32>
        %parallel_loop3A_471 = arith.addi %and3A_7, %parallel_loop3A_470 : vector<16xi32>
        %parallel_loop3A_472 = tpu.vector_load_idx %arg7[%parallel_loop3A_340, %parallel_loop3A_471] : memref<256x64xf32, #tpu.memory_space<vmem>>[vector<16xi32>, vector<16xi32>], vector<16xf32>,
        tpu.vector_store_idx %arg9[%parallel_loop3A_471, %parallel_loop3A_340], %parallel_loop3A_472 : memref<64x256xf32, #tpu.memory_space<vmem>>[vector<16xi32>, vector<16xi32>], vector<16xf32>,
        %parallel_loop3A_473 = arith.constant 32 : i32
        %parallel_loop3A_474 = vector.broadcast %parallel_loop3A_473 : i32 to vector<16xi32>
        %parallel_loop3A_475 = arith.addi %and3A_13, %parallel_loop3A_474 : vector<16xi32>
        %parallel_loop3A_476 = tpu.vector_load_idx %arg7[%parallel_loop3A_340, %parallel_loop3A_475] : memref<256x64xf32, #tpu.memory_space<vmem>>[vector<16xi32>, vector<16xi32>], vector<16xf32>,
        tpu.vector_store_idx %arg9[%parallel_loop3A_475, %parallel_loop3A_340], %parallel_loop3A_476 : memref<64x256xf32, #tpu.memory_space<vmem>>[vector<16xi32>, vector<16xi32>], vector<16xf32>,
        %parallel_loop3A_477 = arith.constant 32 : i32
        %parallel_loop3A_478 = vector.broadcast %parallel_loop3A_477 : i32 to vector<16xi32>
        %parallel_loop3A_479 = arith.addi %and3A_19, %parallel_loop3A_478 : vector<16xi32>
        %parallel_loop3A_480 = tpu.vector_load_idx %arg7[%parallel_loop3A_340, %parallel_loop3A_479] : memref<256x64xf32, #tpu.memory_space<vmem>>[vector<16xi32>, vector<16xi32>], vector<16xf32>,
        tpu.vector_store_idx %arg9[%parallel_loop3A_479, %parallel_loop3A_340], %parallel_loop3A_480 : memref<64x256xf32, #tpu.memory_space<vmem>>[vector<16xi32>, vector<16xi32>], vector<16xf32>,
        %parallel_loop3A_481 = arith.constant 32 : i32
        %parallel_loop3A_482 = vector.broadcast %parallel_loop3A_481 : i32 to vector<16xi32>
        %parallel_loop3A_483 = arith.addi %and3A_25, %parallel_loop3A_482 : vector<16xi32>
        %parallel_loop3A_484 = tpu.vector_load_idx %arg7[%parallel_loop3A_340, %parallel_loop3A_483] : memref<256x64xf32, #tpu.memory_space<vmem>>[vector<16xi32>, vector<16xi32>], vector<16xf32>,
        tpu.vector_store_idx %arg9[%parallel_loop3A_483, %parallel_loop3A_340], %parallel_loop3A_484 : memref<64x256xf32, #tpu.memory_space<vmem>>[vector<16xi32>, vector<16xi32>], vector<16xf32>,
        %parallel_loop3A_485 = arith.constant 32 : i32
        %parallel_loop3A_486 = vector.broadcast %parallel_loop3A_485 : i32 to vector<16xi32>
        %parallel_loop3A_487 = arith.addi %and3A_31, %parallel_loop3A_486 : vector<16xi32>
        %parallel_loop3A_488 = tpu.vector_load_idx %arg7[%parallel_loop3A_340, %parallel_loop3A_487] : memref<256x64xf32, #tpu.memory_space<vmem>>[vector<16xi32>, vector<16xi32>], vector<16xf32>,
        tpu.vector_store_idx %arg9[%parallel_loop3A_487, %parallel_loop3A_340], %parallel_loop3A_488 : memref<64x256xf32, #tpu.memory_space<vmem>>[vector<16xi32>, vector<16xi32>], vector<16xf32>,
        %parallel_loop3A_489 = arith.constant 32 : i32
        %parallel_loop3A_490 = vector.broadcast %parallel_loop3A_489 : i32 to vector<16xi32>
        %parallel_loop3A_491 = arith.addi %and3A_37, %parallel_loop3A_490 : vector<16xi32>
        %parallel_loop3A_492 = tpu.vector_load_idx %arg7[%parallel_loop3A_340, %parallel_loop3A_491] : memref<256x64xf32, #tpu.memory_space<vmem>>[vector<16xi32>, vector<16xi32>], vector<16xf32>,
        tpu.vector_store_idx %arg9[%parallel_loop3A_491, %parallel_loop3A_340], %parallel_loop3A_492 : memref<64x256xf32, #tpu.memory_space<vmem>>[vector<16xi32>, vector<16xi32>], vector<16xf32>,
        %parallel_loop3A_493 = arith.constant 32 : i32
        %parallel_loop3A_494 = vector.broadcast %parallel_loop3A_493 : i32 to vector<16xi32>
        %parallel_loop3A_495 = arith.addi %and3A_43, %parallel_loop3A_494 : vector<16xi32>
        %parallel_loop3A_496 = tpu.vector_load_idx %arg7[%parallel_loop3A_340, %parallel_loop3A_495] : memref<256x64xf32, #tpu.memory_space<vmem>>[vector<16xi32>, vector<16xi32>], vector<16xf32>,
        tpu.vector_store_idx %arg9[%parallel_loop3A_495, %parallel_loop3A_340], %parallel_loop3A_496 : memref<64x256xf32, #tpu.memory_space<vmem>>[vector<16xi32>, vector<16xi32>], vector<16xf32>,
        %parallel_loop3A_497 = arith.constant 32 : i32
        %parallel_loop3A_498 = vector.broadcast %parallel_loop3A_497 : i32 to vector<16xi32>
        %parallel_loop3A_499 = arith.addi %and3A_49, %parallel_loop3A_498 : vector<16xi32>
        %parallel_loop3A_500 = tpu.vector_load_idx %arg7[%parallel_loop3A_340, %parallel_loop3A_499] : memref<256x64xf32, #tpu.memory_space<vmem>>[vector<16xi32>, vector<16xi32>], vector<16xf32>,
        tpu.vector_store_idx %arg9[%parallel_loop3A_499, %parallel_loop3A_340], %parallel_loop3A_500 : memref<64x256xf32, #tpu.memory_space<vmem>>[vector<16xi32>, vector<16xi32>], vector<16xf32>,
        %parallel_loop3A_501 = arith.constant 32 : i32
        %parallel_loop3A_502 = vector.broadcast %parallel_loop3A_501 : i32 to vector<16xi32>
        %parallel_loop3A_503 = arith.addi %and3A_55, %parallel_loop3A_502 : vector<16xi32>
        %parallel_loop3A_504 = tpu.vector_load_idx %arg7[%parallel_loop3A_340, %parallel_loop3A_503] : memref<256x64xf32, #tpu.memory_space<vmem>>[vector<16xi32>, vector<16xi32>], vector<16xf32>,
        tpu.vector_store_idx %arg9[%parallel_loop3A_503, %parallel_loop3A_340], %parallel_loop3A_504 : memref<64x256xf32, #tpu.memory_space<vmem>>[vector<16xi32>, vector<16xi32>], vector<16xf32>,
        %parallel_loop3A_505 = arith.constant 32 : i32
        %parallel_loop3A_506 = vector.broadcast %parallel_loop3A_505 : i32 to vector<16xi32>
        %parallel_loop3A_507 = arith.addi %and3A_61, %parallel_loop3A_506 : vector<16xi32>
        %parallel_loop3A_508 = tpu.vector_load_idx %arg7[%parallel_loop3A_340, %parallel_loop3A_507] : memref<256x64xf32, #tpu.memory_space<vmem>>[vector<16xi32>, vector<16xi32>], vector<16xf32>,
        tpu.vector_store_idx %arg9[%parallel_loop3A_507, %parallel_loop3A_340], %parallel_loop3A_508 : memref<64x256xf32, #tpu.memory_space<vmem>>[vector<16xi32>, vector<16xi32>], vector<16xf32>,
        %parallel_loop3A_509 = arith.constant 32 : i32
        %parallel_loop3A_510 = vector.broadcast %parallel_loop3A_509 : i32 to vector<16xi32>
        %parallel_loop3A_511 = arith.addi %and3A_67, %parallel_loop3A_510 : vector<16xi32>
        %parallel_loop3A_512 = tpu.vector_load_idx %arg7[%parallel_loop3A_340, %parallel_loop3A_511] : memref<256x64xf32, #tpu.memory_space<vmem>>[vector<16xi32>, vector<16xi32>], vector<16xf32>,
        tpu.vector_store_idx %arg9[%parallel_loop3A_511, %parallel_loop3A_340], %parallel_loop3A_512 : memref<64x256xf32, #tpu.memory_space<vmem>>[vector<16xi32>, vector<16xi32>], vector<16xf32>,
        %parallel_loop3A_513 = arith.constant 32 : i32
        %parallel_loop3A_514 = vector.broadcast %parallel_loop3A_513 : i32 to vector<16xi32>
        %parallel_loop3A_515 = arith.addi %and3A_73, %parallel_loop3A_514 : vector<16xi32>
        %parallel_loop3A_516 = tpu.vector_load_idx %arg7[%parallel_loop3A_340, %parallel_loop3A_515] : memref<256x64xf32, #tpu.memory_space<vmem>>[vector<16xi32>, vector<16xi32>], vector<16xf32>,
        tpu.vector_store_idx %arg9[%parallel_loop3A_515, %parallel_loop3A_340], %parallel_loop3A_516 : memref<64x256xf32, #tpu.memory_space<vmem>>[vector<16xi32>, vector<16xi32>], vector<16xf32>,
        %parallel_loop3A_517 = arith.constant 32 : i32
        %parallel_loop3A_518 = vector.broadcast %parallel_loop3A_517 : i32 to vector<16xi32>
        %parallel_loop3A_519 = arith.addi %and3A_79, %parallel_loop3A_518 : vector<16xi32>
        %parallel_loop3A_520 = tpu.vector_load_idx %arg7[%parallel_loop3A_340, %parallel_loop3A_519] : memref<256x64xf32, #tpu.memory_space<vmem>>[vector<16xi32>, vector<16xi32>], vector<16xf32>,
        tpu.vector_store_idx %arg9[%parallel_loop3A_519, %parallel_loop3A_340], %parallel_loop3A_520 : memref<64x256xf32, #tpu.memory_space<vmem>>[vector<16xi32>, vector<16xi32>], vector<16xf32>,
        %parallel_loop3A_521 = arith.constant 32 : i32
        %parallel_loop3A_522 = vector.broadcast %parallel_loop3A_521 : i32 to vector<16xi32>
        %parallel_loop3A_523 = arith.addi %and3A_85, %parallel_loop3A_522 : vector<16xi32>
        %parallel_loop3A_524 = tpu.vector_load_idx %arg7[%parallel_loop3A_340, %parallel_loop3A_523] : memref<256x64xf32, #tpu.memory_space<vmem>>[vector<16xi32>, vector<16xi32>], vector<16xf32>,
        tpu.vector_store_idx %arg9[%parallel_loop3A_523, %parallel_loop3A_340], %parallel_loop3A_524 : memref<64x256xf32, #tpu.memory_space<vmem>>[vector<16xi32>, vector<16xi32>], vector<16xf32>,
        %parallel_loop3A_525 = arith.constant 32 : i32
        %parallel_loop3A_526 = vector.broadcast %parallel_loop3A_525 : i32 to vector<16xi32>
        %parallel_loop3A_527 = arith.addi %and3A_91, %parallel_loop3A_526 : vector<16xi32>
        %parallel_loop3A_528 = tpu.vector_load_idx %arg7[%parallel_loop3A_340, %parallel_loop3A_527] : memref<256x64xf32, #tpu.memory_space<vmem>>[vector<16xi32>, vector<16xi32>], vector<16xf32>,
        tpu.vector_store_idx %arg9[%parallel_loop3A_527, %parallel_loop3A_340], %parallel_loop3A_528 : memref<64x256xf32, #tpu.memory_space<vmem>>[vector<16xi32>, vector<16xi32>], vector<16xf32>,
        %parallel_loop3A_529 = arith.constant 32 : i32
        %parallel_loop3A_530 = vector.broadcast %parallel_loop3A_529 : i32 to vector<16xi32>
        %parallel_loop3A_531 = arith.addi %and3A_97, %parallel_loop3A_530 : vector<16xi32>
        %parallel_loop3A_532 = tpu.vector_load_idx %arg7[%parallel_loop3A_340, %parallel_loop3A_531] : memref<256x64xf32, #tpu.memory_space<vmem>>[vector<16xi32>, vector<16xi32>], vector<16xf32>,
        tpu.vector_store_idx %arg9[%parallel_loop3A_531, %parallel_loop3A_340], %parallel_loop3A_532 : memref<64x256xf32, #tpu.memory_space<vmem>>[vector<16xi32>, vector<16xi32>], vector<16xf32>,
        %parallel_loop3A_533 = arith.constant 48 : i32
        %parallel_loop3A_534 = vector.broadcast %parallel_loop3A_533 : i32 to vector<16xi32>
        %parallel_loop3A_535 = arith.addi %and3A_7, %parallel_loop3A_534 : vector<16xi32>
        %parallel_loop3A_536 = tpu.vector_load_idx %arg7[%parallel_loop3A_340, %parallel_loop3A_535] : memref<256x64xf32, #tpu.memory_space<vmem>>[vector<16xi32>, vector<16xi32>], vector<16xf32>,
        tpu.vector_store_idx %arg9[%parallel_loop3A_535, %parallel_loop3A_340], %parallel_loop3A_536 : memref<64x256xf32, #tpu.memory_space<vmem>>[vector<16xi32>, vector<16xi32>], vector<16xf32>,
        %parallel_loop3A_537 = arith.constant 48 : i32
        %parallel_loop3A_538 = vector.broadcast %parallel_loop3A_537 : i32 to vector<16xi32>
        %parallel_loop3A_539 = arith.addi %and3A_13, %parallel_loop3A_538 : vector<16xi32>
        %parallel_loop3A_540 = tpu.vector_load_idx %arg7[%parallel_loop3A_340, %parallel_loop3A_539] : memref<256x64xf32, #tpu.memory_space<vmem>>[vector<16xi32>, vector<16xi32>], vector<16xf32>,
        tpu.vector_store_idx %arg9[%parallel_loop3A_539, %parallel_loop3A_340], %parallel_loop3A_540 : memref<64x256xf32, #tpu.memory_space<vmem>>[vector<16xi32>, vector<16xi32>], vector<16xf32>,
        %parallel_loop3A_541 = arith.constant 48 : i32
        %parallel_loop3A_542 = vector.broadcast %parallel_loop3A_541 : i32 to vector<16xi32>
        %parallel_loop3A_543 = arith.addi %and3A_19, %parallel_loop3A_542 : vector<16xi32>
        %parallel_loop3A_544 = tpu.vector_load_idx %arg7[%parallel_loop3A_340, %parallel_loop3A_543] : memref<256x64xf32, #tpu.memory_space<vmem>>[vector<16xi32>, vector<16xi32>], vector<16xf32>,
        tpu.vector_store_idx %arg9[%parallel_loop3A_543, %parallel_loop3A_340], %parallel_loop3A_544 : memref<64x256xf32, #tpu.memory_space<vmem>>[vector<16xi32>, vector<16xi32>], vector<16xf32>,
        %parallel_loop3A_545 = arith.constant 48 : i32
        %parallel_loop3A_546 = vector.broadcast %parallel_loop3A_545 : i32 to vector<16xi32>
        %parallel_loop3A_547 = arith.addi %and3A_25, %parallel_loop3A_546 : vector<16xi32>
        %parallel_loop3A_548 = tpu.vector_load_idx %arg7[%parallel_loop3A_340, %parallel_loop3A_547] : memref<256x64xf32, #tpu.memory_space<vmem>>[vector<16xi32>, vector<16xi32>], vector<16xf32>,
        tpu.vector_store_idx %arg9[%parallel_loop3A_547, %parallel_loop3A_340], %parallel_loop3A_548 : memref<64x256xf32, #tpu.memory_space<vmem>>[vector<16xi32>, vector<16xi32>], vector<16xf32>,
        %parallel_loop3A_549 = arith.constant 48 : i32
        %parallel_loop3A_550 = vector.broadcast %parallel_loop3A_549 : i32 to vector<16xi32>
        %parallel_loop3A_551 = arith.addi %and3A_31, %parallel_loop3A_550 : vector<16xi32>
        %parallel_loop3A_552 = tpu.vector_load_idx %arg7[%parallel_loop3A_340, %parallel_loop3A_551] : memref<256x64xf32, #tpu.memory_space<vmem>>[vector<16xi32>, vector<16xi32>], vector<16xf32>,
        tpu.vector_store_idx %arg9[%parallel_loop3A_551, %parallel_loop3A_340], %parallel_loop3A_552 : memref<64x256xf32, #tpu.memory_space<vmem>>[vector<16xi32>, vector<16xi32>], vector<16xf32>,
        %parallel_loop3A_553 = arith.constant 48 : i32
        %parallel_loop3A_554 = vector.broadcast %parallel_loop3A_553 : i32 to vector<16xi32>
        %parallel_loop3A_555 = arith.addi %and3A_37, %parallel_loop3A_554 : vector<16xi32>
        %parallel_loop3A_556 = tpu.vector_load_idx %arg7[%parallel_loop3A_340, %parallel_loop3A_555] : memref<256x64xf32, #tpu.memory_space<vmem>>[vector<16xi32>, vector<16xi32>], vector<16xf32>,
        tpu.vector_store_idx %arg9[%parallel_loop3A_555, %parallel_loop3A_340], %parallel_loop3A_556 : memref<64x256xf32, #tpu.memory_space<vmem>>[vector<16xi32>, vector<16xi32>], vector<16xf32>,
        %parallel_loop3A_557 = arith.constant 48 : i32
        %parallel_loop3A_558 = vector.broadcast %parallel_loop3A_557 : i32 to vector<16xi32>
        %parallel_loop3A_559 = arith.addi %and3A_43, %parallel_loop3A_558 : vector<16xi32>
        %parallel_loop3A_560 = tpu.vector_load_idx %arg7[%parallel_loop3A_340, %parallel_loop3A_559] : memref<256x64xf32, #tpu.memory_space<vmem>>[vector<16xi32>, vector<16xi32>], vector<16xf32>,
        tpu.vector_store_idx %arg9[%parallel_loop3A_559, %parallel_loop3A_340], %parallel_loop3A_560 : memref<64x256xf32, #tpu.memory_space<vmem>>[vector<16xi32>, vector<16xi32>], vector<16xf32>,
        %parallel_loop3A_561 = arith.constant 48 : i32
        %parallel_loop3A_562 = vector.broadcast %parallel_loop3A_561 : i32 to vector<16xi32>
        %parallel_loop3A_563 = arith.addi %and3A_49, %parallel_loop3A_562 : vector<16xi32>
        %parallel_loop3A_564 = tpu.vector_load_idx %arg7[%parallel_loop3A_340, %parallel_loop3A_563] : memref<256x64xf32, #tpu.memory_space<vmem>>[vector<16xi32>, vector<16xi32>], vector<16xf32>,
        tpu.vector_store_idx %arg9[%parallel_loop3A_563, %parallel_loop3A_340], %parallel_loop3A_564 : memref<64x256xf32, #tpu.memory_space<vmem>>[vector<16xi32>, vector<16xi32>], vector<16xf32>,
        %parallel_loop3A_565 = arith.constant 48 : i32
        %parallel_loop3A_566 = vector.broadcast %parallel_loop3A_565 : i32 to vector<16xi32>
        %parallel_loop3A_567 = arith.addi %and3A_55, %parallel_loop3A_566 : vector<16xi32>
        %parallel_loop3A_568 = tpu.vector_load_idx %arg7[%parallel_loop3A_340, %parallel_loop3A_567] : memref<256x64xf32, #tpu.memory_space<vmem>>[vector<16xi32>, vector<16xi32>], vector<16xf32>,
        tpu.vector_store_idx %arg9[%parallel_loop3A_567, %parallel_loop3A_340], %parallel_loop3A_568 : memref<64x256xf32, #tpu.memory_space<vmem>>[vector<16xi32>, vector<16xi32>], vector<16xf32>,
        %parallel_loop3A_569 = arith.constant 48 : i32
        %parallel_loop3A_570 = vector.broadcast %parallel_loop3A_569 : i32 to vector<16xi32>
        %parallel_loop3A_571 = arith.addi %and3A_61, %parallel_loop3A_570 : vector<16xi32>
        %parallel_loop3A_572 = tpu.vector_load_idx %arg7[%parallel_loop3A_340, %parallel_loop3A_571] : memref<256x64xf32, #tpu.memory_space<vmem>>[vector<16xi32>, vector<16xi32>], vector<16xf32>,
        tpu.vector_store_idx %arg9[%parallel_loop3A_571, %parallel_loop3A_340], %parallel_loop3A_572 : memref<64x256xf32, #tpu.memory_space<vmem>>[vector<16xi32>, vector<16xi32>], vector<16xf32>,
        %parallel_loop3A_573 = arith.constant 48 : i32
        %parallel_loop3A_574 = vector.broadcast %parallel_loop3A_573 : i32 to vector<16xi32>
        %parallel_loop3A_575 = arith.addi %and3A_67, %parallel_loop3A_574 : vector<16xi32>
        %parallel_loop3A_576 = tpu.vector_load_idx %arg7[%parallel_loop3A_340, %parallel_loop3A_575] : memref<256x64xf32, #tpu.memory_space<vmem>>[vector<16xi32>, vector<16xi32>], vector<16xf32>,
        tpu.vector_store_idx %arg9[%parallel_loop3A_575, %parallel_loop3A_340], %parallel_loop3A_576 : memref<64x256xf32, #tpu.memory_space<vmem>>[vector<16xi32>, vector<16xi32>], vector<16xf32>,
        %parallel_loop3A_577 = arith.constant 48 : i32
        %parallel_loop3A_578 = vector.broadcast %parallel_loop3A_577 : i32 to vector<16xi32>
        %parallel_loop3A_579 = arith.addi %and3A_73, %parallel_loop3A_578 : vector<16xi32>
        %parallel_loop3A_580 = tpu.vector_load_idx %arg7[%parallel_loop3A_340, %parallel_loop3A_579] : memref<256x64xf32, #tpu.memory_space<vmem>>[vector<16xi32>, vector<16xi32>], vector<16xf32>,
        tpu.vector_store_idx %arg9[%parallel_loop3A_579, %parallel_loop3A_340], %parallel_loop3A_580 : memref<64x256xf32, #tpu.memory_space<vmem>>[vector<16xi32>, vector<16xi32>], vector<16xf32>,
        %parallel_loop3A_581 = arith.constant 48 : i32
        %parallel_loop3A_582 = vector.broadcast %parallel_loop3A_581 : i32 to vector<16xi32>
        %parallel_loop3A_583 = arith.addi %and3A_79, %parallel_loop3A_582 : vector<16xi32>
        %parallel_loop3A_584 = tpu.vector_load_idx %arg7[%parallel_loop3A_340, %parallel_loop3A_583] : memref<256x64xf32, #tpu.memory_space<vmem>>[vector<16xi32>, vector<16xi32>], vector<16xf32>,
        tpu.vector_store_idx %arg9[%parallel_loop3A_583, %parallel_loop3A_340], %parallel_loop3A_584 : memref<64x256xf32, #tpu.memory_space<vmem>>[vector<16xi32>, vector<16xi32>], vector<16xf32>,
        %parallel_loop3A_585 = arith.constant 48 : i32
        %parallel_loop3A_586 = vector.broadcast %parallel_loop3A_585 : i32 to vector<16xi32>
        %parallel_loop3A_587 = arith.addi %and3A_85, %parallel_loop3A_586 : vector<16xi32>
        %parallel_loop3A_588 = tpu.vector_load_idx %arg7[%parallel_loop3A_340, %parallel_loop3A_587] : memref<256x64xf32, #tpu.memory_space<vmem>>[vector<16xi32>, vector<16xi32>], vector<16xf32>,
        tpu.vector_store_idx %arg9[%parallel_loop3A_587, %parallel_loop3A_340], %parallel_loop3A_588 : memref<64x256xf32, #tpu.memory_space<vmem>>[vector<16xi32>, vector<16xi32>], vector<16xf32>,
        %parallel_loop3A_589 = arith.constant 48 : i32
        %parallel_loop3A_590 = vector.broadcast %parallel_loop3A_589 : i32 to vector<16xi32>
        %parallel_loop3A_591 = arith.addi %and3A_91, %parallel_loop3A_590 : vector<16xi32>
        %parallel_loop3A_592 = tpu.vector_load_idx %arg7[%parallel_loop3A_340, %parallel_loop3A_591] : memref<256x64xf32, #tpu.memory_space<vmem>>[vector<16xi32>, vector<16xi32>], vector<16xf32>,
        tpu.vector_store_idx %arg9[%parallel_loop3A_591, %parallel_loop3A_340], %parallel_loop3A_592 : memref<64x256xf32, #tpu.memory_space<vmem>>[vector<16xi32>, vector<16xi32>], vector<16xf32>,
        %parallel_loop3A_593 = arith.constant 48 : i32
        %parallel_loop3A_594 = vector.broadcast %parallel_loop3A_593 : i32 to vector<16xi32>
        %parallel_loop3A_595 = arith.addi %and3A_97, %parallel_loop3A_594 : vector<16xi32>
        %parallel_loop3A_596 = tpu.vector_load_idx %arg7[%parallel_loop3A_340, %parallel_loop3A_595] : memref<256x64xf32, #tpu.memory_space<vmem>>[vector<16xi32>, vector<16xi32>], vector<16xf32>,
        tpu.vector_store_idx %arg9[%parallel_loop3A_595, %parallel_loop3A_340], %parallel_loop3A_596 : memref<64x256xf32, #tpu.memory_space<vmem>>[vector<16xi32>, vector<16xi32>], vector<16xf32>,
      } {sc.loop_unroll_factor = 8 : i64, sc.parallel_access}
      %add3A_240 = arith.constant 2 : i32
      %add3A_241 = arith.addi %add3A_232, %add3A_240 : i32
      %lt3A = arith.constant 100 : i32
      %lt3A_242 = arith.cmpi slt, %add3A_241, %lt3A : i32
      %convert_element_type3A_243 = arith.extui %lt3A_242 : i1 to i32
      %cond3A_244 = arith.constant 0 : i32
      %cond3A_245 = arith.cmpi ne, %convert_element_type3A_243, %cond3A_244 : i32
      scf.if %cond3A_245 {
        %add3A_336 = arith.constant 2 : i32
        %add3A_337 = arith.addi %add3A_232, %add3A_336 : i32
        %add3A_338 = arith.addi %mul3A_2, %add3A_337 : i32
        %jit3A_339 = arith.constant 64 : i32
        %div3A_340 = arith.divsi %add3A_338, %jit3A_339 : i32
        %sign3A_341 = arith.constant 0 : i32
        %sign3A_342 = arith.cmpi sgt, %add3A_338, %sign3A_341 : i32
        %sign3A_343 = arith.extui %sign3A_342 : i1 to i32
        %sign3A_344 = arith.constant 0 : i32
        %sign3A_345 = arith.cmpi slt, %add3A_338, %sign3A_344 : i32
        %sign3A_346 = arith.extui %sign3A_345 : i1 to i32
        %sign3A_347 = arith.subi %sign3A_343, %sign3A_346 : i32
        %sign3A_348 = arith.constant 0 : i32
        %sign3A_349 = arith.cmpi sgt, %jit3A_339, %sign3A_348 : i32
        %sign3A_350 = arith.extui %sign3A_349 : i1 to i32
        %sign3A_351 = arith.constant 0 : i32
        %sign3A_352 = arith.cmpi slt, %jit3A_339, %sign3A_351 : i32
        %sign3A_353 = arith.extui %sign3A_352 : i1 to i32
        %sign3A_354 = arith.subi %sign3A_350, %sign3A_353 : i32
        %ne3A_355 = arith.cmpi ne, %sign3A_347, %sign3A_354 : i32
        %rem3A_356 = arith.remsi %add3A_338, %jit3A_339 : i32
        %ne3A_357 = arith.constant 0 : i32
        %ne3A_358 = arith.cmpi ne, %rem3A_356, %ne3A_357 : i32
        %and3A_359 = arith.andi %ne3A_355, %ne3A_358 : i1
        %sub3A_360 = arith.constant 1 : i32
        %sub3A_361 = arith.subi %div3A_340, %sub3A_360 : i32
        %select_n3A_362 = arith.select %and3A_359, %sub3A_361, %div3A_340 : i32
        %rem3A_363 = arith.constant 64 : i32
        %rem3A_364 = arith.remsi %add3A_338, %rem3A_363 : i32
        "tpu.region"() ({
          %run_scoped3A = tpu.sem_alloc : memref<!tpu.dma_semaphore, #tpu.memory_space<semaphore_mem>>
          %dma_start3A_368 = arith.constant 0 : i32
          %dma_start3A_369 = tpu.memref_slice %arg2[%select_n3A_362, %rem3A_364, %dma_start3A_368] : memref<50x64x256xi32, #tpu.memory_space<hbm>> -> memref<1x1x256xi32, #tpu.memory_space<hbm>>
          %dma_start3A_370 = tpu.memref_squeeze %dma_start3A_369 : memref<1x1x256xi32, #tpu.memory_space<hbm>> -> memref<256xi32, #tpu.memory_space<hbm>>
          %dma_start3A_371 = arith.constant 0 : i32
          %dma_start3A_372 = tpu.memref_slice %arg2[%select_n3A_362, %rem3A_364, %dma_start3A_371] : memref<50x64x256xi32, #tpu.memory_space<hbm>> -> memref<1x1x256xi32, #tpu.memory_space<hbm>>
          %dma_start3A_373 = tpu.memref_squeeze %dma_start3A_372 : memref<1x1x256xi32, #tpu.memory_space<hbm>> -> memref<256xi32, #tpu.memory_space<hbm>>
          tpu.enqueue_dma source(%dma_start3A_373 : memref<256xi32, #tpu.memory_space<hbm>>) target(%arg5 : memref<256xi32, #tpu.memory_space<vmem>>) target_semaphore(%run_scoped3A : memref<!tpu.dma_semaphore, #tpu.memory_space<semaphore_mem>>)
          %dma_wait3A_374 = arith.constant 0 : i32
          %dma_wait3A_375 = tpu.memref_slice %arg2[%select_n3A_362, %rem3A_364, %dma_wait3A_374] : memref<50x64x256xi32, #tpu.memory_space<hbm>> -> memref<1x1x256xi32, #tpu.memory_space<hbm>>
          %dma_wait3A_376 = tpu.memref_squeeze %dma_wait3A_375 : memref<1x1x256xi32, #tpu.memory_space<hbm>> -> memref<256xi32, #tpu.memory_space<hbm>>
          %dma_wait3A_377 = arith.constant 0 : i32
          %dma_wait3A_378 = tpu.memref_slice %arg2[%select_n3A_362, %rem3A_364, %dma_wait3A_377] : memref<50x64x256xi32, #tpu.memory_space<hbm>> -> memref<1x1x256xi32, #tpu.memory_space<hbm>>
          %dma_wait3A_379 = tpu.memref_squeeze %dma_wait3A_378 : memref<1x1x256xi32, #tpu.memory_space<hbm>> -> memref<256xi32, #tpu.memory_space<hbm>>
          tpu.wait_dma2 semaphore(%run_scoped3A : memref<!tpu.dma_semaphore, #tpu.memory_space<semaphore_mem>>) src(%dma_wait3A_379 : memref<256xi32, #tpu.memory_space<hbm>>) dst(%arg5 : memref<256xi32, #tpu.memory_space<vmem>>)
          tpu.yield
        }) : () -> ()
        %dma_start3A_365 = arith.constant 0 : i32
        %dma_start3A_366 = arith.constant 0 : i32
        %dma_start3A_367 = tpu.memref_slice %arg3[%dma_start3A_365, %dma_start3A_366] : memref<1000000x64xf32, #tpu.memory_space<hbm>> -> memref<1000000x64xf32, #tpu.memory_space<hbm>>
        tpu.enqueue_indirect_dma source(%dma_start3A_367 : memref<1000000x64xf32, #tpu.memory_space<hbm>>) target(%arg7 : memref<256x64xf32, #tpu.memory_space<vmem>>) offsets(%arg5 : memref<256xi32, #tpu.memory_space<vmem>>) semaphore(%arg11 : memref<!tpu.dma_semaphore, #tpu.memory_space<semaphore_mem>>)
      } else {
      }
      %add3A_246 = arith.addi %mul3A_2, %add3A_232 : i32
      %jit3A_247 = arith.constant 64 : i32
      %div3A_248 = arith.divsi %add3A_246, %jit3A_247 : i32
      %sign3A_249 = arith.constant 0 : i32
      %sign3A_250 = arith.cmpi sgt, %add3A_246, %sign3A_249 : i32
      %sign3A_251 = arith.extui %sign3A_250 : i1 to i32
      %sign3A_252 = arith.constant 0 : i32
      %sign3A_253 = arith.cmpi slt, %add3A_246, %sign3A_252 : i32
      %sign3A_254 = arith.extui %sign3A_253 : i1 to i32
      %sign3A_255 = arith.subi %sign3A_251, %sign3A_254 : i32
      %sign3A_256 = arith.constant 0 : i32
      %sign3A_257 = arith.cmpi sgt, %jit3A_247, %sign3A_256 : i32
      %sign3A_258 = arith.extui %sign3A_257 : i1 to i32
      %sign3A_259 = arith.constant 0 : i32
      %sign3A_260 = arith.cmpi slt, %jit3A_247, %sign3A_259 : i32
      %sign3A_261 = arith.extui %sign3A_260 : i1 to i32
      %sign3A_262 = arith.subi %sign3A_258, %sign3A_261 : i32
      %ne3A_263 = arith.cmpi ne, %sign3A_255, %sign3A_262 : i32
      %rem3A_264 = arith.remsi %add3A_246, %jit3A_247 : i32
      %ne3A_265 = arith.constant 0 : i32
      %ne3A_266 = arith.cmpi ne, %rem3A_264, %ne3A_265 : i32
      %and3A_267 = arith.andi %ne3A_263, %ne3A_266 : i1
      %sub3A_268 = arith.constant 1 : i32
      %sub3A_269 = arith.subi %div3A_248, %sub3A_268 : i32
      %select_n3A_270 = arith.select %and3A_267, %sub3A_269, %div3A_248 : i32
      %rem3A_271 = arith.constant 64 : i32
      %rem3A_272 = arith.remsi %add3A_246, %rem3A_271 : i32
      %mul3A_273 = arith.constant 256 : i32
      %mul3A_274 = arith.muli %rem3A_272, %mul3A_273 : i32
      %dma_start3A_275 = arith.constant 0 : i32
      %dma_start3A_276 = tpu.memref_slice %arg4[%select_n3A_270, %dma_start3A_275, %mul3A_274] : memref<50x64x16384xf32, #tpu.memory_space<hbm>> -> memref<1x64x256xf32, #tpu.memory_space<hbm>>
      %dma_start3A_277 = tpu.memref_squeeze %dma_start3A_276 : memref<1x64x256xf32, #tpu.memory_space<hbm>> -> memref<64x256xf32, #tpu.memory_space<hbm>>
      %dma_start3A_278 = arith.constant 0 : i32
      %dma_start3A_279 = tpu.memref_slice %arg4[%select_n3A_270, %dma_start3A_278, %mul3A_274] : memref<50x64x16384xf32, #tpu.memory_space<hbm>> -> memref<1x64x256xf32, #tpu.memory_space<hbm>>
      %dma_start3A_280 = tpu.memref_squeeze %dma_start3A_279 : memref<1x64x256xf32, #tpu.memory_space<hbm>> -> memref<64x256xf32, #tpu.memory_space<hbm>>
      tpu.enqueue_dma source(%arg9 : memref<64x256xf32, #tpu.memory_space<vmem>>) target(%dma_start3A_280 : memref<64x256xf32, #tpu.memory_space<hbm>>) target_semaphore(%arg13 : memref<!tpu.dma_semaphore, #tpu.memory_space<semaphore_mem>>)
      %add3A_281 = arith.constant 1 : i32
      %add3A_282 = arith.addi %mul3A_230, %add3A_281 : i32
      %dma_wait3A_283 = arith.constant 0 : i32
      %dma_wait3A_284 = arith.constant 0 : i32
      %dma_wait3A_285 = tpu.memref_slice %arg3[%dma_wait3A_283, %dma_wait3A_284] : memref<1000000x64xf32, #tpu.memory_space<hbm>> -> memref<1000000x64xf32, #tpu.memory_space<hbm>>
      tpu.wait_indirect_dma semaphore(%arg12 : memref<!tpu.dma_semaphore, #tpu.memory_space<semaphore_mem>>) src(%dma_wait3A_285 : memref<1000000x64xf32, #tpu.memory_space<hbm>>) dst(%arg8 : memref<256x64xf32, #tpu.memory_space<vmem>>)
      %ge3A_286 = arith.constant 2 : i32
      %ge3A_287 = arith.cmpi sge, %add3A_282, %ge3A_286 : i32
      %convert_element_type3A_288 = arith.extui %ge3A_287 : i1 to i32
      %cond3A_289 = arith.constant 0 : i32
      %cond3A_290 = arith.cmpi ne, %convert_element_type3A_288, %cond3A_289 : i32
      scf.if %cond3A_290 {
        %sub3A_336 = arith.constant 2 : i32
        %sub3A_337 = arith.subi %add3A_282, %sub3A_336 : i32
        %add3A_338 = arith.addi %mul3A_2, %sub3A_337 : i32
        %jit3A_339 = arith.constant 64 : i32
        %div3A_340 = arith.divsi %add3A_338, %jit3A_339 : i32
        %sign3A_341 = arith.constant 0 : i32
        %sign3A_342 = arith.cmpi sgt, %add3A_338, %sign3A_341 : i32
        %sign3A_343 = arith.extui %sign3A_342 : i1 to i32
        %sign3A_344 = arith.constant 0 : i32
        %sign3A_345 = arith.cmpi slt, %add3A_338, %sign3A_344 : i32
        %sign3A_346 = arith.extui %sign3A_345 : i1 to i32
        %sign3A_347 = arith.subi %sign3A_343, %sign3A_346 : i32
        %sign3A_348 = arith.constant 0 : i32
        %sign3A_349 = arith.cmpi sgt, %jit3A_339, %sign3A_348 : i32
        %sign3A_350 = arith.extui %sign3A_349 : i1 to i32
        %sign3A_351 = arith.constant 0 : i32
        %sign3A_352 = arith.cmpi slt, %jit3A_339, %sign3A_351 : i32
        %sign3A_353 = arith.extui %sign3A_352 : i1 to i32
        %sign3A_354 = arith.subi %sign3A_350, %sign3A_353 : i32
        %ne3A_355 = arith.cmpi ne, %sign3A_347, %sign3A_354 : i32
        %rem3A_356 = arith.remsi %add3A_338, %jit3A_339 : i32
        %ne3A_357 = arith.constant 0 : i32
        %ne3A_358 = arith.cmpi ne, %rem3A_356, %ne3A_357 : i32
        %and3A_359 = arith.andi %ne3A_355, %ne3A_358 : i1
        %sub3A_360 = arith.constant 1 : i32
        %sub3A_361 = arith.subi %div3A_340, %sub3A_360 : i32
        %select_n3A_362 = arith.select %and3A_359, %sub3A_361, %div3A_340 : i32
        %rem3A_363 = arith.constant 64 : i32
        %rem3A_364 = arith.remsi %add3A_338, %rem3A_363 : i32
        %mul3A_365 = arith.constant 256 : i32
        %mul3A_366 = arith.muli %rem3A_364, %mul3A_365 : i32
        %dma_wait3A_367 = arith.constant 0 : i32
        %dma_wait3A_368 = tpu.memref_slice %arg4[%select_n3A_362, %dma_wait3A_367, %mul3A_366] : memref<50x64x16384xf32, #tpu.memory_space<hbm>> -> memref<1x64x256xf32, #tpu.memory_space<hbm>>
        %dma_wait3A_369 = tpu.memref_squeeze %dma_wait3A_368 : memref<1x64x256xf32, #tpu.memory_space<hbm>> -> memref<64x256xf32, #tpu.memory_space<hbm>>
        %dma_wait3A_370 = arith.constant 0 : i32
        %dma_wait3A_371 = tpu.memref_slice %arg4[%select_n3A_362, %dma_wait3A_370, %mul3A_366] : memref<50x64x16384xf32, #tpu.memory_space<hbm>> -> memref<1x64x256xf32, #tpu.memory_space<hbm>>
        %dma_wait3A_372 = tpu.memref_squeeze %dma_wait3A_371 : memref<1x64x256xf32, #tpu.memory_space<hbm>> -> memref<64x256xf32, #tpu.memory_space<hbm>>
        tpu.wait_dma2 semaphore(%arg14 : memref<!tpu.dma_semaphore, #tpu.memory_space<semaphore_mem>>) src(%arg10 : memref<64x256xf32, #tpu.memory_space<vmem>>) dst(%dma_wait3A_372 : memref<64x256xf32, #tpu.memory_space<hbm>>)
      } else {
      }
      %parallel_loop3A_291 = arith.constant 0 : i32
      %parallel_loop3A_292 = arith.constant 16 : i32
      %parallel_loop3A_293 = arith.constant 1 : i32
      scf.for %parallel_loop3A_336 = %parallel_loop3A_291 to %parallel_loop3A_292 step %parallel_loop3A_293  : i32 {
        %parallel_loop3A_337 = arith.constant 16 : i32
        %parallel_loop3A_338 = arith.muli %parallel_loop3A_336, %parallel_loop3A_337 : i32
        %parallel_loop3A_339 = vector.broadcast %parallel_loop3A_338 : i32 to vector<16xi32>
        %parallel_loop3A_340 = arith.addi %iota3A, %parallel_loop3A_339 : vector<16xi32>
        %parallel_loop3A_341 = arith.constant 0 : i32
        %parallel_loop3A_342 = vector.broadcast %parallel_loop3A_341 : i32 to vector<16xi32>
        %parallel_loop3A_343 = arith.addi %and3A_7, %parallel_loop3A_342 : vector<16xi32>
        %parallel_loop3A_344 = tpu.vector_load_idx %arg8[%parallel_loop3A_340, %parallel_loop3A_343] : memref<256x64xf32, #tpu.memory_space<vmem>>[vector<16xi32>, vector<16xi32>], vector<16xf32>,
        tpu.vector_store_idx %arg10[%parallel_loop3A_343, %parallel_loop3A_340], %parallel_loop3A_344 : memref<64x256xf32, #tpu.memory_space<vmem>>[vector<16xi32>, vector<16xi32>], vector<16xf32>,
        %parallel_loop3A_345 = arith.constant 0 : i32
        %parallel_loop3A_346 = vector.broadcast %parallel_loop3A_345 : i32 to vector<16xi32>
        %parallel_loop3A_347 = arith.addi %and3A_13, %parallel_loop3A_346 : vector<16xi32>
        %parallel_loop3A_348 = tpu.vector_load_idx %arg8[%parallel_loop3A_340, %parallel_loop3A_347] : memref<256x64xf32, #tpu.memory_space<vmem>>[vector<16xi32>, vector<16xi32>], vector<16xf32>,
        tpu.vector_store_idx %arg10[%parallel_loop3A_347, %parallel_loop3A_340], %parallel_loop3A_348 : memref<64x256xf32, #tpu.memory_space<vmem>>[vector<16xi32>, vector<16xi32>], vector<16xf32>,
        %parallel_loop3A_349 = arith.constant 0 : i32
        %parallel_loop3A_350 = vector.broadcast %parallel_loop3A_349 : i32 to vector<16xi32>
        %parallel_loop3A_351 = arith.addi %and3A_19, %parallel_loop3A_350 : vector<16xi32>
        %parallel_loop3A_352 = tpu.vector_load_idx %arg8[%parallel_loop3A_340, %parallel_loop3A_351] : memref<256x64xf32, #tpu.memory_space<vmem>>[vector<16xi32>, vector<16xi32>], vector<16xf32>,
        tpu.vector_store_idx %arg10[%parallel_loop3A_351, %parallel_loop3A_340], %parallel_loop3A_352 : memref<64x256xf32, #tpu.memory_space<vmem>>[vector<16xi32>, vector<16xi32>], vector<16xf32>,
        %parallel_loop3A_353 = arith.constant 0 : i32
        %parallel_loop3A_354 = vector.broadcast %parallel_loop3A_353 : i32 to vector<16xi32>
        %parallel_loop3A_355 = arith.addi %and3A_25, %parallel_loop3A_354 : vector<16xi32>
        %parallel_loop3A_356 = tpu.vector_load_idx %arg8[%parallel_loop3A_340, %parallel_loop3A_355] : memref<256x64xf32, #tpu.memory_space<vmem>>[vector<16xi32>, vector<16xi32>], vector<16xf32>,
        tpu.vector_store_idx %arg10[%parallel_loop3A_355, %parallel_loop3A_340], %parallel_loop3A_356 : memref<64x256xf32, #tpu.memory_space<vmem>>[vector<16xi32>, vector<16xi32>], vector<16xf32>,
        %parallel_loop3A_357 = arith.constant 0 : i32
        %parallel_loop3A_358 = vector.broadcast %parallel_loop3A_357 : i32 to vector<16xi32>
        %parallel_loop3A_359 = arith.addi %and3A_31, %parallel_loop3A_358 : vector<16xi32>
        %parallel_loop3A_360 = tpu.vector_load_idx %arg8[%parallel_loop3A_340, %parallel_loop3A_359] : memref<256x64xf32, #tpu.memory_space<vmem>>[vector<16xi32>, vector<16xi32>], vector<16xf32>,
        tpu.vector_store_idx %arg10[%parallel_loop3A_359, %parallel_loop3A_340], %parallel_loop3A_360 : memref<64x256xf32, #tpu.memory_space<vmem>>[vector<16xi32>, vector<16xi32>], vector<16xf32>,
        %parallel_loop3A_361 = arith.constant 0 : i32
        %parallel_loop3A_362 = vector.broadcast %parallel_loop3A_361 : i32 to vector<16xi32>
        %parallel_loop3A_363 = arith.addi %and3A_37, %parallel_loop3A_362 : vector<16xi32>
        %parallel_loop3A_364 = tpu.vector_load_idx %arg8[%parallel_loop3A_340, %parallel_loop3A_363] : memref<256x64xf32, #tpu.memory_space<vmem>>[vector<16xi32>, vector<16xi32>], vector<16xf32>,
        tpu.vector_store_idx %arg10[%parallel_loop3A_363, %parallel_loop3A_340], %parallel_loop3A_364 : memref<64x256xf32, #tpu.memory_space<vmem>>[vector<16xi32>, vector<16xi32>], vector<16xf32>,
        %parallel_loop3A_365 = arith.constant 0 : i32
        %parallel_loop3A_366 = vector.broadcast %parallel_loop3A_365 : i32 to vector<16xi32>
        %parallel_loop3A_367 = arith.addi %and3A_43, %parallel_loop3A_366 : vector<16xi32>
        %parallel_loop3A_368 = tpu.vector_load_idx %arg8[%parallel_loop3A_340, %parallel_loop3A_367] : memref<256x64xf32, #tpu.memory_space<vmem>>[vector<16xi32>, vector<16xi32>], vector<16xf32>,
        tpu.vector_store_idx %arg10[%parallel_loop3A_367, %parallel_loop3A_340], %parallel_loop3A_368 : memref<64x256xf32, #tpu.memory_space<vmem>>[vector<16xi32>, vector<16xi32>], vector<16xf32>,
        %parallel_loop3A_369 = arith.constant 0 : i32
        %parallel_loop3A_370 = vector.broadcast %parallel_loop3A_369 : i32 to vector<16xi32>
        %parallel_loop3A_371 = arith.addi %and3A_49, %parallel_loop3A_370 : vector<16xi32>
        %parallel_loop3A_372 = tpu.vector_load_idx %arg8[%parallel_loop3A_340, %parallel_loop3A_371] : memref<256x64xf32, #tpu.memory_space<vmem>>[vector<16xi32>, vector<16xi32>], vector<16xf32>,
        tpu.vector_store_idx %arg10[%parallel_loop3A_371, %parallel_loop3A_340], %parallel_loop3A_372 : memref<64x256xf32, #tpu.memory_space<vmem>>[vector<16xi32>, vector<16xi32>], vector<16xf32>,
        %parallel_loop3A_373 = arith.constant 0 : i32
        %parallel_loop3A_374 = vector.broadcast %parallel_loop3A_373 : i32 to vector<16xi32>
        %parallel_loop3A_375 = arith.addi %and3A_55, %parallel_loop3A_374 : vector<16xi32>
        %parallel_loop3A_376 = tpu.vector_load_idx %arg8[%parallel_loop3A_340, %parallel_loop3A_375] : memref<256x64xf32, #tpu.memory_space<vmem>>[vector<16xi32>, vector<16xi32>], vector<16xf32>,
        tpu.vector_store_idx %arg10[%parallel_loop3A_375, %parallel_loop3A_340], %parallel_loop3A_376 : memref<64x256xf32, #tpu.memory_space<vmem>>[vector<16xi32>, vector<16xi32>], vector<16xf32>,
        %parallel_loop3A_377 = arith.constant 0 : i32
        %parallel_loop3A_378 = vector.broadcast %parallel_loop3A_377 : i32 to vector<16xi32>
        %parallel_loop3A_379 = arith.addi %and3A_61, %parallel_loop3A_378 : vector<16xi32>
        %parallel_loop3A_380 = tpu.vector_load_idx %arg8[%parallel_loop3A_340, %parallel_loop3A_379] : memref<256x64xf32, #tpu.memory_space<vmem>>[vector<16xi32>, vector<16xi32>], vector<16xf32>,
        tpu.vector_store_idx %arg10[%parallel_loop3A_379, %parallel_loop3A_340], %parallel_loop3A_380 : memref<64x256xf32, #tpu.memory_space<vmem>>[vector<16xi32>, vector<16xi32>], vector<16xf32>,
        %parallel_loop3A_381 = arith.constant 0 : i32
        %parallel_loop3A_382 = vector.broadcast %parallel_loop3A_381 : i32 to vector<16xi32>
        %parallel_loop3A_383 = arith.addi %and3A_67, %parallel_loop3A_382 : vector<16xi32>
        %parallel_loop3A_384 = tpu.vector_load_idx %arg8[%parallel_loop3A_340, %parallel_loop3A_383] : memref<256x64xf32, #tpu.memory_space<vmem>>[vector<16xi32>, vector<16xi32>], vector<16xf32>,
        tpu.vector_store_idx %arg10[%parallel_loop3A_383, %parallel_loop3A_340], %parallel_loop3A_384 : memref<64x256xf32, #tpu.memory_space<vmem>>[vector<16xi32>, vector<16xi32>], vector<16xf32>,
        %parallel_loop3A_385 = arith.constant 0 : i32
        %parallel_loop3A_386 = vector.broadcast %parallel_loop3A_385 : i32 to vector<16xi32>
        %parallel_loop3A_387 = arith.addi %and3A_73, %parallel_loop3A_386 : vector<16xi32>
        %parallel_loop3A_388 = tpu.vector_load_idx %arg8[%parallel_loop3A_340, %parallel_loop3A_387] : memref<256x64xf32, #tpu.memory_space<vmem>>[vector<16xi32>, vector<16xi32>], vector<16xf32>,
        tpu.vector_store_idx %arg10[%parallel_loop3A_387, %parallel_loop3A_340], %parallel_loop3A_388 : memref<64x256xf32, #tpu.memory_space<vmem>>[vector<16xi32>, vector<16xi32>], vector<16xf32>,
        %parallel_loop3A_389 = arith.constant 0 : i32
        %parallel_loop3A_390 = vector.broadcast %parallel_loop3A_389 : i32 to vector<16xi32>
        %parallel_loop3A_391 = arith.addi %and3A_79, %parallel_loop3A_390 : vector<16xi32>
        %parallel_loop3A_392 = tpu.vector_load_idx %arg8[%parallel_loop3A_340, %parallel_loop3A_391] : memref<256x64xf32, #tpu.memory_space<vmem>>[vector<16xi32>, vector<16xi32>], vector<16xf32>,
        tpu.vector_store_idx %arg10[%parallel_loop3A_391, %parallel_loop3A_340], %parallel_loop3A_392 : memref<64x256xf32, #tpu.memory_space<vmem>>[vector<16xi32>, vector<16xi32>], vector<16xf32>,
        %parallel_loop3A_393 = arith.constant 0 : i32
        %parallel_loop3A_394 = vector.broadcast %parallel_loop3A_393 : i32 to vector<16xi32>
        %parallel_loop3A_395 = arith.addi %and3A_85, %parallel_loop3A_394 : vector<16xi32>
        %parallel_loop3A_396 = tpu.vector_load_idx %arg8[%parallel_loop3A_340, %parallel_loop3A_395] : memref<256x64xf32, #tpu.memory_space<vmem>>[vector<16xi32>, vector<16xi32>], vector<16xf32>,
        tpu.vector_store_idx %arg10[%parallel_loop3A_395, %parallel_loop3A_340], %parallel_loop3A_396 : memref<64x256xf32, #tpu.memory_space<vmem>>[vector<16xi32>, vector<16xi32>], vector<16xf32>,
        %parallel_loop3A_397 = arith.constant 0 : i32
        %parallel_loop3A_398 = vector.broadcast %parallel_loop3A_397 : i32 to vector<16xi32>
        %parallel_loop3A_399 = arith.addi %and3A_91, %parallel_loop3A_398 : vector<16xi32>
        %parallel_loop3A_400 = tpu.vector_load_idx %arg8[%parallel_loop3A_340, %parallel_loop3A_399] : memref<256x64xf32, #tpu.memory_space<vmem>>[vector<16xi32>, vector<16xi32>], vector<16xf32>,
        tpu.vector_store_idx %arg10[%parallel_loop3A_399, %parallel_loop3A_340], %parallel_loop3A_400 : memref<64x256xf32, #tpu.memory_space<vmem>>[vector<16xi32>, vector<16xi32>], vector<16xf32>,
        %parallel_loop3A_401 = arith.constant 0 : i32
        %parallel_loop3A_402 = vector.broadcast %parallel_loop3A_401 : i32 to vector<16xi32>
        %parallel_loop3A_403 = arith.addi %and3A_97, %parallel_loop3A_402 : vector<16xi32>
        %parallel_loop3A_404 = tpu.vector_load_idx %arg8[%parallel_loop3A_340, %parallel_loop3A_403] : memref<256x64xf32, #tpu.memory_space<vmem>>[vector<16xi32>, vector<16xi32>], vector<16xf32>,
        tpu.vector_store_idx %arg10[%parallel_loop3A_403, %parallel_loop3A_340], %parallel_loop3A_404 : memref<64x256xf32, #tpu.memory_space<vmem>>[vector<16xi32>, vector<16xi32>], vector<16xf32>,
        %parallel_loop3A_405 = arith.constant 16 : i32
        %parallel_loop3A_406 = vector.broadcast %parallel_loop3A_405 : i32 to vector<16xi32>
        %parallel_loop3A_407 = arith.addi %and3A_7, %parallel_loop3A_406 : vector<16xi32>
        %parallel_loop3A_408 = tpu.vector_load_idx %arg8[%parallel_loop3A_340, %parallel_loop3A_407] : memref<256x64xf32, #tpu.memory_space<vmem>>[vector<16xi32>, vector<16xi32>], vector<16xf32>,
        tpu.vector_store_idx %arg10[%parallel_loop3A_407, %parallel_loop3A_340], %parallel_loop3A_408 : memref<64x256xf32, #tpu.memory_space<vmem>>[vector<16xi32>, vector<16xi32>], vector<16xf32>,
        %parallel_loop3A_409 = arith.constant 16 : i32
        %parallel_loop3A_410 = vector.broadcast %parallel_loop3A_409 : i32 to vector<16xi32>
        %parallel_loop3A_411 = arith.addi %and3A_13, %parallel_loop3A_410 : vector<16xi32>
        %parallel_loop3A_412 = tpu.vector_load_idx %arg8[%parallel_loop3A_340, %parallel_loop3A_411] : memref<256x64xf32, #tpu.memory_space<vmem>>[vector<16xi32>, vector<16xi32>], vector<16xf32>,
        tpu.vector_store_idx %arg10[%parallel_loop3A_411, %parallel_loop3A_340], %parallel_loop3A_412 : memref<64x256xf32, #tpu.memory_space<vmem>>[vector<16xi32>, vector<16xi32>], vector<16xf32>,
        %parallel_loop3A_413 = arith.constant 16 : i32
        %parallel_loop3A_414 = vector.broadcast %parallel_loop3A_413 : i32 to vector<16xi32>
        %parallel_loop3A_415 = arith.addi %and3A_19, %parallel_loop3A_414 : vector<16xi32>
        %parallel_loop3A_416 = tpu.vector_load_idx %arg8[%parallel_loop3A_340, %parallel_loop3A_415] : memref<256x64xf32, #tpu.memory_space<vmem>>[vector<16xi32>, vector<16xi32>], vector<16xf32>,
        tpu.vector_store_idx %arg10[%parallel_loop3A_415, %parallel_loop3A_340], %parallel_loop3A_416 : memref<64x256xf32, #tpu.memory_space<vmem>>[vector<16xi32>, vector<16xi32>], vector<16xf32>,
        %parallel_loop3A_417 = arith.constant 16 : i32
        %parallel_loop3A_418 = vector.broadcast %parallel_loop3A_417 : i32 to vector<16xi32>
        %parallel_loop3A_419 = arith.addi %and3A_25, %parallel_loop3A_418 : vector<16xi32>
        %parallel_loop3A_420 = tpu.vector_load_idx %arg8[%parallel_loop3A_340, %parallel_loop3A_419] : memref<256x64xf32, #tpu.memory_space<vmem>>[vector<16xi32>, vector<16xi32>], vector<16xf32>,
        tpu.vector_store_idx %arg10[%parallel_loop3A_419, %parallel_loop3A_340], %parallel_loop3A_420 : memref<64x256xf32, #tpu.memory_space<vmem>>[vector<16xi32>, vector<16xi32>], vector<16xf32>,
        %parallel_loop3A_421 = arith.constant 16 : i32
        %parallel_loop3A_422 = vector.broadcast %parallel_loop3A_421 : i32 to vector<16xi32>
        %parallel_loop3A_423 = arith.addi %and3A_31, %parallel_loop3A_422 : vector<16xi32>
        %parallel_loop3A_424 = tpu.vector_load_idx %arg8[%parallel_loop3A_340, %parallel_loop3A_423] : memref<256x64xf32, #tpu.memory_space<vmem>>[vector<16xi32>, vector<16xi32>], vector<16xf32>,
        tpu.vector_store_idx %arg10[%parallel_loop3A_423, %parallel_loop3A_340], %parallel_loop3A_424 : memref<64x256xf32, #tpu.memory_space<vmem>>[vector<16xi32>, vector<16xi32>], vector<16xf32>,
        %parallel_loop3A_425 = arith.constant 16 : i32
        %parallel_loop3A_426 = vector.broadcast %parallel_loop3A_425 : i32 to vector<16xi32>
        %parallel_loop3A_427 = arith.addi %and3A_37, %parallel_loop3A_426 : vector<16xi32>
        %parallel_loop3A_428 = tpu.vector_load_idx %arg8[%parallel_loop3A_340, %parallel_loop3A_427] : memref<256x64xf32, #tpu.memory_space<vmem>>[vector<16xi32>, vector<16xi32>], vector<16xf32>,
        tpu.vector_store_idx %arg10[%parallel_loop3A_427, %parallel_loop3A_340], %parallel_loop3A_428 : memref<64x256xf32, #tpu.memory_space<vmem>>[vector<16xi32>, vector<16xi32>], vector<16xf32>,
        %parallel_loop3A_429 = arith.constant 16 : i32
        %parallel_loop3A_430 = vector.broadcast %parallel_loop3A_429 : i32 to vector<16xi32>
        %parallel_loop3A_431 = arith.addi %and3A_43, %parallel_loop3A_430 : vector<16xi32>
        %parallel_loop3A_432 = tpu.vector_load_idx %arg8[%parallel_loop3A_340, %parallel_loop3A_431] : memref<256x64xf32, #tpu.memory_space<vmem>>[vector<16xi32>, vector<16xi32>], vector<16xf32>,
        tpu.vector_store_idx %arg10[%parallel_loop3A_431, %parallel_loop3A_340], %parallel_loop3A_432 : memref<64x256xf32, #tpu.memory_space<vmem>>[vector<16xi32>, vector<16xi32>], vector<16xf32>,
        %parallel_loop3A_433 = arith.constant 16 : i32
        %parallel_loop3A_434 = vector.broadcast %parallel_loop3A_433 : i32 to vector<16xi32>
        %parallel_loop3A_435 = arith.addi %and3A_49, %parallel_loop3A_434 : vector<16xi32>
        %parallel_loop3A_436 = tpu.vector_load_idx %arg8[%parallel_loop3A_340, %parallel_loop3A_435] : memref<256x64xf32, #tpu.memory_space<vmem>>[vector<16xi32>, vector<16xi32>], vector<16xf32>,
        tpu.vector_store_idx %arg10[%parallel_loop3A_435, %parallel_loop3A_340], %parallel_loop3A_436 : memref<64x256xf32, #tpu.memory_space<vmem>>[vector<16xi32>, vector<16xi32>], vector<16xf32>,
        %parallel_loop3A_437 = arith.constant 16 : i32
        %parallel_loop3A_438 = vector.broadcast %parallel_loop3A_437 : i32 to vector<16xi32>
        %parallel_loop3A_439 = arith.addi %and3A_55, %parallel_loop3A_438 : vector<16xi32>
        %parallel_loop3A_440 = tpu.vector_load_idx %arg8[%parallel_loop3A_340, %parallel_loop3A_439] : memref<256x64xf32, #tpu.memory_space<vmem>>[vector<16xi32>, vector<16xi32>], vector<16xf32>,
        tpu.vector_store_idx %arg10[%parallel_loop3A_439, %parallel_loop3A_340], %parallel_loop3A_440 : memref<64x256xf32, #tpu.memory_space<vmem>>[vector<16xi32>, vector<16xi32>], vector<16xf32>,
        %parallel_loop3A_441 = arith.constant 16 : i32
        %parallel_loop3A_442 = vector.broadcast %parallel_loop3A_441 : i32 to vector<16xi32>
        %parallel_loop3A_443 = arith.addi %and3A_61, %parallel_loop3A_442 : vector<16xi32>
        %parallel_loop3A_444 = tpu.vector_load_idx %arg8[%parallel_loop3A_340, %parallel_loop3A_443] : memref<256x64xf32, #tpu.memory_space<vmem>>[vector<16xi32>, vector<16xi32>], vector<16xf32>,
        tpu.vector_store_idx %arg10[%parallel_loop3A_443, %parallel_loop3A_340], %parallel_loop3A_444 : memref<64x256xf32, #tpu.memory_space<vmem>>[vector<16xi32>, vector<16xi32>], vector<16xf32>,
        %parallel_loop3A_445 = arith.constant 16 : i32
        %parallel_loop3A_446 = vector.broadcast %parallel_loop3A_445 : i32 to vector<16xi32>
        %parallel_loop3A_447 = arith.addi %and3A_67, %parallel_loop3A_446 : vector<16xi32>
        %parallel_loop3A_448 = tpu.vector_load_idx %arg8[%parallel_loop3A_340, %parallel_loop3A_447] : memref<256x64xf32, #tpu.memory_space<vmem>>[vector<16xi32>, vector<16xi32>], vector<16xf32>,
        tpu.vector_store_idx %arg10[%parallel_loop3A_447, %parallel_loop3A_340], %parallel_loop3A_448 : memref<64x256xf32, #tpu.memory_space<vmem>>[vector<16xi32>, vector<16xi32>], vector<16xf32>,
        %parallel_loop3A_449 = arith.constant 16 : i32
        %parallel_loop3A_450 = vector.broadcast %parallel_loop3A_449 : i32 to vector<16xi32>
        %parallel_loop3A_451 = arith.addi %and3A_73, %parallel_loop3A_450 : vector<16xi32>
        %parallel_loop3A_452 = tpu.vector_load_idx %arg8[%parallel_loop3A_340, %parallel_loop3A_451] : memref<256x64xf32, #tpu.memory_space<vmem>>[vector<16xi32>, vector<16xi32>], vector<16xf32>,
        tpu.vector_store_idx %arg10[%parallel_loop3A_451, %parallel_loop3A_340], %parallel_loop3A_452 : memref<64x256xf32, #tpu.memory_space<vmem>>[vector<16xi32>, vector<16xi32>], vector<16xf32>,
        %parallel_loop3A_453 = arith.constant 16 : i32
        %parallel_loop3A_454 = vector.broadcast %parallel_loop3A_453 : i32 to vector<16xi32>
        %parallel_loop3A_455 = arith.addi %and3A_79, %parallel_loop3A_454 : vector<16xi32>
        %parallel_loop3A_456 = tpu.vector_load_idx %arg8[%parallel_loop3A_340, %parallel_loop3A_455] : memref<256x64xf32, #tpu.memory_space<vmem>>[vector<16xi32>, vector<16xi32>], vector<16xf32>,
        tpu.vector_store_idx %arg10[%parallel_loop3A_455, %parallel_loop3A_340], %parallel_loop3A_456 : memref<64x256xf32, #tpu.memory_space<vmem>>[vector<16xi32>, vector<16xi32>], vector<16xf32>,
        %parallel_loop3A_457 = arith.constant 16 : i32
        %parallel_loop3A_458 = vector.broadcast %parallel_loop3A_457 : i32 to vector<16xi32>
        %parallel_loop3A_459 = arith.addi %and3A_85, %parallel_loop3A_458 : vector<16xi32>
        %parallel_loop3A_460 = tpu.vector_load_idx %arg8[%parallel_loop3A_340, %parallel_loop3A_459] : memref<256x64xf32, #tpu.memory_space<vmem>>[vector<16xi32>, vector<16xi32>], vector<16xf32>,
        tpu.vector_store_idx %arg10[%parallel_loop3A_459, %parallel_loop3A_340], %parallel_loop3A_460 : memref<64x256xf32, #tpu.memory_space<vmem>>[vector<16xi32>, vector<16xi32>], vector<16xf32>,
        %parallel_loop3A_461 = arith.constant 16 : i32
        %parallel_loop3A_462 = vector.broadcast %parallel_loop3A_461 : i32 to vector<16xi32>
        %parallel_loop3A_463 = arith.addi %and3A_91, %parallel_loop3A_462 : vector<16xi32>
        %parallel_loop3A_464 = tpu.vector_load_idx %arg8[%parallel_loop3A_340, %parallel_loop3A_463] : memref<256x64xf32, #tpu.memory_space<vmem>>[vector<16xi32>, vector<16xi32>], vector<16xf32>,
        tpu.vector_store_idx %arg10[%parallel_loop3A_463, %parallel_loop3A_340], %parallel_loop3A_464 : memref<64x256xf32, #tpu.memory_space<vmem>>[vector<16xi32>, vector<16xi32>], vector<16xf32>,
        %parallel_loop3A_465 = arith.constant 16 : i32
        %parallel_loop3A_466 = vector.broadcast %parallel_loop3A_465 : i32 to vector<16xi32>
        %parallel_loop3A_467 = arith.addi %and3A_97, %parallel_loop3A_466 : vector<16xi32>
        %parallel_loop3A_468 = tpu.vector_load_idx %arg8[%parallel_loop3A_340, %parallel_loop3A_467] : memref<256x64xf32, #tpu.memory_space<vmem>>[vector<16xi32>, vector<16xi32>], vector<16xf32>,
        tpu.vector_store_idx %arg10[%parallel_loop3A_467, %parallel_loop3A_340], %parallel_loop3A_468 : memref<64x256xf32, #tpu.memory_space<vmem>>[vector<16xi32>, vector<16xi32>], vector<16xf32>,
        %parallel_loop3A_469 = arith.constant 32 : i32
        %parallel_loop3A_470 = vector.broadcast %parallel_loop3A_469 : i32 to vector<16xi32>
        %parallel_loop3A_471 = arith.addi %and3A_7, %parallel_loop3A_470 : vector<16xi32>
        %parallel_loop3A_472 = tpu.vector_load_idx %arg8[%parallel_loop3A_340, %parallel_loop3A_471] : memref<256x64xf32, #tpu.memory_space<vmem>>[vector<16xi32>, vector<16xi32>], vector<16xf32>,
        tpu.vector_store_idx %arg10[%parallel_loop3A_471, %parallel_loop3A_340], %parallel_loop3A_472 : memref<64x256xf32, #tpu.memory_space<vmem>>[vector<16xi32>, vector<16xi32>], vector<16xf32>,
        %parallel_loop3A_473 = arith.constant 32 : i32
        %parallel_loop3A_474 = vector.broadcast %parallel_loop3A_473 : i32 to vector<16xi32>
        %parallel_loop3A_475 = arith.addi %and3A_13, %parallel_loop3A_474 : vector<16xi32>
        %parallel_loop3A_476 = tpu.vector_load_idx %arg8[%parallel_loop3A_340, %parallel_loop3A_475] : memref<256x64xf32, #tpu.memory_space<vmem>>[vector<16xi32>, vector<16xi32>], vector<16xf32>,
        tpu.vector_store_idx %arg10[%parallel_loop3A_475, %parallel_loop3A_340], %parallel_loop3A_476 : memref<64x256xf32, #tpu.memory_space<vmem>>[vector<16xi32>, vector<16xi32>], vector<16xf32>,
        %parallel_loop3A_477 = arith.constant 32 : i32
        %parallel_loop3A_478 = vector.broadcast %parallel_loop3A_477 : i32 to vector<16xi32>
        %parallel_loop3A_479 = arith.addi %and3A_19, %parallel_loop3A_478 : vector<16xi32>
        %parallel_loop3A_480 = tpu.vector_load_idx %arg8[%parallel_loop3A_340, %parallel_loop3A_479] : memref<256x64xf32, #tpu.memory_space<vmem>>[vector<16xi32>, vector<16xi32>], vector<16xf32>,
        tpu.vector_store_idx %arg10[%parallel_loop3A_479, %parallel_loop3A_340], %parallel_loop3A_480 : memref<64x256xf32, #tpu.memory_space<vmem>>[vector<16xi32>, vector<16xi32>], vector<16xf32>,
        %parallel_loop3A_481 = arith.constant 32 : i32
        %parallel_loop3A_482 = vector.broadcast %parallel_loop3A_481 : i32 to vector<16xi32>
        %parallel_loop3A_483 = arith.addi %and3A_25, %parallel_loop3A_482 : vector<16xi32>
        %parallel_loop3A_484 = tpu.vector_load_idx %arg8[%parallel_loop3A_340, %parallel_loop3A_483] : memref<256x64xf32, #tpu.memory_space<vmem>>[vector<16xi32>, vector<16xi32>], vector<16xf32>,
        tpu.vector_store_idx %arg10[%parallel_loop3A_483, %parallel_loop3A_340], %parallel_loop3A_484 : memref<64x256xf32, #tpu.memory_space<vmem>>[vector<16xi32>, vector<16xi32>], vector<16xf32>,
        %parallel_loop3A_485 = arith.constant 32 : i32
        %parallel_loop3A_486 = vector.broadcast %parallel_loop3A_485 : i32 to vector<16xi32>
        %parallel_loop3A_487 = arith.addi %and3A_31, %parallel_loop3A_486 : vector<16xi32>
        %parallel_loop3A_488 = tpu.vector_load_idx %arg8[%parallel_loop3A_340, %parallel_loop3A_487] : memref<256x64xf32, #tpu.memory_space<vmem>>[vector<16xi32>, vector<16xi32>], vector<16xf32>,
        tpu.vector_store_idx %arg10[%parallel_loop3A_487, %parallel_loop3A_340], %parallel_loop3A_488 : memref<64x256xf32, #tpu.memory_space<vmem>>[vector<16xi32>, vector<16xi32>], vector<16xf32>,
        %parallel_loop3A_489 = arith.constant 32 : i32
        %parallel_loop3A_490 = vector.broadcast %parallel_loop3A_489 : i32 to vector<16xi32>
        %parallel_loop3A_491 = arith.addi %and3A_37, %parallel_loop3A_490 : vector<16xi32>
        %parallel_loop3A_492 = tpu.vector_load_idx %arg8[%parallel_loop3A_340, %parallel_loop3A_491] : memref<256x64xf32, #tpu.memory_space<vmem>>[vector<16xi32>, vector<16xi32>], vector<16xf32>,
        tpu.vector_store_idx %arg10[%parallel_loop3A_491, %parallel_loop3A_340], %parallel_loop3A_492 : memref<64x256xf32, #tpu.memory_space<vmem>>[vector<16xi32>, vector<16xi32>], vector<16xf32>,
        %parallel_loop3A_493 = arith.constant 32 : i32
        %parallel_loop3A_494 = vector.broadcast %parallel_loop3A_493 : i32 to vector<16xi32>
        %parallel_loop3A_495 = arith.addi %and3A_43, %parallel_loop3A_494 : vector<16xi32>
        %parallel_loop3A_496 = tpu.vector_load_idx %arg8[%parallel_loop3A_340, %parallel_loop3A_495] : memref<256x64xf32, #tpu.memory_space<vmem>>[vector<16xi32>, vector<16xi32>], vector<16xf32>,
        tpu.vector_store_idx %arg10[%parallel_loop3A_495, %parallel_loop3A_340], %parallel_loop3A_496 : memref<64x256xf32, #tpu.memory_space<vmem>>[vector<16xi32>, vector<16xi32>], vector<16xf32>,
        %parallel_loop3A_497 = arith.constant 32 : i32
        %parallel_loop3A_498 = vector.broadcast %parallel_loop3A_497 : i32 to vector<16xi32>
        %parallel_loop3A_499 = arith.addi %and3A_49, %parallel_loop3A_498 : vector<16xi32>
        %parallel_loop3A_500 = tpu.vector_load_idx %arg8[%parallel_loop3A_340, %parallel_loop3A_499] : memref<256x64xf32, #tpu.memory_space<vmem>>[vector<16xi32>, vector<16xi32>], vector<16xf32>,
        tpu.vector_store_idx %arg10[%parallel_loop3A_499, %parallel_loop3A_340], %parallel_loop3A_500 : memref<64x256xf32, #tpu.memory_space<vmem>>[vector<16xi32>, vector<16xi32>], vector<16xf32>,
        %parallel_loop3A_501 = arith.constant 32 : i32
        %parallel_loop3A_502 = vector.broadcast %parallel_loop3A_501 : i32 to vector<16xi32>
        %parallel_loop3A_503 = arith.addi %and3A_55, %parallel_loop3A_502 : vector<16xi32>
        %parallel_loop3A_504 = tpu.vector_load_idx %arg8[%parallel_loop3A_340, %parallel_loop3A_503] : memref<256x64xf32, #tpu.memory_space<vmem>>[vector<16xi32>, vector<16xi32>], vector<16xf32>,
        tpu.vector_store_idx %arg10[%parallel_loop3A_503, %parallel_loop3A_340], %parallel_loop3A_504 : memref<64x256xf32, #tpu.memory_space<vmem>>[vector<16xi32>, vector<16xi32>], vector<16xf32>,
        %parallel_loop3A_505 = arith.constant 32 : i32
        %parallel_loop3A_506 = vector.broadcast %parallel_loop3A_505 : i32 to vector<16xi32>
        %parallel_loop3A_507 = arith.addi %and3A_61, %parallel_loop3A_506 : vector<16xi32>
        %parallel_loop3A_508 = tpu.vector_load_idx %arg8[%parallel_loop3A_340, %parallel_loop3A_507] : memref<256x64xf32, #tpu.memory_space<vmem>>[vector<16xi32>, vector<16xi32>], vector<16xf32>,
        tpu.vector_store_idx %arg10[%parallel_loop3A_507, %parallel_loop3A_340], %parallel_loop3A_508 : memref<64x256xf32, #tpu.memory_space<vmem>>[vector<16xi32>, vector<16xi32>], vector<16xf32>,
        %parallel_loop3A_509 = arith.constant 32 : i32
        %parallel_loop3A_510 = vector.broadcast %parallel_loop3A_509 : i32 to vector<16xi32>
        %parallel_loop3A_511 = arith.addi %and3A_67, %parallel_loop3A_510 : vector<16xi32>
        %parallel_loop3A_512 = tpu.vector_load_idx %arg8[%parallel_loop3A_340, %parallel_loop3A_511] : memref<256x64xf32, #tpu.memory_space<vmem>>[vector<16xi32>, vector<16xi32>], vector<16xf32>,
        tpu.vector_store_idx %arg10[%parallel_loop3A_511, %parallel_loop3A_340], %parallel_loop3A_512 : memref<64x256xf32, #tpu.memory_space<vmem>>[vector<16xi32>, vector<16xi32>], vector<16xf32>,
        %parallel_loop3A_513 = arith.constant 32 : i32
        %parallel_loop3A_514 = vector.broadcast %parallel_loop3A_513 : i32 to vector<16xi32>
        %parallel_loop3A_515 = arith.addi %and3A_73, %parallel_loop3A_514 : vector<16xi32>
        %parallel_loop3A_516 = tpu.vector_load_idx %arg8[%parallel_loop3A_340, %parallel_loop3A_515] : memref<256x64xf32, #tpu.memory_space<vmem>>[vector<16xi32>, vector<16xi32>], vector<16xf32>,
        tpu.vector_store_idx %arg10[%parallel_loop3A_515, %parallel_loop3A_340], %parallel_loop3A_516 : memref<64x256xf32, #tpu.memory_space<vmem>>[vector<16xi32>, vector<16xi32>], vector<16xf32>,
        %parallel_loop3A_517 = arith.constant 32 : i32
        %parallel_loop3A_518 = vector.broadcast %parallel_loop3A_517 : i32 to vector<16xi32>
        %parallel_loop3A_519 = arith.addi %and3A_79, %parallel_loop3A_518 : vector<16xi32>
        %parallel_loop3A_520 = tpu.vector_load_idx %arg8[%parallel_loop3A_340, %parallel_loop3A_519] : memref<256x64xf32, #tpu.memory_space<vmem>>[vector<16xi32>, vector<16xi32>], vector<16xf32>,
        tpu.vector_store_idx %arg10[%parallel_loop3A_519, %parallel_loop3A_340], %parallel_loop3A_520 : memref<64x256xf32, #tpu.memory_space<vmem>>[vector<16xi32>, vector<16xi32>], vector<16xf32>,
        %parallel_loop3A_521 = arith.constant 32 : i32
        %parallel_loop3A_522 = vector.broadcast %parallel_loop3A_521 : i32 to vector<16xi32>
        %parallel_loop3A_523 = arith.addi %and3A_85, %parallel_loop3A_522 : vector<16xi32>
        %parallel_loop3A_524 = tpu.vector_load_idx %arg8[%parallel_loop3A_340, %parallel_loop3A_523] : memref<256x64xf32, #tpu.memory_space<vmem>>[vector<16xi32>, vector<16xi32>], vector<16xf32>,
        tpu.vector_store_idx %arg10[%parallel_loop3A_523, %parallel_loop3A_340], %parallel_loop3A_524 : memref<64x256xf32, #tpu.memory_space<vmem>>[vector<16xi32>, vector<16xi32>], vector<16xf32>,
        %parallel_loop3A_525 = arith.constant 32 : i32
        %parallel_loop3A_526 = vector.broadcast %parallel_loop3A_525 : i32 to vector<16xi32>
        %parallel_loop3A_527 = arith.addi %and3A_91, %parallel_loop3A_526 : vector<16xi32>
        %parallel_loop3A_528 = tpu.vector_load_idx %arg8[%parallel_loop3A_340, %parallel_loop3A_527] : memref<256x64xf32, #tpu.memory_space<vmem>>[vector<16xi32>, vector<16xi32>], vector<16xf32>,
        tpu.vector_store_idx %arg10[%parallel_loop3A_527, %parallel_loop3A_340], %parallel_loop3A_528 : memref<64x256xf32, #tpu.memory_space<vmem>>[vector<16xi32>, vector<16xi32>], vector<16xf32>,
        %parallel_loop3A_529 = arith.constant 32 : i32
        %parallel_loop3A_530 = vector.broadcast %parallel_loop3A_529 : i32 to vector<16xi32>
        %parallel_loop3A_531 = arith.addi %and3A_97, %parallel_loop3A_530 : vector<16xi32>
        %parallel_loop3A_532 = tpu.vector_load_idx %arg8[%parallel_loop3A_340, %parallel_loop3A_531] : memref<256x64xf32, #tpu.memory_space<vmem>>[vector<16xi32>, vector<16xi32>], vector<16xf32>,
        tpu.vector_store_idx %arg10[%parallel_loop3A_531, %parallel_loop3A_340], %parallel_loop3A_532 : memref<64x256xf32, #tpu.memory_space<vmem>>[vector<16xi32>, vector<16xi32>], vector<16xf32>,
        %parallel_loop3A_533 = arith.constant 48 : i32
        %parallel_loop3A_534 = vector.broadcast %parallel_loop3A_533 : i32 to vector<16xi32>
        %parallel_loop3A_535 = arith.addi %and3A_7, %parallel_loop3A_534 : vector<16xi32>
        %parallel_loop3A_536 = tpu.vector_load_idx %arg8[%parallel_loop3A_340, %parallel_loop3A_535] : memref<256x64xf32, #tpu.memory_space<vmem>>[vector<16xi32>, vector<16xi32>], vector<16xf32>,
        tpu.vector_store_idx %arg10[%parallel_loop3A_535, %parallel_loop3A_340], %parallel_loop3A_536 : memref<64x256xf32, #tpu.memory_space<vmem>>[vector<16xi32>, vector<16xi32>], vector<16xf32>,
        %parallel_loop3A_537 = arith.constant 48 : i32
        %parallel_loop3A_538 = vector.broadcast %parallel_loop3A_537 : i32 to vector<16xi32>
        %parallel_loop3A_539 = arith.addi %and3A_13, %parallel_loop3A_538 : vector<16xi32>
        %parallel_loop3A_540 = tpu.vector_load_idx %arg8[%parallel_loop3A_340, %parallel_loop3A_539] : memref<256x64xf32, #tpu.memory_space<vmem>>[vector<16xi32>, vector<16xi32>], vector<16xf32>,
        tpu.vector_store_idx %arg10[%parallel_loop3A_539, %parallel_loop3A_340], %parallel_loop3A_540 : memref<64x256xf32, #tpu.memory_space<vmem>>[vector<16xi32>, vector<16xi32>], vector<16xf32>,
        %parallel_loop3A_541 = arith.constant 48 : i32
        %parallel_loop3A_542 = vector.broadcast %parallel_loop3A_541 : i32 to vector<16xi32>
        %parallel_loop3A_543 = arith.addi %and3A_19, %parallel_loop3A_542 : vector<16xi32>
        %parallel_loop3A_544 = tpu.vector_load_idx %arg8[%parallel_loop3A_340, %parallel_loop3A_543] : memref<256x64xf32, #tpu.memory_space<vmem>>[vector<16xi32>, vector<16xi32>], vector<16xf32>,
        tpu.vector_store_idx %arg10[%parallel_loop3A_543, %parallel_loop3A_340], %parallel_loop3A_544 : memref<64x256xf32, #tpu.memory_space<vmem>>[vector<16xi32>, vector<16xi32>], vector<16xf32>,
        %parallel_loop3A_545 = arith.constant 48 : i32
        %parallel_loop3A_546 = vector.broadcast %parallel_loop3A_545 : i32 to vector<16xi32>
        %parallel_loop3A_547 = arith.addi %and3A_25, %parallel_loop3A_546 : vector<16xi32>
        %parallel_loop3A_548 = tpu.vector_load_idx %arg8[%parallel_loop3A_340, %parallel_loop3A_547] : memref<256x64xf32, #tpu.memory_space<vmem>>[vector<16xi32>, vector<16xi32>], vector<16xf32>,
        tpu.vector_store_idx %arg10[%parallel_loop3A_547, %parallel_loop3A_340], %parallel_loop3A_548 : memref<64x256xf32, #tpu.memory_space<vmem>>[vector<16xi32>, vector<16xi32>], vector<16xf32>,
        %parallel_loop3A_549 = arith.constant 48 : i32
        %parallel_loop3A_550 = vector.broadcast %parallel_loop3A_549 : i32 to vector<16xi32>
        %parallel_loop3A_551 = arith.addi %and3A_31, %parallel_loop3A_550 : vector<16xi32>
        %parallel_loop3A_552 = tpu.vector_load_idx %arg8[%parallel_loop3A_340, %parallel_loop3A_551] : memref<256x64xf32, #tpu.memory_space<vmem>>[vector<16xi32>, vector<16xi32>], vector<16xf32>,
        tpu.vector_store_idx %arg10[%parallel_loop3A_551, %parallel_loop3A_340], %parallel_loop3A_552 : memref<64x256xf32, #tpu.memory_space<vmem>>[vector<16xi32>, vector<16xi32>], vector<16xf32>,
        %parallel_loop3A_553 = arith.constant 48 : i32
        %parallel_loop3A_554 = vector.broadcast %parallel_loop3A_553 : i32 to vector<16xi32>
        %parallel_loop3A_555 = arith.addi %and3A_37, %parallel_loop3A_554 : vector<16xi32>
        %parallel_loop3A_556 = tpu.vector_load_idx %arg8[%parallel_loop3A_340, %parallel_loop3A_555] : memref<256x64xf32, #tpu.memory_space<vmem>>[vector<16xi32>, vector<16xi32>], vector<16xf32>,
        tpu.vector_store_idx %arg10[%parallel_loop3A_555, %parallel_loop3A_340], %parallel_loop3A_556 : memref<64x256xf32, #tpu.memory_space<vmem>>[vector<16xi32>, vector<16xi32>], vector<16xf32>,
        %parallel_loop3A_557 = arith.constant 48 : i32
        %parallel_loop3A_558 = vector.broadcast %parallel_loop3A_557 : i32 to vector<16xi32>
        %parallel_loop3A_559 = arith.addi %and3A_43, %parallel_loop3A_558 : vector<16xi32>
        %parallel_loop3A_560 = tpu.vector_load_idx %arg8[%parallel_loop3A_340, %parallel_loop3A_559] : memref<256x64xf32, #tpu.memory_space<vmem>>[vector<16xi32>, vector<16xi32>], vector<16xf32>,
        tpu.vector_store_idx %arg10[%parallel_loop3A_559, %parallel_loop3A_340], %parallel_loop3A_560 : memref<64x256xf32, #tpu.memory_space<vmem>>[vector<16xi32>, vector<16xi32>], vector<16xf32>,
        %parallel_loop3A_561 = arith.constant 48 : i32
        %parallel_loop3A_562 = vector.broadcast %parallel_loop3A_561 : i32 to vector<16xi32>
        %parallel_loop3A_563 = arith.addi %and3A_49, %parallel_loop3A_562 : vector<16xi32>
        %parallel_loop3A_564 = tpu.vector_load_idx %arg8[%parallel_loop3A_340, %parallel_loop3A_563] : memref<256x64xf32, #tpu.memory_space<vmem>>[vector<16xi32>, vector<16xi32>], vector<16xf32>,
        tpu.vector_store_idx %arg10[%parallel_loop3A_563, %parallel_loop3A_340], %parallel_loop3A_564 : memref<64x256xf32, #tpu.memory_space<vmem>>[vector<16xi32>, vector<16xi32>], vector<16xf32>,
        %parallel_loop3A_565 = arith.constant 48 : i32
        %parallel_loop3A_566 = vector.broadcast %parallel_loop3A_565 : i32 to vector<16xi32>
        %parallel_loop3A_567 = arith.addi %and3A_55, %parallel_loop3A_566 : vector<16xi32>
        %parallel_loop3A_568 = tpu.vector_load_idx %arg8[%parallel_loop3A_340, %parallel_loop3A_567] : memref<256x64xf32, #tpu.memory_space<vmem>>[vector<16xi32>, vector<16xi32>], vector<16xf32>,
        tpu.vector_store_idx %arg10[%parallel_loop3A_567, %parallel_loop3A_340], %parallel_loop3A_568 : memref<64x256xf32, #tpu.memory_space<vmem>>[vector<16xi32>, vector<16xi32>], vector<16xf32>,
        %parallel_loop3A_569 = arith.constant 48 : i32
        %parallel_loop3A_570 = vector.broadcast %parallel_loop3A_569 : i32 to vector<16xi32>
        %parallel_loop3A_571 = arith.addi %and3A_61, %parallel_loop3A_570 : vector<16xi32>
        %parallel_loop3A_572 = tpu.vector_load_idx %arg8[%parallel_loop3A_340, %parallel_loop3A_571] : memref<256x64xf32, #tpu.memory_space<vmem>>[vector<16xi32>, vector<16xi32>], vector<16xf32>,
        tpu.vector_store_idx %arg10[%parallel_loop3A_571, %parallel_loop3A_340], %parallel_loop3A_572 : memref<64x256xf32, #tpu.memory_space<vmem>>[vector<16xi32>, vector<16xi32>], vector<16xf32>,
        %parallel_loop3A_573 = arith.constant 48 : i32
        %parallel_loop3A_574 = vector.broadcast %parallel_loop3A_573 : i32 to vector<16xi32>
        %parallel_loop3A_575 = arith.addi %and3A_67, %parallel_loop3A_574 : vector<16xi32>
        %parallel_loop3A_576 = tpu.vector_load_idx %arg8[%parallel_loop3A_340, %parallel_loop3A_575] : memref<256x64xf32, #tpu.memory_space<vmem>>[vector<16xi32>, vector<16xi32>], vector<16xf32>,
        tpu.vector_store_idx %arg10[%parallel_loop3A_575, %parallel_loop3A_340], %parallel_loop3A_576 : memref<64x256xf32, #tpu.memory_space<vmem>>[vector<16xi32>, vector<16xi32>], vector<16xf32>,
        %parallel_loop3A_577 = arith.constant 48 : i32
        %parallel_loop3A_578 = vector.broadcast %parallel_loop3A_577 : i32 to vector<16xi32>
        %parallel_loop3A_579 = arith.addi %and3A_73, %parallel_loop3A_578 : vector<16xi32>
        %parallel_loop3A_580 = tpu.vector_load_idx %arg8[%parallel_loop3A_340, %parallel_loop3A_579] : memref<256x64xf32, #tpu.memory_space<vmem>>[vector<16xi32>, vector<16xi32>], vector<16xf32>,
        tpu.vector_store_idx %arg10[%parallel_loop3A_579, %parallel_loop3A_340], %parallel_loop3A_580 : memref<64x256xf32, #tpu.memory_space<vmem>>[vector<16xi32>, vector<16xi32>], vector<16xf32>,
        %parallel_loop3A_581 = arith.constant 48 : i32
        %parallel_loop3A_582 = vector.broadcast %parallel_loop3A_581 : i32 to vector<16xi32>
        %parallel_loop3A_583 = arith.addi %and3A_79, %parallel_loop3A_582 : vector<16xi32>
        %parallel_loop3A_584 = tpu.vector_load_idx %arg8[%parallel_loop3A_340, %parallel_loop3A_583] : memref<256x64xf32, #tpu.memory_space<vmem>>[vector<16xi32>, vector<16xi32>], vector<16xf32>,
        tpu.vector_store_idx %arg10[%parallel_loop3A_583, %parallel_loop3A_340], %parallel_loop3A_584 : memref<64x256xf32, #tpu.memory_space<vmem>>[vector<16xi32>, vector<16xi32>], vector<16xf32>,
        %parallel_loop3A_585 = arith.constant 48 : i32
        %parallel_loop3A_586 = vector.broadcast %parallel_loop3A_585 : i32 to vector<16xi32>
        %parallel_loop3A_587 = arith.addi %and3A_85, %parallel_loop3A_586 : vector<16xi32>
        %parallel_loop3A_588 = tpu.vector_load_idx %arg8[%parallel_loop3A_340, %parallel_loop3A_587] : memref<256x64xf32, #tpu.memory_space<vmem>>[vector<16xi32>, vector<16xi32>], vector<16xf32>,
        tpu.vector_store_idx %arg10[%parallel_loop3A_587, %parallel_loop3A_340], %parallel_loop3A_588 : memref<64x256xf32, #tpu.memory_space<vmem>>[vector<16xi32>, vector<16xi32>], vector<16xf32>,
        %parallel_loop3A_589 = arith.constant 48 : i32
        %parallel_loop3A_590 = vector.broadcast %parallel_loop3A_589 : i32 to vector<16xi32>
        %parallel_loop3A_591 = arith.addi %and3A_91, %parallel_loop3A_590 : vector<16xi32>
        %parallel_loop3A_592 = tpu.vector_load_idx %arg8[%parallel_loop3A_340, %parallel_loop3A_591] : memref<256x64xf32, #tpu.memory_space<vmem>>[vector<16xi32>, vector<16xi32>], vector<16xf32>,
        tpu.vector_store_idx %arg10[%parallel_loop3A_591, %parallel_loop3A_340], %parallel_loop3A_592 : memref<64x256xf32, #tpu.memory_space<vmem>>[vector<16xi32>, vector<16xi32>], vector<16xf32>,
        %parallel_loop3A_593 = arith.constant 48 : i32
        %parallel_loop3A_594 = vector.broadcast %parallel_loop3A_593 : i32 to vector<16xi32>
        %parallel_loop3A_595 = arith.addi %and3A_97, %parallel_loop3A_594 : vector<16xi32>
        %parallel_loop3A_596 = tpu.vector_load_idx %arg8[%parallel_loop3A_340, %parallel_loop3A_595] : memref<256x64xf32, #tpu.memory_space<vmem>>[vector<16xi32>, vector<16xi32>], vector<16xf32>,
        tpu.vector_store_idx %arg10[%parallel_loop3A_595, %parallel_loop3A_340], %parallel_loop3A_596 : memref<64x256xf32, #tpu.memory_space<vmem>>[vector<16xi32>, vector<16xi32>], vector<16xf32>,
      } {sc.loop_unroll_factor = 8 : i64, sc.parallel_access}
      %add3A_294 = arith.constant 2 : i32
      %add3A_295 = arith.addi %add3A_282, %add3A_294 : i32
      %lt3A_296 = arith.constant 100 : i32
      %lt3A_297 = arith.cmpi slt, %add3A_295, %lt3A_296 : i32
      %convert_element_type3A_298 = arith.extui %lt3A_297 : i1 to i32
      %cond3A_299 = arith.constant 0 : i32
      %cond3A_300 = arith.cmpi ne, %convert_element_type3A_298, %cond3A_299 : i32
      scf.if %cond3A_300 {
        %add3A_336 = arith.constant 2 : i32
        %add3A_337 = arith.addi %add3A_282, %add3A_336 : i32
        %add3A_338 = arith.addi %mul3A_2, %add3A_337 : i32
        %jit3A_339 = arith.constant 64 : i32
        %div3A_340 = arith.divsi %add3A_338, %jit3A_339 : i32
        %sign3A_341 = arith.constant 0 : i32
        %sign3A_342 = arith.cmpi sgt, %add3A_338, %sign3A_341 : i32
        %sign3A_343 = arith.extui %sign3A_342 : i1 to i32
        %sign3A_344 = arith.constant 0 : i32
        %sign3A_345 = arith.cmpi slt, %add3A_338, %sign3A_344 : i32
        %sign3A_346 = arith.extui %sign3A_345 : i1 to i32
        %sign3A_347 = arith.subi %sign3A_343, %sign3A_346 : i32
        %sign3A_348 = arith.constant 0 : i32
        %sign3A_349 = arith.cmpi sgt, %jit3A_339, %sign3A_348 : i32
        %sign3A_350 = arith.extui %sign3A_349 : i1 to i32
        %sign3A_351 = arith.constant 0 : i32
        %sign3A_352 = arith.cmpi slt, %jit3A_339, %sign3A_351 : i32
        %sign3A_353 = arith.extui %sign3A_352 : i1 to i32
        %sign3A_354 = arith.subi %sign3A_350, %sign3A_353 : i32
        %ne3A_355 = arith.cmpi ne, %sign3A_347, %sign3A_354 : i32
        %rem3A_356 = arith.remsi %add3A_338, %jit3A_339 : i32
        %ne3A_357 = arith.constant 0 : i32
        %ne3A_358 = arith.cmpi ne, %rem3A_356, %ne3A_357 : i32
        %and3A_359 = arith.andi %ne3A_355, %ne3A_358 : i1
        %sub3A_360 = arith.constant 1 : i32
        %sub3A_361 = arith.subi %div3A_340, %sub3A_360 : i32
        %select_n3A_362 = arith.select %and3A_359, %sub3A_361, %div3A_340 : i32
        %rem3A_363 = arith.constant 64 : i32
        %rem3A_364 = arith.remsi %add3A_338, %rem3A_363 : i32
        "tpu.region"() ({
          %run_scoped3A = tpu.sem_alloc : memref<!tpu.dma_semaphore, #tpu.memory_space<semaphore_mem>>
          %dma_start3A_368 = arith.constant 0 : i32
          %dma_start3A_369 = tpu.memref_slice %arg2[%select_n3A_362, %rem3A_364, %dma_start3A_368] : memref<50x64x256xi32, #tpu.memory_space<hbm>> -> memref<1x1x256xi32, #tpu.memory_space<hbm>>
          %dma_start3A_370 = tpu.memref_squeeze %dma_start3A_369 : memref<1x1x256xi32, #tpu.memory_space<hbm>> -> memref<256xi32, #tpu.memory_space<hbm>>
          %dma_start3A_371 = arith.constant 0 : i32
          %dma_start3A_372 = tpu.memref_slice %arg2[%select_n3A_362, %rem3A_364, %dma_start3A_371] : memref<50x64x256xi32, #tpu.memory_space<hbm>> -> memref<1x1x256xi32, #tpu.memory_space<hbm>>
          %dma_start3A_373 = tpu.memref_squeeze %dma_start3A_372 : memref<1x1x256xi32, #tpu.memory_space<hbm>> -> memref<256xi32, #tpu.memory_space<hbm>>
          tpu.enqueue_dma source(%dma_start3A_373 : memref<256xi32, #tpu.memory_space<hbm>>) target(%arg6 : memref<256xi32, #tpu.memory_space<vmem>>) target_semaphore(%run_scoped3A : memref<!tpu.dma_semaphore, #tpu.memory_space<semaphore_mem>>)
          %dma_wait3A_374 = arith.constant 0 : i32
          %dma_wait3A_375 = tpu.memref_slice %arg2[%select_n3A_362, %rem3A_364, %dma_wait3A_374] : memref<50x64x256xi32, #tpu.memory_space<hbm>> -> memref<1x1x256xi32, #tpu.memory_space<hbm>>
          %dma_wait3A_376 = tpu.memref_squeeze %dma_wait3A_375 : memref<1x1x256xi32, #tpu.memory_space<hbm>> -> memref<256xi32, #tpu.memory_space<hbm>>
          %dma_wait3A_377 = arith.constant 0 : i32
          %dma_wait3A_378 = tpu.memref_slice %arg2[%select_n3A_362, %rem3A_364, %dma_wait3A_377] : memref<50x64x256xi32, #tpu.memory_space<hbm>> -> memref<1x1x256xi32, #tpu.memory_space<hbm>>
          %dma_wait3A_379 = tpu.memref_squeeze %dma_wait3A_378 : memref<1x1x256xi32, #tpu.memory_space<hbm>> -> memref<256xi32, #tpu.memory_space<hbm>>
          tpu.wait_dma2 semaphore(%run_scoped3A : memref<!tpu.dma_semaphore, #tpu.memory_space<semaphore_mem>>) src(%dma_wait3A_379 : memref<256xi32, #tpu.memory_space<hbm>>) dst(%arg6 : memref<256xi32, #tpu.memory_space<vmem>>)
          tpu.yield
        }) : () -> ()
        %dma_start3A_365 = arith.constant 0 : i32
        %dma_start3A_366 = arith.constant 0 : i32
        %dma_start3A_367 = tpu.memref_slice %arg3[%dma_start3A_365, %dma_start3A_366] : memref<1000000x64xf32, #tpu.memory_space<hbm>> -> memref<1000000x64xf32, #tpu.memory_space<hbm>>
        tpu.enqueue_indirect_dma source(%dma_start3A_367 : memref<1000000x64xf32, #tpu.memory_space<hbm>>) target(%arg8 : memref<256x64xf32, #tpu.memory_space<vmem>>) offsets(%arg6 : memref<256xi32, #tpu.memory_space<vmem>>) semaphore(%arg12 : memref<!tpu.dma_semaphore, #tpu.memory_space<semaphore_mem>>)
      } else {
      }
      %add3A_301 = arith.addi %mul3A_2, %add3A_282 : i32
      %jit3A_302 = arith.constant 64 : i32
      %div3A_303 = arith.divsi %add3A_301, %jit3A_302 : i32
      %sign3A_304 = arith.constant 0 : i32
      %sign3A_305 = arith.cmpi sgt, %add3A_301, %sign3A_304 : i32
      %sign3A_306 = arith.extui %sign3A_305 : i1 to i32
      %sign3A_307 = arith.constant 0 : i32
      %sign3A_308 = arith.cmpi slt, %add3A_301, %sign3A_307 : i32
      %sign3A_309 = arith.extui %sign3A_308 : i1 to i32
      %sign3A_310 = arith.subi %sign3A_306, %sign3A_309 : i32
      %sign3A_311 = arith.constant 0 : i32
      %sign3A_312 = arith.cmpi sgt, %jit3A_302, %sign3A_311 : i32
      %sign3A_313 = arith.extui %sign3A_312 : i1 to i32
      %sign3A_314 = arith.constant 0 : i32
      %sign3A_315 = arith.cmpi slt, %jit3A_302, %sign3A_314 : i32
      %sign3A_316 = arith.extui %sign3A_315 : i1 to i32
      %sign3A_317 = arith.subi %sign3A_313, %sign3A_316 : i32
      %ne3A_318 = arith.cmpi ne, %sign3A_310, %sign3A_317 : i32
      %rem3A_319 = arith.remsi %add3A_301, %jit3A_302 : i32
      %ne3A_320 = arith.constant 0 : i32
      %ne3A_321 = arith.cmpi ne, %rem3A_319, %ne3A_320 : i32
      %and3A_322 = arith.andi %ne3A_318, %ne3A_321 : i1
      %sub3A_323 = arith.constant 1 : i32
      %sub3A_324 = arith.subi %div3A_303, %sub3A_323 : i32
      %select_n3A_325 = arith.select %and3A_322, %sub3A_324, %div3A_303 : i32
      %rem3A_326 = arith.constant 64 : i32
      %rem3A_327 = arith.remsi %add3A_301, %rem3A_326 : i32
      %mul3A_328 = arith.constant 256 : i32
      %mul3A_329 = arith.muli %rem3A_327, %mul3A_328 : i32
      %dma_start3A_330 = arith.constant 0 : i32
      %dma_start3A_331 = tpu.memref_slice %arg4[%select_n3A_325, %dma_start3A_330, %mul3A_329] : memref<50x64x16384xf32, #tpu.memory_space<hbm>> -> memref<1x64x256xf32, #tpu.memory_space<hbm>>
      %dma_start3A_332 = tpu.memref_squeeze %dma_start3A_331 : memref<1x64x256xf32, #tpu.memory_space<hbm>> -> memref<64x256xf32, #tpu.memory_space<hbm>>
      %dma_start3A_333 = arith.constant 0 : i32
      %dma_start3A_334 = tpu.memref_slice %arg4[%select_n3A_325, %dma_start3A_333, %mul3A_329] : memref<50x64x16384xf32, #tpu.memory_space<hbm>> -> memref<1x64x256xf32, #tpu.memory_space<hbm>>
      %dma_start3A_335 = tpu.memref_squeeze %dma_start3A_334 : memref<1x64x256xf32, #tpu.memory_space<hbm>> -> memref<64x256xf32, #tpu.memory_space<hbm>>
      tpu.enqueue_dma source(%arg10 : memref<64x256xf32, #tpu.memory_space<vmem>>) target(%dma_start3A_335 : memref<64x256xf32, #tpu.memory_space<hbm>>) target_semaphore(%arg14 : memref<!tpu.dma_semaphore, #tpu.memory_space<semaphore_mem>>)
    }
    %scan3A_156 = arith.constant 50 : i32
    %add3A_157 = arith.constant 98 : i32
    %add3A_158 = arith.addi %mul3A_2, %add3A_157 : i32
    %jit3A_159 = arith.constant 64 : i32
    %div3A_160 = arith.divsi %add3A_158, %jit3A_159 : i32
    %sign3A_161 = arith.constant 0 : i32
    %sign3A_162 = arith.cmpi sgt, %add3A_158, %sign3A_161 : i32
    %sign3A_163 = arith.extui %sign3A_162 : i1 to i32
    %sign3A_164 = arith.constant 0 : i32
    %sign3A_165 = arith.cmpi slt, %add3A_158, %sign3A_164 : i32
    %sign3A_166 = arith.extui %sign3A_165 : i1 to i32
    %sign3A_167 = arith.subi %sign3A_163, %sign3A_166 : i32
    %sign3A_168 = arith.constant 0 : i32
    %sign3A_169 = arith.cmpi sgt, %jit3A_159, %sign3A_168 : i32
    %sign3A_170 = arith.extui %sign3A_169 : i1 to i32
    %sign3A_171 = arith.constant 0 : i32
    %sign3A_172 = arith.cmpi slt, %jit3A_159, %sign3A_171 : i32
    %sign3A_173 = arith.extui %sign3A_172 : i1 to i32
    %sign3A_174 = arith.subi %sign3A_170, %sign3A_173 : i32
    %ne3A_175 = arith.cmpi ne, %sign3A_167, %sign3A_174 : i32
    %rem3A_176 = arith.remsi %add3A_158, %jit3A_159 : i32
    %ne3A_177 = arith.constant 0 : i32
    %ne3A_178 = arith.cmpi ne, %rem3A_176, %ne3A_177 : i32
    %and3A_179 = arith.andi %ne3A_175, %ne3A_178 : i1
    %sub3A_180 = arith.constant 1 : i32
    %sub3A_181 = arith.subi %div3A_160, %sub3A_180 : i32
    %select_n3A_182 = arith.select %and3A_179, %sub3A_181, %div3A_160 : i32
    %rem3A_183 = arith.constant 64 : i32
    %rem3A_184 = arith.remsi %add3A_158, %rem3A_183 : i32
    %mul3A_185 = arith.constant 256 : i32
    %mul3A_186 = arith.muli %rem3A_184, %mul3A_185 : i32
    %dma_wait3A = arith.constant 0 : i32
    %dma_wait3A_187 = tpu.memref_slice %arg4[%select_n3A_182, %dma_wait3A, %mul3A_186] : memref<50x64x16384xf32, #tpu.memory_space<hbm>> -> memref<1x64x256xf32, #tpu.memory_space<hbm>>
    %dma_wait3A_188 = tpu.memref_squeeze %dma_wait3A_187 : memref<1x64x256xf32, #tpu.memory_space<hbm>> -> memref<64x256xf32, #tpu.memory_space<hbm>>
    %dma_wait3A_189 = arith.constant 0 : i32
    %dma_wait3A_190 = tpu.memref_slice %arg4[%select_n3A_182, %dma_wait3A_189, %mul3A_186] : memref<50x64x16384xf32, #tpu.memory_space<hbm>> -> memref<1x64x256xf32, #tpu.memory_space<hbm>>
    %dma_wait3A_191 = tpu.memref_squeeze %dma_wait3A_190 : memref<1x64x256xf32, #tpu.memory_space<hbm>> -> memref<64x256xf32, #tpu.memory_space<hbm>>
    tpu.wait_dma2 semaphore(%arg13 : memref<!tpu.dma_semaphore, #tpu.memory_space<semaphore_mem>>) src(%arg9 : memref<64x256xf32, #tpu.memory_space<vmem>>) dst(%dma_wait3A_191 : memref<64x256xf32, #tpu.memory_space<hbm>>)
    %add3A_192 = arith.constant 99 : i32
    %add3A_193 = arith.addi %mul3A_2, %add3A_192 : i32
    %jit3A_194 = arith.constant 64 : i32
    %div3A_195 = arith.divsi %add3A_193, %jit3A_194 : i32
    %sign3A_196 = arith.constant 0 : i32
    %sign3A_197 = arith.cmpi sgt, %add3A_193, %sign3A_196 : i32
    %sign3A_198 = arith.extui %sign3A_197 : i1 to i32
    %sign3A_199 = arith.constant 0 : i32
    %sign3A_200 = arith.cmpi slt, %add3A_193, %sign3A_199 : i32
    %sign3A_201 = arith.extui %sign3A_200 : i1 to i32
    %sign3A_202 = arith.subi %sign3A_198, %sign3A_201 : i32
    %sign3A_203 = arith.constant 0 : i32
    %sign3A_204 = arith.cmpi sgt, %jit3A_194, %sign3A_203 : i32
    %sign3A_205 = arith.extui %sign3A_204 : i1 to i32
    %sign3A_206 = arith.constant 0 : i32
    %sign3A_207 = arith.cmpi slt, %jit3A_194, %sign3A_206 : i32
    %sign3A_208 = arith.extui %sign3A_207 : i1 to i32
    %sign3A_209 = arith.subi %sign3A_205, %sign3A_208 : i32
    %ne3A_210 = arith.cmpi ne, %sign3A_202, %sign3A_209 : i32
    %rem3A_211 = arith.remsi %add3A_193, %jit3A_194 : i32
    %ne3A_212 = arith.constant 0 : i32
    %ne3A_213 = arith.cmpi ne, %rem3A_211, %ne3A_212 : i32
    %and3A_214 = arith.andi %ne3A_210, %ne3A_213 : i1
    %sub3A_215 = arith.constant 1 : i32
    %sub3A_216 = arith.subi %div3A_195, %sub3A_215 : i32
    %select_n3A_217 = arith.select %and3A_214, %sub3A_216, %div3A_195 : i32
    %rem3A_218 = arith.constant 64 : i32
    %rem3A_219 = arith.remsi %add3A_193, %rem3A_218 : i32
    %mul3A_220 = arith.constant 256 : i32
    %mul3A_221 = arith.muli %rem3A_219, %mul3A_220 : i32
    %dma_wait3A_222 = arith.constant 0 : i32
    %dma_wait3A_223 = tpu.memref_slice %arg4[%select_n3A_217, %dma_wait3A_222, %mul3A_221] : memref<50x64x16384xf32, #tpu.memory_space<hbm>> -> memref<1x64x256xf32, #tpu.memory_space<hbm>>
    %dma_wait3A_224 = tpu.memref_squeeze %dma_wait3A_223 : memref<1x64x256xf32, #tpu.memory_space<hbm>> -> memref<64x256xf32, #tpu.memory_space<hbm>>
    %dma_wait3A_225 = arith.constant 0 : i32
    %dma_wait3A_226 = tpu.memref_slice %arg4[%select_n3A_217, %dma_wait3A_225, %mul3A_221] : memref<50x64x16384xf32, #tpu.memory_space<hbm>> -> memref<1x64x256xf32, #tpu.memory_space<hbm>>
    %dma_wait3A_227 = tpu.memref_squeeze %dma_wait3A_226 : memref<1x64x256xf32, #tpu.memory_space<hbm>> -> memref<64x256xf32, #tpu.memory_space<hbm>>
    tpu.wait_dma2 semaphore(%arg14 : memref<!tpu.dma_semaphore, #tpu.memory_space<semaphore_mem>>) src(%arg10 : memref<64x256xf32, #tpu.memory_space<vmem>>) dst(%dma_wait3A_227 : memref<64x256xf32, #tpu.memory_space<hbm>>)
    return
  }
}

</mosaic_0001>

<sc_bundles>
// kernel: kernel.3.cloned.1.call-start
scs
__scs_entry_jumppad:
0x0: {  	(pc) =	sbr.rel $0x88, $3  }
0x1: {  	(tag) =	ssettag $0x0;
	lr =	simm.s32 $0x1  }
0x2: {  	[smem:$0x3F9F] =	sst lr;
	_ =	strace $0xD0000000  }
0x3: {  	_ = 	snop  }
0x4: {  	_ = 	snop  }
0x5: {  	_ = 	snop  }
0x6: {  	_ = 	snop  }
0x7: {  	_ = 	snop  }
__scs_overlays_trampoline_lowered:
0x8: {  	[smem:$0x3FAE] =	sst s0  }
0x9: {  	[smem:$0x3FAF] =	sst s1  }
0xa: {  	[smem:$0x3FB0] =	sst s2  }
0xb: {  	[smem:$0x3FB1] =	sst s3  }
0xc: {  	[smem:$0x3FB2] =	sst s4  }
0xd: {  	[smem:$0x3FB3] =	sst s5  }
0xe: {  	[smem:$0x3FB4] =	sst s6  }
0xf: {  	[smem:$0x3FB5] =	sst s7  }
0x10: {  	[smem:$0x3FB6] =	sst s8  }
0x11: {  	[smem:$0x3FB7] =	sst s9;
	s0 =	simm.s32 @!p0 $0x0  }
0x12: {  	s1 =	sld [smem:$0x3F9D];
	s0 =	simm.s32 @p0 $0x1  }
0x13: {  	[smem:$0x3FB8] =	sst s0;
	s0 =	simm.s32 @!p1 $0x0  }
0x14: {  	s2 =	sld [smem:$0x3F9C];
	s0 =	simm.s32 @p1 $0x1  }
0x15: {  	[smem:$0x3FB9] =	sst s0;
	s0 =	simm.s32 @!p2 $0x0  }
0x16: {  	s3 =	sld [smem:$0x3FDB];
	s0 =	simm.s32 @p2 $0x1  }
0x17: {  	s4 =	simm.s32 $0x1BF5;
	[smem:$0x3FBB] =	sst s0  }
0x18: {  	s0 =	sld [smem:$0x3F9E];
	_ =	swait.ge [sflag:s4], $0x0  }
0x19: {  	s7 =	sld [smem:$0x3F9F]  }
0x1a: {  	s8 =	sadd.s32 $0xFFFFE003, lr  }
0x1b: {  	s9 =	sadd.s32 $0xFFFFFEF7, lr;
	s5 =	simm.s32 $0xFFFFFFFF;
	p2 =	slt.u32 s8, $0xFFFFF086  }
0x1c: {  	p1 =	slt.u32 s9, $0xF7A;
	s5 =	simm.s32 @!p2 $0x0  }
0x1d: {  	s5 =	simm.s32 @p1 $0x1;
	p0 =	seq.s32 s7, s2  }
0x1e: {  	s7 =	smul.u32 @!p0 $0xF7A, s2;
	p2 =	seq.s32 @!p0 s5, $0x0  }
0x1f: {  	s9 =	smul.u32 $0xF7A, s1;
	s8 =	simm.s32 @!p0 $0x1BF5;
	p2 =	por !p2, p0  }
0x20: {  	[sflag:s8] =	ssyncset.s32 @!p0 $0xFFFFF086;
	s6 =	sadd.s32 @!p0 s3, s7;
	s7 =	simm.s32 @!p0 $0x108  }
0x21: {  	s3 =	sadd.s32 s3, s9;
	s6 =	sadd.s32 @!p0 $0x88, s6;
	s7 =	simm.s32 @p2 $0x1082  }
0x22: {  	[simem:s7], [sflag:s8] =	dma.local @!p0 [hbm:s6], $0xF7A  }
0x23: {  	s9 =	sor.u32 $0xD0000000, s2;
	s6 =	simm.s32 $0x108;
	_ =	swait.ge @!p0 [sflag:s8], $0x0  }
0x24: {  	s3 =	sadd.s32 $0x88, s3;
	s6 =	simm.s32 @!p1 $0x1082;
	[sflag:s4] =	ssyncset.s32 $0xFFFFF086  }
0x25: {  	[simem:s6], [sflag:s4] =	dma.local [hbm:s3], $0xF7A  }
0x26: {  	[smem:$0x3F9F] =	sst s1;
	(tag) =	ssettag s2;
	_ =	strace s9  }
0x27: {  	s1 =	sld [smem:$0x3FAF]  }
0x28: {  	s2 =	sld [smem:$0x3FB0]  }
0x29: {  	s4 =	sld [smem:$0x3FB2]  }
0x2a: {  	p0 =	seq.s32 s5, $0x0;
	s5 =	sld [smem:$0x3FB3]  }
0x2b: {  	s6 =	sld [smem:$0x3FB4]  }
0x2c: {  	s7 =	sld [smem:$0x3FB5]  }
0x2d: {  	s3 =	simm.s32 $0x108;
	s8 =	sld [smem:$0x3FB6]  }
0x2e: {  	s3 =	simm.s32 @!p0 $0x1082;
	s9 =	sld [smem:$0x3FB7]  }
0x2f: {  	lr =	sadd.s32 s0, s3;
	s0 =	sld [smem:$0x3FAE]  }
0x30: {  	s3 =	sld [smem:$0x3FB1]  }
0x31: {  	[smem:$0x3FBA] =	sst s10  }
0x32: {  	s10 =	sld [smem:$0x3FB8];
	_ =	sdelay $0x3  }
0x33: {  	p0 =	seq.s32 s10, $0x1;
	s10 =	sld [smem:$0x3FBA];
	_ =	sdelay $0x3  }
0x34: {  	[smem:$0x3FBA] =	sst s10  }
0x35: {  	s10 =	sld [smem:$0x3FB9];
	_ =	sdelay $0x3  }
0x36: {  	p1 =	seq.s32 s10, $0x1;
	s10 =	sld [smem:$0x3FBA];
	_ =	sdelay $0x3  }
0x37: {  	[smem:$0x3FBA] =	sst s10  }
0x38: {  	s10 =	sld [smem:$0x3FBB]  }
0x39: {  	_ = 	snop;
	(pc) =	sbr.ind lr, $3  }
0x3a: {  	_ = 	snop  }
0x3b: {  	_ = 	snop  }
0x3c: {  	p2 =	seq.s32 s10, $0x1;
	s10 =	sld [smem:$0x3FBA]  }
0x3d: {  	_ =	shalt  }
0x3e: {  	_ =	shalt  }
0x3f: {  	_ =	shalt  }
0x40: {  	_ =	shalt  }
0x41: {  	_ =	shalt  }
0x42: {  	_ =	shalt  }
0x43: {  	_ =	shalt  }
0x44: {  	_ =	shalt  }
0x45: {  	_ =	shalt  }
0x46: {  	_ =	shalt  }
0x47: {  	_ =	shalt  }
0x48: {  	_ =	shalt  }
0x49: {  	_ =	shalt  }
0x4a: {  	_ =	shalt  }
0x4b: {  	_ =	shalt  }
0x4c: {  	_ =	shalt  }
0x4d: {  	_ =	shalt  }
0x4e: {  	_ =	shalt  }
0x4f: {  	_ =	shalt  }
0x50: {  	_ =	shalt  }
0x51: {  	_ =	shalt  }
0x52: {  	_ =	shalt  }
0x53: {  	_ =	shalt  }
0x54: {  	_ =	shalt  }
0x55: {  	_ =	shalt  }
0x56: {  	_ =	shalt  }
0x57: {  	_ =	shalt  }
0x58: {  	_ =	shalt  }
0x59: {  	_ =	shalt  }
0x5a: {  	_ =	shalt  }
0x5b: {  	_ =	shalt  }
0x5c: {  	_ =	shalt  }
0x5d: {  	_ =	shalt  }
0x5e: {  	_ =	shalt  }
0x5f: {  	_ =	shalt  }
0x60: {  	_ =	shalt  }
0x61: {  	_ =	shalt  }
0x62: {  	_ =	shalt  }
0x63: {  	_ =	shalt  }
0x64: {  	_ =	shalt  }
0x65: {  	_ =	shalt  }
0x66: {  	_ =	shalt  }
0x67: {  	_ =	shalt  }
0x68: {  	_ =	shalt  }
0x69: {  	_ =	shalt  }
0x6a: {  	_ =	shalt  }
0x6b: {  	_ =	shalt  }
0x6c: {  	_ =	shalt  }
0x6d: {  	_ =	shalt  }
0x6e: {  	_ =	shalt  }
0x6f: {  	_ =	shalt  }
0x70: {  	_ =	shalt  }
0x71: {  	_ =	shalt  }
0x72: {  	_ =	shalt  }
0x73: {  	_ =	shalt  }
0x74: {  	_ =	shalt  }
0x75: {  	_ =	shalt  }
0x76: {  	_ =	shalt  }
0x77: {  	_ =	shalt  }
0x78: {  	_ =	shalt  }
0x79: {  	_ =	shalt  }
0x7a: {  	_ =	shalt  }
0x7b: {  	_ =	shalt  }
0x7c: {  	_ =	shalt  }
0x7d: {  	_ =	shalt  }
0x7e: {  	_ =	shalt  }
0x7f: {  	_ =	shalt  }
0x80: {  	_ =	shalt  }
0x81: {  	_ =	shalt  }
0x82: {  	_ =	shalt  }
0x83: {  	_ =	shalt  }
0x84: {  	_ =	shalt  }
0x85: {  	_ =	shalt  }
0x86: {  	_ =	shalt  }
0x87: {  	_ =	shalt  }
.Lfunc_end0:
.L_simem_size_0:
called_computation_lowered:
.L_overlay_start_0:
0x88: {  	s2 =	sld [smem:$0x3FD9]  }
0x89: {  	s3 =	sld [smem:$0x3FFE];
	_ =	sdelay $0x1  }
0x8a: {  	s1 =	srdreg.scid  }
0x8b: {  	s0 =	sand.u32 $0x1, s1  }
0x8c: {  	s17 =	sshll.u32 s0, $0xA;
	s2 =	sadd.s32 s3, s2  }
0x8d: {  	s2 =	sadd.s32 s2, s17  }
0x8e: {  	[smem:$0x3FC6] =	sst s2  }
0x8f: {  	_ = 	snop  }
0x90: {  	s2 =	sld [smem:$0x3FD0];
	(tm) =	ssettm $0x1  }
0x91: {  	s18 =	sld [smem:$0x3FFB];
	_ =	sdelay $0x3  }
0x92: {  	_ =	strace s18  }
0x93: {  	s3 =	sld [smem:$0x3FFC];
	_ =	sdelay $0x3  }
0x94: {  	_ =	strace s3  }
0x95: {  	s3 =	sld [smem:$0x3FFD];
	_ =	sdelay $0x3  }
0x96: {  	_ =	strace s3  }
0x97: {  	_ =	strace $0x8FFFFFFF  }
0x98: {  	s19 =	sld [smem:$0x3FDB];
	_ =	sdelay $0x1  }
0x99: {  	s4 =	simm.s32 $_scs_section_size  }
0x9a: {  	s5 =	simm.s32 $_size__tile_overlayer_lowered;
	s6 =	simm.s32 $_tile_overlayer_lowered  }
0x9b: {  	s22 =	simm.s32 $0x1BFF;
	s21 =	sshll.u32 s6, $0x1;
	s3 =	sadd.s32 s4, s19  }
0x9c: {  	s7 =	simm.s32 $0x0;
	s20 =	sshll.u32 s5, $0x1;
	s5 =	sadd.s32 s21, s3  }
0x9d: {  	[timem:s7], [sflag:s22] =	dma.local [hbm:s5], s20  }
0x9e: {  	_ =	swait.ge [sflag:s22], s20  }
0x9f: {  	s4 =	ssub.s32 $0x0, s20;
	[sflag:s22] =	ssyncset.done $0x0  }
0xa0: {  	[sflag:s22] =	ssyncadd.s32 s4;
	_ =	sdelay $0x1  }
0xa1: {  	s23 =	simm.s32 $0x1B8B  }
0xa2: {  	_ =	swait.ge [sflag:s23], $0x1  }
0xa3: {  	[sflag:s23] =	ssyncset.done $0x0  }
0xa4: {  	s25 =	simm.s32 $0x1B8E;
	s24 =	sld [smem:$0x3FFE];
	[sflag:s23] =	ssyncadd.s32 $0xFFFFFFFF  }
0xa5: {  	s26 =	simm.s32 $execute0_lowered;
	[smem:$0x3FD2] =	sst s25  }
0xa6: {  	s5 =	sshll.u32 s26, $0x1;
	_ =	strace $0x80000046;
	[dreg:$0x1] =	wrdreg $0xFFFFFFFF  }
0xa7: {  	s28 =	simm.s32 $_size_execute0_lowered;
	s3 =	sadd.s32 s3, s5;
	[dreg:$0x0] =	wrdreg $0x0  }
0xa8: {  	s5 =	sshll.u32 s28, $0x1;
	[dreg:$0x2] =	wrdreg s3  }
0xa9: {  	[dreg:$0x3] =	wrdreg s5  }
0xaa: {  	[dreg:$0x4] =	wrdreg $0xC0  }
0xab: {  	_ =	task [dreg:s7], $0x5FFFF  }
0xac: {  	[dreg:$0x1] =	wrdreg $0xFFFFFFFF  }
0xad: {  	[dreg:$0x0] =	wrdreg $0x60  }
0xae: {  	[dreg:$0x2] =	wrdreg s2  }
0xaf: {  	[dreg:$0x3] =	wrdreg s24  }
0xb0: {  	[dreg:$0x4] =	wrdreg $0x9  }
0xb1: {  	_ =	task.clear_ibuf [dreg:s7], $0x5FFFF;
	_ =	strace $0x90000046  }
0xb2: {  	s29 =	simm.s32 $0x9;
	_ =	strace $0x80000048  }
0xb3: {  	_ =	swait.ge [sflag:s29], $0x1  }
0xb4: {  	[sflag:s29] =	ssyncadd.s32 $0xFFFFFFFF  }
0xb5: {  	_ =	strace $0x90000048  }
0xb6: {  	_ =	sfence  }
0xb7: {  	s30 =	sld [smem:$0x0];
	_ =	sdelay $0x2  }
0xb8: {  	s31 =	sshll.u32 s1, $0xD;
	s1 =	sshrl.u32 s1, $0x2  }
0xb9: {  	s3 =	sand.u32 $0x4000, s31;
	s1 =	sadd.s32 s1, s30  }
0xba: {  	s0 =	sor.u32 s3, s0;
	s1 =	sshll.u32 s1, $0x11  }
0xbb: {  	s0 =	sor.u32 s1, s0  }
0xbc: {  	s0 =	sadd.s32 $0x8F2B, s0  }
0xbd: {  	[sflag:s0] =	ssyncadd.remote.s32 $0x1  }
0xbe: {  	_ =	sfence.sel $0xFFFF  }
0xbf: {  	[dreg:$0x0] =	wrdreg $0xFFFFFFFF;
	(pc) =	sbr.abs _section_cstart, $3  }
0xc0: {  	[dreg:$0x1] =	wrdreg $0xFFFFFFFF  }
0xc1: {  	_ =	task.clear_ibuf [dreg:s7], $0x2FFFF;
	_ =	strace $0x9FFFFFFF  }
0xc2: {  	(tm) =	ssettm $0x7FFFFFFF  }
0xc3: {  	_ =	shalt  }
tec
execute0_lowered:
.L_overlay_start_1:
0x0: {  	(tag) =	ssettag $0x1  }
0x1: {  	vm14 =	vcmask $0x300;
	v0 =	vimm.s32 $0xF07;
	vm13 =	vcmask $0x704  }
0x2: {  	vm12 =	vcmask $0xB08;
	vm11 =	vcmask $0xF0C;
	vm10 =	vcmask $0x1310  }
0x3: {  	vm9 =	vcmask $0x1714;
	vm8 =	vcmask $0x1B18;
	vm7 =	vcmask $0x1F1C  }
0x4: {  	vm5 =	vcmask $0x2320;
	v1 =	vimm.s32 $0x7;
	vm6 =	vcmask $0x2724  }
0x5: {  	vm4 =	vcmask $0x2B28;
	vm1 =	vcmask $0x2F2C;
	vm2 =	vcmask $0x3330  }
0x6: {  	vm3 =	vcmask $0x3734;
	v44 =	vimm.s32 $0xFEDCBA9;
	v3 =	vimm.s32 $0x87654321  }
0x7: {  	v4 =	vimm.s32 $0x107;
	vm0 =	vcmask $0x3B38;
	v50 =	vimm.s32 $0x10FEDCBA  }
0x8: {  	v51 =	vimm.s32 $0x207;
	v52 =	vimm.s32 $0x98765432;
	v54 =	vimm.s32 $0x210FEDCB  }
0x9: {  	v7 =	vimm.s32 $0xA9876543;
	v57 =	vimm.s32 $0x307;
	v61 =	vimm.s32 $0x3210FEDC  }
0xa: {  	v62 =	vimm.s32 $0xBA987654;
	v10 =	vimm.s32 $0x407;
	v19 =	vimm.s32 $0x43210FED  }
0xb: {  	v20 =	vimm.s32 $0xCBA98765;
	v13 =	vimm.s32 $0x507;
	v27 =	vimm.s32 $0x543210FE  }
0xc: {  	v28 =	vimm.s32 $0x607;
	v29 =	vimm.s32 $0xDCBA9876;
	v32 =	vimm.s32 $0x6543210F  }
0xd: {  	v39 =	vimm.s32 $0x707;
	v40 =	vimm.s32 $0xFEDCBA98;
	v41 =	vimm.s32 $0x76543210  }
0xe: {  	v43 =	vimm.s32 $0x807;
	v0 =	vsel vm14, $0x0, v0;
	v1 =	vsel vm14, $0x100, v1  }
0xf: {  	v3 =	vunpack.c.l.s4.s8 v3;
	v4 =	vsel vm14, $0x200, v4;
	v7 =	vunpack.c.l.s4.s8 v7  }
0x10: {  	v59 =	vsel vm14, $0x400, v57;
	v10 =	vsel vm14, $0x500, v10;
	v23 =	vsel vm14, $0x600, v13  }
0x11: {  	v13 =	vunpack.c.l.s4.s8 v29;
	v42 =	vunpack.c.l.s4.s8 v41;
	v41 =	vimm.s32 $0x1C07  }
0x12: {  	v0 =	vsel vm13, $0x101, v0;
	v1 =	vsel vm13, $0x201, v1;
	v4 =	vsel vm13, $0x301, v4  }
0x13: {  	v10 =	vsel vm13, $0x601, v10;
	v0 =	vsel vm12, $0x202, v0;
	v1 =	vsel vm12, $0x302, v1  }
0x14: {  	v4 =	vsel vm12, $0x402, v4;
	v7 =	vunpack.c.0.s8.s32 v7;
	v10 =	vsel vm12, $0x702, v10  }
0x15: {  	v13 =	vunpack.c.0.s8.s32 v13;
	v0 =	vsel vm11, $0x303, v0;
	v1 =	vsel vm11, $0x403, v1  }
0x16: {  	v4 =	vsel vm11, $0x503, v4;
	v10 =	vsel vm11, $0x803, v10;
	v0 =	vsel vm10, $0x404, v0  }
0x17: {  	v1 =	vsel vm10, $0x504, v1;
	v48 =	vsel vm10, $0x604, v4;
	v4 =	vsel vm14, $0x300, v51  }
0x18: {  	v17 =	vsel vm10, $0x904, v10;
	v10 =	vunpack.c.l.s4.s8 v19;
	v19 =	vimm.s32 $0x1F07  }
0x19: {  	v0 =	vsel vm9, $0x505, v0;
	v1 =	vsel vm9, $0x605, v1;
	v4 =	vsel vm13, $0x401, v4  }
0x1a: {  	v0 =	vsel vm8, $0x606, v0;
	v1 =	vsel vm8, $0x706, v1;
	v6 =	vsel vm12, $0x502, v4  }
0x1b: {  	v0 =	vsel vm7, $0x707, v0;
	v1 =	vsel vm7, $0x807, v1;
	v53 =	vsel vm11, $0x603, v6  }
0x1c: {  	v6 =	vunpack.c.l.s4.s8 v54;
	v0 =	vsel vm5, $0x800, v0;
	v5 =	vsel vm5, $0x900, v1  }
0x1d: {  	v1 =	vunpack.c.0.s8.s32 v3;
	v0 =	vsel vm6, $0x901, v0;
	v45 =	vsel vm6, $0xA01, v5  }
0x1e: {  	v5 =	vunpack.c.l.s4.s8 v52;
	v0 =	vsel vm4, $0xA02, v0;
	v3 =	vsel vm4, $0xB02, v45  }
0x1f: {  	v52 =	vimm.s32 $0xA07;
	v0 =	vsel vm1, $0xB03, v0;
	v3 =	vsel vm1, $0xC03, v3  }
0x20: {  	v4 =	vunpack.c.0.s8.s32 v5;
	v5 =	vsel vm10, $0x704, v53;
	v0 =	vsel vm2, $0xC04, v0  }
0x21: {  	v47 =	vsel vm2, $0xD04, v3;
	v3 =	vsel vm9, $0x705, v48;
	v5 =	vsel vm9, $0x805, v5  }
0x22: {  	v2 =	vsel vm3, $0xD05, v0;
	v0 =	vunpack.c.l.s4.s8 v44;
	v3 =	vsel vm8, $0x806, v3  }
0x23: {  	v9 =	vsel vm8, $0x906, v5;
	v5 =	vunpack.c.0.s8.s32 v6;
	v2 =	vsel vm0, $0xE06, v2  }
0x24: {  	v3 =	vsel vm7, $0x907, v3;
	v55 =	vsel vm7, $0xA07, v9;
	v9 =	vunpack.c.l.s4.s8 v62  }
0x25: {  	v0 =	vunpack.c.0.s8.s32 v0;
	[tilespmem:$0x1F7A0] =	vst v2;
	v2 =	vsel vm3, $0xE05, v47;
	v3 =	vsel vm5, $0xA00, v3  }
0x26: {  	v6 =	vsel vm5, $0xB00, v55;
	v56 =	vcombine.low v7, v5;
	v57 =	vcombine.low v5, v7  }
0x27: {  	v5 =	vimm.s32 $0xD07;
	v2 =	vsel vm0, $0xF06, v2;
	v3 =	vsel vm6, $0xB01, v3  }
0x28: {  	v6 =	vsel vm6, $0xC01, v6;
	v63 =	vunpack.c.0.s8.s32 v9;
	v46 =	vcombine.low v1, v0  }
0x29: {  	[tilespmem:$0x1F7C0] =	vst v2;
	v2 =	vunpack.c.l.s4.s8 v50;
	v3 =	vsel vm4, $0xC02, v3;
	v58 =	vsel vm4, $0xD02, v6  }
0x2a: {  	v6 =	vsel vm13, $0x501, v59;
	v0 =	vcombine.low v0, v1;
	v3 =	vsel vm1, $0xD03, v3  }
0x2b: {  	v6 =	vsel vm12, $0x602, v6;
	v49 =	vand.u32 $0xF, v46;
	v2 =	vunpack.c.0.s8.s32 v2  }
0x2c: {  	v3 =	vsel vm2, $0xE04, v3;
	v6 =	vsel vm11, $0x703, v6;
	v46 =	vimm.s32 $0x907  }
0x2d: {  	v0 =	vand.u32 $0xF, v0;
	v3 =	vsel vm3, $0xF05, v3;
	v6 =	vsel vm10, $0x804, v6  }
0x2e: {  	v8 =	vcombine.low v4, v2;
	v3 =	vsel vm0, $0x6, v3;
	v11 =	vsel vm9, $0x905, v6  }
0x2f: {  	v2 =	vcombine.low v2, v4;
	[tilespmem:$0x1F7E0] =	vst v3;
	v3 =	vsel vm1, $0xE03, v58;
	v14 =	vsel vm8, $0xA06, v11  }
0x30: {  	v11 =	vunpack.c.l.s4.s8 v20;
	v8 =	vand.u32 $0xF, v8;
	v60 =	vsel vm2, $0xF04, v3  }
0x31: {  	v3 =	vunpack.c.l.s4.s8 v61;
	v9 =	vsel vm7, $0xB07, v14;
	v2 =	vand.u32 $0xF, v2  }
0x32: {  	v61 =	vimm.s32 $0xC07;
	[tilespmem:$0x1F7D0] =	vst v8;
	v8 =	vand.u32 $0xF, v56;
	v9 =	vsel vm5, $0xC00, v9  }
0x33: {  	v22 =	vunpack.c.0.s8.s32 v11;
	v11 =	vsel vm13, $0x701, v23;
	v56 =	vimm.s32 $0xB07  }
0x34: {  	[tilespmem:$0x1F7F0] =	vst v8;
	v3 =	vunpack.c.0.s8.s32 v3;
	v8 =	vsel vm3, $0x5, v60;
	v16 =	vsel vm6, $0xD01, v9  }
0x35: {  	[tilespmem:$0x1F8D0] =	vst v2;
	v9 =	vsel vm9, $0xA05, v17;
	v11 =	vsel vm12, $0x802, v11;
	v2 =	vsel vm14, $0xC00, v56  }
0x36: {  	v60 =	vand.u32 $0xF, v57;
	v8 =	vsel vm0, $0x106, v8;
	v9 =	vsel vm8, $0xB06, v9  }
0x37: {  	v11 =	vsel vm11, $0x903, v11;
	v59 =	vsel vm13, $0xD01, v2;
	v2 =	vsel vm14, $0xD00, v61  }
0x38: {  	v15 =	vcombine.low v63, v3;
	[tilespmem:$0x1F800] =	vst v8;
	v8 =	vsel vm4, $0xE02, v16;
	v9 =	vsel vm7, $0xC07, v9  }
0x39: {  	v26 =	vsel vm10, $0xA04, v11;
	v11 =	vunpack.c.l.s4.s8 v27;
	v2 =	vsel vm13, $0xE01, v2  }
0x3a: {  	v3 =	vcombine.low v3, v63;
	v27 =	vimm.s32 $0x1C1B1A19;
	v8 =	vsel vm1, $0xF03, v8  }
0x3b: {  	v9 =	vsel vm5, $0xD00, v9;
	v2 =	vsel vm12, $0xF02, v2;
	v56 =	vunpack.c.0.s8.s32 v27  }
0x3c: {  	v27 =	vimm.s32 $0x2B07;
	v18 =	vand.u32 $0xF, v15;
	v12 =	vsel vm2, $0x4, v8  }
0x3d: {  	v8 =	vunpack.c.0.s8.s32 v10;
	v21 =	vsel vm6, $0xE01, v9;
	v30 =	vunpack.c.0.s8.s32 v11  }
0x3e: {  	v15 =	vimm.s32 $0xEDCBA987;
	v2 =	vsel vm11, $0x3, v2;
	v4 =	vand.u32 $0xF, v3  }
0x3f: {  	v27 =	vsel vm14, $0x2C00, v27;
	v10 =	vsel vm4, $0xF02, v21;
	v12 =	vsel vm3, $0x105, v12  }
0x40: {  	v15 =	vunpack.c.l.s4.s8 v15;
	v2 =	vsel vm10, $0x104, v2;
	v27 =	vsel vm13, $0x2D01, v27  }
0x41: {  	v10 =	vsel vm1, $0x3, v10;
	v24 =	vcombine.low v22, v8;
	v12 =	vsel vm0, $0x206, v12  }
0x42: {  	v16 =	vcombine.low v13, v30;
	v2 =	vsel vm9, $0x205, v2;
	v10 =	vsel vm2, $0x104, v10  }
0x43: {  	[tilespmem:$0x1F820] =	vst v12;
	v12 =	vsel vm14, $0x700, v28;
	v34 =	vunpack.c.0.s8.s32 v15;
	v63 =	vsel vm8, $0x306, v2  }
0x44: {  	v2 =	vsel vm14, $0xE00, v5;
	v28 =	vimm.s32 $0x1107;
	v10 =	vsel vm3, $0x205, v10  }
0x45: {  	v25 =	vand.u32 $0xF, v24;
	v12 =	vsel vm13, $0x801, v12;
	v36 =	vand.u32 $0xF, v16  }
0x46: {  	v7 =	vsel vm13, $0xF01, v2;
	v24 =	vimm.s32 $0x1007;
	v29 =	vsel vm14, $0x1200, v28  }
0x47: {  	v28 =	vimm.s32 $0x2C07;
	v10 =	vsel vm0, $0x306, v10;
	v14 =	vsel vm12, $0x902, v12  }
0x48: {  	[tilespmem:$0x1F850] =	vst v36;
	v36 =	vimm.s32 $0x1707;
	v12 =	vsel vm14, $0x1D00, v41;
	v28 =	vsel vm14, $0x2D00, v28  }
0x49: {  	v41 =	vimm.s32 $0x3907;
	[tilespmem:$0x1F840] =	vst v10;
	v10 =	vsel vm9, $0xB05, v26;
	v31 =	vsel vm11, $0xA03, v14  }
0x4a: {  	v14 =	vunpack.c.l.s4.s8 v32;
	v32 =	vimm.s32 $0x1307;
	v41 =	vsel vm14, $0x3A00, v41  }
0x4b: {  	v12 =	vsel vm13, $0x1E01, v12;
	v28 =	vsel vm13, $0x2E01, v28;
	v10 =	vsel vm8, $0xC06, v10  }
0x4c: {  	v11 =	vsel vm10, $0xB04, v31;
	v31 =	vimm.s32 $0x1207;
	v3 =	vsel vm14, $0x1400, v32  }
0x4d: {  	v32 =	vimm.s32 $0x3007;
	v41 =	vsel vm13, $0x3B01, v41;
	v10 =	vsel vm7, $0xD07, v10  }
0x4e: {  	v11 =	vsel vm9, $0xC05, v11;
	v33 =	vunpack.c.0.s8.s32 v14;
	v32 =	vsel vm14, $0x3100, v32  }
0x4f: {  	v3 =	vsel vm13, $0x1501, v3;
	v10 =	vsel vm5, $0xE00, v10;
	v11 =	vsel vm8, $0xD06, v11  }
0x50: {  	[tilespmem:$0x1F810] =	vst v18;
	v32 =	vsel vm13, $0x3201, v32;
	v10 =	vsel vm6, $0xF01, v10;
	v18 =	vsel vm7, $0xE07, v11  }
0x51: {  	v38 =	vcombine.low v34, v33;
	v20 =	vcombine.low v33, v34;
	v33 =	vimm.s32 $0x1407  }
0x52: {  	v34 =	vimm.s32 $0x1507;
	v10 =	vsel vm4, $0x2, v10;
	v35 =	vsel vm5, $0xF00, v18  }
0x53: {  	[tilespmem:$0x1F910] =	vst v4;
	v18 =	vimm.s32 $0xE07;
	v4 =	vsel vm14, $0x1500, v33;
	v5 =	vsel vm14, $0x1600, v34  }
0x54: {  	v33 =	vimm.s32 $0x3107;
	v34 =	vimm.s32 $0x3207;
	v17 =	vsel vm1, $0x103, v10  }
0x55: {  	v14 =	vsel vm6, $0x1, v35;
	v16 =	vand.u32 $0xF, v38;
	v23 =	vand.u32 $0xF, v20  }
0x56: {  	v35 =	vimm.s32 $0x1607;
	v38 =	vimm.s32 $0x1907;
	v20 =	vimm.s32 $0x2407  }
0x57: {  	v33 =	vsel vm14, $0x3200, v33;
	v34 =	vsel vm14, $0x3300, v34;
	v4 =	vsel vm13, $0x1601, v4  }
0x58: {  	v5 =	vsel vm13, $0x1701, v5;
	v37 =	vsel vm2, $0x204, v17;
	v14 =	vsel vm4, $0x102, v14  }
0x59: {  	[tilespmem:$0x1F870] =	vst v16;
	v16 =	vunpack.c.l.s4.s8 v40;
	v17 =	vsel vm14, $0x900, v43;
	v9 =	vsel vm14, $0x1A00, v38  }
0x5a: {  	v40 =	vimm.s32 $0x1B07;
	v43 =	vimm.s32 $0x1E07;
	v20 =	vsel vm14, $0x2500, v20  }
0x5b: {  	[tilespmem:$0x1F970] =	vst v23;
	v23 =	vimm.s32 $0x2707;
	v38 =	vimm.s32 $0x3607;
	v33 =	vsel vm13, $0x3301, v33  }
0x5c: {  	v34 =	vsel vm13, $0x3401, v34;
	v15 =	vsel vm3, $0x305, v37;
	v14 =	vsel vm1, $0x203, v14  }
0x5d: {  	v17 =	vsel vm13, $0xA01, v17;
	v37 =	vimm.s32 $0x1807;
	v11 =	vsel vm14, $0x1C00, v40  }
0x5e: {  	v23 =	vsel vm14, $0x2800, v23;
	v38 =	vsel vm14, $0x3700, v38;
	v40 =	vimm.s32 $0x3807  }
0x5f: {  	v9 =	vsel vm13, $0x1B01, v9;
	v20 =	vsel vm13, $0x2601, v20;
	v15 =	vsel vm0, $0x406, v15  }
0x60: {  	v14 =	vsel vm2, $0x304, v14;
	v16 =	vunpack.c.0.s8.s32 v16;
	v45 =	vsel vm12, $0xB02, v17  }
0x61: {  	v40 =	vsel vm14, $0x3900, v40;
	v11 =	vsel vm13, $0x1D01, v11;
	v23 =	vsel vm13, $0x2901, v23  }
0x62: {  	v38 =	vsel vm13, $0x3801, v38;
	[tilespmem:$0x1F860] =	vst v15;
	v15 =	vsel vm14, $0x800, v39;
	v14 =	vsel vm3, $0x405, v14  }
0x63: {  	v39 =	vimm.s32 $0x1A07;
	v40 =	vsel vm13, $0x3A01, v40;
	v15 =	vsel vm13, $0x901, v15  }
0x64: {  	v14 =	vsel vm0, $0x506, v14;
	v16 =	vand.u32 $0xF, v16;
	v10 =	vsel vm14, $0x1B00, v39  }
0x65: {  	v39 =	vimm.s32 $0x3707;
	v15 =	vsel vm12, $0xA02, v15;
	[tilespmem:$0x1F880] =	vst v14;
	v14 =	vunpack.c.0.s8.s32 v42  }
0x66: {  	v42 =	vimm.s32 $0x1D07;
	v39 =	vsel vm14, $0x3800, v39;
	v15 =	vsel vm11, $0xB03, v15  }
0x67: {  	v10 =	vsel vm13, $0x1C01, v10;
	v39 =	vsel vm13, $0x3901, v39;
	v15 =	vsel vm10, $0xC04, v15  }
0x68: {  	v14 =	vcombine.low v16, v14;
	v16 =	vsel vm14, $0xA00, v46;
	v15 =	vsel vm9, $0xD05, v15  }
0x69: {  	v46 =	vimm.s32 $0x2107;
	v16 =	vsel vm13, $0xB01, v16;
	v15 =	vsel vm8, $0xE06, v15  }
0x6a: {  	v16 =	vsel vm12, $0xC02, v16;
	v44 =	vsel vm7, $0xF07, v15;
	v15 =	vsel vm11, $0xC03, v45  }
0x6b: {  	[tilespmem:$0x1F890] =	vst v14;
	v16 =	vsel vm11, $0xD03, v16;
	v45 =	vimm.s32 $0x2007;
	v14 =	vsel vm5, $0x0, v44  }
0x6c: {  	v15 =	vsel vm10, $0xD04, v15;
	v16 =	vsel vm10, $0xE04, v16;
	v14 =	vsel vm6, $0x101, v14  }
0x6d: {  	v44 =	vimm.s32 $0x2F07;
	v15 =	vsel vm9, $0xE05, v15;
	v14 =	vsel vm4, $0x202, v14  }
0x6e: {  	v48 =	vsel vm9, $0xF05, v16;
	v15 =	vsel vm8, $0xF06, v15;
	v14 =	vsel vm1, $0x303, v14  }
0x6f: {  	[tilespmem:$0x1F7B0] =	vst v49;
	v49 =	vsel vm8, $0x6, v48;
	v15 =	vsel vm7, $0x7, v15;
	v14 =	vsel vm2, $0x404, v14  }
0x70: {  	v51 =	vsel vm7, $0x107, v49;
	v15 =	vsel vm5, $0x100, v15;
	v14 =	vsel vm3, $0x505, v14  }
0x71: {  	v47 =	vsel vm6, $0x201, v15;
	v15 =	vcombine.low v30, v13;
	v30 =	vimm.s32 $0x101F1E1D  }
0x72: {  	v13 =	vsel vm14, $0x1E00, v42;
	v42 =	vimm.s32 $0x3A07;
	v14 =	vsel vm0, $0x606, v14  }
0x73: {  	v1 =	vsel vm4, $0x302, v47;
	v57 =	vunpack.c.0.s8.s32 v30;
	v47 =	vimm.s32 $0x2207  }
0x74: {  	v30 =	vimm.s32 $0x2E07;
	v42 =	vsel vm14, $0x3B00, v42;
	v13 =	vsel vm13, $0x1F01, v13  }
0x75: {  	[tilespmem:$0x1F8A0] =	vst v14;
	v50 =	vsel vm1, $0x403, v1;
	v1 =	vsel vm5, $0x200, v51;
	v14 =	vsel vm14, $0xB00, v52  }
0x76: {  	v16 =	vand.u32 $0xF, v15;
	v15 =	vsel vm14, $0x2000, v44;
	v30 =	vsel vm14, $0x2F00, v30  }
0x77: {  	v44 =	vimm.s32 $0x3C07;
	v42 =	vsel vm13, $0x3C01, v42;
	v51 =	vsel vm12, $0x3A02, v39  }
0x78: {  	[tilespmem:$0x1F8B0] =	vst v0;
	v52 =	vsel vm12, $0x3B02, v40;
	v0 =	vsel vm2, $0x504, v50;
	v1 =	vsel vm6, $0x301, v1  }
0x79: {  	v53 =	vsel vm13, $0xC01, v14;
	v14 =	vcombine.low v8, v22;
	v8 =	vsel vm14, $0x1900, v37  }
0x7a: {  	[tilespmem:$0x1F950] =	vst v16;
	v16 =	vsel vm14, $0x2100, v45;
	v37 =	vimm.s32 $0x3507;
	v44 =	vsel vm14, $0x3D00, v44  }
0x7b: {  	v45 =	vimm.s32 $0x3D07;
	v15 =	vsel vm13, $0x2101, v15;
	v30 =	vsel vm13, $0x2001, v30  }
0x7c: {  	v50 =	vsel vm12, $0x3902, v38;
	v38 =	vsel vm11, $0x3B03, v51;
	v39 =	vsel vm11, $0x3C03, v52  }
0x7d: {  	v51 =	vimm.s32 $0x19181716;
	v52 =	vimm.s32 $0x1E1D1C1B;
	v0 =	vsel vm3, $0x605, v0  }
0x7e: {  	v1 =	vsel vm4, $0x402, v1;
	v55 =	vsel vm12, $0xD02, v53;
	v37 =	vsel vm14, $0x3600, v37  }
0x7f: {  	v45 =	vsel vm14, $0x3E00, v45;
	v8 =	vsel vm13, $0x1A01, v8;
	v16 =	vsel vm13, $0x2201, v16  }
0x80: {  	v44 =	vsel vm13, $0x3E01, v44;
	v53 =	vsel vm12, $0x3C02, v41;
	v38 =	vsel vm10, $0x3C04, v38  }
0x81: {  	v39 =	vsel vm10, $0x3D04, v39;
	v0 =	vsel vm0, $0x706, v0;
	v54 =	vsel vm1, $0x503, v1  }
0x82: {  	v1 =	vsel vm11, $0xE03, v55;
	v2 =	vand.u32 $0xF, v14;
	v14 =	vsel vm14, $0x1F00, v43  }
0x83: {  	v43 =	vimm.s32 $0x3B07;
	v37 =	vsel vm13, $0x3701, v37;
	v45 =	vsel vm13, $0x3F01, v45  }
0x84: {  	[tilespmem:$0x1F8F0] =	vst v60;
	v60 =	vsel vm12, $0x3F02, v44;
	v40 =	vsel vm11, $0x3D03, v53;
	v38 =	vsel vm9, $0x3D05, v38  }
0x85: {  	v39 =	vsel vm9, $0x3E05, v39;
	v53 =	vunpack.c.0.s8.s32 v52;
	[tilespmem:$0x1F8C0] =	vst v0;
	v0 =	vsel vm2, $0x604, v54  }
0x86: {  	v1 =	vsel vm10, $0xF04, v1;
	[tilespmem:$0x1F930] =	vst v2;
	v2 =	vsel vm14, $0x1000, v19;
	v19 =	vimm.s32 $0x2307  }
0x87: {  	v43 =	vsel vm14, $0x3C00, v43;
	v14 =	vsel vm13, $0x1001, v14;
	v49 =	vsel vm12, $0x3802, v37  }
0x88: {  	v54 =	vsel vm12, $0x3D02, v42;
	v61 =	vsel vm12, $0x3002, v45;
	v37 =	vsel vm11, $0x3A03, v50  }
0x89: {  	v40 =	vsel vm10, $0x3E04, v40;
	v50 =	vimm.s32 $0x15141312;
	v38 =	vsel vm8, $0x3E06, v38  }
0x8a: {  	v39 =	vsel vm8, $0x3F06, v39;
	v0 =	vsel vm3, $0x705, v0;
	v1 =	vsel vm9, $0x5, v1  }
0x8b: {  	v2 =	vsel vm13, $0x1101, v2;
	v19 =	vsel vm14, $0x2400, v19;
	v43 =	vsel vm13, $0x3D01, v43  }
0x8c: {  	v41 =	vsel vm11, $0x3E03, v54;
	v44 =	vsel vm11, $0x3103, v61;
	v37 =	vsel vm10, $0x3B04, v37  }
0x8d: {  	v61 =	vunpack.c.0.s8.s32 v50;
	v40 =	vsel vm9, $0x3F05, v40;
	v54 =	vsel vm7, $0x3007, v39  }
0x8e: {  	[tilespmem:$0x1F9C0] =	vst v53;
	v53 =	vimm.s32 $0x1211101F;
	v0 =	vsel vm0, $0x806, v0;
	v58 =	vsel vm8, $0x106, v1  }
0x8f: {  	v1 =	vsel vm12, $0xE02, v59;
	v2 =	vsel vm12, $0x1202, v2;
	v19 =	vsel vm13, $0x2501, v19  }
0x90: {  	v55 =	vsel vm12, $0x3E02, v43;
	v43 =	vsel vm11, $0x3003, v60;
	v41 =	vsel vm10, $0x3F04, v41  }
0x91: {  	v44 =	vsel vm10, $0x3204, v44;
	v37 =	vsel vm9, $0x3C05, v37;
	v40 =	vsel vm8, $0x3006, v40  }
0x92: {  	[tilespmem:$0x1F8E0] =	vst v0;
	v0 =	vsel vm7, $0x207, v58;
	v1 =	vsel vm11, $0xF03, v1;
	v2 =	vsel vm11, $0x1303, v2  }
0x93: {  	v42 =	vsel vm11, $0x3F03, v55;
	v43 =	vsel vm10, $0x3104, v43;
	v41 =	vsel vm9, $0x3005, v41  }
0x94: {  	v44 =	vsel vm9, $0x3305, v44;
	v37 =	vsel vm8, $0x3D06, v37;
	v55 =	vsel vm7, $0x3107, v40  }
0x95: {  	v0 =	vsel vm5, $0x300, v0;
	v1 =	vsel vm10, $0x4, v1;
	v2 =	vsel vm10, $0x1404, v2  }
0x96: {  	v42 =	vsel vm10, $0x3004, v42;
	v43 =	vsel vm9, $0x3205, v43;
	v41 =	vsel vm8, $0x3106, v41  }
0x97: {  	v44 =	vsel vm8, $0x3406, v44;
	v39 =	vsel vm5, $0x3200, v55;
	v55 =	vimm.s32 $0x1A191817  }
0x98: {  	v0 =	vsel vm6, $0x401, v0;
	v1 =	vsel vm9, $0x105, v1;
	v2 =	vsel vm9, $0x1505, v2  }
0x99: {  	v42 =	vsel vm9, $0x3105, v42;
	v43 =	vsel vm8, $0x3306, v43;
	v39 =	vsel vm6, $0x3301, v39  }
0x9a: {  	v0 =	vsel vm4, $0x502, v0;
	v1 =	vsel vm8, $0x206, v1;
	v2 =	vsel vm8, $0x1606, v2  }
0x9b: {  	v42 =	vsel vm8, $0x3206, v42;
	v50 =	vsel vm7, $0x3407, v43;
	v0 =	vsel vm1, $0x603, v0  }
0x9c: {  	v1 =	vsel vm7, $0x307, v1;
	v2 =	vsel vm7, $0x1707, v2;
	v0 =	vsel vm2, $0x704, v0  }
0x9d: {  	v1 =	vsel vm5, $0x400, v1;
	v22 =	vsel vm5, $0x1800, v2;
	v2 =	vsel vm14, $0x1100, v24  }
0x9e: {  	v24 =	vimm.s32 $0x2807;
	v0 =	vsel vm3, $0x805, v0;
	v1 =	vsel vm6, $0x501, v1  }
0x9f: {  	v2 =	vsel vm13, $0x1201, v2;
	v24 =	vsel vm14, $0x2900, v24;
	v0 =	vsel vm0, $0x906, v0  }
0xa0: {  	v62 =	vsel vm4, $0x602, v1;
	v1 =	vsel vm7, $0x407, v63;
	v2 =	vsel vm12, $0x1302, v2  }
0xa1: {  	v24 =	vsel vm13, $0x2A01, v24;
	v63 =	vimm.s32 $0x1D1C1B1A;
	[tilespmem:$0x1F900] =	vst v0;
	v0 =	vsel vm1, $0x703, v62  }
0xa2: {  	v1 =	vsel vm5, $0x500, v1;
	v26 =	vsel vm11, $0x1403, v2;
	v2 =	vsel vm14, $0x1300, v31  }
0xa3: {  	v31 =	vimm.s32 $0x3F07;
	v59 =	vunpack.c.0.s8.s32 v63;
	v63 =	vsel vm7, $0x3207, v41  }
0xa4: {  	v0 =	vsel vm2, $0x804, v0;
	v1 =	vsel vm6, $0x601, v1;
	v31 =	vsel vm14, $0x3000, v31  }
0xa5: {  	v2 =	vsel vm13, $0x1401, v2;
	v40 =	vsel vm5, $0x3300, v63;
	v63 =	vunpack.c.0.s8.s32 v55  }
0xa6: {  	v0 =	vsel vm3, $0x905, v0;
	v6 =	vsel vm4, $0x702, v1;
	v1 =	vsel vm12, $0x2, v7  }
0xa7: {  	v7 =	vsel vm14, $0x1800, v36;
	v36 =	vimm.s32 $0x3407;
	v31 =	vsel vm13, $0x3101, v31  }
0xa8: {  	v2 =	vsel vm12, $0x1502, v2;
	v40 =	vsel vm6, $0x3401, v40;
	v0 =	vsel vm0, $0xA06, v0  }
0xa9: {  	v1 =	vsel vm11, $0x103, v1;
	v36 =	vsel vm14, $0x3500, v36;
	v7 =	vsel vm13, $0x1901, v7;
	[tilespmem:$0x1F9F0] =	vst v63  }
0xaa: {  	v2 =	vsel vm11, $0x1603, v2;
	v63 =	vimm.s32 $0x1F1E1D1C;
	[tilespmem:$0x1F920] =	vst v0;
	v0 =	vsel vm1, $0x803, v6  }
0xab: {  	v1 =	vsel vm10, $0x204, v1;
	v6 =	vsel vm14, $0x1700, v35;
	v35 =	vimm.s32 $0x3307  }
0xac: {  	v36 =	vsel vm13, $0x3601, v36;
	v0 =	vsel vm2, $0x904, v0;
	v17 =	vsel vm9, $0x305, v1  }
0xad: {  	v1 =	vsel vm14, $0xF00, v18;
	v18 =	vsel vm14, $0x2300, v47;
	v35 =	vsel vm14, $0x3400, v35  }
0xae: {  	v47 =	vimm.s32 $0x14131211;
	v6 =	vsel vm13, $0x1801, v6;
	v0 =	vsel vm3, $0xA05, v0  }
0xaf: {  	v1 =	vsel vm13, $0x1, v1;
	v58 =	vunpack.c.0.s8.s32 v47;
	v18 =	vsel vm13, $0x2401, v18  }
0xb0: {  	v35 =	vsel vm13, $0x3501, v35;
	v0 =	vsel vm0, $0xB06, v0;
	v1 =	vsel vm12, $0x102, v1  }
0xb1: {  	[tilespmem:$0x1F940] =	vst v0;
	v0 =	vsel vm8, $0x406, v17;
	v1 =	vsel vm11, $0x203, v1;
	v17 =	vsel vm14, $0x2200, v46  }
0xb2: {  	v46 =	vimm.s32 $0x3E07;
	v0 =	vsel vm7, $0x507, v0;
	v1 =	vsel vm10, $0x304, v1  }
0xb3: {  	v46 =	vsel vm14, $0x3F00, v46;
	v17 =	vsel vm13, $0x2301, v17;
	v0 =	vsel vm5, $0x600, v0  }
0xb4: {  	v1 =	vsel vm9, $0x405, v1;
	v46 =	vsel vm13, $0x3001, v46;
	v0 =	vsel vm6, $0x701, v0  }
0xb5: {  	v1 =	vsel vm8, $0x506, v1;
	v62 =	vsel vm12, $0x3102, v46;
	v0 =	vsel vm4, $0x802, v0  }
0xb6: {  	v1 =	vsel vm7, $0x607, v1;
	v45 =	vsel vm11, $0x3203, v62;
	v62 =	vunpack.c.0.s8.s32 v51  }
0xb7: {  	v51 =	vsel vm7, $0x3507, v44;
	v0 =	vsel vm1, $0x903, v0;
	v21 =	vsel vm5, $0x700, v1  }
0xb8: {  	v1 =	vsel vm6, $0x1901, v22;
	v22 =	vimm.s32 $0x2607;
	v0 =	vsel vm2, $0xA04, v0  }
0xb9: {  	v45 =	vsel vm10, $0x3304, v45;
	v43 =	vsel vm5, $0x3600, v51;
	v0 =	vsel vm3, $0xB05, v0  }
0xba: {  	v51 =	vsel vm4, $0x3502, v40;
	v1 =	vsel vm4, $0x1A02, v1;
	v0 =	vsel vm0, $0xC06, v0  }
0xbb: {  	v22 =	vsel vm14, $0x2700, v22;
	v45 =	vsel vm9, $0x3405, v45;
	[tilespmem:$0x1F960] =	vst v0;
	v0 =	vsel vm6, $0x801, v21  }
0xbc: {  	v43 =	vsel vm6, $0x3701, v43;
	v1 =	vsel vm1, $0x1B03, v1;
	v0 =	vsel vm4, $0x902, v0  }
0xbd: {  	v22 =	vsel vm13, $0x2801, v22;
	v45 =	vsel vm8, $0x3506, v45;
	v0 =	vsel vm1, $0xA03, v0  }
0xbe: {  	v1 =	vsel vm2, $0x1C04, v1;
	v52 =	vsel vm7, $0x3607, v45;
	v0 =	vsel vm2, $0xB04, v0  }
0xbf: {  	v45 =	vunpack.c.0.s8.s32 v53;
	v1 =	vsel vm3, $0x1D05, v1;
	v0 =	vsel vm3, $0xC05, v0  }
0xc0: {  	[tilespmem:$0x1F830] =	vst v25;
	v21 =	vimm.s32 $0x2507;
	v44 =	vsel vm5, $0x3700, v52;
	v0 =	vsel vm0, $0xD06, v0  }
0xc1: {  	v25 =	vsel vm0, $0x1E06, v1;
	v1 =	vsel vm13, $0x1301, v29;
	[tilespmem:$0x1F980] =	vst v0;
	v0 =	vsel vm10, $0x1504, v26  }
0xc2: {  	v21 =	vsel vm14, $0x2600, v21;
	v29 =	vimm.s32 $0x2D07;
	v0 =	vsel vm9, $0x1605, v0  }
0xc3: {  	v44 =	vsel vm6, $0x3801, v44;
	v1 =	vsel vm12, $0x1402, v1;
	v0 =	vsel vm8, $0x1706, v0  }
0xc4: {  	[tilespmem:$0x1F990] =	vst v25;
	v25 =	vimm.s32 $0x2907;
	v29 =	vsel vm14, $0x2E00, v29;
	v0 =	vsel vm7, $0x1807, v0  }
0xc5: {  	v21 =	vsel vm13, $0x2701, v21;
	v55 =	vsel vm4, $0x3902, v44;
	v0 =	vsel vm5, $0x1900, v0  }
0xc6: {  	v44 =	vunpack.c.0.s8.s32 v63;
	v1 =	vsel vm11, $0x1503, v1;
	v0 =	vsel vm6, $0x1A01, v0  }
0xc7: {  	v25 =	vsel vm14, $0x2A00, v25;
	v1 =	vsel vm10, $0x1604, v1;
	v0 =	vsel vm4, $0x1B02, v0  }
0xc8: {  	v29 =	vsel vm13, $0x2F01, v29;
	v1 =	vsel vm9, $0x1705, v1;
	v0 =	vsel vm1, $0x1C03, v0  }
0xc9: {  	v25 =	vsel vm13, $0x2B01, v25;
	v1 =	vsel vm8, $0x1806, v1;
	v0 =	vsel vm2, $0x1D04, v0  }
0xca: {  	v26 =	vimm.s32 $0x2A07;
	v1 =	vsel vm7, $0x1907, v1;
	v0 =	vsel vm3, $0x1E05, v0  }
0xcb: {  	v26 =	vsel vm14, $0x2B00, v26;
	v1 =	vsel vm5, $0x1A00, v1;
	v0 =	vsel vm0, $0x1F06, v0  }
0xcc: {  	v26 =	vsel vm13, $0x2C01, v26;
	[tilespmem:$0x1F9A0] =	vst v0;
	v0 =	vsel vm6, $0x1B01, v1;
	v1 =	vsel vm10, $0x1704, v2  }
0xcd: {  	v2 =	vsel vm12, $0x1602, v3;
	v3 =	vsel vm12, $0x1702, v4;
	v4 =	vsel vm12, $0x1802, v5  }
0xce: {  	v5 =	vsel vm12, $0x1902, v6;
	v6 =	vsel vm12, $0x1A02, v7;
	v7 =	vsel vm12, $0x1B02, v8  }
0xcf: {  	v8 =	vsel vm12, $0x1C02, v9;
	v9 =	vsel vm12, $0x1D02, v10;
	v10 =	vsel vm12, $0x1E02, v11  }
0xd0: {  	v11 =	vsel vm12, $0x1F02, v12;
	v12 =	vsel vm12, $0x1002, v13;
	v13 =	vsel vm12, $0x1102, v14  }
0xd1: {  	v14 =	vsel vm12, $0x2202, v15;
	v15 =	vsel vm12, $0x2302, v16;
	v16 =	vsel vm12, $0x2402, v17  }
0xd2: {  	v17 =	vsel vm12, $0x2502, v18;
	v18 =	vsel vm12, $0x2602, v19;
	v19 =	vsel vm12, $0x2702, v20  }
0xd3: {  	v20 =	vsel vm12, $0x2802, v21;
	v21 =	vsel vm12, $0x2902, v22;
	v22 =	vsel vm12, $0x2A02, v23  }
0xd4: {  	v23 =	vsel vm12, $0x2B02, v24;
	v24 =	vsel vm12, $0x2C02, v25;
	v25 =	vsel vm12, $0x2D02, v26  }
0xd5: {  	v26 =	vsel vm12, $0x2E02, v27;
	v27 =	vsel vm12, $0x2F02, v28;
	v28 =	vsel vm12, $0x2002, v29  }
0xd6: {  	v29 =	vsel vm12, $0x2102, v30;
	v30 =	vsel vm12, $0x3202, v31;
	v31 =	vsel vm12, $0x3302, v32  }
0xd7: {  	v32 =	vsel vm12, $0x3402, v33;
	v33 =	vsel vm12, $0x3502, v34;
	v34 =	vsel vm12, $0x3602, v35  }
0xd8: {  	v35 =	vsel vm12, $0x3702, v36;
	v36 =	vsel vm11, $0x3903, v49;
	v49 =	vimm.s32 $0x11101F1E  }
0xd9: {  	v0 =	vsel vm4, $0x1C02, v0;
	v1 =	vsel vm9, $0x1805, v1;
	v2 =	vsel vm11, $0x1703, v2  }
0xda: {  	v3 =	vsel vm11, $0x1803, v3;
	v4 =	vsel vm11, $0x1903, v4;
	v5 =	vsel vm11, $0x1A03, v5  }
0xdb: {  	v6 =	vsel vm11, $0x1B03, v6;
	v7 =	vsel vm11, $0x1C03, v7;
	v8 =	vsel vm11, $0x1D03, v8  }
0xdc: {  	v9 =	vsel vm11, $0x1E03, v9;
	v10 =	vsel vm11, $0x1F03, v10;
	v11 =	vsel vm11, $0x1003, v11  }
0xdd: {  	v12 =	vsel vm11, $0x1103, v12;
	v13 =	vsel vm11, $0x1203, v13;
	v14 =	vsel vm11, $0x2303, v14  }
0xde: {  	v15 =	vsel vm11, $0x2403, v15;
	v16 =	vsel vm11, $0x2503, v16;
	v17 =	vsel vm11, $0x2603, v17  }
0xdf: {  	v18 =	vsel vm11, $0x2703, v18;
	v19 =	vsel vm11, $0x2803, v19;
	v20 =	vsel vm11, $0x2903, v20  }
0xe0: {  	v21 =	vsel vm11, $0x2A03, v21;
	v22 =	vsel vm11, $0x2B03, v22;
	v23 =	vsel vm11, $0x2C03, v23  }
0xe1: {  	v24 =	vsel vm11, $0x2D03, v24;
	v25 =	vsel vm11, $0x2E03, v25;
	v26 =	vsel vm11, $0x2F03, v26  }
0xe2: {  	v27 =	vsel vm11, $0x2003, v27;
	v28 =	vsel vm11, $0x2103, v28;
	v29 =	vsel vm11, $0x2203, v29  }
0xe3: {  	v30 =	vsel vm11, $0x3303, v30;
	v31 =	vsel vm11, $0x3403, v31;
	v32 =	vsel vm11, $0x3503, v32  }
0xe4: {  	v33 =	vsel vm11, $0x3603, v33;
	v34 =	vsel vm11, $0x3703, v34;
	v35 =	vsel vm11, $0x3803, v35  }
0xe5: {  	v60 =	vunpack.c.0.s8.s32 v49;
	v36 =	vsel vm10, $0x3A04, v36;
	v49 =	vsel vm7, $0x3307, v42  }
0xe6: {  	v42 =	vsel vm5, $0x3500, v50;
	v50 =	vsel vm4, $0x3402, v39;
	v39 =	vsel vm1, $0x3603, v51  }
0xe7: {  	v51 =	vimm.s32 $0x1B1A1918;
	v0 =	vsel vm1, $0x1D03, v0;
	v1 =	vsel vm8, $0x1906, v1  }
0xe8: {  	v2 =	vsel vm10, $0x1804, v2;
	v3 =	vsel vm10, $0x1904, v3;
	v4 =	vsel vm10, $0x1A04, v4  }
0xe9: {  	v5 =	vsel vm10, $0x1B04, v5;
	v6 =	vsel vm10, $0x1C04, v6;
	v7 =	vsel vm10, $0x1D04, v7  }
0xea: {  	v8 =	vsel vm10, $0x1E04, v8;
	v9 =	vsel vm10, $0x1F04, v9;
	v10 =	vsel vm10, $0x1004, v10  }
0xeb: {  	v11 =	vsel vm10, $0x1104, v11;
	v12 =	vsel vm10, $0x1204, v12;
	v13 =	vsel vm10, $0x1304, v13  }
0xec: {  	v14 =	vsel vm10, $0x2404, v14;
	v15 =	vsel vm10, $0x2504, v15;
	v16 =	vsel vm10, $0x2604, v16  }
0xed: {  	v17 =	vsel vm10, $0x2704, v17;
	v18 =	vsel vm10, $0x2804, v18;
	v19 =	vsel vm10, $0x2904, v19  }
0xee: {  	v20 =	vsel vm10, $0x2A04, v20;
	v21 =	vsel vm10, $0x2B04, v21;
	v22 =	vsel vm10, $0x2C04, v22  }
0xef: {  	v23 =	vsel vm10, $0x2D04, v23;
	v24 =	vsel vm10, $0x2E04, v24;
	v25 =	vsel vm10, $0x2F04, v25  }
0xf0: {  	v26 =	vsel vm10, $0x2004, v26;
	v27 =	vsel vm10, $0x2104, v27;
	v28 =	vsel vm10, $0x2204, v28  }
0xf1: {  	v29 =	vsel vm10, $0x2304, v29;
	v30 =	vsel vm10, $0x3404, v30;
	v31 =	vsel vm10, $0x3504, v31  }
0xf2: {  	v32 =	vsel vm10, $0x3604, v32;
	v33 =	vsel vm10, $0x3704, v33;
	v34 =	vsel vm10, $0x3804, v34  }
0xf3: {  	v35 =	vsel vm10, $0x3904, v35;
	v36 =	vsel vm9, $0x3B05, v36;
	v41 =	vsel vm5, $0x3400, v49  }
0xf4: {  	v42 =	vsel vm6, $0x3601, v42;
	v0 =	vsel vm2, $0x1E04, v0;
	v1 =	vsel vm7, $0x1A07, v1  }
0xf5: {  	v2 =	vsel vm9, $0x1905, v2;
	v3 =	vsel vm9, $0x1A05, v3;
	v4 =	vsel vm9, $0x1B05, v4  }
0xf6: {  	v5 =	vsel vm9, $0x1C05, v5;
	v6 =	vsel vm9, $0x1D05, v6;
	v7 =	vsel vm9, $0x1E05, v7  }
0xf7: {  	v8 =	vsel vm9, $0x1F05, v8;
	v9 =	vsel vm9, $0x1005, v9;
	v10 =	vsel vm9, $0x1105, v10  }
0xf8: {  	v11 =	vsel vm9, $0x1205, v11;
	v12 =	vsel vm9, $0x1305, v12;
	v13 =	vsel vm9, $0x1405, v13  }
0xf9: {  	v14 =	vsel vm9, $0x2505, v14;
	v15 =	vsel vm9, $0x2605, v15;
	v16 =	vsel vm9, $0x2705, v16  }
0xfa: {  	v17 =	vsel vm9, $0x2805, v17;
	v18 =	vsel vm9, $0x2905, v18;
	v19 =	vsel vm9, $0x2A05, v19  }
0xfb: {  	v20 =	vsel vm9, $0x2B05, v20;
	v21 =	vsel vm9, $0x2C05, v21;
	v22 =	vsel vm9, $0x2D05, v22  }
0xfc: {  	v23 =	vsel vm9, $0x2E05, v23;
	v24 =	vsel vm9, $0x2F05, v24;
	v25 =	vsel vm9, $0x2005, v25  }
0xfd: {  	v26 =	vsel vm9, $0x2105, v26;
	v27 =	vsel vm9, $0x2205, v27;
	v28 =	vsel vm9, $0x2305, v28  }
0xfe: {  	v29 =	vsel vm9, $0x2405, v29;
	v30 =	vsel vm9, $0x3505, v30;
	v31 =	vsel vm9, $0x3605, v31  }
0xff: {  	v32 =	vsel vm9, $0x3705, v32;
	v33 =	vsel vm9, $0x3805, v33;
	v34 =	vsel vm9, $0x3905, v34  }
0x100: {  	v35 =	vsel vm9, $0x3A05, v35;
	v36 =	vsel vm8, $0x3C06, v36;
	v41 =	vsel vm6, $0x3501, v41  }
0x101: {  	v53 =	vsel vm4, $0x3702, v42;
	v0 =	vsel vm3, $0x1F05, v0;
	v1 =	vsel vm5, $0x1B00, v1  }
0x102: {  	v2 =	vsel vm8, $0x1A06, v2;
	v3 =	vsel vm8, $0x1B06, v3;
	v4 =	vsel vm8, $0x1C06, v4  }
0x103: {  	v5 =	vsel vm8, $0x1D06, v5;
	v6 =	vsel vm8, $0x1E06, v6;
	v7 =	vsel vm8, $0x1F06, v7  }
0x104: {  	v8 =	vsel vm8, $0x1006, v8;
	v9 =	vsel vm8, $0x1106, v9;
	v10 =	vsel vm8, $0x1206, v10  }
0x105: {  	v11 =	vsel vm8, $0x1306, v11;
	v12 =	vsel vm8, $0x1406, v12;
	v13 =	vsel vm8, $0x1506, v13  }
0x106: {  	v14 =	vsel vm8, $0x2606, v14;
	v15 =	vsel vm8, $0x2706, v15;
	v16 =	vsel vm8, $0x2806, v16  }
0x107: {  	v17 =	vsel vm8, $0x2906, v17;
	v18 =	vsel vm8, $0x2A06, v18;
	v19 =	vsel vm8, $0x2B06, v19  }
0x108: {  	v20 =	vsel vm8, $0x2C06, v20;
	v21 =	vsel vm8, $0x2D06, v21;
	v22 =	vsel vm8, $0x2E06, v22  }
0x109: {  	v23 =	vsel vm8, $0x2F06, v23;
	v24 =	vsel vm8, $0x2006, v24;
	v25 =	vsel vm8, $0x2106, v25  }
0x10a: {  	v26 =	vsel vm8, $0x2206, v26;
	v27 =	vsel vm8, $0x2306, v27;
	v28 =	vsel vm8, $0x2406, v28  }
0x10b: {  	v29 =	vsel vm8, $0x2506, v29;
	v30 =	vsel vm8, $0x3606, v30;
	v31 =	vsel vm8, $0x3706, v31  }
0x10c: {  	v32 =	vsel vm8, $0x3806, v32;
	v33 =	vsel vm8, $0x3906, v33;
	v34 =	vsel vm8, $0x3A06, v34  }
0x10d: {  	v35 =	vsel vm8, $0x3B06, v35;
	v52 =	vsel vm4, $0x3602, v41;
	v41 =	vsel vm1, $0x3803, v53  }
0x10e: {  	v53 =	vunpack.c.0.s8.s32 v51;
	v0 =	vsel vm0, $0x1006, v0;
	v40 =	vsel vm1, $0x3703, v52  }
0x10f: {  	[tilespmem:$0x1F9B0] =	vst v0;
	v0 =	vsel vm6, $0x1C01, v1;
	v1 =	vsel vm7, $0x1B07, v2;
	v2 =	vsel vm7, $0x1C07, v3  }
0x110: {  	v3 =	vsel vm7, $0x1D07, v4;
	v4 =	vsel vm7, $0x1E07, v5;
	v5 =	vsel vm7, $0x1F07, v6  }
0x111: {  	v6 =	vsel vm7, $0x1007, v7;
	v7 =	vsel vm7, $0x1107, v8;
	v8 =	vsel vm7, $0x1207, v9  }
0x112: {  	v9 =	vsel vm7, $0x1307, v10;
	v10 =	vsel vm7, $0x1407, v11;
	v11 =	vsel vm7, $0x1507, v12  }
0x113: {  	v12 =	vsel vm7, $0x1607, v13;
	v13 =	vsel vm7, $0x2707, v14;
	v14 =	vsel vm7, $0x2807, v15  }
0x114: {  	v15 =	vsel vm7, $0x2907, v16;
	v16 =	vsel vm7, $0x2A07, v17;
	v17 =	vsel vm7, $0x2B07, v18  }
0x115: {  	v18 =	vsel vm7, $0x2C07, v19;
	v19 =	vsel vm7, $0x2D07, v20;
	v20 =	vsel vm7, $0x2E07, v21  }
0x116: {  	v21 =	vsel vm7, $0x2F07, v22;
	v22 =	vsel vm7, $0x2007, v23;
	v23 =	vsel vm7, $0x2107, v24  }
0x117: {  	v24 =	vsel vm7, $0x2207, v25;
	v25 =	vsel vm7, $0x2307, v26;
	v26 =	vsel vm7, $0x2407, v27  }
0x118: {  	v27 =	vsel vm7, $0x2507, v28;
	v28 =	vsel vm7, $0x2607, v29;
	v29 =	vsel vm7, $0x3707, v30  }
0x119: {  	v30 =	vsel vm7, $0x3807, v31;
	v31 =	vsel vm7, $0x3907, v32;
	v32 =	vsel vm7, $0x3A07, v33  }
0x11a: {  	v33 =	vsel vm7, $0x3B07, v34;
	v34 =	vsel vm7, $0x3C07, v35;
	v35 =	vsel vm7, $0x3D07, v36  }
0x11b: {  	v36 =	vsel vm7, $0x3E07, v37;
	v37 =	vsel vm7, $0x3F07, v38;
	v38 =	vsel vm5, $0x3100, v54  }
0x11c: {  	v54 =	vimm.s32 $0x16151413;
	v0 =	vsel vm4, $0x1D02, v0;
	v1 =	vsel vm5, $0x1C00, v1  }
0x11d: {  	v2 =	vsel vm5, $0x1D00, v2;
	v3 =	vsel vm5, $0x1E00, v3;
	v4 =	vsel vm5, $0x1F00, v4  }
0x11e: {  	v5 =	vsel vm5, $0x1000, v5;
	v6 =	vsel vm5, $0x1100, v6;
	v7 =	vsel vm5, $0x1200, v7  }
0x11f: {  	v8 =	vsel vm5, $0x1300, v8;
	v9 =	vsel vm5, $0x1400, v9;
	v10 =	vsel vm5, $0x1500, v10  }
0x120: {  	v11 =	vsel vm5, $0x1600, v11;
	v12 =	vsel vm5, $0x1700, v12;
	v13 =	vsel vm5, $0x2800, v13  }
0x121: {  	v14 =	vsel vm5, $0x2900, v14;
	v15 =	vsel vm5, $0x2A00, v15;
	v16 =	vsel vm5, $0x2B00, v16  }
0x122: {  	v17 =	vsel vm5, $0x2C00, v17;
	v18 =	vsel vm5, $0x2D00, v18;
	v19 =	vsel vm5, $0x2E00, v19  }
0x123: {  	v20 =	vsel vm5, $0x2F00, v20;
	v21 =	vsel vm5, $0x2000, v21;
	v22 =	vsel vm5, $0x2100, v22  }
0x124: {  	v23 =	vsel vm5, $0x2200, v23;
	v24 =	vsel vm5, $0x2300, v24;
	v25 =	vsel vm5, $0x2400, v25  }
0x125: {  	v26 =	vsel vm5, $0x2500, v26;
	v27 =	vsel vm5, $0x2600, v27;
	v28 =	vsel vm5, $0x2700, v28  }
0x126: {  	v29 =	vsel vm5, $0x3800, v29;
	v30 =	vsel vm5, $0x3900, v30;
	v31 =	vsel vm5, $0x3A00, v31  }
0x127: {  	v32 =	vsel vm5, $0x3B00, v32;
	v33 =	vsel vm5, $0x3C00, v33;
	v34 =	vsel vm5, $0x3D00, v34  }
0x128: {  	v35 =	vsel vm5, $0x3E00, v35;
	v36 =	vsel vm5, $0x3F00, v36;
	v37 =	vsel vm5, $0x3000, v37  }
0x129: {  	[tilespmem:$0x1F9D0] =	vst v45;
	v38 =	vsel vm6, $0x3201, v38;
	v45 =	vunpack.c.0.s8.s32 v54;
	v54 =	vsel vm4, $0x3802, v43  }
0x12a: {  	v43 =	vsel vm1, $0x3A03, v55;
	v0 =	vsel vm1, $0x1E03, v0;
	v1 =	vsel vm6, $0x1D01, v1  }
0x12b: {  	v2 =	vsel vm6, $0x1E01, v2;
	v3 =	vsel vm6, $0x1F01, v3;
	v4 =	vsel vm6, $0x1001, v4  }
0x12c: {  	v5 =	vsel vm6, $0x1101, v5;
	v6 =	vsel vm6, $0x1201, v6;
	v7 =	vsel vm6, $0x1301, v7  }
0x12d: {  	v8 =	vsel vm6, $0x1401, v8;
	v9 =	vsel vm6, $0x1501, v9;
	v10 =	vsel vm6, $0x1601, v10  }
0x12e: {  	v11 =	vsel vm6, $0x1701, v11;
	v12 =	vsel vm6, $0x1801, v12;
	v13 =	vsel vm6, $0x2901, v13  }
0x12f: {  	v14 =	vsel vm6, $0x2A01, v14;
	v15 =	vsel vm6, $0x2B01, v15;
	v16 =	vsel vm6, $0x2C01, v16  }
0x130: {  	v17 =	vsel vm6, $0x2D01, v17;
	v18 =	vsel vm6, $0x2E01, v18;
	v19 =	vsel vm6, $0x2F01, v19  }
0x131: {  	v20 =	vsel vm6, $0x2001, v20;
	v21 =	vsel vm6, $0x2101, v21;
	v22 =	vsel vm6, $0x2201, v22  }
0x132: {  	v23 =	vsel vm6, $0x2301, v23;
	v24 =	vsel vm6, $0x2401, v24;
	v25 =	vsel vm6, $0x2501, v25  }
0x133: {  	v26 =	vsel vm6, $0x2601, v26;
	v27 =	vsel vm6, $0x2701, v27;
	v28 =	vsel vm6, $0x2801, v28  }
0x134: {  	v29 =	vsel vm6, $0x3901, v29;
	v30 =	vsel vm6, $0x3A01, v30;
	v31 =	vsel vm6, $0x3B01, v31  }
0x135: {  	v32 =	vsel vm6, $0x3C01, v32;
	v33 =	vsel vm6, $0x3D01, v33;
	v34 =	vsel vm6, $0x3E01, v34  }
0x136: {  	v35 =	vsel vm6, $0x3F01, v35;
	v36 =	vsel vm6, $0x3001, v36;
	v37 =	vsel vm6, $0x3101, v37  }
0x137: {  	v49 =	vsel vm4, $0x3302, v38;
	v38 =	vsel vm1, $0x3503, v50;
	v42 =	vsel vm1, $0x3903, v54  }
0x138: {  	v50 =	vimm.s32 $0x17161514;
	v0 =	vsel vm2, $0x1F04, v0;
	v1 =	vsel vm4, $0x1E02, v1  }
0x139: {  	v2 =	vsel vm4, $0x1F02, v2;
	v52 =	vunpack.c.0.s8.s32 v50;
	v0 =	vsel vm3, $0x1005, v0  }
0x13a: {  	v46 =	vsel vm1, $0x1F03, v1;
	v47 =	vsel vm1, $0x1003, v2;
	v2 =	vsel vm4, $0x1002, v3  }
0x13b: {  	v3 =	vsel vm4, $0x1102, v4;
	v4 =	vsel vm4, $0x1202, v5;
	v5 =	vsel vm4, $0x1302, v6  }
0x13c: {  	v6 =	vsel vm4, $0x1402, v7;
	v7 =	vsel vm4, $0x1502, v8;
	v8 =	vsel vm4, $0x1602, v9  }
0x13d: {  	v9 =	vsel vm4, $0x1702, v10;
	v10 =	vsel vm4, $0x1802, v11;
	v11 =	vsel vm4, $0x1902, v12  }
0x13e: {  	v12 =	vsel vm4, $0x2A02, v13;
	v13 =	vsel vm4, $0x2B02, v14;
	v14 =	vsel vm4, $0x2C02, v15  }
0x13f: {  	v15 =	vsel vm4, $0x2D02, v16;
	v16 =	vsel vm4, $0x2E02, v17;
	v17 =	vsel vm4, $0x2F02, v18  }
0x140: {  	v18 =	vsel vm4, $0x2002, v19;
	v19 =	vsel vm4, $0x2102, v20;
	v20 =	vsel vm4, $0x2202, v21  }
0x141: {  	v21 =	vsel vm4, $0x2302, v22;
	v22 =	vsel vm4, $0x2402, v23;
	v23 =	vsel vm4, $0x2502, v24  }
0x142: {  	v24 =	vsel vm4, $0x2602, v25;
	v25 =	vsel vm4, $0x2702, v26;
	v26 =	vsel vm4, $0x2802, v27  }
0x143: {  	v27 =	vsel vm4, $0x2902, v28;
	v28 =	vsel vm4, $0x3A02, v29;
	v29 =	vsel vm4, $0x3B02, v30  }
0x144: {  	v30 =	vsel vm4, $0x3C02, v31;
	v31 =	vsel vm4, $0x3D02, v32;
	v32 =	vsel vm4, $0x3E02, v33  }
0x145: {  	v33 =	vsel vm4, $0x3F02, v34;
	v34 =	vsel vm4, $0x3002, v35;
	v35 =	vsel vm4, $0x3102, v36  }
0x146: {  	v36 =	vsel vm4, $0x3202, v37;
	v37 =	vsel vm1, $0x3403, v49;
	v49 =	vimm.s32 $0x13121110  }
0x147: {  	v0 =	vsel vm0, $0x1106, v0;
	v1 =	vsel vm2, $0x1104, v47;
	v2 =	vsel vm1, $0x1103, v2  }
0x148: {  	v3 =	vsel vm1, $0x1203, v3;
	v4 =	vsel vm1, $0x1303, v4;
	v5 =	vsel vm1, $0x1403, v5  }
0x149: {  	v6 =	vsel vm1, $0x1503, v6;
	v7 =	vsel vm1, $0x1603, v7;
	v8 =	vsel vm1, $0x1703, v8  }
0x14a: {  	v9 =	vsel vm1, $0x1803, v9;
	v10 =	vsel vm1, $0x1903, v10;
	v11 =	vsel vm1, $0x1A03, v11  }
0x14b: {  	v12 =	vsel vm1, $0x2B03, v12;
	v13 =	vsel vm1, $0x2C03, v13;
	v14 =	vsel vm1, $0x2D03, v14  }
0x14c: {  	v15 =	vsel vm1, $0x2E03, v15;
	v16 =	vsel vm1, $0x2F03, v16;
	v17 =	vsel vm1, $0x2003, v17  }
0x14d: {  	v18 =	vsel vm1, $0x2103, v18;
	v19 =	vsel vm1, $0x2203, v19;
	v20 =	vsel vm1, $0x2303, v20  }
0x14e: {  	v21 =	vsel vm1, $0x2403, v21;
	v22 =	vsel vm1, $0x2503, v22;
	v23 =	vsel vm1, $0x2603, v23  }
0x14f: {  	[tilespmem:$0x1FA10] =	vst v44;
	v24 =	vsel vm1, $0x2703, v24;
	v25 =	vsel vm1, $0x2803, v25;
	v26 =	vsel vm1, $0x2903, v26  }
0x150: {  	[tilespmem:$0x1FA40] =	vst v53;
	v27 =	vsel vm1, $0x2A03, v27;
	v28 =	vsel vm1, $0x3B03, v28;
	v29 =	vsel vm1, $0x3C03, v29  }
0x151: {  	[tilespmem:$0x1F9E0] =	vst v45;
	v30 =	vsel vm1, $0x3D03, v30;
	v31 =	vsel vm1, $0x3E03, v31;
	v32 =	vsel vm1, $0x3F03, v32  }
0x152: {  	v33 =	vsel vm1, $0x3003, v33;
	v34 =	vsel vm1, $0x3103, v34;
	v44 =	vunpack.c.0.s8.s32 v49;
	[tilespmem:$0x1FA30] =	vst v52  }
0x153: {  	v35 =	vsel vm1, $0x3203, v35;
	[tilespmem:$0x1FA00] =	vst v0;
	v0 =	vsel vm2, $0x1004, v46;
	v1 =	vsel vm3, $0x1205, v1  }
0x154: {  	v2 =	vsel vm2, $0x1204, v2;
	v0 =	vsel vm3, $0x1105, v0;
	[tilespmem:$0x1FA20] =	vst v44;
	v54 =	vsel vm0, $0x1306, v1  }
0x155: {  	v3 =	vsel vm2, $0x1304, v3;
	v2 =	vsel vm3, $0x1305, v2;
	v0 =	vsel vm0, $0x1206, v0;
	[tilespmem:$0x1FA60] =	vst v54  }
0x156: {  	v4 =	vsel vm2, $0x1404, v4;
	v3 =	vsel vm3, $0x1405, v3;
	v55 =	vsel vm0, $0x1406, v2;
	[tilespmem:$0x1FA50] =	vst v0  }
0x157: {  	v5 =	vsel vm2, $0x1504, v5;
	v4 =	vsel vm3, $0x1505, v4;
	v63 =	vsel vm0, $0x1506, v3;
	[tilespmem:$0x1FA70] =	vst v55  }
0x158: {  	v6 =	vsel vm2, $0x1604, v6;
	v5 =	vsel vm3, $0x1605, v5;
	v4 =	vsel vm0, $0x1606, v4;
	[tilespmem:$0x1FA80] =	vst v63  }
0x159: {  	v7 =	vsel vm2, $0x1704, v7;
	v6 =	vsel vm3, $0x1705, v6;
	v5 =	vsel vm0, $0x1706, v5;
	[tilespmem:$0x1FA90] =	vst v4  }
0x15a: {  	v8 =	vsel vm2, $0x1804, v8;
	v7 =	vsel vm3, $0x1805, v7;
	v6 =	vsel vm0, $0x1806, v6;
	[tilespmem:$0x1FAA0] =	vst v5  }
0x15b: {  	v9 =	vsel vm2, $0x1904, v9;
	v8 =	vsel vm3, $0x1905, v8;
	v7 =	vsel vm0, $0x1906, v7;
	[tilespmem:$0x1FAB0] =	vst v6  }
0x15c: {  	v10 =	vsel vm2, $0x1A04, v10;
	v9 =	vsel vm3, $0x1A05, v9;
	v8 =	vsel vm0, $0x1A06, v8;
	[tilespmem:$0x1FAC0] =	vst v7  }
0x15d: {  	v11 =	vsel vm2, $0x1B04, v11;
	v10 =	vsel vm3, $0x1B05, v10;
	v9 =	vsel vm0, $0x1B06, v9;
	[tilespmem:$0x1FAD0] =	vst v8  }
0x15e: {  	v12 =	vsel vm2, $0x2C04, v12;
	v11 =	vsel vm3, $0x1C05, v11;
	v10 =	vsel vm0, $0x1C06, v10;
	[tilespmem:$0x1FAE0] =	vst v9  }
0x15f: {  	v13 =	vsel vm2, $0x2D04, v13;
	v12 =	vsel vm3, $0x2D05, v12;
	v11 =	vsel vm0, $0x1D06, v11;
	[tilespmem:$0x1FAF0] =	vst v10  }
0x160: {  	v14 =	vsel vm2, $0x2E04, v14;
	v13 =	vsel vm3, $0x2E05, v13;
	v12 =	vsel vm0, $0x2E06, v12;
	[tilespmem:$0x1FB00] =	vst v11  }
0x161: {  	v15 =	vsel vm2, $0x2F04, v15;
	v14 =	vsel vm3, $0x2F05, v14;
	v13 =	vsel vm0, $0x2F06, v13;
	[tilespmem:$0x1FB10] =	vst v12  }
0x162: {  	v16 =	vsel vm2, $0x2004, v16;
	v15 =	vsel vm3, $0x2005, v15;
	v14 =	vsel vm0, $0x2006, v14;
	[tilespmem:$0x1FB20] =	vst v13  }
0x163: {  	v17 =	vsel vm2, $0x2104, v17;
	v16 =	vsel vm3, $0x2105, v16;
	v15 =	vsel vm0, $0x2106, v15;
	[tilespmem:$0x1FB30] =	vst v14  }
0x164: {  	v18 =	vsel vm2, $0x2204, v18;
	v17 =	vsel vm3, $0x2205, v17;
	v16 =	vsel vm0, $0x2206, v16;
	[tilespmem:$0x1FB40] =	vst v15  }
0x165: {  	v19 =	vsel vm2, $0x2304, v19;
	v18 =	vsel vm3, $0x2305, v18;
	v17 =	vsel vm0, $0x2306, v17;
	[tilespmem:$0x1FB50] =	vst v16  }
0x166: {  	v20 =	vsel vm2, $0x2404, v20;
	v19 =	vsel vm3, $0x2405, v19;
	v18 =	vsel vm0, $0x2406, v18;
	[tilespmem:$0x1FB60] =	vst v17  }
0x167: {  	v21 =	vsel vm2, $0x2504, v21;
	v20 =	vsel vm3, $0x2505, v20;
	v19 =	vsel vm0, $0x2506, v19;
	[tilespmem:$0x1FB70] =	vst v18  }
0x168: {  	v22 =	vsel vm2, $0x2604, v22;
	v21 =	vsel vm3, $0x2605, v21;
	v20 =	vsel vm0, $0x2606, v20;
	[tilespmem:$0x1FB80] =	vst v19  }
0x169: {  	v23 =	vsel vm2, $0x2704, v23;
	v22 =	vsel vm3, $0x2705, v22;
	v21 =	vsel vm0, $0x2706, v21;
	[tilespmem:$0x1FB90] =	vst v20  }
0x16a: {  	v24 =	vsel vm2, $0x2804, v24;
	v23 =	vsel vm3, $0x2805, v23;
	v22 =	vsel vm0, $0x2806, v22;
	[tilespmem:$0x1FBA0] =	vst v21  }
0x16b: {  	v25 =	vsel vm2, $0x2904, v25;
	v24 =	vsel vm3, $0x2905, v24;
	v44 =	vsel vm0, $0x2906, v23;
	[tilespmem:$0x1FBB0] =	vst v22  }
0x16c: {  	v26 =	vsel vm2, $0x2A04, v26;
	v25 =	vsel vm3, $0x2A05, v25;
	v45 =	vsel vm0, $0x2A06, v24;
	[tilespmem:$0x1FBC0] =	vst v44  }
0x16d: {  	v27 =	vsel vm2, $0x2B04, v27;
	v26 =	vsel vm3, $0x2B05, v26;
	v46 =	vsel vm0, $0x2B06, v25;
	[tilespmem:$0x1FBD0] =	vst v45  }
0x16e: {  	v28 =	vsel vm2, $0x3C04, v28;
	v27 =	vsel vm3, $0x2C05, v27;
	v47 =	vsel vm0, $0x2C06, v26;
	[tilespmem:$0x1FBE0] =	vst v46  }
0x16f: {  	v29 =	vsel vm2, $0x3D04, v29;
	v28 =	vsel vm3, $0x3D05, v28;
	v49 =	vsel vm0, $0x2D06, v27;
	[tilespmem:$0x1FBF0] =	vst v47  }
0x170: {  	v30 =	vsel vm2, $0x3E04, v30;
	v29 =	vsel vm3, $0x3E05, v29;
	v50 =	vsel vm0, $0x3E06, v28;
	[tilespmem:$0x1FC00] =	vst v49  }
0x171: {  	v31 =	vsel vm2, $0x3F04, v31;
	v30 =	vsel vm3, $0x3F05, v30;
	v51 =	vsel vm0, $0x3F06, v29;
	[tilespmem:$0x1FC10] =	vst v50  }
0x172: {  	v32 =	vsel vm2, $0x3004, v32;
	v31 =	vsel vm3, $0x3005, v31;
	v52 =	vsel vm0, $0x3006, v30;
	[tilespmem:$0x1FC20] =	vst v51  }
0x173: {  	v33 =	vsel vm2, $0x3104, v33;
	v32 =	vsel vm3, $0x3105, v32;
	v53 =	vsel vm0, $0x3106, v31;
	[tilespmem:$0x1FC30] =	vst v52  }
0x174: {  	v34 =	vsel vm2, $0x3204, v34;
	v33 =	vsel vm3, $0x3205, v33;
	v54 =	vsel vm0, $0x3206, v32;
	[tilespmem:$0x1FC40] =	vst v53  }
0x175: {  	v34 =	vsel vm3, $0x3305, v34;
	[tilespmem:$0x1FC50] =	vst v54;
	v55 =	vsel vm0, $0x3306, v33;
	v11 =	vimm.s32 $0x2C2B2A29  }
0x176: {  	v35 =	vsel vm2, $0x3304, v35;
	v63 =	vsel vm0, $0x3406, v34;
	[tilespmem:$0x1FC60] =	vst v55;
	v0 =	vunpack.c.0.s8.s32 v11  }
0x177: {  	v36 =	vsel vm1, $0x3303, v36;
	v35 =	vsel vm3, $0x3405, v35;
	v12 =	vimm.s32 $0x202F2E2D;
	[tilespmem:$0x1FC70] =	vst v63  }
0x178: {  	v36 =	vsel vm2, $0x3404, v36;
	v4 =	vsel vm0, $0x3506, v35;
	[tilespmem:$0x1FCF0] =	vst v0;
	v0 =	vunpack.c.0.s8.s32 v12  }
0x179: {  	v36 =	vsel vm3, $0x3505, v36;
	v15 =	vimm.s32 $0x28272625;
	[tilespmem:$0x1FC80] =	vst v4  }
0x17a: {  	v37 =	vsel vm2, $0x3504, v37;
	v5 =	vsel vm0, $0x3606, v36;
	[tilespmem:$0x1FD00] =	vst v0;
	v0 =	vunpack.c.0.s8.s32 v15  }
0x17b: {  	v37 =	vsel vm3, $0x3605, v37;
	v17 =	vimm.s32 $0x2D2C2B2A;
	[tilespmem:$0x1FC90] =	vst v5  }
0x17c: {  	v38 =	vsel vm2, $0x3604, v38;
	v6 =	vsel vm0, $0x3706, v37;
	[tilespmem:$0x1FD20] =	vst v0;
	v0 =	vunpack.c.0.s8.s32 v17  }
0x17d: {  	v38 =	vsel vm3, $0x3705, v38;
	v20 =	vimm.s32 $0x25242322;
	[tilespmem:$0x1FCA0] =	vst v6  }
0x17e: {  	v39 =	vsel vm2, $0x3704, v39;
	v7 =	vsel vm0, $0x3806, v38;
	[tilespmem:$0x1FD30] =	vst v0;
	v0 =	vunpack.c.0.s8.s32 v20  }
0x17f: {  	v39 =	vsel vm3, $0x3805, v39;
	v21 =	vimm.s32 $0x29282726;
	[tilespmem:$0x1FCB0] =	vst v7  }
0x180: {  	v40 =	vsel vm2, $0x3804, v40;
	v8 =	vsel vm0, $0x3906, v39;
	[tilespmem:$0x1FD50] =	vst v0;
	v0 =	vunpack.c.0.s8.s32 v21  }
0x181: {  	v40 =	vsel vm3, $0x3905, v40;
	v24 =	vimm.s32 $0x2221202F;
	[tilespmem:$0x1FCC0] =	vst v8  }
0x182: {  	v41 =	vsel vm2, $0x3904, v41;
	v9 =	vsel vm0, $0x3A06, v40;
	[tilespmem:$0x1FD60] =	vst v0;
	v0 =	vunpack.c.0.s8.s32 v24  }
0x183: {  	v41 =	vsel vm3, $0x3A05, v41;
	v25 =	vimm.s32 $0x26252423;
	[tilespmem:$0x1FCD0] =	vst v9  }
0x184: {  	v26 =	vimm.s32 $0x2A292827;
	v10 =	vsel vm0, $0x3B06, v41;
	[tilespmem:$0x1FD80] =	vst v0;
	v0 =	vunpack.c.0.s8.s32 v25  }
0x185: {  	v28 =	vimm.s32 $0x2F2E2D2C;
	v27 =	vunpack.c.0.s8.s32 v26;
	[tilespmem:$0x1FCE0] =	vst v10  }
0x186: {  	v30 =	vimm.s32 $0x27262524;
	[tilespmem:$0x1FD90] =	vst v0;
	v0 =	vunpack.c.0.s8.s32 v28  }
0x187: {  	v29 =	vimm.s32 $0x23222120;
	v31 =	vunpack.c.0.s8.s32 v30;
	[tilespmem:$0x1FDA0] =	vst v27  }
0x188: {  	v13 =	vimm.s32 $0x24232221;
	[tilespmem:$0x1FDB0] =	vst v0;
	v0 =	vunpack.c.0.s8.s32 v29  }
0x189: {  	v32 =	vimm.s32 $0x2B2A2928;
	v14 =	vunpack.c.0.s8.s32 v13;
	[tilespmem:$0x1FDD0] =	vst v31  }
0x18a: {  	v18 =	vimm.s32 $0x21202F2E;
	[tilespmem:$0x1FDC0] =	vst v0;
	v0 =	vunpack.c.0.s8.s32 v32  }
0x18b: {  	v33 =	vimm.s32 $0x3C3B3A39;
	v19 =	vunpack.c.0.s8.s32 v18;
	[tilespmem:$0x1FD10] =	vst v14  }
0x18c: {  	v22 =	vimm.s32 $0x2E2D2C2B;
	[tilespmem:$0x1FDE0] =	vst v0;
	v0 =	vunpack.c.0.s8.s32 v33  }
0x18d: {  	v36 =	vimm.s32 $0x34333231;
	v23 =	vunpack.c.0.s8.s32 v22;
	[tilespmem:$0x1FD40] =	vst v19  }
0x18e: {  	v43 =	vsel vm2, $0x3B04, v43;
	v34 =	vimm.s32 $0x303F3E3D;
	[tilespmem:$0x1FDF0] =	vst v0;
	v0 =	vunpack.c.0.s8.s32 v36  }
0x18f: {  	v42 =	vsel vm2, $0x3A04, v42;
	v37 =	vimm.s32 $0x38373635;
	v35 =	vunpack.c.0.s8.s32 v34;
	[tilespmem:$0x1FD70] =	vst v23  }
0x190: {  	v43 =	vsel vm3, $0x3C05, v43;
	v38 =	vimm.s32 $0x3D3C3B3A;
	[tilespmem:$0x1FE10] =	vst v0;
	v0 =	vunpack.c.0.s8.s32 v37  }
0x191: {  	v42 =	vsel vm3, $0x3B05, v42;
	v40 =	vimm.s32 $0x31303F3E;
	v39 =	vunpack.c.0.s8.s32 v38;
	[tilespmem:$0x1FE00] =	vst v35  }
0x192: {  	s7 =	rddreg [dreg:$0x1];
	v16 =	vsel vm0, $0x3C06, v42;
	v42 =	vimm.s32 $0x39383736;
	[tilespmem:$0x1FE20] =	vst v0;
	v0 =	vunpack.c.0.s8.s32 v40  }
0x193: {  	s2 =	simm.s32 $0x0;
	s3 =	rddreg [dreg:$0x2];
	v46 =	vimm.s32 $0x36353433;
	v8 =	vsel vm0, $0x3D06, v43;
	v43 =	vunpack.c.0.s8.s32 v42;
	[tilespmem:$0x1FE30] =	vst v39  }
0x194: {  	s1 =	srdreg.scid;
	[smem:$0x7FF] =	sst s2;
	v51 =	vimm.s32 $0x33323130;
	v47 =	vunpack.c.0.s8.s32 v46;
	[tilespmem:$0x1FE40] =	vst v0  }
0x195: {  	s5 =	sand.u32 $0x1, s1;
	s1 =	rddreg [dreg:$0x0];
	v52 =	vunpack.c.0.s8.s32 v51;
	_ =	strace $0x80000047;
	[tilespmem:$0x1FE60] =	vst v43  }
0x196: {  	[tilespmem:$0x1FE90] =	vst v47  }
0x197: {  	[tilespmem:$0x1FEC0] =	vst v52  }
0x198: {  	v48 =	vimm.s32 $0x18171615;
	[tilespmem:$0x1FEF0] =	vst v56  }
0x199: {  	v48 =	vunpack.c.0.s8.s32 v48;
	[tilespmem:$0x1FF00] =	vst v57  }
0x19a: {  	[tilespmem:$0x1FF10] =	vst v58  }
0x19b: {  	[tilespmem:$0x1FF20] =	vst v48  }
0x19c: {  	[tilespmem:$0x1FF30] =	vst v59  }
0x19d: {  	[tilespmem:$0x1FF40] =	vst v60  }
0x19e: {  	[tilespmem:$0x1FF50] =	vst v61  }
0x19f: {  	v41 =	vimm.s32 $0x35343332;
	[tilespmem:$0x1FF60] =	vst v62  }
0x1a0: {  	v0 =	vunpack.c.0.s8.s32 v41;
	[tilespmem:$0x1FFD0] =	vst v16  }
0x1a1: {  	vm0 =	vcmask $0x1F10;
	[tilespmem:$0x1FFE0] =	vst v8  }
0x1a2: {  	v44 =	vimm.s32 $0x3E3D3C3B;
	v57 =	vsel vm0, v57, v56;
	[tilespmem:$0x1FE50] =	vst v0  }
0x1a3: {  	v58 =	vsel vm0, v48, v58;
	v0 =	vunpack.c.0.s8.s32 v44;
	[tilespmem:$0x1FF70] =	vst v57  }
0x1a4: {  	v45 =	vimm.s32 $0x3231303F;
	[tilespmem:$0x1FF80] =	vst v58  }
0x1a5: {  	s0 =	stileid.u32;
	s12 =	simm.s32 $0x5;
	v59 =	vsel vm0, v60, v59;
	[tilespmem:$0x1FE70] =	vst v0;
	v0 =	vunpack.c.0.s8.s32 v45  }
0x1a6: {  	s13 =	simm.s32 $0x100;
	s14 =	simm.s32 $0x200;
	s31 =	sshll.u32 s0, $0x1;
	v49 =	vimm.s32 $0x3A393837;
	[tilespmem:$0x1FFA0] =	vst v59  }
0x1a7: {  	s15 =	simm.s32 $0x4200;
	s17 =	simm.s32 $0x8200;
	s6 =	sor.u32 s5, s31;
	v60 =	vsel vm0, v62, v61;
	[tilespmem:$0x1FE80] =	vst v0;
	v0 =	vunpack.c.0.s8.s32 v49  }
0x1a8: {  	s16 =	simm.s32 $0x1;
	s18 =	simm.s32 $0x4000;
	s4 =	smul.u32 $0x6400, s6;
	v50 =	vimm.s32 $0x3F3E3D3C;
	v55 =	vlaneseq.u32;
	[tilespmem:$0x1FFB0] =	vst v60  }
0x1a9: {  	s19 =	simm.s32 $0x2;
	s20 =	simm.s32 $0xC200;
	s8 =	smul.u32 $0x2400, s6;
	v61 =	vor.u32 $0x10, v55;
	[tilespmem:$0x1FEA0] =	vst v0;
	v0 =	vunpack.c.0.s8.s32 v50  }
0x1aa: {  	s21 =	simm.s32 $0x3;
	s22 =	simm.s32 $0x4;
	s9 =	ssub.s32 $0x2, s5;
	v53 =	vimm.s32 $0x37363534;
	v62 =	vcombine.low v58, v57;
	[tilespmem:$0x1FFF0] =	vst v61  }
0x1ab: {  	s5 =	smul.u32 $0x64, s6;
	s4 =	sand.u32 $0xFC000, s4;
	s8 =	sand.u32 $0x3C00, s8;
	[tilespmem:$0x1FEB0] =	vst v0;
	v0 =	vunpack.c.0.s8.s32 v53  }
0x1ac: {  	s23 =	simm.s32 $0x0;
	s10 =	sshrl.u32 s9, $0x1;
	s8 =	sor.u32 s8, s4;
	v54 =	vimm.s32 $0x3B3A3938;
	v63 =	vcombine.low v60, v59;
	[tilespmem:$0x1FF90] =	vst v62  }
0x1ad: {  	s11 =	ssub.s32 s9, s10;
	s9 =	sor.u32 $0x2, s5;
	s8 =	sshrl.u32 s8, $0x3;
	[tilespmem:$0x1FED0] =	vst v0;
	v0 =	vunpack.c.0.s8.s32 v54  }
0x1ae: {  	s10 =	sor.u32 $0x3, s5;
	s11 =	smax.u32 s11, $0x1;
	s6 =	sadd.s32 s1, s8;
	[tilespmem:$0x1FFC0] =	vst v63  }
0x1af: {  	s4 =	sadd.s32 $0xF42A00, s7;
	s7 =	sadd.s32 $0x600, s7;
	s8 =	sadd.s32 $0x20, s6;
	[tilespmem:$0x1FEE0] =	vst v0  }
.LBB2_1:
0x1b0: {  	[tilespmem:s2], [sflag:$0x5] =	stream.linear.gather [hbm4b:s6+s2], $0x100, $0x38;
	[tilespmem:$0x10200] =	vst v63  }
0x1b1: {  	_ =	swait.ge [sflag:s12], $0x100  }
0x1b2: {  	[sflag:s12] =	ssyncset.done $0x0  }
0x1b3: {  	[sflag:s12] =	ssyncadd.s32 $0xFFFFFF00  }
0x1b4: {  	[tilespmem:s14], [sflag:$0x1] =	stream.indirect.gather [hbm4b:s4+s13], $0x40, s2, s13, $0xb8;
	[tilespmem:$0x10200] =	vst v63  }
0x1b5: {  	_ = 	snop  }
0x1b6: {  	[tilespmem:s13], [sflag:$0x5] =	stream.linear.gather [hbm4b:s8+s2], $0x100, $0x38;
	[tilespmem:$0x10200] =	vst v63  }
0x1b7: {  	_ =	swait.ge [sflag:s12], $0x100  }
0x1b8: {  	[sflag:s12] =	ssyncset.done $0x0  }
0x1b9: {  	s24 =	simm.s32 $0x0;
	[sflag:s12] =	ssyncadd.s32 $0xFFFFFF00  }
0x1ba: {  	[tilespmem:s15], [sflag:$0x2] =	stream.indirect.gather [hbm4b:s4+s13], $0x40, s13, s13, $0xb8;
	[tilespmem:$0x10200] =	vst v63  }
.LBB2_2:
0x1bb: {  	_ =	swait.ge [sflag:s16], $0x4000  }
0x1bc: {  	p0 =	seq.s32 s24, $0x0;
	[sflag:s16] =	ssyncset.done $0x0  }
0x1bd: {  	s26 =	simm.s32 @!p0 $0x3;
	[sflag:s16] =	ssyncadd.s32 $0xFFFFC000  }
0x1be: {  	_ =	swait.ge @!p0 [sflag:s26], $0x4000  }
0x1bf: {  	v5 =	vld [tilespmem:$0x1F820]  }
0x1c0: {  	v6 =	vld [tilespmem:$0x1F830]  }
0x1c1: {  	v7 =	vld [tilespmem:$0x1F840]  }
0x1c2: {  	v9 =	vld [tilespmem:$0x1F850]  }
0x1c3: {  	v10 =	vld [tilespmem:$0x1F860]  }
0x1c4: {  	v11 =	vld [tilespmem:$0x1F870]  }
0x1c5: {  	v12 =	vld [tilespmem:$0x1F880]  }
0x1c6: {  	v13 =	vld [tilespmem:$0x1F890]  }
0x1c7: {  	v14 =	vld [tilespmem:$0x1F8A0]  }
0x1c8: {  	v15 =	vld [tilespmem:$0x1F8B0]  }
0x1c9: {  	v17 =	vld [tilespmem:$0x1F8C0]  }
0x1ca: {  	v18 =	vld [tilespmem:$0x1F8D0]  }
0x1cb: {  	v19 =	vld [tilespmem:$0x1F8E0]  }
0x1cc: {  	s25 =	sshll.u32 s24, $0x1;
	[sflag:s26] =	ssyncset.done @!p0 $0x0;
	v60 =	vld [tilespmem:$0x1FB60]  }
0x1cd: {  	p1 =	por $0x1, $0x1;
	v40 =	vld [tilespmem:$0x1FF90];
	[sflag:s26] =	ssyncadd.s32 @!p0 $0xFFFFC000;
	s26 =	simm.s32 $0x0  }
.LBB2_3:
0x1ce: {  	v0 =	vlaneseq.u32  }
0x1cf: {  	v0 =	vor.u32 s26, v0  }
0x1d0: {  	v2 =	vlaneseq.u32;
	v1 =	vshll.u32 v0, $0x6  }
0x1d1: {  	v26 =	vld [tilespmem:$0x1F7A0];
	v2 =	vor.u32 v2, v1  }
0x1d2: {  	v25 =	vld [tilespmem:$0x1F7B0];
	_ =	sdelay $0x2  }
0x1d3: {  	v0 =	vand.u32 $0x88, v0  }
0x1d4: {  	v3 =	vor.u32 v26, v0;
	v2 =	vld.idx.msk [tilespmem:v2+s14+$0x0], $0xffff  }
0x1d5: {  	v24 =	vld [tilespmem:$0x1F7C0];
	v4 =	vor.u32 v25, v1  }
0x1d6: {  	v27 =	vld [tilespmem:$0x1F7D0];
	_ =	sdelay $0x2  }
0x1d7: {  	[tilespmem:v3+s17+$0x0] =	vst.idx.msk $0xffff, v2  }
0x1d8: {  	v3 =	vor.u32 v24, v0;
	v2 =	vld.idx.msk [tilespmem:v4+s14+$0x0], $0xffff  }
0x1d9: {  	v8 =	vld [tilespmem:$0x1F7E0];
	v4 =	vor.u32 v27, v1  }
0x1da: {  	v21 =	vld [tilespmem:$0x1F7F0];
	_ =	sdelay $0x2  }
0x1db: {  	[tilespmem:v3+s17+$0x0] =	vst.idx.msk $0xffff, v2  }
0x1dc: {  	v3 =	vor.u32 v8, v0;
	v2 =	vld.idx.msk [tilespmem:v4+s14+$0x0], $0xffff  }
0x1dd: {  	v23 =	vld [tilespmem:$0x1F800];
	v4 =	vor.u32 v21, v1  }
0x1de: {  	v22 =	vld [tilespmem:$0x1F810];
	_ =	sdelay $0x2  }
0x1df: {  	[tilespmem:v3+s17+$0x0] =	vst.idx.msk $0xffff, v2  }
0x1e0: {  	v3 =	vor.u32 v23, v0;
	v2 =	vld.idx.msk [tilespmem:v4+s14+$0x0], $0xffff  }
0x1e1: {  	v4 =	vor.u32 v22, v1;
	_ =	sdelay $0x3  }
0x1e2: {  	[tilespmem:v3+s17+$0x0] =	vst.idx.msk $0xffff, v2  }
0x1e3: {  	v3 =	vor.u32 v5, v0;
	v2 =	vld.idx.msk [tilespmem:v4+s14+$0x0], $0xffff  }
0x1e4: {  	v4 =	vor.u32 v6, v1;
	_ =	sdelay $0x3  }
0x1e5: {  	[tilespmem:v3+s17+$0x0] =	vst.idx.msk $0xffff, v2  }
0x1e6: {  	v3 =	vor.u32 v7, v0;
	v2 =	vld.idx.msk [tilespmem:v4+s14+$0x0], $0xffff  }
0x1e7: {  	v4 =	vor.u32 v9, v1;
	_ =	sdelay $0x3  }
0x1e8: {  	[tilespmem:v3+s17+$0x0] =	vst.idx.msk $0xffff, v2  }
0x1e9: {  	v3 =	vor.u32 v10, v0;
	v2 =	vld.idx.msk [tilespmem:v4+s14+$0x0], $0xffff  }
0x1ea: {  	v4 =	vor.u32 v11, v1;
	_ =	sdelay $0x3  }
0x1eb: {  	[tilespmem:v3+s17+$0x0] =	vst.idx.msk $0xffff, v2  }
0x1ec: {  	v3 =	vor.u32 v12, v0;
	v2 =	vld.idx.msk [tilespmem:v4+s14+$0x0], $0xffff  }
0x1ed: {  	v4 =	vor.u32 v13, v1;
	_ =	sdelay $0x3  }
0x1ee: {  	[tilespmem:v3+s17+$0x0] =	vst.idx.msk $0xffff, v2  }
0x1ef: {  	v3 =	vor.u32 v14, v0;
	v2 =	vld.idx.msk [tilespmem:v4+s14+$0x0], $0xffff  }
0x1f0: {  	v4 =	vor.u32 v15, v1;
	_ =	sdelay $0x3  }
0x1f1: {  	[tilespmem:v3+s17+$0x0] =	vst.idx.msk $0xffff, v2  }
0x1f2: {  	v3 =	vor.u32 v17, v0;
	v2 =	vld.idx.msk [tilespmem:v4+s14+$0x0], $0xffff  }
0x1f3: {  	v4 =	vor.u32 v18, v1;
	_ =	sdelay $0x1  }
0x1f4: {  	v29 =	vld [tilespmem:$0x1F8F0];
	_ =	sdelay $0x1  }
0x1f5: {  	[tilespmem:v3+s17+$0x0] =	vst.idx.msk $0xffff, v2  }
0x1f6: {  	v3 =	vor.u32 v19, v0;
	v2 =	vld.idx.msk [tilespmem:v4+s14+$0x0], $0xffff;
	_ =	sdelay $0x1  }
0x1f7: {  	v4 =	vor.u32 v29, v1;
	_ =	sdelay $0x1  }
0x1f8: {  	v28 =	vld [tilespmem:$0x1F910]  }
0x1f9: {  	[tilespmem:v3+s17+$0x0] =	vst.idx.msk $0xffff, v2;
	v3 =	vld [tilespmem:$0x1F900];
	_ =	sdelay $0x1  }
0x1fa: {  	s28 =	sor.u32 $0x10, s26;
	v2 =	vld.idx.msk [tilespmem:v4+s14+$0x0], $0xffff;
	v4 =	vlaneseq.u32  }
0x1fb: {  	s29 =	sor.u32 $0x20, s26;
	v8 =	vlaneseq.u32;
	v6 =	vlaneseq.u32;
	v4 =	vor.u32 s28, v4  }
0x1fc: {  	v5 =	vor.u32 v28, v1;
	v6 =	vor.u32 s29, v6;
	v7 =	vshll.u32 v4, $0x6  }
0x1fd: {  	s30 =	sor.u32 $0x30, s26;
	v9 =	vlaneseq.u32;
	v10 =	vor.u32 v8, v7;
	v3 =	vor.u32 v3, v0  }
0x1fe: {  	v11 =	vor.u32 s30, v9;
	v9 =	vlaneseq.u32;
	v8 =	vshll.u32 v6, $0x6  }
0x1ff: {  	v12 =	vor.u32 v9, v8  }
0x200: {  	v13 =	vlaneseq.u32;
	v9 =	vshll.u32 v11, $0x6  }
0x201: {  	v13 =	vor.u32 v13, v9  }
0x202: {  	v4 =	vand.u32 $0x98, v4;
	[tilespmem:v3+s17+$0x0] =	vst.idx.msk $0xffff, v2;
	v3 =	vld.idx.msk [tilespmem:v10+s14+$0x0], $0xffff  }
0x203: {  	v10 =	vor.u32 v26, v4;
	v2 =	vld.idx.msk [tilespmem:v5+s14+$0x0], $0xffff;
	v5 =	vand.u32 $0xA8, v6  }
0x204: {  	v14 =	vor.u32 v25, v7;
	v12 =	vld.idx.msk [tilespmem:v12+s14+$0x0], $0xffff;
	v16 =	vor.u32 v26, v5  }
0x205: {  	v6 =	vand.u32 $0xB8, v11;
	v11 =	vor.u32 v25, v8  }
0x206: {  	v13 =	vld.idx.msk [tilespmem:v13+s14+$0x0], $0xffff;
	v19 =	vor.u32 v26, v6;
	_ =	sdelay $0x1  }
0x207: {  	[tilespmem:v10+s17+$0x0] =	vst.idx.msk $0xffff, v3  }
0x208: {  	v10 =	vor.u32 v24, v4;
	v3 =	vld.idx.msk [tilespmem:v14+s14+$0x0], $0xffff;
	[tilespmem:v16+s17+$0x0] =	vst.idx.msk $0xffff, v12  }
0x209: {  	v14 =	vor.u32 v24, v5;
	v12 =	vor.u32 v27, v7;
	v11 =	vld.idx.msk [tilespmem:v11+s14+$0x0], $0xffff  }
0x20a: {  	[tilespmem:v19+s17+$0x0] =	vst.idx.msk $0xffff, v13;
	v13 =	vor.u32 v27, v8;
	_ =	sdelay $0x2  }
0x20b: {  	v20 =	vor.u32 v25, v9;
	[tilespmem:v10+s17+$0x0] =	vst.idx.msk $0xffff, v3  }
0x20c: {  	v3 =	vld.idx.msk [tilespmem:v12+s14+$0x0], $0xffff;
	[tilespmem:v14+s17+$0x0] =	vst.idx.msk $0xffff, v11  }
0x20d: {  	v12 =	vld.idx.msk [tilespmem:v13+s14+$0x0], $0xffff  }
0x20e: {  	v13 =	vld [tilespmem:$0x1F7E0];
	_ =	sdelay $0x1  }
0x20f: {  	v19 =	vor.u32 v24, v6;
	v16 =	vld.idx.msk [tilespmem:v20+s14+$0x0], $0xffff  }
0x210: {  	v15 =	vld [tilespmem:$0x1F7E0];
	v20 =	vor.u32 v27, v9  }
0x211: {  	v10 =	vld [tilespmem:$0x1F7E0]  }
0x212: {  	v13 =	vor.u32 v13, v5  }
0x213: {  	v14 =	vor.u32 v21, v8  }
0x214: {  	[tilespmem:v19+s17+$0x0] =	vst.idx.msk $0xffff, v16  }
0x215: {  	v19 =	vor.u32 v15, v6;
	v16 =	vld.idx.msk [tilespmem:v20+s14+$0x0], $0xffff  }
0x216: {  	v20 =	vor.u32 v21, v9;
	v10 =	vor.u32 v10, v4  }
0x217: {  	v11 =	vor.u32 v21, v7;
	[tilespmem:v13+s17+$0x0] =	vst.idx.msk $0xffff, v12  }
0x218: {  	v13 =	vor.u32 v23, v5;
	v12 =	vld.idx.msk [tilespmem:v14+s14+$0x0], $0xffff  }
0x219: {  	v14 =	vor.u32 v22, v8  }
0x21a: {  	v15 =	vld [tilespmem:$0x1F820];
	[tilespmem:v19+s17+$0x0] =	vst.idx.msk $0xffff, v16  }
0x21b: {  	v16 =	vld.idx.msk [tilespmem:v20+s14+$0x0], $0xffff;
	[tilespmem:v10+s17+$0x0] =	vst.idx.msk $0xffff, v3  }
0x21c: {  	v3 =	vld.idx.msk [tilespmem:v11+s14+$0x0], $0xffff  }
0x21d: {  	v19 =	vor.u32 v23, v6;
	[tilespmem:v13+s17+$0x0] =	vst.idx.msk $0xffff, v12;
	v13 =	vld [tilespmem:$0x1F820]  }
0x21e: {  	v20 =	vor.u32 v22, v9;
	v12 =	vld.idx.msk [tilespmem:v14+s14+$0x0], $0xffff  }
0x21f: {  	v10 =	vor.u32 v23, v4;
	v14 =	vld [tilespmem:$0x1F830]  }
0x220: {  	v11 =	vor.u32 v22, v7;
	_ =	sdelay $0x1  }
0x221: {  	[tilespmem:v19+s17+$0x0] =	vst.idx.msk $0xffff, v16;
	v19 =	vor.u32 v15, v6;
	v15 =	vld [tilespmem:$0x1F830]  }
0x222: {  	v16 =	vld.idx.msk [tilespmem:v20+s14+$0x0], $0xffff;
	v13 =	vor.u32 v13, v5  }
0x223: {  	[tilespmem:v10+s17+$0x0] =	vst.idx.msk $0xffff, v3;
	v10 =	vld [tilespmem:$0x1F820];
	v14 =	vor.u32 v14, v8  }
0x224: {  	v3 =	vld.idx.msk [tilespmem:v11+s14+$0x0], $0xffff  }
0x225: {  	v11 =	vld [tilespmem:$0x1F830]  }
0x226: {  	v20 =	vor.u32 v15, v9;
	v15 =	vld [tilespmem:$0x1F840]  }
0x227: {  	[tilespmem:v13+s17+$0x0] =	vst.idx.msk $0xffff, v12;
	v13 =	vld [tilespmem:$0x1F840]  }
0x228: {  	v12 =	vld.idx.msk [tilespmem:v14+s14+$0x0], $0xffff  }
0x229: {  	v10 =	vor.u32 v10, v4;
	v14 =	vld [tilespmem:$0x1F850]  }
0x22a: {  	v11 =	vor.u32 v11, v7;
	_ =	sdelay $0x1  }
0x22b: {  	[tilespmem:v19+s17+$0x0] =	vst.idx.msk $0xffff, v16;
	v19 =	vor.u32 v15, v6;
	v15 =	vld [tilespmem:$0x1F850]  }
0x22c: {  	v16 =	vld.idx.msk [tilespmem:v20+s14+$0x0], $0xffff;
	v13 =	vor.u32 v13, v5  }
0x22d: {  	[tilespmem:v10+s17+$0x0] =	vst.idx.msk $0xffff, v3;
	v10 =	vld [tilespmem:$0x1F840];
	v14 =	vor.u32 v14, v8  }
0x22e: {  	v3 =	vld.idx.msk [tilespmem:v11+s14+$0x0], $0xffff  }
0x22f: {  	v11 =	vld [tilespmem:$0x1F850]  }
0x230: {  	v20 =	vor.u32 v15, v9;
	v15 =	vld [tilespmem:$0x1F860]  }
0x231: {  	[tilespmem:v13+s17+$0x0] =	vst.idx.msk $0xffff, v12;
	v13 =	vld [tilespmem:$0x1F860]  }
0x232: {  	v12 =	vld.idx.msk [tilespmem:v14+s14+$0x0], $0xffff  }
0x233: {  	v14 =	vld [tilespmem:$0x1F870]  }
0x234: {  	v10 =	vor.u32 v10, v4  }
0x235: {  	v11 =	vor.u32 v11, v7;
	_ =	sdelay $0x1  }
0x236: {  	v13 =	vor.u32 v13, v5  }
0x237: {  	[tilespmem:v19+s17+$0x0] =	vst.idx.msk $0xffff, v16;
	v19 =	vor.u32 v15, v6;
	v15 =	vld [tilespmem:$0x1F870];
	v14 =	vor.u32 v14, v8  }
0x238: {  	[tilespmem:v10+s17+$0x0] =	vst.idx.msk $0xffff, v3;
	v10 =	vld [tilespmem:$0x1F860]  }
0x239: {  	v3 =	vld.idx.msk [tilespmem:v11+s14+$0x0], $0xffff  }
0x23a: {  	v11 =	vld [tilespmem:$0x1F870]  }
0x23b: {  	[tilespmem:v13+s17+$0x0] =	vst.idx.msk $0xffff, v12;
	v13 =	vld [tilespmem:$0x1F880]  }
0x23c: {  	v12 =	vld.idx.msk [tilespmem:v14+s14+$0x0], $0xffff  }
0x23d: {  	v14 =	vld [tilespmem:$0x1F890]  }
0x23e: {  	v10 =	vor.u32 v10, v4  }
0x23f: {  	v11 =	vor.u32 v11, v7;
	_ =	sdelay $0x1  }
0x240: {  	v16 =	vld.idx.msk [tilespmem:v20+s14+$0x0], $0xffff;
	v13 =	vor.u32 v13, v5  }
0x241: {  	v20 =	vor.u32 v15, v9;
	v15 =	vld [tilespmem:$0x1F880];
	v14 =	vor.u32 v14, v8  }
0x242: {  	[tilespmem:v10+s17+$0x0] =	vst.idx.msk $0xffff, v3;
	v10 =	vld [tilespmem:$0x1F880]  }
0x243: {  	v3 =	vld.idx.msk [tilespmem:v11+s14+$0x0], $0xffff  }
0x244: {  	v11 =	vld [tilespmem:$0x1F890]  }
0x245: {  	[tilespmem:v13+s17+$0x0] =	vst.idx.msk $0xffff, v12;
	v13 =	vld [tilespmem:$0x1F8A0]  }
0x246: {  	v12 =	vld.idx.msk [tilespmem:v14+s14+$0x0], $0xffff  }
0x247: {  	v14 =	vld [tilespmem:$0x1F8B0]  }
0x248: {  	[tilespmem:v19+s17+$0x0] =	vst.idx.msk $0xffff, v16;
	v19 =	vor.u32 v15, v6;
	v15 =	vld [tilespmem:$0x1F890]  }
0x249: {  	v10 =	vor.u32 v10, v4  }
0x24a: {  	v11 =	vor.u32 v11, v7  }
0x24b: {  	v13 =	vor.u32 v13, v5  }
0x24c: {  	v16 =	vld.idx.msk [tilespmem:v20+s14+$0x0], $0xffff;
	v14 =	vor.u32 v14, v8  }
0x24d: {  	v20 =	vor.u32 v15, v9;
	v15 =	vld [tilespmem:$0x1F8A0]  }
0x24e: {  	[tilespmem:v10+s17+$0x0] =	vst.idx.msk $0xffff, v3;
	v10 =	vld [tilespmem:$0x1F8A0]  }
0x24f: {  	v3 =	vld.idx.msk [tilespmem:v11+s14+$0x0], $0xffff  }
0x250: {  	v11 =	vld [tilespmem:$0x1F8B0];
	[tilespmem:v13+s17+$0x0] =	vst.idx.msk $0xffff, v12  }
0x251: {  	v13 =	vor.u32 v17, v5;
	v12 =	vld.idx.msk [tilespmem:v14+s14+$0x0], $0xffff;
	_ =	sdelay $0x1  }
0x252: {  	[tilespmem:v19+s17+$0x0] =	vst.idx.msk $0xffff, v16;
	v19 =	vor.u32 v15, v6;
	v15 =	vld [tilespmem:$0x1F8B0]  }
0x253: {  	v10 =	vor.u32 v10, v4  }
0x254: {  	v11 =	vor.u32 v11, v7  }
0x255: {  	v14 =	vor.u32 v18, v8;
	[tilespmem:v13+s17+$0x0] =	vst.idx.msk $0xffff, v12;
	v13 =	vld [tilespmem:$0x1F8E0]  }
0x256: {  	v16 =	vld.idx.msk [tilespmem:v20+s14+$0x0], $0xffff  }
0x257: {  	v20 =	vor.u32 v15, v9  }
0x258: {  	[tilespmem:v10+s17+$0x0] =	vst.idx.msk $0xffff, v3  }
0x259: {  	v10 =	vor.u32 v17, v4;
	v3 =	vld.idx.msk [tilespmem:v11+s14+$0x0], $0xffff  }
0x25a: {  	v12 =	vld.idx.msk [tilespmem:v14+s14+$0x0], $0xffff;
	v13 =	vor.u32 v13, v5  }
0x25b: {  	[tilespmem:v19+s17+$0x0] =	vst.idx.msk $0xffff, v16;
	v15 =	vld [tilespmem:$0x1F8E0]  }
0x25c: {  	v19 =	vor.u32 v17, v6;
	v16 =	vld.idx.msk [tilespmem:v20+s14+$0x0], $0xffff  }
0x25d: {  	v20 =	vor.u32 v18, v9  }
0x25e: {  	v11 =	vor.u32 v18, v7;
	[tilespmem:v10+s17+$0x0] =	vst.idx.msk $0xffff, v3;
	v10 =	vld [tilespmem:$0x1F8E0]  }
0x25f: {  	v14 =	vor.u32 v29, v8;
	[tilespmem:v13+s17+$0x0] =	vst.idx.msk $0xffff, v12;
	v13 =	vld [tilespmem:$0x1F900];
	_ =	sdelay $0x1  }
0x260: {  	[tilespmem:v19+s17+$0x0] =	vst.idx.msk $0xffff, v16;
	v19 =	vor.u32 v15, v6;
	v15 =	vld [tilespmem:$0x1F900]  }
0x261: {  	v16 =	vld.idx.msk [tilespmem:v20+s14+$0x0], $0xffff  }
0x262: {  	v20 =	vor.u32 v29, v9;
	v3 =	vld.idx.msk [tilespmem:v11+s14+$0x0], $0xffff;
	v10 =	vor.u32 v10, v4  }
0x263: {  	v12 =	vld.idx.msk [tilespmem:v14+s14+$0x0], $0xffff;
	v13 =	vor.u32 v13, v5  }
0x264: {  	v14 =	vor.u32 v28, v8;
	_ =	sdelay $0x1  }
0x265: {  	[tilespmem:v19+s17+$0x0] =	vst.idx.msk $0xffff, v16;
	v19 =	vor.u32 v15, v6;
	v15 =	vld [tilespmem:$0x1F920]  }
0x266: {  	v16 =	vld.idx.msk [tilespmem:v20+s14+$0x0], $0xffff;
	[tilespmem:v10+s17+$0x0] =	vst.idx.msk $0xffff, v3  }
0x267: {  	v11 =	vor.u32 v29, v7;
	v10 =	vld [tilespmem:$0x1F900];
	[tilespmem:v13+s17+$0x0] =	vst.idx.msk $0xffff, v12  }
0x268: {  	v13 =	vld.idx.msk [tilespmem:v14+s14+$0x0], $0xffff  }
0x269: {  	v14 =	vld [tilespmem:$0x1F920]  }
0x26a: {  	v17 =	vld [tilespmem:$0x1F930];
	v20 =	vor.u32 v28, v9  }
0x26b: {  	v21 =	vor.u32 v15, v0;
	v15 =	vld [tilespmem:$0x1F920]  }
0x26c: {  	v3 =	vld.idx.msk [tilespmem:v11+s14+$0x0], $0xffff;
	v10 =	vor.u32 v10, v4  }
0x26d: {  	v11 =	vor.u32 v28, v7  }
0x26e: {  	[tilespmem:v19+s17+$0x0] =	vst.idx.msk $0xffff, v16;
	v14 =	vor.u32 v14, v5  }
0x26f: {  	v16 =	vor.u32 v17, v8;
	v19 =	vld.idx.msk [tilespmem:v20+s14+$0x0], $0xffff  }
0x270: {  	v20 =	vor.u32 v15, v6;
	v15 =	vld [tilespmem:$0x1F940]  }
0x271: {  	[tilespmem:v10+s17+$0x0] =	vst.idx.msk $0xffff, v3  }
0x272: {  	v10 =	vld.idx.msk [tilespmem:v11+s14+$0x0], $0xffff  }
0x273: {  	v11 =	vld [tilespmem:$0x1F920];
	[tilespmem:v14+s17+$0x0] =	vst.idx.msk $0xffff, v13  }
0x274: {  	v14 =	vld.idx.msk [tilespmem:v16+s14+$0x0], $0xffff  }
0x275: {  	v16 =	vor.u32 v15, v5;
	v15 =	vld [tilespmem:$0x1F940]  }
0x276: {  	v3 =	vor.u32 v17, v1;
	_ =	sdelay $0x1  }
0x277: {  	v22 =	vor.u32 v17, v9;
	v11 =	vor.u32 v11, v4  }
0x278: {  	v12 =	vor.u32 v17, v7;
	v17 =	vld [tilespmem:$0x1F950]  }
0x279: {  	[tilespmem:v21+s17+$0x0] =	vst.idx.msk $0xffff, v2;
	v21 =	vor.u32 v15, v6;
	v15 =	vld [tilespmem:$0x1F960]  }
0x27a: {  	v2 =	vld.idx.msk [tilespmem:v3+s14+$0x0], $0xffff  }
0x27b: {  	[tilespmem:v20+s17+$0x0] =	vst.idx.msk $0xffff, v19;
	v3 =	vld [tilespmem:$0x1F940]  }
0x27c: {  	v20 =	vld.idx.msk [tilespmem:v22+s14+$0x0], $0xffff;
	[tilespmem:v11+s17+$0x0] =	vst.idx.msk $0xffff, v10  }
0x27d: {  	v19 =	vor.u32 v17, v8;
	v11 =	vld.idx.msk [tilespmem:v12+s14+$0x0], $0xffff  }
0x27e: {  	[tilespmem:v16+s17+$0x0] =	vst.idx.msk $0xffff, v14;
	v16 =	vor.u32 v15, v5;
	v15 =	vld [tilespmem:$0x1F960]  }
0x27f: {  	v12 =	vld [tilespmem:$0x1F940]  }
0x280: {  	v3 =	vor.u32 v3, v0  }
0x281: {  	v22 =	vor.u32 v17, v9;
	v10 =	vor.u32 v17, v1;
	v13 =	vor.u32 v17, v7;
	v17 =	vld [tilespmem:$0x1F970]  }
0x282: {  	v14 =	vld.idx.msk [tilespmem:v19+s14+$0x0], $0xffff  }
0x283: {  	[tilespmem:v21+s17+$0x0] =	vst.idx.msk $0xffff, v20;
	v21 =	vor.u32 v15, v6;
	v15 =	vld [tilespmem:$0x1F980]  }
0x284: {  	v12 =	vor.u32 v12, v4  }
0x285: {  	[tilespmem:v3+s17+$0x0] =	vst.idx.msk $0xffff, v2;
	v3 =	vld [tilespmem:$0x1F960];
	_ =	sdelay $0x1  }
0x286: {  	v19 =	vor.u32 v17, v8  }
0x287: {  	[tilespmem:v16+s17+$0x0] =	vst.idx.msk $0xffff, v14;
	v16 =	vor.u32 v15, v5;
	v15 =	vld [tilespmem:$0x1FFF0]  }
0x288: {  	[tilespmem:v12+s17+$0x0] =	vst.idx.msk $0xffff, v11;
	v12 =	vld [tilespmem:$0x1F960]  }
0x289: {  	v2 =	vld.idx.msk [tilespmem:v10+s14+$0x0], $0xffff;
	v3 =	vor.u32 v3, v0  }
0x28a: {  	v10 =	vor.u32 v17, v1;
	v20 =	vld.idx.msk [tilespmem:v22+s14+$0x0], $0xffff  }
0x28b: {  	v14 =	vld.idx.msk [tilespmem:v19+s14+$0x0], $0xffff  }
0x28c: {  	v19 =	vor.u32 v15, v8;
	v15 =	vld [tilespmem:$0x1F980]  }
0x28d: {  	v11 =	vld.idx.msk [tilespmem:v13+s14+$0x0], $0xffff;
	v12 =	vor.u32 v12, v4  }
0x28e: {  	v13 =	vor.u32 v17, v7;
	[tilespmem:v3+s17+$0x0] =	vst.idx.msk $0xffff, v2;
	v3 =	vld [tilespmem:$0x1F980]  }
0x28f: {  	v2 =	vld.idx.msk [tilespmem:v10+s14+$0x0], $0xffff  }
0x290: {  	v22 =	vor.u32 v17, v9;
	v10 =	vld [tilespmem:$0x1FFF0]  }
0x291: {  	[tilespmem:v21+s17+$0x0] =	vst.idx.msk $0xffff, v20;
	v21 =	vor.u32 v15, v6;
	v15 =	vld [tilespmem:$0x1FFF0]  }
0x292: {  	[tilespmem:v12+s17+$0x0] =	vst.idx.msk $0xffff, v11;
	v12 =	vld [tilespmem:$0x1F980]  }
0x293: {  	v11 =	vld.idx.msk [tilespmem:v13+s14+$0x0], $0xffff  }
0x294: {  	v13 =	vld [tilespmem:$0x1FFF0]  }
0x295: {  	v3 =	vor.u32 v3, v0;
	v20 =	vld.idx.msk [tilespmem:v22+s14+$0x0], $0xffff  }
0x296: {  	v10 =	vor.u32 v10, v1;
	v22 =	vor.u32 v15, v9;
	v15 =	vld [tilespmem:$0x1F990];
	_ =	sdelay $0x2  }
0x297: {  	v30 =	vld [tilespmem:$0x1F9A0];
	v12 =	vor.u32 v12, v4  }
0x298: {  	v36 =	vld [tilespmem:$0x1F9F0];
	[tilespmem:v3+s17+$0x0] =	vst.idx.msk $0xffff, v2;
	v13 =	vor.u32 v13, v7  }
0x299: {  	v2 =	vld.idx.msk [tilespmem:v10+s14+$0x0], $0xffff;
	v3 =	vor.u32 v15, v0  }
0x29a: {  	v29 =	vld [tilespmem:$0x1F9A0];
	v10 =	vor.u32 v40, v1;
	[tilespmem:v16+s17+$0x0] =	vst.idx.msk $0xffff, v14  }
0x29b: {  	v14 =	vld.idx.msk [tilespmem:v19+s14+$0x0], $0xffff;
	v16 =	vor.u32 v15, v5  }
0x29c: {  	v18 =	vld [tilespmem:$0x1F9D0];
	[tilespmem:v12+s17+$0x0] =	vst.idx.msk $0xffff, v11;
	v19 =	vor.u32 v40, v8  }
0x29d: {  	v11 =	vld.idx.msk [tilespmem:v13+s14+$0x0], $0xffff;
	[tilespmem:v21+s17+$0x0] =	vst.idx.msk $0xffff, v20  }
0x29e: {  	v12 =	vor.u32 v15, v4;
	v21 =	vor.u32 v15, v6;
	v15 =	vld [tilespmem:$0x1FFC0];
	[tilespmem:v3+s17+$0x0] =	vst.idx.msk $0xffff, v2  }
0x29f: {  	v23 =	vor.u32 v29, v0;
	v10 =	vld.idx.msk [tilespmem:v10+s14+$0x0], $0xffff  }
0x2a0: {  	v17 =	vld [tilespmem:$0x1F9C0];
	v13 =	vor.u32 v40, v7;
	[tilespmem:v16+s17+$0x0] =	vst.idx.msk $0xffff, v14  }
0x2a1: {  	v16 =	vld.idx.msk [tilespmem:v19+s14+$0x0], $0xffff  }
0x2a2: {  	v19 =	vld [tilespmem:$0x1F9E0]  }
0x2a3: {  	[tilespmem:v12+s17+$0x0] =	vst.idx.msk $0xffff, v11  }
0x2a4: {  	v11 =	vor.u32 v15, v1;
	[tilespmem:v23+s17+$0x0] =	vst.idx.msk $0xffff, v10;
	v10 =	vld [tilespmem:$0x1F9B0]  }
0x2a5: {  	v12 =	vld.idx.msk [tilespmem:v13+s14+$0x0], $0xffff;
	v13 =	vor.u32 v30, v4;
	_ =	sdelay $0x1  }
0x2a6: {  	v2 =	vsel vm0, v18, v17;
	v3 =	vsel vm0, v36, v19  }
0x2a7: {  	v46 =	vcombine.low v3, v2  }
0x2a8: {  	v23 =	vld.idx.msk [tilespmem:v11+s14+$0x0], $0xffff;
	v35 =	vor.u32 v10, v0  }
0x2a9: {  	[tilespmem:v13+s17+$0x0] =	vst.idx.msk $0xffff, v12;
	v12 =	vor.u32 v46, v1;
	_ =	sdelay $0x2  }
0x2aa: {  	v31 =	vld [tilespmem:$0x1F9A0]  }
0x2ab: {  	v20 =	vld.idx.msk [tilespmem:v22+s14+$0x0], $0xffff;
	[tilespmem:v35+s17+$0x0] =	vst.idx.msk $0xffff, v23  }
0x2ac: {  	v23 =	vld.idx.msk [tilespmem:v12+s14+$0x0], $0xffff  }
0x2ad: {  	v12 =	vld [tilespmem:$0x1FA00];
	_ =	sdelay $0x1  }
0x2ae: {  	v32 =	vor.u32 v31, v5  }
0x2af: {  	[tilespmem:v21+s17+$0x0] =	vst.idx.msk $0xffff, v20;
	v20 =	vor.u32 v15, v8  }
0x2b0: {  	v37 =	vld [tilespmem:$0x1FA20]  }
0x2b1: {  	v45 =	vor.u32 v12, v0;
	v12 =	vld [tilespmem:$0x1FA00]  }
0x2b2: {  	v38 =	vld [tilespmem:$0x1FA30]  }
0x2b3: {  	v39 =	vld [tilespmem:$0x1FA40];
	v14 =	vor.u32 v15, v7;
	[tilespmem:v32+s17+$0x0] =	vst.idx.msk $0xffff, v16  }
0x2b4: {  	v24 =	vld.idx.msk [tilespmem:v20+s14+$0x0], $0xffff  }
0x2b5: {  	v20 =	vld [tilespmem:$0x1FA10]  }
0x2b6: {  	v47 =	vor.u32 v12, v4;
	v12 =	vld [tilespmem:$0x1FA00];
	_ =	sdelay $0x1  }
0x2b7: {  	v13 =	vld.idx.msk [tilespmem:v14+s14+$0x0], $0xffff;
	v14 =	vor.u32 v10, v4  }
0x2b8: {  	v11 =	vsel vm0, v39, v38  }
0x2b9: {  	v42 =	vor.u32 v10, v5;
	v43 =	vor.u32 v10, v6;
	v10 =	vsel vm0, v37, v20  }
0x2ba: {  	v31 =	vcombine.low v11, v10;
	v30 =	vor.u32 v12, v5;
	v12 =	vld [tilespmem:$0x1FA00];
	_ =	sdelay $0x1  }
0x2bb: {  	[tilespmem:v14+s17+$0x0] =	vst.idx.msk $0xffff, v13;
	v14 =	vor.u32 v31, v1;
	_ =	sdelay $0x1  }
0x2bc: {  	v13 =	vld [tilespmem:$0x1FF10]  }
0x2bd: {  	v49 =	vor.u32 v12, v6;
	v12 =	vld [tilespmem:$0x1FF00]  }
0x2be: {  	v33 =	vld [tilespmem:$0x1F9A0];
	[tilespmem:v45+s17+$0x0] =	vst.idx.msk $0xffff, v23  }
0x2bf: {  	v22 =	vor.u32 v40, v9;
	v23 =	vld.idx.msk [tilespmem:v14+s14+$0x0], $0xffff  }
0x2c0: {  	v16 =	vor.u32 v46, v7;
	v14 =	vld [tilespmem:$0x1FA50]  }
0x2c1: {  	v34 =	vor.u32 v15, v9;
	v15 =	vld [tilespmem:$0x1FF20]  }
0x2c2: {  	v12 =	vsel vm0, v13, v12;
	v13 =	vld [tilespmem:$0x1FEF0];
	_ =	sdelay $0x1  }
0x2c3: {  	v21 =	vld.idx.msk [tilespmem:v22+s14+$0x0], $0xffff  }
0x2c4: {  	v22 =	vor.u32 v33, v6;
	v16 =	vld.idx.msk [tilespmem:v16+s14+$0x0], $0xffff;
	v50 =	vor.u32 v14, v0  }
0x2c5: {  	v32 =	vor.u32 v14, v4;
	v33 =	vor.u32 v14, v5;
	v54 =	vor.u32 v14, v6;
	v14 =	vld [tilespmem:$0x1FF40]  }
0x2c6: {  	v13 =	vsel vm0, v13, v15;
	v15 =	vld [tilespmem:$0x1FF50];
	_ =	sdelay $0x3  }
0x2c7: {  	[tilespmem:v47+s17+$0x0] =	vst.idx.msk $0xffff, v16;
	v16 =	vld [tilespmem:$0x1FF60]  }
0x2c8: {  	v14 =	vsel vm0, v15, v14;
	v15 =	vld [tilespmem:$0x1FF30];
	_ =	sdelay $0x4  }
0x2c9: {  	v16 =	vsel vm0, v15, v16;
	v15 =	vld [tilespmem:$0x1FA60];
	_ =	sdelay $0x4  }
0x2ca: {  	v55 =	vor.u32 v15, v0;
	v15 =	vld [tilespmem:$0x1FA60];
	_ =	sdelay $0x4  }
0x2cb: {  	v57 =	vor.u32 v15, v4;
	v15 =	vld [tilespmem:$0x1FA60];
	_ =	sdelay $0x4  }
0x2cc: {  	v59 =	vor.u32 v15, v5;
	v15 =	vld [tilespmem:$0x1FA60];
	_ =	sdelay $0x2  }
0x2cd: {  	[tilespmem:v22+s17+$0x0] =	vst.idx.msk $0xffff, v21;
	v21 =	vor.u32 v46, v8  }
0x2ce: {  	v22 =	vld.idx.msk [tilespmem:v34+s14+$0x0], $0xffff  }
0x2cf: {  	v48 =	vor.u32 v31, v7;
	v35 =	vor.u32 v15, v6;
	v15 =	vld [tilespmem:$0x1FA70];
	_ =	sdelay $0x1  }
0x2d0: {  	[tilespmem:v42+s17+$0x0] =	vst.idx.msk $0xffff, v24  }
0x2d1: {  	v44 =	vor.u32 v46, v9;
	v27 =	vld.idx.msk [tilespmem:v21+s14+$0x0], $0xffff;
	v21 =	vcombine.low v13, v12  }
0x2d2: {  	[tilespmem:v43+s17+$0x0] =	vst.idx.msk $0xffff, v22;
	v22 =	vor.u32 v31, v8  }
0x2d3: {  	v24 =	vld.idx.msk [tilespmem:v48+s14+$0x0], $0xffff;
	v51 =	vor.u32 v21, v1;
	v63 =	vor.u32 v15, v0  }
0x2d4: {  	v43 =	vor.u32 v15, v4;
	v45 =	vor.u32 v15, v5;
	v48 =	vor.u32 v15, v6;
	v15 =	vld [tilespmem:$0x1FA80];
	_ =	sdelay $0x1  }
0x2d5: {  	v25 =	vld.idx.msk [tilespmem:v44+s14+$0x0], $0xffff;
	[tilespmem:v30+s17+$0x0] =	vst.idx.msk $0xffff, v27  }
0x2d6: {  	v30 =	vld.idx.msk [tilespmem:v22+s14+$0x0], $0xffff;
	[tilespmem:v50+s17+$0x0] =	vst.idx.msk $0xffff, v23  }
0x2d7: {  	v53 =	vor.u32 v21, v8;
	v23 =	vld.idx.msk [tilespmem:v51+s14+$0x0], $0xffff  }
0x2d8: {  	v51 =	vor.u32 v15, v0;
	v15 =	vld [tilespmem:$0x1FA80]  }
0x2d9: {  	[tilespmem:$0x1F560] =	vst v31;
	v31 =	vor.u32 v31, v9  }
0x2da: {  	v52 =	vor.u32 v21, v7  }
0x2db: {  	[tilespmem:v33+s17+$0x0] =	vst.idx.msk $0xffff, v30  }
0x2dc: {  	[tilespmem:v49+s17+$0x0] =	vst.idx.msk $0xffff, v25;
	v25 =	vld.idx.msk [tilespmem:v53+s14+$0x0], $0xffff  }
0x2dd: {  	[tilespmem:$0x1F580] =	vst v21;
	v34 =	vor.u32 v21, v9;
	v21 =	vcombine.low v16, v14;
	v53 =	vor.u32 v15, v4;
	v15 =	vld [tilespmem:$0x1FA80]  }
0x2de: {  	[tilespmem:v32+s17+$0x0] =	vst.idx.msk $0xffff, v24;
	v32 =	vsel vm0, v17, v36;
	v28 =	vld.idx.msk [tilespmem:v31+s14+$0x0], $0xffff;
	v31 =	vsel vm0, v19, v18  }
0x2df: {  	v17 =	vcombine.low v32, v31;
	v27 =	vld.idx.msk [tilespmem:v52+s14+$0x0], $0xffff;
	v56 =	vor.u32 v21, v1  }
0x2e0: {  	v58 =	vor.u32 v21, v7  }
0x2e1: {  	v37 =	vsel vm0, v38, v37;
	v49 =	vsel vm0, v20, v39;
	v42 =	vor.u32 v17, v1  }
0x2e2: {  	v44 =	vor.u32 v17, v7;
	[tilespmem:v55+s17+$0x0] =	vst.idx.msk $0xffff, v23;
	v55 =	vor.u32 v15, v5;
	v15 =	vld [tilespmem:$0x1FA80]  }
0x2e3: {  	[tilespmem:$0x1F570] =	vst v17;
	v47 =	vor.u32 v17, v8;
	v50 =	vor.u32 v17, v9;
	v17 =	vcombine.low v49, v37  }
0x2e4: {  	v24 =	vld.idx.msk [tilespmem:v56+s14+$0x0], $0xffff;
	[tilespmem:v57+s17+$0x0] =	vst.idx.msk $0xffff, v27  }
0x2e5: {  	[tilespmem:v54+s17+$0x0] =	vst.idx.msk $0xffff, v28;
	v54 =	vor.u32 v17, v7;
	v61 =	vor.u32 v21, v8;
	v29 =	vld.idx.msk [tilespmem:v58+s14+$0x0], $0xffff  }
0x2e6: {  	[tilespmem:$0x1F5B0] =	vst v17;
	v52 =	vor.u32 v17, v1;
	v56 =	vor.u32 v17, v8;
	v58 =	vor.u32 v17, v9;
	v17 =	vld [tilespmem:$0x1FF80]  }
0x2e7: {  	v57 =	vor.u32 v15, v6;
	v15 =	vld [tilespmem:$0x1FF70];
	_ =	sdelay $0x1  }
0x2e8: {  	v34 =	vld.idx.msk [tilespmem:v34+s14+$0x0], $0xffff;
	[tilespmem:v59+s17+$0x0] =	vst.idx.msk $0xffff, v25  }
0x2e9: {  	v62 =	vor.u32 v21, v9;
	v28 =	vld.idx.msk [tilespmem:v61+s14+$0x0], $0xffff;
	_ =	sdelay $0x1  }
0x2ea: {  	[tilespmem:v63+s17+$0x0] =	vst.idx.msk $0xffff, v24;
	v63 =	vcombine.low v15, v17;
	v15 =	vld [tilespmem:$0x1FA90];
	_ =	sdelay $0x1  }
0x2eb: {  	[tilespmem:v35+s17+$0x0] =	vst.idx.msk $0xffff, v34  }
0x2ec: {  	v35 =	vld.idx.msk [tilespmem:v62+s14+$0x0], $0xffff;
	[tilespmem:v45+s17+$0x0] =	vst.idx.msk $0xffff, v28  }
0x2ed: {  	v33 =	vld.idx.msk [tilespmem:v47+s14+$0x0], $0xffff  }
0x2ee: {  	[tilespmem:v43+s17+$0x0] =	vst.idx.msk $0xffff, v29;
	v17 =	vld [tilespmem:$0x1FFB0];
	v59 =	vor.u32 v15, v0  }
0x2ef: {  	v62 =	vor.u32 v15, v4;
	v43 =	vor.u32 v15, v5;
	v47 =	vor.u32 v15, v6;
	v15 =	vld [tilespmem:$0x1FFA0];
	_ =	sdelay $0x4  }
0x2f0: {  	v17 =	vcombine.low v15, v17;
	v15 =	vld [tilespmem:$0x1FAA0];
	_ =	sdelay $0x3  }
0x2f1: {  	v26 =	vld.idx.msk [tilespmem:v42+s14+$0x0], $0xffff  }
0x2f2: {  	v49 =	vor.u32 v15, v0;
	v15 =	vld [tilespmem:$0x1FAA0];
	_ =	sdelay $0x3  }
0x2f3: {  	v30 =	vld.idx.msk [tilespmem:v44+s14+$0x0], $0xffff  }
0x2f4: {  	[tilespmem:v51+s17+$0x0] =	vst.idx.msk $0xffff, v26;
	v51 =	vor.u32 v15, v4;
	v15 =	vld [tilespmem:$0x1FAA0];
	_ =	sdelay $0x2  }
0x2f5: {  	v26 =	vld.idx.msk [tilespmem:v52+s14+$0x0], $0xffff  }
0x2f6: {  	v61 =	vor.u32 v63, v1  }
0x2f7: {  	[tilespmem:v53+s17+$0x0] =	vst.idx.msk $0xffff, v30;
	v53 =	vor.u32 v15, v5;
	v15 =	vld [tilespmem:$0x1FAA0];
	_ =	sdelay $0x1  }
0x2f8: {  	[tilespmem:v48+s17+$0x0] =	vst.idx.msk $0xffff, v35  }
0x2f9: {  	v36 =	vld.idx.msk [tilespmem:v50+s14+$0x0], $0xffff;
	[tilespmem:v59+s17+$0x0] =	vst.idx.msk $0xffff, v26  }
0x2fa: {  	v27 =	vld.idx.msk [tilespmem:v61+s14+$0x0], $0xffff  }
0x2fb: {  	[tilespmem:v55+s17+$0x0] =	vst.idx.msk $0xffff, v33;
	v55 =	vor.u32 v15, v6;
	v15 =	vld [tilespmem:$0x1FAB0];
	_ =	sdelay $0x1  }
0x2fc: {  	v28 =	vld.idx.msk [tilespmem:v54+s14+$0x0], $0xffff  }
0x2fd: {  	v34 =	vld.idx.msk [tilespmem:v56+s14+$0x0], $0xffff;
	[tilespmem:v57+s17+$0x0] =	vst.idx.msk $0xffff, v36;
	v42 =	vor.u32 v63, v7;
	v50 =	vor.u32 v17, v1  }
0x2fe: {  	[tilespmem:$0x1F5D0] =	vst v17;
	v52 =	vor.u32 v17, v7;
	v54 =	vor.u32 v17, v8;
	v56 =	vor.u32 v17, v9  }
0x2ff: {  	v45 =	vld.idx.msk [tilespmem:v58+s14+$0x0], $0xffff;
	v17 =	vcombine.low v2, v3;
	[tilespmem:v49+s17+$0x0] =	vst.idx.msk $0xffff, v27;
	v3 =	vor.u32 v15, v0  }
0x300: {  	v59 =	vor.u32 v15, v4;
	v25 =	vor.u32 v15, v5;
	v27 =	vor.u32 v15, v6;
	v15 =	vld [tilespmem:$0x1FAC0]  }
0x301: {  	v44 =	vor.u32 v63, v8;
	[tilespmem:v62+s17+$0x0] =	vst.idx.msk $0xffff, v28  }
0x302: {  	v48 =	vor.u32 v63, v9;
	v30 =	vld.idx.msk [tilespmem:v42+s14+$0x0], $0xffff;
	_ =	sdelay $0x1  }
0x303: {  	[tilespmem:v43+s17+$0x0] =	vst.idx.msk $0xffff, v34;
	v57 =	vld.idx.msk [tilespmem:v50+s14+$0x0], $0xffff  }
0x304: {  	[tilespmem:v47+s17+$0x0] =	vst.idx.msk $0xffff, v45;
	v45 =	vor.u32 v15, v4;
	v15 =	vld [tilespmem:$0x1FAC0]  }
0x305: {  	v35 =	vld.idx.msk [tilespmem:v44+s14+$0x0], $0xffff  }
0x306: {  	v38 =	vld.idx.msk [tilespmem:v48+s14+$0x0], $0xffff;
	[tilespmem:v51+s17+$0x0] =	vst.idx.msk $0xffff, v30  }
0x307: {  	v30 =	vld.idx.msk [tilespmem:v52+s14+$0x0], $0xffff  }
0x308: {  	v58 =	vor.u32 v17, v1;
	[tilespmem:v3+s17+$0x0] =	vst.idx.msk $0xffff, v57;
	v3 =	vld [tilespmem:$0x1FAC0]  }
0x309: {  	v49 =	vor.u32 v15, v5;
	v15 =	vld [tilespmem:$0x1FAC0]  }
0x30a: {  	v24 =	vor.u32 v17, v7;
	[tilespmem:v53+s17+$0x0] =	vst.idx.msk $0xffff, v35  }
0x30b: {  	v35 =	vld.idx.msk [tilespmem:v54+s14+$0x0], $0xffff;
	[tilespmem:v55+s17+$0x0] =	vst.idx.msk $0xffff, v38  }
0x30c: {  	v62 =	vcombine.low v10, v11;
	v38 =	vld.idx.msk [tilespmem:v56+s14+$0x0], $0xffff  }
0x30d: {  	v26 =	vor.u32 v17, v8;
	v2 =	vld.idx.msk [tilespmem:v58+s14+$0x0], $0xffff;
	v3 =	vor.u32 v3, v0  }
0x30e: {  	v10 =	vor.u32 v62, v1;
	[tilespmem:v59+s17+$0x0] =	vst.idx.msk $0xffff, v30;
	v52 =	vor.u32 v15, v6;
	v15 =	vld [tilespmem:$0x1FAD0]  }
0x30f: {  	v44 =	vor.u32 v17, v9;
	v11 =	vld.idx.msk [tilespmem:v24+s14+$0x0], $0xffff  }
0x310: {  	v47 =	vor.u32 v62, v7  }
0x311: {  	v41 =	vld [tilespmem:$0x1FB00];
	[tilespmem:v25+s17+$0x0] =	vst.idx.msk $0xffff, v35  }
0x312: {  	v48 =	vld.idx.msk [tilespmem:v26+s14+$0x0], $0xffff;
	[tilespmem:v3+s17+$0x0] =	vst.idx.msk $0xffff, v2  }
0x313: {  	[tilespmem:v27+s17+$0x0] =	vst.idx.msk $0xffff, v38;
	v2 =	vld.idx.msk [tilespmem:v10+s14+$0x0], $0xffff;
	v3 =	vor.u32 v15, v0  }
0x314: {  	v50 =	vor.u32 v62, v8;
	v51 =	vld.idx.msk [tilespmem:v44+s14+$0x0], $0xffff;
	[tilespmem:v45+s17+$0x0] =	vst.idx.msk $0xffff, v11  }
0x315: {  	[tilespmem:$0x1F540] =	vst v17;
	v17 =	vcombine.low v12, v13;
	v11 =	vld.idx.msk [tilespmem:v47+s14+$0x0], $0xffff;
	v12 =	vor.u32 v15, v4  }
0x316: {  	v20 =	vld [tilespmem:$0x1FD20];
	v53 =	vor.u32 v62, v9  }
0x317: {  	[tilespmem:v49+s17+$0x0] =	vst.idx.msk $0xffff, v48;
	v55 =	vor.u32 v15, v5;
	v58 =	vor.u32 v15, v6;
	v15 =	vld [tilespmem:$0x1FAE0]  }
0x318: {  	v10 =	vor.u32 v17, v1;
	[tilespmem:v3+s17+$0x0] =	vst.idx.msk $0xffff, v2;
	v3 =	vld [tilespmem:$0x1FAE0]  }
0x319: {  	v54 =	vld.idx.msk [tilespmem:v50+s14+$0x0], $0xffff;
	[tilespmem:v52+s17+$0x0] =	vst.idx.msk $0xffff, v51  }
0x31a: {  	v13 =	vor.u32 v17, v7;
	[tilespmem:v12+s17+$0x0] =	vst.idx.msk $0xffff, v11;
	v12 =	vld [tilespmem:$0x1FAE0]  }
0x31b: {  	v57 =	vld.idx.msk [tilespmem:v53+s14+$0x0], $0xffff  }
0x31c: {  	v61 =	vcombine.low v14, v16;
	v56 =	vor.u32 v17, v8;
	v16 =	vor.u32 v15, v5;
	v15 =	vld [tilespmem:$0x1FAE0]  }
0x31d: {  	v59 =	vor.u32 v17, v9;
	v2 =	vld.idx.msk [tilespmem:v10+s14+$0x0], $0xffff;
	v3 =	vor.u32 v3, v0  }
0x31e: {  	[tilespmem:$0x1F5F0] =	vst v17;
	v17 =	vld [tilespmem:$0x1FAF0];
	v10 =	vor.u32 v61, v1  }
0x31f: {  	v11 =	vld.idx.msk [tilespmem:v13+s14+$0x0], $0xffff;
	v12 =	vor.u32 v12, v4  }
0x320: {  	v18 =	vld [tilespmem:$0x1FD00];
	[tilespmem:v55+s17+$0x0] =	vst.idx.msk $0xffff, v54;
	v13 =	vor.u32 v61, v7  }
0x321: {  	v14 =	vld.idx.msk [tilespmem:v56+s14+$0x0], $0xffff;
	[tilespmem:v58+s17+$0x0] =	vst.idx.msk $0xffff, v57  }
0x322: {  	v25 =	vld.idx.msk [tilespmem:v59+s14+$0x0], $0xffff;
	v26 =	vor.u32 v15, v6;
	v15 =	vcombine.low v31, v32;
	[tilespmem:v3+s17+$0x0] =	vst.idx.msk $0xffff, v2  }
0x323: {  	v27 =	vor.u32 v61, v9;
	v3 =	vor.u32 v17, v0;
	v2 =	vld.idx.msk [tilespmem:v10+s14+$0x0], $0xffff  }
0x324: {  	v19 =	vld [tilespmem:$0x1FD10];
	[tilespmem:v12+s17+$0x0] =	vst.idx.msk $0xffff, v11;
	v10 =	vor.u32 v15, v1  }
0x325: {  	v12 =	vor.u32 v17, v4;
	v11 =	vld.idx.msk [tilespmem:v13+s14+$0x0], $0xffff  }
0x326: {  	v44 =	vld [tilespmem:$0x1FB00];
	[tilespmem:v16+s17+$0x0] =	vst.idx.msk $0xffff, v14;
	v13 =	vor.u32 v15, v7  }
0x327: {  	v29 =	vor.u32 v17, v6;
	v16 =	vor.u32 v17, v5;
	[tilespmem:v26+s17+$0x0] =	vst.idx.msk $0xffff, v25;
	v17 =	vld [tilespmem:$0x1FCF0]  }
0x328: {  	v43 =	vlaneseq.u32;
	v42 =	vor.u32 v41, v0;
	v24 =	vor.u32 v61, v8;
	v28 =	vld.idx.msk [tilespmem:v27+s14+$0x0], $0xffff;
	[tilespmem:v3+s17+$0x0] =	vst.idx.msk $0xffff, v2  }
0x329: {  	[tilespmem:$0x1F610] =	vst v15;
	v32 =	vor.u32 v15, v8;
	v40 =	vor.u32 v15, v9;
	v15 =	vor.u32 $0x20, v43;
	v10 =	vld.idx.msk [tilespmem:v10+s14+$0x0], $0xffff  }
0x32a: {  	v56 =	vld [tilespmem:$0x1FB10];
	[tilespmem:v12+s17+$0x0] =	vst.idx.msk $0xffff, v11;
	v11 =	vor.u32 v15, v1  }
0x32b: {  	v12 =	vld.idx.msk [tilespmem:v13+s14+$0x0], $0xffff;
	v13 =	vor.u32 v44, v4;
	_ =	sdelay $0x1  }
0x32c: {  	v45 =	vld [tilespmem:$0x1FB00];
	[tilespmem:v29+s17+$0x0] =	vst.idx.msk $0xffff, v28;
	v28 =	vsel vm0, v18, v17;
	v3 =	vsel vm0, v20, v19  }
0x32d: {  	v14 =	vld.idx.msk [tilespmem:v24+s14+$0x0], $0xffff;
	v54 =	vcombine.low v3, v28;
	[tilespmem:v42+s17+$0x0] =	vst.idx.msk $0xffff, v10  }
0x32e: {  	v57 =	vor.u32 v56, v0;
	v37 =	vld.idx.msk [tilespmem:v11+s14+$0x0], $0xffff  }
0x32f: {  	[tilespmem:v13+s17+$0x0] =	vst.idx.msk $0xffff, v12;
	v12 =	vor.u32 v54, v1;
	_ =	sdelay $0x2  }
0x330: {  	v49 =	vld [tilespmem:$0x1FB00];
	[tilespmem:v16+s17+$0x0] =	vst.idx.msk $0xffff, v14  }
0x331: {  	v47 =	vor.u32 v45, v5;
	v16 =	vld.idx.msk [tilespmem:v32+s14+$0x0], $0xffff;
	[tilespmem:v57+s17+$0x0] =	vst.idx.msk $0xffff, v37  }
0x332: {  	v48 =	vor.u32 v15, v8;
	v37 =	vld.idx.msk [tilespmem:v12+s14+$0x0], $0xffff  }
0x333: {  	v12 =	vld [tilespmem:$0x1FB20]  }
0x334: {  	v22 =	vld [tilespmem:$0x1FD40]  }
0x335: {  	[tilespmem:$0x1F590] =	vst v21;
	v21 =	vld [tilespmem:$0x1FD30]  }
0x336: {  	v50 =	vor.u32 v49, v6;
	v34 =	vld.idx.msk [tilespmem:v40+s14+$0x0], $0xffff;
	[tilespmem:v47+s17+$0x0] =	vst.idx.msk $0xffff, v16  }
0x337: {  	v51 =	vor.u32 v15, v9;
	v32 =	vld.idx.msk [tilespmem:v48+s14+$0x0], $0xffff  }
0x338: {  	v48 =	vor.u32 v12, v0;
	v12 =	vld [tilespmem:$0x1FB20]  }
0x339: {  	v23 =	vld [tilespmem:$0x1FD50];
	v14 =	vor.u32 v15, v7  }
0x33a: {  	v24 =	vld [tilespmem:$0x1FD60]  }
0x33b: {  	v25 =	vld [tilespmem:$0x1FD70];
	[tilespmem:v50+s17+$0x0] =	vst.idx.msk $0xffff, v34  }
0x33c: {  	v29 =	vor.u32 v56, v6;
	v35 =	vld.idx.msk [tilespmem:v51+s14+$0x0], $0xffff  }
0x33d: {  	v42 =	vor.u32 v12, v4;
	v12 =	vld [tilespmem:$0x1FB20]  }
0x33e: {  	v13 =	vld.idx.msk [tilespmem:v14+s14+$0x0], $0xffff;
	v14 =	vor.u32 v56, v4  }
0x33f: {  	v26 =	vld [tilespmem:$0x1FD80];
	v16 =	vor.u32 v54, v7  }
0x340: {  	v27 =	vld [tilespmem:$0x1FD90]  }
0x341: {  	[tilespmem:v29+s17+$0x0] =	vst.idx.msk $0xffff, v35;
	v29 =	vld [tilespmem:$0x1FDA0]  }
0x342: {  	v10 =	vsel vm0, v22, v21;
	v11 =	vsel vm0, v24, v23;
	v50 =	vor.u32 v12, v5;
	v12 =	vld [tilespmem:$0x1FB20]  }
0x343: {  	v47 =	vcombine.low v11, v10;
	[tilespmem:v14+s17+$0x0] =	vst.idx.msk $0xffff, v13  }
0x344: {  	v45 =	vor.u32 v54, v9;
	v16 =	vld.idx.msk [tilespmem:v16+s14+$0x0], $0xffff  }
0x345: {  	v58 =	vor.u32 v56, v5;
	v49 =	vor.u32 v47, v7;
	_ =	sdelay $0x1  }
0x346: {  	v13 =	vsel vm0, v29, v27;
	v52 =	vor.u32 v12, v6;
	v12 =	vsel vm0, v26, v25  }
0x347: {  	[tilespmem:$0x1F630] =	vst v15;
	v15 =	vcombine.low v13, v12  }
0x348: {  	v38 =	vld.idx.msk [tilespmem:v45+s14+$0x0], $0xffff;
	[tilespmem:v42+s17+$0x0] =	vst.idx.msk $0xffff, v16  }
0x349: {  	[tilespmem:v58+s17+$0x0] =	vst.idx.msk $0xffff, v32;
	v32 =	vld.idx.msk [tilespmem:v49+s14+$0x0], $0xffff;
	v42 =	vor.u32 v15, v1  }
0x34a: {  	[tilespmem:$0x1F650] =	vst v15;
	v31 =	vor.u32 v15, v7;
	v49 =	vor.u32 v15, v8;
	v45 =	vor.u32 v15, v9;
	v15 =	vld [tilespmem:$0x1FB40]  }
0x34b: {  	v59 =	vor.u32 v54, v8;
	_ =	sdelay $0x1  }
0x34c: {  	v36 =	vld [tilespmem:$0x1FDB0]  }
0x34d: {  	v53 =	vld [tilespmem:$0x1FB30];
	v14 =	vor.u32 v47, v1  }
0x34e: {  	[tilespmem:v52+s17+$0x0] =	vst.idx.msk $0xffff, v38;
	v52 =	vor.u32 v15, v0;
	v15 =	vld [tilespmem:$0x1FB40]  }
0x34f: {  	v33 =	vld.idx.msk [tilespmem:v59+s14+$0x0], $0xffff  }
0x350: {  	v2 =	vld [tilespmem:$0x1FDE0];
	v51 =	vor.u32 v47, v8  }
0x351: {  	v58 =	vld [tilespmem:$0x1FDC0];
	v43 =	vor.u32 v47, v9;
	[tilespmem:v48+s17+$0x0] =	vst.idx.msk $0xffff, v37  }
0x352: {  	v37 =	vld.idx.msk [tilespmem:v14+s14+$0x0], $0xffff  }
0x353: {  	v55 =	vor.u32 v53, v0;
	[tilespmem:$0x1F620] =	vst v47;
	v47 =	vor.u32 v15, v4;
	v15 =	vld [tilespmem:$0x1FB40]  }
0x354: {  	v44 =	vor.u32 v53, v4;
	v59 =	vld [tilespmem:$0x1FDD0];
	[tilespmem:v50+s17+$0x0] =	vst.idx.msk $0xffff, v33  }
0x355: {  	v48 =	vor.u32 v53, v5;
	v34 =	vld.idx.msk [tilespmem:v51+s14+$0x0], $0xffff  }
0x356: {  	v50 =	vor.u32 v53, v6;
	v40 =	vld.idx.msk [tilespmem:v43+s14+$0x0], $0xffff;
	_ =	sdelay $0x1  }
0x357: {  	[tilespmem:v55+s17+$0x0] =	vst.idx.msk $0xffff, v37;
	v57 =	vor.u32 v15, v5;
	v15 =	vld [tilespmem:$0x1FB40]  }
0x358: {  	[tilespmem:v44+s17+$0x0] =	vst.idx.msk $0xffff, v32;
	v37 =	vld.idx.msk [tilespmem:v42+s14+$0x0], $0xffff  }
0x359: {  	v14 =	vsel vm0, v58, v36;
	v16 =	vsel vm0, v2, v59;
	[tilespmem:v48+s17+$0x0] =	vst.idx.msk $0xffff, v34;
	v44 =	vld.idx.msk [tilespmem:v31+s14+$0x0], $0xffff  }
0x35a: {  	v53 =	vcombine.low v16, v14;
	v35 =	vld.idx.msk [tilespmem:v49+s14+$0x0], $0xffff;
	[tilespmem:v50+s17+$0x0] =	vst.idx.msk $0xffff, v40  }
0x35b: {  	v43 =	vld.idx.msk [tilespmem:v45+s14+$0x0], $0xffff  }
0x35c: {  	v55 =	vor.u32 v53, v1;
	v45 =	vor.u32 v15, v6;
	v15 =	vld [tilespmem:$0x1FB50]  }
0x35d: {  	v56 =	vor.u32 v53, v7  }
0x35e: {  	v33 =	vsel vm0, v17, v20;
	v32 =	vsel vm0, v19, v18;
	v40 =	vor.u32 v53, v8  }
0x35f: {  	v41 =	vcombine.low v33, v32;
	[tilespmem:v52+s17+$0x0] =	vst.idx.msk $0xffff, v37  }
0x360: {  	v48 =	vor.u32 v53, v9;
	v34 =	vsel vm0, v23, v22;
	[tilespmem:v47+s17+$0x0] =	vst.idx.msk $0xffff, v44  }
0x361: {  	v37 =	vld.idx.msk [tilespmem:v55+s14+$0x0], $0xffff;
	v55 =	vor.u32 v41, v1;
	[tilespmem:v57+s17+$0x0] =	vst.idx.msk $0xffff, v35;
	v52 =	vor.u32 v15, v0  }
0x362: {  	v44 =	vld.idx.msk [tilespmem:v56+s14+$0x0], $0xffff;
	v57 =	vor.u32 v41, v7;
	v35 =	vsel vm0, v21, v24;
	v56 =	vor.u32 v15, v4  }
0x363: {  	v40 =	vld.idx.msk [tilespmem:v40+s14+$0x0], $0xffff;
	v49 =	vor.u32 v15, v5;
	v31 =	vor.u32 v15, v6;
	v15 =	vcombine.low v35, v34  }
0x364: {  	v30 =	vor.u32 v41, v8;
	[tilespmem:v45+s17+$0x0] =	vst.idx.msk $0xffff, v43  }
0x365: {  	[tilespmem:$0x1F680] =	vst v15  }
0x366: {  	v45 =	vld.idx.msk [tilespmem:v48+s14+$0x0], $0xffff;
	[tilespmem:v52+s17+$0x0] =	vst.idx.msk $0xffff, v37  }
0x367: {  	[tilespmem:v56+s17+$0x0] =	vst.idx.msk $0xffff, v44;
	v39 =	vld.idx.msk [tilespmem:v55+s14+$0x0], $0xffff  }
0x368: {  	v47 =	vld.idx.msk [tilespmem:v57+s14+$0x0], $0xffff;
	[tilespmem:v49+s17+$0x0] =	vst.idx.msk $0xffff, v40  }
0x369: {  	v42 =	vor.u32 v60, v0;
	v52 =	vor.u32 v15, v1;
	v43 =	vld.idx.msk [tilespmem:v30+s14+$0x0], $0xffff  }
0x36a: {  	v55 =	vor.u32 v15, v7;
	v57 =	vor.u32 v15, v9;
	v30 =	vor.u32 v15, v8;
	v15 =	vld [tilespmem:$0x1FB70];
	_ =	sdelay $0x4  }
0x36b: {  	[tilespmem:v42+s17+$0x0] =	vst.idx.msk $0xffff, v39;
	v42 =	vor.u32 v15, v0;
	v15 =	vld [tilespmem:$0x1FB70];
	_ =	sdelay $0x3  }
0x36c: {  	v24 =	vor.u32 v60, v5;
	v56 =	vor.u32 v60, v4  }
0x36d: {  	[tilespmem:v31+s17+$0x0] =	vst.idx.msk $0xffff, v45;
	v31 =	vor.u32 v60, v6;
	v60 =	vor.u32 v15, v4;
	v15 =	vld [tilespmem:$0x1FB70];
	_ =	sdelay $0x4  }
0x36e: {  	v38 =	vsel vm0, v25, v29;
	v25 =	vor.u32 v15, v5;
	v15 =	vld [tilespmem:$0x1FB70];
	_ =	sdelay $0x4  }
0x36f: {  	v37 =	vsel vm0, v27, v26;
	v27 =	vor.u32 v15, v6;
	v15 =	vld [tilespmem:$0x1FB80];
	_ =	sdelay $0x2  }
0x370: {  	v50 =	vor.u32 v41, v9;
	[tilespmem:v24+s17+$0x0] =	vst.idx.msk $0xffff, v43  }
0x371: {  	v45 =	vld.idx.msk [tilespmem:v30+s14+$0x0], $0xffff  }
0x372: {  	v30 =	vsel vm0, v36, v2;
	v36 =	vor.u32 v15, v0;
	v15 =	vld [tilespmem:$0x1FB80];
	_ =	sdelay $0x2  }
0x373: {  	v48 =	vld.idx.msk [tilespmem:v50+s14+$0x0], $0xffff;
	[tilespmem:v56+s17+$0x0] =	vst.idx.msk $0xffff, v47  }
0x374: {  	v40 =	vld.idx.msk [tilespmem:v55+s14+$0x0], $0xffff  }
0x375: {  	v55 =	vor.u32 v15, v4;
	v15 =	vld [tilespmem:$0x1FB80]  }
0x376: {  	v17 =	vcombine.low v38, v37  }
0x377: {  	v39 =	vld.idx.msk [tilespmem:v52+s14+$0x0], $0xffff  }
0x378: {  	v52 =	vor.u32 v17, v1;
	[tilespmem:v31+s17+$0x0] =	vst.idx.msk $0xffff, v48  }
0x379: {  	v50 =	vld.idx.msk [tilespmem:v57+s14+$0x0], $0xffff  }
0x37a: {  	[tilespmem:v25+s17+$0x0] =	vst.idx.msk $0xffff, v45;
	v25 =	vor.u32 v15, v5;
	v15 =	vld [tilespmem:$0x1FB80]  }
0x37b: {  	v29 =	vsel vm0, v59, v58;
	[tilespmem:$0x1F670] =	vst v17;
	v26 =	vor.u32 v17, v8;
	v24 =	vor.u32 v17, v7  }
0x37c: {  	v31 =	vor.u32 v17, v9;
	v17 =	vcombine.low v30, v29;
	[tilespmem:v42+s17+$0x0] =	vst.idx.msk $0xffff, v39  }
0x37d: {  	v39 =	vld.idx.msk [tilespmem:v52+s14+$0x0], $0xffff  }
0x37e: {  	v52 =	vor.u32 v17, v1  }
0x37f: {  	[tilespmem:v27+s17+$0x0] =	vst.idx.msk $0xffff, v50;
	v27 =	vor.u32 v15, v6;
	v15 =	vld [tilespmem:$0x1FB90]  }
0x380: {  	[tilespmem:v60+s17+$0x0] =	vst.idx.msk $0xffff, v40  }
0x381: {  	v43 =	vld.idx.msk [tilespmem:v24+s14+$0x0], $0xffff  }
0x382: {  	v24 =	vld.idx.msk [tilespmem:v26+s14+$0x0], $0xffff;
	[tilespmem:v36+s17+$0x0] =	vst.idx.msk $0xffff, v39  }
0x383: {  	v30 =	vld.idx.msk [tilespmem:v52+s14+$0x0], $0xffff  }
0x384: {  	v52 =	vor.u32 v15, v4;
	v15 =	vld [tilespmem:$0x1FB90];
	_ =	sdelay $0x1  }
0x385: {  	v29 =	vor.u32 v17, v9  }
0x386: {  	[tilespmem:$0x1F5A0] =	vst v17;
	v60 =	vor.u32 v17, v7;
	v26 =	vor.u32 v17, v8;
	v17 =	vcombine.low v28, v3;
	v3 =	vld [tilespmem:$0x1FB90]  }
0x387: {  	v50 =	vld.idx.msk [tilespmem:v31+s14+$0x0], $0xffff  }
0x388: {  	[tilespmem:v25+s17+$0x0] =	vst.idx.msk $0xffff, v24;
	v24 =	vor.u32 v15, v5;
	v15 =	vld [tilespmem:$0x1FB90];
	_ =	sdelay $0x2  }
0x389: {  	v3 =	vor.u32 v3, v0;
	[tilespmem:v55+s17+$0x0] =	vst.idx.msk $0xffff, v43  }
0x38a: {  	v31 =	vor.u32 v17, v1;
	v36 =	vld.idx.msk [tilespmem:v60+s14+$0x0], $0xffff  }
0x38b: {  	[tilespmem:v27+s17+$0x0] =	vst.idx.msk $0xffff, v50;
	v27 =	vor.u32 v15, v6;
	v15 =	vld [tilespmem:$0x1FBA0];
	_ =	sdelay $0x1  }
0x38c: {  	v55 =	vor.u32 v17, v7  }
0x38d: {  	[tilespmem:v3+s17+$0x0] =	vst.idx.msk $0xffff, v30;
	v60 =	vld.idx.msk [tilespmem:v26+s14+$0x0], $0xffff  }
0x38e: {  	v2 =	vld.idx.msk [tilespmem:v31+s14+$0x0], $0xffff;
	v25 =	vor.u32 v17, v8  }
0x38f: {  	v57 =	vcombine.low v10, v11;
	v26 =	vld.idx.msk [tilespmem:v29+s14+$0x0], $0xffff;
	[tilespmem:v52+s17+$0x0] =	vst.idx.msk $0xffff, v36;
	v3 =	vor.u32 v15, v0  }
0x390: {  	v29 =	vor.u32 v15, v4;
	v36 =	vor.u32 v15, v5;
	v56 =	vor.u32 v15, v6;
	v15 =	vld [tilespmem:$0x1FBB0]  }
0x391: {  	v11 =	vld.idx.msk [tilespmem:v55+s14+$0x0], $0xffff  }
0x392: {  	v10 =	vor.u32 v57, v1;
	[tilespmem:v24+s17+$0x0] =	vst.idx.msk $0xffff, v60;
	v60 =	vcombine.low v12, v13;
	v12 =	vld [tilespmem:$0x1FBB0]  }
0x393: {  	v30 =	vor.u32 v57, v7;
	v31 =	vld.idx.msk [tilespmem:v25+s14+$0x0], $0xffff  }
0x394: {  	v52 =	vor.u32 v57, v8;
	[tilespmem:v3+s17+$0x0] =	vst.idx.msk $0xffff, v2;
	v3 =	vld [tilespmem:$0x1FBB0]  }
0x395: {  	v24 =	vor.u32 v15, v5;
	v15 =	vld [tilespmem:$0x1FBB0];
	_ =	sdelay $0x1  }
0x396: {  	[tilespmem:v29+s17+$0x0] =	vst.idx.msk $0xffff, v11;
	v2 =	vld.idx.msk [tilespmem:v10+s14+$0x0], $0xffff  }
0x397: {  	v28 =	vor.u32 v17, v9;
	v12 =	vor.u32 v12, v4;
	[tilespmem:v36+s17+$0x0] =	vst.idx.msk $0xffff, v31;
	v11 =	vld.idx.msk [tilespmem:v30+s14+$0x0], $0xffff  }
0x398: {  	v13 =	vor.u32 v60, v7;
	v25 =	vor.u32 v60, v8;
	v59 =	vld.idx.msk [tilespmem:v52+s14+$0x0], $0xffff  }
0x399: {  	[tilespmem:v27+s17+$0x0] =	vst.idx.msk $0xffff, v26;
	v3 =	vor.u32 v3, v0;
	v27 =	vor.u32 v15, v6;
	v15 =	vld [tilespmem:$0x1FBC0];
	_ =	sdelay $0x1  }
0x39a: {  	[tilespmem:$0x1F690] =	vst v17;
	v10 =	vor.u32 v60, v1  }
0x39b: {  	v55 =	vld.idx.msk [tilespmem:v28+s14+$0x0], $0xffff;
	[tilespmem:v12+s17+$0x0] =	vst.idx.msk $0xffff, v11  }
0x39c: {  	v58 =	vor.u32 v57, v9;
	[tilespmem:v24+s17+$0x0] =	vst.idx.msk $0xffff, v59;
	v11 =	vld.idx.msk [tilespmem:v13+s14+$0x0], $0xffff  }
0x39d: {  	v17 =	vcombine.low v14, v16;
	v14 =	vld.idx.msk [tilespmem:v25+s14+$0x0], $0xffff;
	[tilespmem:v3+s17+$0x0] =	vst.idx.msk $0xffff, v2;
	v12 =	vor.u32 v15, v4  }
0x39e: {  	v3 =	vor.u32 v15, v0;
	v16 =	vor.u32 v15, v5;
	v31 =	vor.u32 v15, v6;
	v15 =	vld [tilespmem:$0x1FBD0]  }
0x39f: {  	v2 =	vld.idx.msk [tilespmem:v10+s14+$0x0], $0xffff  }
0x3a0: {  	[tilespmem:v56+s17+$0x0] =	vst.idx.msk $0xffff, v55  }
0x3a1: {  	v26 =	vld.idx.msk [tilespmem:v58+s14+$0x0], $0xffff  }
0x3a2: {  	v13 =	vor.u32 v17, v7;
	[tilespmem:v12+s17+$0x0] =	vst.idx.msk $0xffff, v11;
	v12 =	vld [tilespmem:$0x1FBD0]  }
0x3a3: {  	v10 =	vor.u32 v17, v1;
	[tilespmem:v16+s17+$0x0] =	vst.idx.msk $0xffff, v14;
	v16 =	vor.u32 v15, v5;
	v15 =	vld [tilespmem:$0x1FBD0]  }
0x3a4: {  	[tilespmem:v3+s17+$0x0] =	vst.idx.msk $0xffff, v2;
	v3 =	vld [tilespmem:$0x1FBD0]  }
0x3a5: {  	v28 =	vor.u32 v60, v9  }
0x3a6: {  	v29 =	vor.u32 v17, v8  }
0x3a7: {  	[tilespmem:$0x1F6B0] =	vst v17;
	v36 =	vor.u32 v17, v9;
	v17 =	vcombine.low v32, v33;
	v11 =	vld.idx.msk [tilespmem:v13+s14+$0x0], $0xffff  }
0x3a8: {  	[tilespmem:v27+s17+$0x0] =	vst.idx.msk $0xffff, v26;
	v2 =	vld.idx.msk [tilespmem:v10+s14+$0x0], $0xffff;
	v12 =	vor.u32 v12, v4  }
0x3a9: {  	v13 =	vor.u32 v17, v7;
	v47 =	vor.u32 v15, v6;
	v15 =	vld [tilespmem:$0x1FBE0];
	v3 =	vor.u32 v3, v0  }
0x3aa: {  	v30 =	vld.idx.msk [tilespmem:v28+s14+$0x0], $0xffff;
	v10 =	vor.u32 v17, v1  }
0x3ab: {  	v14 =	vld.idx.msk [tilespmem:v29+s14+$0x0], $0xffff  }
0x3ac: {  	v32 =	vor.u32 v17, v8  }
0x3ad: {  	v19 =	vld [tilespmem:$0x1FDF0];
	[tilespmem:v12+s17+$0x0] =	vst.idx.msk $0xffff, v11  }
0x3ae: {  	v12 =	vor.u32 v15, v4;
	[tilespmem:v3+s17+$0x0] =	vst.idx.msk $0xffff, v2;
	v11 =	vld.idx.msk [tilespmem:v13+s14+$0x0], $0xffff  }
0x3af: {  	[tilespmem:v31+s17+$0x0] =	vst.idx.msk $0xffff, v30;
	v3 =	vor.u32 v15, v0;
	v2 =	vld.idx.msk [tilespmem:v10+s14+$0x0], $0xffff  }
0x3b0: {  	v45 =	vld.idx.msk [tilespmem:v36+s14+$0x0], $0xffff;
	[tilespmem:v16+s17+$0x0] =	vst.idx.msk $0xffff, v14  }
0x3b1: {  	v55 =	vcombine.low v34, v35;
	v48 =	vor.u32 v17, v9;
	v14 =	vld.idx.msk [tilespmem:v32+s14+$0x0], $0xffff  }
0x3b2: {  	v16 =	vor.u32 v15, v5;
	v50 =	vor.u32 v15, v6;
	v15 =	vld [tilespmem:$0x1FBF0]  }
0x3b3: {  	v13 =	vor.u32 v55, v7;
	[tilespmem:v12+s17+$0x0] =	vst.idx.msk $0xffff, v11;
	v12 =	vld [tilespmem:$0x1FBF0]  }
0x3b4: {  	v10 =	vor.u32 v55, v1;
	[tilespmem:v3+s17+$0x0] =	vst.idx.msk $0xffff, v2;
	v3 =	vld [tilespmem:$0x1FBF0]  }
0x3b5: {  	v49 =	vor.u32 v55, v8;
	v32 =	vld [tilespmem:$0x1FC00];
	[tilespmem:v47+s17+$0x0] =	vst.idx.msk $0xffff, v45  }
0x3b6: {  	v33 =	vld.idx.msk [tilespmem:v48+s14+$0x0], $0xffff  }
0x3b7: {  	v52 =	vcombine.low v37, v38;
	[tilespmem:v16+s17+$0x0] =	vst.idx.msk $0xffff, v14;
	v16 =	vor.u32 v15, v5;
	v15 =	vld [tilespmem:$0x1FBF0]  }
0x3b8: {  	v35 =	vor.u32 v55, v9;
	v11 =	vld.idx.msk [tilespmem:v13+s14+$0x0], $0xffff;
	v12 =	vor.u32 v12, v4  }
0x3b9: {  	v13 =	vor.u32 v52, v7;
	v2 =	vld.idx.msk [tilespmem:v10+s14+$0x0], $0xffff;
	v3 =	vor.u32 v3, v0  }
0x3ba: {  	v14 =	vld.idx.msk [tilespmem:v49+s14+$0x0], $0xffff  }
0x3bb: {  	v20 =	vld [tilespmem:$0x1FE00]  }
0x3bc: {  	v21 =	vld [tilespmem:$0x1FE10];
	v51 =	vor.u32 v52, v8;
	[tilespmem:v50+s17+$0x0] =	vst.idx.msk $0xffff, v33  }
0x3bd: {  	v37 =	vor.u32 v52, v9;
	v59 =	vlaneseq.u32;
	v34 =	vld.idx.msk [tilespmem:v35+s14+$0x0], $0xffff;
	v56 =	vor.u32 v15, v6;
	[tilespmem:v12+s17+$0x0] =	vst.idx.msk $0xffff, v11  }
0x3be: {  	[tilespmem:v3+s17+$0x0] =	vst.idx.msk $0xffff, v2;
	v2 =	vor.u32 $0x30, v59;
	v12 =	vld.idx.msk [tilespmem:v13+s14+$0x0], $0xffff;
	v13 =	vor.u32 v32, v4  }
0x3bf: {  	v22 =	vld [tilespmem:$0x1FE20];
	[tilespmem:v16+s17+$0x0] =	vst.idx.msk $0xffff, v14;
	v14 =	vor.u32 v2, v7  }
0x3c0: {  	v23 =	vld [tilespmem:$0x1FE30]  }
0x3c1: {  	v10 =	vor.u32 v52, v1;
	v15 =	vld [tilespmem:$0x1FC10]  }
0x3c2: {  	v24 =	vor.u32 v32, v5;
	v16 =	vld.idx.msk [tilespmem:v51+s14+$0x0], $0xffff;
	[tilespmem:v56+s17+$0x0] =	vst.idx.msk $0xffff, v34  }
0x3c3: {  	v26 =	vor.u32 v32, v6;
	v35 =	vld.idx.msk [tilespmem:v37+s14+$0x0], $0xffff;
	[tilespmem:v13+s17+$0x0] =	vst.idx.msk $0xffff, v12  }
0x3c4: {  	v25 =	vor.u32 v2, v8;
	v13 =	vld.idx.msk [tilespmem:v14+s14+$0x0], $0xffff  }
0x3c5: {  	v14 =	vld [tilespmem:$0x1FC10]  }
0x3c6: {  	v58 =	vor.u32 v32, v0;
	v10 =	vld.idx.msk [tilespmem:v10+s14+$0x0], $0xffff  }
0x3c7: {  	[tilespmem:v24+s17+$0x0] =	vst.idx.msk $0xffff, v16;
	v24 =	vld [tilespmem:$0x1FE40];
	v11 =	vor.u32 v2, v1  }
0x3c8: {  	v30 =	vsel vm0, v20, v19;
	v29 =	vsel vm0, v22, v21;
	[tilespmem:v26+s17+$0x0] =	vst.idx.msk $0xffff, v35;
	v26 =	vld [tilespmem:$0x1FE60]  }
0x3c9: {  	v33 =	vcombine.low v29, v30;
	v39 =	vld.idx.msk [tilespmem:v25+s14+$0x0], $0xffff  }
0x3ca: {  	v25 =	vld [tilespmem:$0x1FE50];
	v14 =	vor.u32 v14, v4  }
0x3cb: {  	v28 =	vor.u32 v33, v7;
	[tilespmem:v58+s17+$0x0] =	vst.idx.msk $0xffff, v10;
	v58 =	vld [tilespmem:$0x1FC20]  }
0x3cc: {  	v10 =	vld.idx.msk [tilespmem:v11+s14+$0x0], $0xffff  }
0x3cd: {  	v11 =	vld [tilespmem:$0x1FC10];
	_ =	sdelay $0x1  }
0x3ce: {  	v31 =	vor.u32 v15, v5;
	[tilespmem:v14+s17+$0x0] =	vst.idx.msk $0xffff, v13  }
0x3cf: {  	v38 =	vor.u32 v58, v4;
	v13 =	vld.idx.msk [tilespmem:v28+s14+$0x0], $0xffff  }
0x3d0: {  	v36 =	vld [tilespmem:$0x1FE90];
	v27 =	vor.u32 v2, v9;
	v44 =	vsel vm0, v24, v23;
	v16 =	vsel vm0, v26, v25  }
0x3d1: {  	v15 =	vld [tilespmem:$0x1FC10];
	v11 =	vor.u32 v11, v0;
	v51 =	vcombine.low v16, v44  }
0x3d2: {  	v56 =	vld [tilespmem:$0x1FEA0];
	v12 =	vor.u32 v33, v1  }
0x3d3: {  	v59 =	vld [tilespmem:$0x1FEB0];
	[tilespmem:v31+s17+$0x0] =	vst.idx.msk $0xffff, v39;
	v39 =	vor.u32 v51, v7  }
0x3d4: {  	[tilespmem:v38+s17+$0x0] =	vst.idx.msk $0xffff, v13;
	v13 =	vld [tilespmem:$0x1FC30]  }
0x3d5: {  	v37 =	vld.idx.msk [tilespmem:v27+s14+$0x0], $0xffff  }
0x3d6: {  	v49 =	vor.u32 v15, v6;
	v27 =	vld [tilespmem:$0x1FE70];
	[tilespmem:v11+s17+$0x0] =	vst.idx.msk $0xffff, v10  }
0x3d7: {  	v11 =	vor.u32 v58, v0;
	v10 =	vld.idx.msk [tilespmem:v12+s14+$0x0], $0xffff  }
0x3d8: {  	v50 =	vor.u32 v33, v9;
	v38 =	vld.idx.msk [tilespmem:v39+s14+$0x0], $0xffff  }
0x3d9: {  	v39 =	vor.u32 v13, v4;
	v13 =	vld [tilespmem:$0x1FC30]  }
0x3da: {  	v28 =	vld [tilespmem:$0x1FE80]  }
0x3db: {  	v48 =	vor.u32 v33, v8;
	v3 =	vld [tilespmem:$0x1FEC0];
	[tilespmem:v49+s17+$0x0] =	vst.idx.msk $0xffff, v37  }
0x3dc: {  	v12 =	vor.u32 v51, v1;
	[tilespmem:v11+s17+$0x0] =	vst.idx.msk $0xffff, v10;
	v11 =	vld [tilespmem:$0x1FC30]  }
0x3dd: {  	v34 =	vor.u32 v58, v6;
	v40 =	vld.idx.msk [tilespmem:v50+s14+$0x0], $0xffff  }
0x3de: {  	v50 =	vor.u32 v13, v5;
	v13 =	vld [tilespmem:$0x1FC30]  }
0x3df: {  	[tilespmem:$0x1F700] =	vst v2;
	v2 =	vld [tilespmem:$0x1FED0];
	v14 =	vsel vm0, v56, v36;
	v45 =	vsel vm0, v28, v27  }
0x3e0: {  	v42 =	vld.idx.msk [tilespmem:v48+s14+$0x0], $0xffff;
	v15 =	vcombine.low v14, v45  }
0x3e1: {  	v10 =	vld.idx.msk [tilespmem:v12+s14+$0x0], $0xffff;
	v11 =	vor.u32 v11, v0  }
0x3e2: {  	[tilespmem:v34+s17+$0x0] =	vst.idx.msk $0xffff, v40;
	v34 =	vld [tilespmem:$0x1FC40];
	v12 =	vor.u32 v15, v1  }
0x3e3: {  	v47 =	vor.u32 v58, v5;
	v48 =	vor.u32 v13, v6;
	v13 =	vld [tilespmem:$0x1FEE0];
	_ =	sdelay $0x2  }
0x3e4: {  	[tilespmem:v11+s17+$0x0] =	vst.idx.msk $0xffff, v10  }
0x3e5: {  	v11 =	vor.u32 v34, v0;
	v10 =	vld.idx.msk [tilespmem:v12+s14+$0x0], $0xffff  }
0x3e6: {  	[tilespmem:v47+s17+$0x0] =	vst.idx.msk $0xffff, v42;
	v47 =	vsel vm0, v3, v59;
	v31 =	vsel vm0, v13, v2  }
0x3e7: {  	[tilespmem:$0x1F710] =	vst v51;
	v37 =	vor.u32 v51, v8;
	v35 =	vor.u32 v51, v9;
	v51 =	vcombine.low v31, v47;
	_ =	sdelay $0x1  }
0x3e8: {  	[tilespmem:v39+s17+$0x0] =	vst.idx.msk $0xffff, v38;
	v39 =	vor.u32 v51, v1  }
0x3e9: {  	[tilespmem:v11+s17+$0x0] =	vst.idx.msk $0xffff, v10;
	v11 =	vld [tilespmem:$0x1FC50];
	_ =	sdelay $0x2  }
0x3ea: {  	v43 =	vld.idx.msk [tilespmem:v35+s14+$0x0], $0xffff  }
0x3eb: {  	v10 =	vld.idx.msk [tilespmem:v39+s14+$0x0], $0xffff  }
0x3ec: {  	v39 =	vor.u32 v11, v0;
	v11 =	vld [tilespmem:$0x1FC50]  }
0x3ed: {  	v49 =	vld.idx.msk [tilespmem:v37+s14+$0x0], $0xffff  }
0x3ee: {  	v40 =	vor.u32 v15, v8  }
0x3ef: {  	[tilespmem:$0x1F6D0] =	vst v17;
	v17 =	vor.u32 v15, v9  }
0x3f0: {  	v42 =	vor.u32 v15, v7  }
0x3f1: {  	[tilespmem:v48+s17+$0x0] =	vst.idx.msk $0xffff, v43;
	v48 =	vsel vm0, v21, v20;
	v20 =	vor.u32 v11, v4;
	v11 =	vld [tilespmem:$0x1FC50]  }
0x3f2: {  	[tilespmem:v50+s17+$0x0] =	vst.idx.msk $0xffff, v49  }
0x3f3: {  	v50 =	vor.u32 v34, v5;
	v40 =	vld.idx.msk [tilespmem:v40+s14+$0x0], $0xffff  }
0x3f4: {  	[tilespmem:$0x1F730] =	vst v15;
	v15 =	vor.u32 v34, v6;
	v17 =	vld.idx.msk [tilespmem:v17+s14+$0x0], $0xffff;
	v43 =	vor.u32 v51, v8  }
0x3f5: {  	v18 =	vor.u32 v34, v4;
	v42 =	vld.idx.msk [tilespmem:v42+s14+$0x0], $0xffff;
	v12 =	vsel vm0, v19, v22;
	v19 =	vor.u32 v51, v9  }
0x3f6: {  	v38 =	vor.u32 v11, v5;
	v11 =	vld [tilespmem:$0x1FC50]  }
0x3f7: {  	v49 =	vor.u32 v51, v7  }
0x3f8: {  	[tilespmem:v50+s17+$0x0] =	vst.idx.msk $0xffff, v40  }
0x3f9: {  	v35 =	vcombine.low v12, v48;
	[tilespmem:v15+s17+$0x0] =	vst.idx.msk $0xffff, v17;
	v43 =	vld.idx.msk [tilespmem:v43+s14+$0x0], $0xffff  }
0x3fa: {  	[tilespmem:v18+s17+$0x0] =	vst.idx.msk $0xffff, v42;
	v17 =	vld.idx.msk [tilespmem:v19+s14+$0x0], $0xffff  }
0x3fb: {  	v15 =	vor.u32 v35, v8;
	[tilespmem:v39+s17+$0x0] =	vst.idx.msk $0xffff, v10;
	v10 =	vld [tilespmem:$0x1FC60];
	v19 =	vor.u32 v11, v6  }
0x3fc: {  	v18 =	vor.u32 v35, v1;
	v42 =	vld.idx.msk [tilespmem:v49+s14+$0x0], $0xffff;
	_ =	sdelay $0x1  }
0x3fd: {  	v37 =	vor.u32 v35, v7  }
0x3fe: {  	v21 =	vor.u32 v35, v9;
	v49 =	vsel vm0, v25, v24;
	[tilespmem:v38+s17+$0x0] =	vst.idx.msk $0xffff, v43  }
0x3ff: {  	v11 =	vsel vm0, v23, v26;
	v15 =	vld.idx.msk [tilespmem:v15+s14+$0x0], $0xffff;
	[tilespmem:v19+s17+$0x0] =	vst.idx.msk $0xffff, v17;
	v19 =	vor.u32 v10, v5  }
0x400: {  	v18 =	vld.idx.msk [tilespmem:v18+s14+$0x0], $0xffff;
	[tilespmem:v20+s17+$0x0] =	vst.idx.msk $0xffff, v42;
	v20 =	vor.u32 v10, v0;
	v25 =	vcombine.low v11, v49  }
0x401: {  	v50 =	vsel vm0, v36, v28;
	v28 =	vld [tilespmem:$0x1FC70]  }
0x402: {  	v22 =	vor.u32 v10, v4;
	v43 =	vld.idx.msk [tilespmem:v37+s14+$0x0], $0xffff;
	v42 =	vor.u32 v25, v1  }
0x403: {  	v17 =	vor.u32 v25, v7;
	v21 =	vld.idx.msk [tilespmem:v21+s14+$0x0], $0xffff  }
0x404: {  	v40 =	vor.u32 v10, v6;
	v23 =	vor.u32 v25, v8;
	[tilespmem:v19+s17+$0x0] =	vst.idx.msk $0xffff, v15;
	v19 =	vld [tilespmem:$0x1FC70]  }
0x405: {  	[tilespmem:v20+s17+$0x0] =	vst.idx.msk $0xffff, v18;
	v20 =	vld [tilespmem:$0x1FC70]  }
0x406: {  	v36 =	vor.u32 v28, v6;
	v28 =	vld [tilespmem:$0x1FC80];
	[tilespmem:$0x1F750] =	vst v25;
	v25 =	vor.u32 v25, v9  }
0x407: {  	v10 =	vsel vm0, v27, v56;
	[tilespmem:v22+s17+$0x0] =	vst.idx.msk $0xffff, v43;
	v18 =	vld.idx.msk [tilespmem:v42+s14+$0x0], $0xffff  }
0x408: {  	v37 =	vcombine.low v10, v50;
	v15 =	vld.idx.msk [tilespmem:v17+s14+$0x0], $0xffff  }
0x409: {  	[tilespmem:v40+s17+$0x0] =	vst.idx.msk $0xffff, v21;
	v21 =	vld.idx.msk [tilespmem:v23+s14+$0x0], $0xffff;
	v19 =	vor.u32 v19, v4  }
0x40a: {  	v20 =	vor.u32 v20, v0;
	v22 =	vor.u32 v37, v7;
	v23 =	vld [tilespmem:$0x1FC70]  }
0x40b: {  	v24 =	vld.idx.msk [tilespmem:v25+s14+$0x0], $0xffff  }
0x40c: {  	v40 =	vor.u32 v37, v9  }
0x40d: {  	v17 =	vor.u32 v37, v1  }
0x40e: {  	[tilespmem:v19+s17+$0x0] =	vst.idx.msk $0xffff, v15  }
0x40f: {  	v39 =	vsel vm0, v59, v13;
	[tilespmem:v20+s17+$0x0] =	vst.idx.msk $0xffff, v18;
	v20 =	vor.u32 v28, v4;
	v18 =	vld.idx.msk [tilespmem:v22+s14+$0x0], $0xffff  }
0x410: {  	v38 =	vsel vm0, v2, v3;
	v23 =	vor.u32 v23, v5;
	[tilespmem:v36+s17+$0x0] =	vst.idx.msk $0xffff, v24  }
0x411: {  	v59 =	vcombine.low v39, v38;
	v38 =	vor.u32 v28, v6;
	v25 =	vor.u32 v37, v8;
	v24 =	vld.idx.msk [tilespmem:v40+s14+$0x0], $0xffff  }
0x412: {  	v15 =	vld.idx.msk [tilespmem:v17+s14+$0x0], $0xffff;
	v17 =	vor.u32 v28, v0  }
0x413: {  	v3 =	vld [tilespmem:$0x1FC90];
	v19 =	vor.u32 v59, v1  }
0x414: {  	v22 =	vor.u32 v59, v7;
	[tilespmem:v20+s17+$0x0] =	vst.idx.msk $0xffff, v18;
	v18 =	vld [tilespmem:$0x1FC90]  }
0x415: {  	[tilespmem:v23+s17+$0x0] =	vst.idx.msk $0xffff, v21  }
0x416: {  	v21 =	vld.idx.msk [tilespmem:v25+s14+$0x0], $0xffff;
	[tilespmem:v38+s17+$0x0] =	vst.idx.msk $0xffff, v24  }
0x417: {  	v43 =	vcombine.low v30, v29;
	v23 =	vor.u32 v28, v5;
	v38 =	vld [tilespmem:$0x1FCA0];
	[tilespmem:v17+s17+$0x0] =	vst.idx.msk $0xffff, v15  }
0x418: {  	v3 =	vor.u32 v3, v0;
	v56 =	vld.idx.msk [tilespmem:v19+s14+$0x0], $0xffff  }
0x419: {  	v17 =	vor.u32 v43, v1;
	v15 =	vld.idx.msk [tilespmem:v22+s14+$0x0], $0xffff;
	v18 =	vor.u32 v18, v4;
	_ =	sdelay $0x2  }
0x41a: {  	v36 =	vor.u32 v59, v8;
	[tilespmem:v23+s17+$0x0] =	vst.idx.msk $0xffff, v21  }
0x41b: {  	v39 =	vor.u32 v59, v9;
	v21 =	vld [tilespmem:$0x1FC90];
	[tilespmem:v3+s17+$0x0] =	vst.idx.msk $0xffff, v56  }
0x41c: {  	v20 =	vor.u32 v43, v7;
	v3 =	vld.idx.msk [tilespmem:v17+s14+$0x0], $0xffff;
	[tilespmem:v18+s17+$0x0] =	vst.idx.msk $0xffff, v15;
	v15 =	vor.u32 v38, v0;
	_ =	sdelay $0x1  }
0x41d: {  	v28 =	vld [tilespmem:$0x1FC90]  }
0x41e: {  	s31 =	sor.u32 $0x40, s26;
	v19 =	vld.idx.msk [tilespmem:v36+s14+$0x0], $0xffff;
	v36 =	vlaneseq.u32  }
0x41f: {  	v22 =	vld.idx.msk [tilespmem:v39+s14+$0x0], $0xffff;
	v23 =	vor.u32 v43, v8;
	v39 =	vor.u32 s31, v36;
	v21 =	vor.u32 v21, v5  }
0x420: {  	v2 =	vshll.u32 v39, $0x6;
	v56 =	vcombine.low v44, v16;
	v16 =	vld.idx.msk [tilespmem:v20+s14+$0x0], $0xffff;
	[tilespmem:v15+s17+$0x0] =	vst.idx.msk $0xffff, v3;
	v3 =	vlaneseq.u32  }
0x421: {  	v13 =	vcombine.low v45, v14;
	v18 =	vor.u32 v38, v4;
	v14 =	vor.u32 v3, v2;
	v3 =	vld [tilespmem:$0x1FCB0]  }
0x422: {  	v24 =	vor.u32 v28, v6  }
0x423: {  	v29 =	vor.u32 v43, v9  }
0x424: {  	[tilespmem:v21+s17+$0x0] =	vst.idx.msk $0xffff, v19  }
0x425: {  	v19 =	vld.idx.msk [tilespmem:v23+s14+$0x0], $0xffff  }
0x426: {  	v21 =	vor.u32 v38, v5;
	[tilespmem:v18+s17+$0x0] =	vst.idx.msk $0xffff, v16;
	v16 =	vor.u32 v3, v0;
	v3 =	vld [tilespmem:$0x1FCB0]  }
0x427: {  	v45 =	vld [tilespmem:$0x1F7A0];
	[tilespmem:v24+s17+$0x0] =	vst.idx.msk $0xffff, v22;
	v17 =	vor.u32 v56, v1  }
0x428: {  	v30 =	vor.u32 v38, v6;
	v22 =	vld.idx.msk [tilespmem:v29+s14+$0x0], $0xffff;
	v20 =	vor.u32 v56, v7  }
0x429: {  	v36 =	vld [tilespmem:$0x1F7E0]  }
0x42a: {  	v29 =	vld [tilespmem:$0x1FCB0];
	v23 =	vor.u32 v56, v8  }
0x42b: {  	[tilespmem:v21+s17+$0x0] =	vst.idx.msk $0xffff, v19;
	v19 =	vor.u32 v3, v4;
	v3 =	vld [tilespmem:$0x1FCB0]  }
0x42c: {  	v40 =	vor.u32 v56, v9;
	v15 =	vld.idx.msk [tilespmem:v17+s14+$0x0], $0xffff  }
0x42d: {  	v42 =	vor.u32 v13, v8;
	[tilespmem:v30+s17+$0x0] =	vst.idx.msk $0xffff, v22;
	v17 =	vld.idx.msk [tilespmem:v20+s14+$0x0], $0xffff  }
0x42e: {  	[tilespmem:$0x1F780] =	vst v13;
	v30 =	vor.u32 v13, v9;
	v18 =	vor.u32 v13, v1;
	v21 =	vor.u32 v13, v7;
	v13 =	vld [tilespmem:$0x1F7B0]  }
0x42f: {  	v20 =	vld.idx.msk [tilespmem:v23+s14+$0x0], $0xffff  }
0x430: {  	v22 =	vor.u32 v3, v5;
	v3 =	vand.u32 $0xC8, v39;
	v39 =	vld [tilespmem:$0x1FCC0]  }
0x431: {  	v25 =	vor.u32 v29, v6;
	v23 =	vld.idx.msk [tilespmem:v40+s14+$0x0], $0xffff  }
0x432: {  	v14 =	vld.idx.msk [tilespmem:v14+s14+$0x0], $0xffff;
	v27 =	vor.u32 v45, v3  }
0x433: {  	v40 =	vld [tilespmem:$0x1F7D0];
	[tilespmem:v16+s17+$0x0] =	vst.idx.msk $0xffff, v15  }
0x434: {  	v13 =	vor.u32 v13, v2;
	v15 =	vld.idx.msk [tilespmem:v18+s14+$0x0], $0xffff;
	[tilespmem:v19+s17+$0x0] =	vst.idx.msk $0xffff, v17  }
0x435: {  	v47 =	vcombine.low v47, v31;
	v17 =	vld.idx.msk [tilespmem:v21+s14+$0x0], $0xffff;
	v16 =	vor.u32 v39, v0;
	[tilespmem:v22+s17+$0x0] =	vst.idx.msk $0xffff, v20  }
0x436: {  	[tilespmem:v25+s17+$0x0] =	vst.idx.msk $0xffff, v23;
	v19 =	vor.u32 v39, v4;
	v20 =	vld.idx.msk [tilespmem:v42+s14+$0x0], $0xffff  }
0x437: {  	v21 =	vor.u32 v47, v7;
	[tilespmem:v27+s17+$0x0] =	vst.idx.msk $0xffff, v14;
	v14 =	vld.idx.msk [tilespmem:v30+s14+$0x0], $0xffff  }
0x438: {  	v22 =	vor.u32 v39, v5;
	v30 =	vld [tilespmem:$0x1F7C0]  }
0x439: {  	v23 =	vor.u32 v47, v8;
	v28 =	vor.u32 v39, v6;
	v13 =	vld.idx.msk [tilespmem:v13+s14+$0x0], $0xffff  }
0x43a: {  	[tilespmem:v16+s17+$0x0] =	vst.idx.msk $0xffff, v15;
	v16 =	vld [tilespmem:$0x1FCD0]  }
0x43b: {  	v18 =	vor.u32 v47, v1;
	[tilespmem:v19+s17+$0x0] =	vst.idx.msk $0xffff, v17;
	v19 =	vld [tilespmem:$0x1FCD0]  }
0x43c: {  	v17 =	vld.idx.msk [tilespmem:v21+s14+$0x0], $0xffff  }
0x43d: {  	[tilespmem:v22+s17+$0x0] =	vst.idx.msk $0xffff, v20;
	v21 =	vld [tilespmem:$0x1FCD0]  }
0x43e: {  	[tilespmem:v28+s17+$0x0] =	vst.idx.msk $0xffff, v14;
	v14 =	vld.idx.msk [tilespmem:v23+s14+$0x0], $0xffff  }
0x43f: {  	v48 =	vcombine.low v48, v12;
	v29 =	vor.u32 v47, v9;
	v26 =	vor.u32 v30, v3;
	v23 =	vld [tilespmem:$0x1FCD0]  }
0x440: {  	v12 =	vor.u32 v40, v2;
	v15 =	vld.idx.msk [tilespmem:v18+s14+$0x0], $0xffff;
	v16 =	vor.u32 v16, v0  }
0x441: {  	v27 =	vld [tilespmem:$0x1FCE0];
	v18 =	vor.u32 v48, v1;
	v19 =	vor.u32 v19, v4  }
0x442: {  	v20 =	vor.u32 v48, v7;
	v21 =	vor.u32 v21, v5;
	_ =	sdelay $0x1  }
0x443: {  	v25 =	vor.u32 v36, v3;
	[tilespmem:v26+s17+$0x0] =	vst.idx.msk $0xffff, v13;
	v13 =	vld.idx.msk [tilespmem:v29+s14+$0x0], $0xffff;
	v23 =	vor.u32 v23, v6  }
0x444: {  	v36 =	vcombine.low v49, v11;
	v22 =	vor.u32 v48, v8;
	v12 =	vld.idx.msk [tilespmem:v12+s14+$0x0], $0xffff;
	[tilespmem:v16+s17+$0x0] =	vst.idx.msk $0xffff, v15  }
0x445: {  	v31 =	vor.u32 v48, v9;
	[tilespmem:v19+s17+$0x0] =	vst.idx.msk $0xffff, v17;
	v16 =	vor.u32 v27, v0;
	v15 =	vld.idx.msk [tilespmem:v18+s14+$0x0], $0xffff  }
0x446: {  	v17 =	vor.u32 v36, v1;
	[tilespmem:v21+s17+$0x0] =	vst.idx.msk $0xffff, v14;
	v14 =	vld.idx.msk [tilespmem:v20+s14+$0x0], $0xffff;
	v18 =	vor.u32 v27, v4;
	_ =	sdelay $0x1  }
0x447: {  	v11 =	vld [tilespmem:$0x1F7F0];
	[tilespmem:v23+s17+$0x0] =	vst.idx.msk $0xffff, v13  }
0x448: {  	v13 =	vld.idx.msk [tilespmem:v22+s14+$0x0], $0xffff;
	[tilespmem:v25+s17+$0x0] =	vst.idx.msk $0xffff, v12  }
0x449: {  	v12 =	vld.idx.msk [tilespmem:v31+s14+$0x0], $0xffff;
	[tilespmem:v16+s17+$0x0] =	vst.idx.msk $0xffff, v15  }
0x44a: {  	v20 =	vor.u32 v27, v5;
	[tilespmem:v18+s17+$0x0] =	vst.idx.msk $0xffff, v14;
	v14 =	vld.idx.msk [tilespmem:v17+s14+$0x0], $0xffff  }
0x44b: {  	v21 =	vor.u32 v36, v8;
	v22 =	vor.u32 v27, v6;
	v17 =	vld [tilespmem:$0x1FFD0];
	_ =	sdelay $0x2  }
0x44c: {  	v11 =	vor.u32 v11, v2;
	v42 =	vld [tilespmem:$0x1F800]  }
0x44d: {  	v15 =	vld [tilespmem:$0x1FFD0];
	[tilespmem:v20+s17+$0x0] =	vst.idx.msk $0xffff, v13  }
0x44e: {  	[tilespmem:v22+s17+$0x0] =	vst.idx.msk $0xffff, v12;
	v12 =	vld.idx.msk [tilespmem:v21+s14+$0x0], $0xffff;
	v17 =	vor.u32 v17, v5  }
0x44f: {  	v50 =	vcombine.low v50, v10;
	v10 =	vld [tilespmem:$0x1F810];
	v19 =	vor.u32 v36, v7  }
0x450: {  	v16 =	vld [tilespmem:$0x1FFD0]  }
0x451: {  	v24 =	vor.u32 v42, v3;
	v23 =	vor.u32 v36, v9;
	v11 =	vld.idx.msk [tilespmem:v11+s14+$0x0], $0xffff  }
0x452: {  	v18 =	vld [tilespmem:$0x1FFD0];
	v15 =	vor.u32 v15, v0  }
0x453: {  	[tilespmem:v17+s17+$0x0] =	vst.idx.msk $0xffff, v12;
	v12 =	vld [tilespmem:$0x1FFE0]  }
0x454: {  	v13 =	vld.idx.msk [tilespmem:v19+s14+$0x0], $0xffff  }
0x455: {  	v19 =	vld [tilespmem:$0x1F820];
	v16 =	vor.u32 v16, v4  }
0x456: {  	[tilespmem:v24+s17+$0x0] =	vst.idx.msk $0xffff, v11;
	v11 =	vld.idx.msk [tilespmem:v23+s14+$0x0], $0xffff  }
0x457: {  	v10 =	vor.u32 v10, v2;
	[tilespmem:v15+s17+$0x0] =	vst.idx.msk $0xffff, v14;
	v14 =	vld [tilespmem:$0x1F830]  }
0x458: {  	v18 =	vor.u32 v18, v6;
	v12 =	vor.u32 v12, v5;
	v5 =	vld [tilespmem:$0x1FFE0]  }
0x459: {  	v1 =	vor.u32 v50, v1;
	v15 =	vld [tilespmem:$0x1FFE0]  }
0x45a: {  	v7 =	vor.u32 v50, v7;
	[tilespmem:v16+s17+$0x0] =	vst.idx.msk $0xffff, v13;
	v13 =	vld [tilespmem:$0x1FFE0];
	_ =	sdelay $0x1  }
0x45b: {  	v8 =	vor.u32 v50, v8;
	v9 =	vor.u32 v50, v9;
	v10 =	vld.idx.msk [tilespmem:v10+s14+$0x0], $0xffff  }
0x45c: {  	v19 =	vor.u32 v19, v3;
	[tilespmem:v18+s17+$0x0] =	vst.idx.msk $0xffff, v11;
	v11 =	vor.u32 v5, v6;
	v5 =	vld [tilespmem:$0x1F840]  }
0x45d: {  	v1 =	vld.idx.msk [tilespmem:v1+s14+$0x0], $0xffff;
	v14 =	vor.u32 v14, v2;
	v0 =	vor.u32 v15, v0  }
0x45e: {  	v7 =	vld.idx.msk [tilespmem:v7+s14+$0x0], $0xffff;
	v4 =	vor.u32 v13, v4;
	_ =	sdelay $0x1  }
0x45f: {  	v9 =	vld.idx.msk [tilespmem:v9+s14+$0x0], $0xffff  }
0x460: {  	s29 =	sor.u32 $0x50, s26;
	[tilespmem:v19+s17+$0x0] =	vst.idx.msk $0xffff, v10;
	v8 =	vld.idx.msk [tilespmem:v8+s14+$0x0], $0xffff;
	v13 =	vor.u32 v5, v3;
	v5 =	vlaneseq.u32  }
0x461: {  	v10 =	vld.idx.msk [tilespmem:v14+s14+$0x0], $0xffff;
	[tilespmem:v0+s17+$0x0] =	vst.idx.msk $0xffff, v1;
	v14 =	vor.u32 s29, v5  }
0x462: {  	s30 =	sor.u32 $0x60, s26;
	[tilespmem:v4+s17+$0x0] =	vst.idx.msk $0xffff, v7;
	v4 =	vlaneseq.u32;
	v5 =	vlaneseq.u32;
	v0 =	vshll.u32 v14, $0x6  }
0x463: {  	s31 =	sor.u32 $0x70, s26;
	v24 =	vld [tilespmem:$0x1F7A0];
	v6 =	vlaneseq.u32;
	v15 =	vor.u32 s30, v5;
	v4 =	vor.u32 v4, v0  }
0x464: {  	v25 =	vld [tilespmem:$0x1F7B0];
	v7 =	vor.u32 s31, v6;
	v6 =	vlaneseq.u32;
	v5 =	vshll.u32 v15, $0x6  }
0x465: {  	[tilespmem:v12+s17+$0x0] =	vst.idx.msk $0xffff, v8;
	v8 =	vor.u32 v6, v5  }
0x466: {  	[tilespmem:v11+s17+$0x0] =	vst.idx.msk $0xffff, v9;
	v9 =	vlaneseq.u32;
	v6 =	vshll.u32 v7, $0x6  }
0x467: {  	v1 =	vand.u32 $0xD8, v14;
	v9 =	vor.u32 v9, v6  }
0x468: {  	v12 =	vor.u32 v24, v1;
	v11 =	vld.idx.msk [tilespmem:v4+s14+$0x0], $0xffff  }
0x469: {  	v26 =	vld [tilespmem:$0x1F7C0];
	[tilespmem:v13+s17+$0x0] =	vst.idx.msk $0xffff, v10;
	v13 =	vor.u32 v25, v0;
	v4 =	vand.u32 $0xE8, v15  }
0x46a: {  	v8 =	vld.idx.msk [tilespmem:v8+s14+$0x0], $0xffff;
	v14 =	vor.u32 v24, v4  }
0x46b: {  	v7 =	vand.u32 $0xF8, v7;
	v15 =	vor.u32 v25, v5  }
0x46c: {  	v16 =	vor.u32 v24, v7;
	v9 =	vld.idx.msk [tilespmem:v9+s14+$0x0], $0xffff  }
0x46d: {  	v20 =	vld [tilespmem:$0x1F7E0];
	[tilespmem:v12+s17+$0x0] =	vst.idx.msk $0xffff, v11  }
0x46e: {  	v17 =	vor.u32 v25, v6;
	v12 =	vor.u32 v26, v1;
	v11 =	vld.idx.msk [tilespmem:v13+s14+$0x0], $0xffff  }
0x46f: {  	v21 =	vld [tilespmem:$0x1F7F0];
	[tilespmem:v14+s17+$0x0] =	vst.idx.msk $0xffff, v8;
	v8 =	vor.u32 v40, v0  }
0x470: {  	v14 =	vor.u32 v26, v4;
	v13 =	vld.idx.msk [tilespmem:v15+s14+$0x0], $0xffff  }
0x471: {  	[tilespmem:v16+s17+$0x0] =	vst.idx.msk $0xffff, v9;
	v9 =	vor.u32 v40, v5  }
0x472: {  	v42 =	vld [tilespmem:$0x1F800]  }
0x473: {  	v16 =	vor.u32 v26, v7;
	v15 =	vld.idx.msk [tilespmem:v17+s14+$0x0], $0xffff;
	[tilespmem:v12+s17+$0x0] =	vst.idx.msk $0xffff, v11  }
0x474: {  	v17 =	vor.u32 v40, v6;
	v11 =	vor.u32 v20, v1;
	v8 =	vld.idx.msk [tilespmem:v8+s14+$0x0], $0xffff  }
0x475: {  	v23 =	vld [tilespmem:$0x1F810];
	v12 =	vor.u32 v21, v0;
	[tilespmem:v14+s17+$0x0] =	vst.idx.msk $0xffff, v13  }
0x476: {  	v13 =	vor.u32 v20, v4;
	v9 =	vld.idx.msk [tilespmem:v9+s14+$0x0], $0xffff;
	_ =	sdelay $0x1  }
0x477: {  	v14 =	vor.u32 v21, v5;
	[tilespmem:v16+s17+$0x0] =	vst.idx.msk $0xffff, v15  }
0x478: {  	v16 =	vor.u32 v20, v7;
	v15 =	vld.idx.msk [tilespmem:v17+s14+$0x0], $0xffff;
	[tilespmem:v11+s17+$0x0] =	vst.idx.msk $0xffff, v8  }
0x479: {  	v17 =	vor.u32 v21, v6;
	v11 =	vor.u32 v42, v1;
	v8 =	vld.idx.msk [tilespmem:v12+s14+$0x0], $0xffff  }
0x47a: {  	[tilespmem:v13+s17+$0x0] =	vst.idx.msk $0xffff, v9;
	v9 =	vor.u32 v23, v0;
	_ =	sdelay $0x1  }
0x47b: {  	v13 =	vor.u32 v42, v4;
	v12 =	vld.idx.msk [tilespmem:v14+s14+$0x0], $0xffff  }
0x47c: {  	[tilespmem:v16+s17+$0x0] =	vst.idx.msk $0xffff, v15  }
0x47d: {  	v14 =	vor.u32 v23, v5;
	v15 =	vld.idx.msk [tilespmem:v17+s14+$0x0], $0xffff;
	[tilespmem:v11+s17+$0x0] =	vst.idx.msk $0xffff, v8  }
0x47e: {  	v8 =	vld.idx.msk [tilespmem:v9+s14+$0x0], $0xffff  }
0x47f: {  	v9 =	vld [tilespmem:$0x1F820]  }
0x480: {  	v16 =	vor.u32 v42, v7;
	[tilespmem:v13+s17+$0x0] =	vst.idx.msk $0xffff, v12;
	v13 =	vld [tilespmem:$0x1F820]  }
0x481: {  	v17 =	vor.u32 v23, v6;
	v11 =	vld [tilespmem:$0x1F830]  }
0x482: {  	v12 =	vld.idx.msk [tilespmem:v14+s14+$0x0], $0xffff  }
0x483: {  	v14 =	vld [tilespmem:$0x1F830]  }
0x484: {  	v9 =	vor.u32 v9, v1  }
0x485: {  	[tilespmem:v16+s17+$0x0] =	vst.idx.msk $0xffff, v15;
	v16 =	vld [tilespmem:$0x1F820];
	v13 =	vor.u32 v13, v4  }
0x486: {  	v15 =	vld.idx.msk [tilespmem:v17+s14+$0x0], $0xffff;
	v11 =	vor.u32 v11, v0  }
0x487: {  	v17 =	vld [tilespmem:$0x1F830]  }
0x488: {  	v44 =	vld [tilespmem:$0x1F850];
	v14 =	vor.u32 v14, v5  }
0x489: {  	[tilespmem:v9+s17+$0x0] =	vst.idx.msk $0xffff, v8;
	v9 =	vld [tilespmem:$0x1F840]  }
0x48a: {  	[tilespmem:v13+s17+$0x0] =	vst.idx.msk $0xffff, v12;
	v13 =	vld [tilespmem:$0x1F840]  }
0x48b: {  	v16 =	vor.u32 v16, v7;
	v8 =	vld.idx.msk [tilespmem:v11+s14+$0x0], $0xffff  }
0x48c: {  	v17 =	vor.u32 v17, v6;
	v11 =	vld [tilespmem:$0x1F850]  }
0x48d: {  	v12 =	vld.idx.msk [tilespmem:v14+s14+$0x0], $0xffff  }
0x48e: {  	v14 =	vld [tilespmem:$0x1F850]  }
0x48f: {  	v45 =	vor.u32 v44, v2  }
0x490: {  	[tilespmem:v16+s17+$0x0] =	vst.idx.msk $0xffff, v15;
	v16 =	vld [tilespmem:$0x1F840];
	v9 =	vor.u32 v9, v1  }
0x491: {  	v15 =	vld.idx.msk [tilespmem:v17+s14+$0x0], $0xffff;
	v11 =	vor.u32 v11, v0  }
0x492: {  	v17 =	vld [tilespmem:$0x1F850];
	v13 =	vor.u32 v13, v4  }
0x493: {  	v18 =	vld [tilespmem:$0x1F860];
	v14 =	vor.u32 v14, v5  }
0x494: {  	v10 =	vld.idx.msk [tilespmem:v45+s14+$0x0], $0xffff  }
0x495: {  	[tilespmem:v9+s17+$0x0] =	vst.idx.msk $0xffff, v8;
	v8 =	vld [tilespmem:$0x1F870]  }
0x496: {  	v16 =	vor.u32 v16, v7;
	v9 =	vld.idx.msk [tilespmem:v11+s14+$0x0], $0xffff  }
0x497: {  	v17 =	vor.u32 v17, v6;
	[tilespmem:v13+s17+$0x0] =	vst.idx.msk $0xffff, v12;
	v11 =	vld [tilespmem:$0x1F860]  }
0x498: {  	v13 =	vld.idx.msk [tilespmem:v14+s14+$0x0], $0xffff  }
0x499: {  	v14 =	vld [tilespmem:$0x1F860]  }
0x49a: {  	v18 =	vor.u32 v18, v3;
	v12 =	vld [tilespmem:$0x1F870]  }
0x49b: {  	[tilespmem:v16+s17+$0x0] =	vst.idx.msk $0xffff, v15;
	v15 =	vld [tilespmem:$0x1F870]  }
0x49c: {  	v16 =	vld.idx.msk [tilespmem:v17+s14+$0x0], $0xffff;
	v8 =	vor.u32 v8, v2  }
0x49d: {  	v17 =	vld [tilespmem:$0x1F860];
	v11 =	vor.u32 v11, v1  }
0x49e: {  	v19 =	vld [tilespmem:$0x1F870];
	v14 =	vor.u32 v14, v4  }
0x49f: {  	[tilespmem:v18+s17+$0x0] =	vst.idx.msk $0xffff, v10;
	v10 =	vld [tilespmem:$0x1F880];
	v12 =	vor.u32 v12, v0  }
0x4a0: {  	v18 =	vld [tilespmem:$0x1F880]  }
0x4a1: {  	v15 =	vor.u32 v15, v5;
	v8 =	vld.idx.msk [tilespmem:v8+s14+$0x0], $0xffff  }
0x4a2: {  	v17 =	vor.u32 v17, v7;
	[tilespmem:v11+s17+$0x0] =	vst.idx.msk $0xffff, v9;
	v9 =	vld [tilespmem:$0x1F890]  }
0x4a3: {  	v19 =	vor.u32 v19, v6;
	[tilespmem:v14+s17+$0x0] =	vst.idx.msk $0xffff, v13;
	v13 =	vld [tilespmem:$0x1F890]  }
0x4a4: {  	v11 =	vld.idx.msk [tilespmem:v12+s14+$0x0], $0xffff  }
0x4a5: {  	v12 =	vld [tilespmem:$0x1F880]  }
0x4a6: {  	v14 =	vld.idx.msk [tilespmem:v15+s14+$0x0], $0xffff  }
0x4a7: {  	v10 =	vor.u32 v10, v3;
	v15 =	vld [tilespmem:$0x1F880];
	[tilespmem:v17+s17+$0x0] =	vst.idx.msk $0xffff, v16  }
0x4a8: {  	v18 =	vor.u32 v18, v7;
	v17 =	vld.idx.msk [tilespmem:v19+s14+$0x0], $0xffff  }
0x4a9: {  	v19 =	vld [tilespmem:$0x1F890];
	v9 =	vor.u32 v9, v2;
	_ =	sdelay $0x1  }
0x4aa: {  	v16 =	vld [tilespmem:$0x1F890];
	v12 =	vor.u32 v12, v1  }
0x4ab: {  	[tilespmem:v10+s17+$0x0] =	vst.idx.msk $0xffff, v8;
	v10 =	vld [tilespmem:$0x1F8B0];
	v15 =	vor.u32 v15, v4  }
0x4ac: {  	v13 =	vor.u32 v13, v0;
	[tilespmem:v18+s17+$0x0] =	vst.idx.msk $0xffff, v17;
	v18 =	vld [tilespmem:$0x1F8A0]  }
0x4ad: {  	v19 =	vor.u32 v19, v6;
	v8 =	vld.idx.msk [tilespmem:v9+s14+$0x0], $0xffff  }
0x4ae: {  	v9 =	vld [tilespmem:$0x1F8A0]  }
0x4af: {  	v16 =	vor.u32 v16, v5;
	[tilespmem:v12+s17+$0x0] =	vst.idx.msk $0xffff, v11;
	v12 =	vld [tilespmem:$0x1F8A0]  }
0x4b0: {  	[tilespmem:v15+s17+$0x0] =	vst.idx.msk $0xffff, v14;
	v15 =	vld [tilespmem:$0x1F8A0]  }
0x4b1: {  	v11 =	vld.idx.msk [tilespmem:v13+s14+$0x0], $0xffff  }
0x4b2: {  	v17 =	vld.idx.msk [tilespmem:v19+s14+$0x0], $0xffff;
	v18 =	vor.u32 v18, v7  }
0x4b3: {  	v13 =	vld [tilespmem:$0x1F8B0];
	v9 =	vor.u32 v9, v3  }
0x4b4: {  	v10 =	vor.u32 v10, v2;
	v14 =	vld.idx.msk [tilespmem:v16+s14+$0x0], $0xffff  }
0x4b5: {  	v19 =	vld [tilespmem:$0x1F8B0]  }
0x4b6: {  	v16 =	vld [tilespmem:$0x1F8B0];
	v12 =	vor.u32 v12, v1  }
0x4b7: {  	v15 =	vor.u32 v15, v4;
	[tilespmem:v18+s17+$0x0] =	vst.idx.msk $0xffff, v17;
	v18 =	vld [tilespmem:$0x1F8C0]  }
0x4b8: {  	v13 =	vor.u32 v13, v0;
	[tilespmem:v9+s17+$0x0] =	vst.idx.msk $0xffff, v8;
	v9 =	vld [tilespmem:$0x1F8C0]  }
0x4b9: {  	v8 =	vld.idx.msk [tilespmem:v10+s14+$0x0], $0xffff  }
0x4ba: {  	v19 =	vor.u32 v19, v6;
	v10 =	vld [tilespmem:$0x1F8D0]  }
0x4bb: {  	[tilespmem:v12+s17+$0x0] =	vst.idx.msk $0xffff, v11;
	v12 =	vld [tilespmem:$0x1F8C0]  }
0x4bc: {  	v16 =	vor.u32 v16, v5;
	[tilespmem:v15+s17+$0x0] =	vst.idx.msk $0xffff, v14;
	v15 =	vld [tilespmem:$0x1F8C0]  }
0x4bd: {  	v11 =	vld.idx.msk [tilespmem:v13+s14+$0x0], $0xffff  }
0x4be: {  	v13 =	vld [tilespmem:$0x1F8D0]  }
0x4bf: {  	v17 =	vld.idx.msk [tilespmem:v19+s14+$0x0], $0xffff  }
0x4c0: {  	v18 =	vor.u32 v18, v7;
	v19 =	vld [tilespmem:$0x1F8D0]  }
0x4c1: {  	v14 =	vld.idx.msk [tilespmem:v16+s14+$0x0], $0xffff;
	v9 =	vor.u32 v9, v3  }
0x4c2: {  	v16 =	vld [tilespmem:$0x1F8D0];
	v12 =	vor.u32 v12, v1  }
0x4c3: {  	v26 =	vld [tilespmem:$0x1F900];
	v15 =	vor.u32 v15, v4  }
0x4c4: {  	v20 =	vld [tilespmem:$0x1F8F0];
	v10 =	vor.u32 v10, v2  }
0x4c5: {  	v19 =	vor.u32 v19, v6;
	[tilespmem:v18+s17+$0x0] =	vst.idx.msk $0xffff, v17;
	v18 =	vld [tilespmem:$0x1F8E0]  }
0x4c6: {  	v13 =	vor.u32 v13, v0;
	[tilespmem:v9+s17+$0x0] =	vst.idx.msk $0xffff, v8;
	v9 =	vld [tilespmem:$0x1F8E0]  }
0x4c7: {  	v16 =	vor.u32 v16, v5;
	[tilespmem:v12+s17+$0x0] =	vst.idx.msk $0xffff, v11;
	v12 =	vld [tilespmem:$0x1F8E0]  }
0x4c8: {  	[tilespmem:v15+s17+$0x0] =	vst.idx.msk $0xffff, v14;
	v15 =	vld [tilespmem:$0x1F8E0]  }
0x4c9: {  	v8 =	vld.idx.msk [tilespmem:v10+s14+$0x0], $0xffff  }
0x4ca: {  	v17 =	vld.idx.msk [tilespmem:v19+s14+$0x0], $0xffff;
	v18 =	vor.u32 v18, v7  }
0x4cb: {  	v11 =	vld.idx.msk [tilespmem:v13+s14+$0x0], $0xffff;
	v19 =	vor.u32 v20, v6;
	v9 =	vor.u32 v9, v3  }
0x4cc: {  	v10 =	vor.u32 v20, v2;
	v14 =	vld.idx.msk [tilespmem:v16+s14+$0x0], $0xffff;
	v12 =	vor.u32 v12, v1  }
0x4cd: {  	v13 =	vor.u32 v20, v0;
	v16 =	vor.u32 v20, v5;
	v20 =	vld [tilespmem:$0x1F910];
	v15 =	vor.u32 v15, v4;
	_ =	sdelay $0x1  }
0x4ce: {  	v30 =	vld [tilespmem:$0x1F920];
	[tilespmem:v18+s17+$0x0] =	vst.idx.msk $0xffff, v17  }
0x4cf: {  	v17 =	vld.idx.msk [tilespmem:v19+s14+$0x0], $0xffff;
	[tilespmem:v9+s17+$0x0] =	vst.idx.msk $0xffff, v8  }
0x4d0: {  	v18 =	vor.u32 v26, v7;
	v8 =	vld.idx.msk [tilespmem:v10+s14+$0x0], $0xffff;
	[tilespmem:v12+s17+$0x0] =	vst.idx.msk $0xffff, v11  }
0x4d1: {  	v19 =	vor.u32 v20, v6;
	v9 =	vor.u32 v26, v3;
	[tilespmem:v15+s17+$0x0] =	vst.idx.msk $0xffff, v14;
	v11 =	vld.idx.msk [tilespmem:v13+s14+$0x0], $0xffff  }
0x4d2: {  	v10 =	vor.u32 v20, v2;
	v12 =	vor.u32 v26, v1;
	v14 =	vld.idx.msk [tilespmem:v16+s14+$0x0], $0xffff  }
0x4d3: {  	v15 =	vor.u32 v26, v4;
	v13 =	vor.u32 v20, v0;
	v16 =	vor.u32 v20, v5;
	v20 =	vld [tilespmem:$0x1F930]  }
0x4d4: {  	v49 =	vld [tilespmem:$0x1FFF0]  }
0x4d5: {  	v21 =	vld [tilespmem:$0x1F940];
	[tilespmem:v18+s17+$0x0] =	vst.idx.msk $0xffff, v17  }
0x4d6: {  	v17 =	vld.idx.msk [tilespmem:v19+s14+$0x0], $0xffff;
	[tilespmem:v9+s17+$0x0] =	vst.idx.msk $0xffff, v8  }
0x4d7: {  	v9 =	vor.u32 v30, v3;
	v8 =	vld.idx.msk [tilespmem:v10+s14+$0x0], $0xffff;
	[tilespmem:v12+s17+$0x0] =	vst.idx.msk $0xffff, v11  }
0x4d8: {  	v10 =	vor.u32 v20, v2;
	[tilespmem:v15+s17+$0x0] =	vst.idx.msk $0xffff, v14;
	v11 =	vld.idx.msk [tilespmem:v13+s14+$0x0], $0xffff  }
0x4d9: {  	v18 =	vor.u32 v30, v7;
	v12 =	vor.u32 v30, v1;
	v14 =	vld.idx.msk [tilespmem:v16+s14+$0x0], $0xffff  }
0x4da: {  	v19 =	vor.u32 v20, v6;
	v13 =	vor.u32 v20, v0;
	v16 =	vor.u32 v20, v5;
	v20 =	vld [tilespmem:$0x1F950]  }
0x4db: {  	v29 =	vld [tilespmem:$0x1FB70];
	v15 =	vor.u32 v30, v4  }
0x4dc: {  	v22 =	vld [tilespmem:$0x1F540];
	[tilespmem:v9+s17+$0x0] =	vst.idx.msk $0xffff, v8  }
0x4dd: {  	v9 =	vor.u32 v21, v3;
	v8 =	vld.idx.msk [tilespmem:v10+s14+$0x0], $0xffff  }
0x4de: {  	v40 =	vld [tilespmem:$0x1FF90];
	[tilespmem:v18+s17+$0x0] =	vst.idx.msk $0xffff, v17  }
0x4df: {  	v18 =	vor.u32 v21, v7;
	v17 =	vld.idx.msk [tilespmem:v19+s14+$0x0], $0xffff;
	[tilespmem:v12+s17+$0x0] =	vst.idx.msk $0xffff, v11;
	v10 =	vor.u32 v20, v2  }
0x4e0: {  	v12 =	vor.u32 v21, v1;
	[tilespmem:v15+s17+$0x0] =	vst.idx.msk $0xffff, v14;
	v15 =	vor.u32 v21, v4;
	v21 =	vld [tilespmem:$0x1F960]  }
0x4e1: {  	v19 =	vor.u32 v20, v6;
	v11 =	vld.idx.msk [tilespmem:v13+s14+$0x0], $0xffff  }
0x4e2: {  	v13 =	vor.u32 v20, v0;
	v14 =	vld.idx.msk [tilespmem:v16+s14+$0x0], $0xffff;
	[tilespmem:v9+s17+$0x0] =	vst.idx.msk $0xffff, v8  }
0x4e3: {  	v16 =	vor.u32 v20, v5;
	v20 =	vld [tilespmem:$0x1F970];
	_ =	sdelay $0x1  }
0x4e4: {  	[tilespmem:v18+s17+$0x0] =	vst.idx.msk $0xffff, v17;
	v8 =	vld.idx.msk [tilespmem:v10+s14+$0x0], $0xffff  }
0x4e5: {  	v9 =	vor.u32 v21, v3;
	[tilespmem:v12+s17+$0x0] =	vst.idx.msk $0xffff, v11;
	v17 =	vld.idx.msk [tilespmem:v19+s14+$0x0], $0xffff  }
0x4e6: {  	v18 =	vor.u32 v21, v7;
	[tilespmem:v15+s17+$0x0] =	vst.idx.msk $0xffff, v14;
	v11 =	vld.idx.msk [tilespmem:v13+s14+$0x0], $0xffff  }
0x4e7: {  	v12 =	vor.u32 v21, v1;
	v15 =	vor.u32 v21, v4;
	v14 =	vld.idx.msk [tilespmem:v16+s14+$0x0], $0xffff;
	v10 =	vor.u32 v20, v2  }
0x4e8: {  	v13 =	vor.u32 v20, v0;
	v16 =	vor.u32 v20, v5;
	v19 =	vor.u32 v20, v6;
	v20 =	vld [tilespmem:$0x1F980];
	_ =	sdelay $0x1  }
0x4e9: {  	[tilespmem:v9+s17+$0x0] =	vst.idx.msk $0xffff, v8  }
0x4ea: {  	[tilespmem:v18+s17+$0x0] =	vst.idx.msk $0xffff, v17  }
0x4eb: {  	[tilespmem:v12+s17+$0x0] =	vst.idx.msk $0xffff, v11;
	v8 =	vld.idx.msk [tilespmem:v10+s14+$0x0], $0xffff  }
0x4ec: {  	[tilespmem:v15+s17+$0x0] =	vst.idx.msk $0xffff, v14;
	v9 =	vor.u32 v20, v3;
	v10 =	vor.u32 v49, v2;
	v11 =	vld.idx.msk [tilespmem:v13+s14+$0x0], $0xffff  }
0x4ed: {  	v12 =	vor.u32 v20, v1;
	v15 =	vor.u32 v20, v4;
	v18 =	vor.u32 v20, v7;
	v20 =	vld [tilespmem:$0x1F990]  }
0x4ee: {  	v13 =	vor.u32 v49, v0;
	v14 =	vld.idx.msk [tilespmem:v16+s14+$0x0], $0xffff  }
0x4ef: {  	v16 =	vor.u32 v49, v5;
	v17 =	vld.idx.msk [tilespmem:v19+s14+$0x0], $0xffff  }
0x4f0: {  	v19 =	vor.u32 v49, v6  }
0x4f1: {  	v21 =	vld [tilespmem:$0x1F9A0];
	[tilespmem:v9+s17+$0x0] =	vst.idx.msk $0xffff, v8  }
0x4f2: {  	v9 =	vor.u32 v20, v3;
	[tilespmem:v12+s17+$0x0] =	vst.idx.msk $0xffff, v11;
	v8 =	vld.idx.msk [tilespmem:v10+s14+$0x0], $0xffff  }
0x4f3: {  	v12 =	vor.u32 v20, v1;
	[tilespmem:v15+s17+$0x0] =	vst.idx.msk $0xffff, v14;
	v10 =	vor.u32 v40, v2;
	v11 =	vld.idx.msk [tilespmem:v13+s14+$0x0], $0xffff  }
0x4f4: {  	v15 =	vor.u32 v20, v4;
	[tilespmem:v18+s17+$0x0] =	vst.idx.msk $0xffff, v17;
	v13 =	vor.u32 v40, v0;
	v14 =	vld.idx.msk [tilespmem:v16+s14+$0x0], $0xffff  }
0x4f5: {  	v18 =	vor.u32 v20, v7;
	v16 =	vor.u32 v40, v5;
	v17 =	vld.idx.msk [tilespmem:v19+s14+$0x0], $0xffff  }
0x4f6: {  	v20 =	vld [tilespmem:$0x1FFC0];
	v19 =	vor.u32 v40, v6  }
0x4f7: {  	[tilespmem:v9+s17+$0x0] =	vst.idx.msk $0xffff, v8  }
0x4f8: {  	[tilespmem:v12+s17+$0x0] =	vst.idx.msk $0xffff, v11;
	v8 =	vld.idx.msk [tilespmem:v10+s14+$0x0], $0xffff  }
0x4f9: {  	[tilespmem:v15+s17+$0x0] =	vst.idx.msk $0xffff, v14;
	v11 =	vld.idx.msk [tilespmem:v13+s14+$0x0], $0xffff  }
0x4fa: {  	[tilespmem:v18+s17+$0x0] =	vst.idx.msk $0xffff, v17;
	v14 =	vld.idx.msk [tilespmem:v16+s14+$0x0], $0xffff  }
0x4fb: {  	v9 =	vor.u32 v21, v3;
	v12 =	vor.u32 v21, v1;
	v10 =	vor.u32 v20, v2;
	v17 =	vld.idx.msk [tilespmem:v19+s14+$0x0], $0xffff  }
0x4fc: {  	v13 =	vor.u32 v20, v0;
	v16 =	vor.u32 v20, v5;
	v19 =	vor.u32 v20, v6;
	v20 =	vld [tilespmem:$0x1F9B0]  }
0x4fd: {  	v15 =	vor.u32 v21, v4  }
0x4fe: {  	v18 =	vor.u32 v21, v7;
	_ =	sdelay $0x1  }
0x4ff: {  	v21 =	vld [tilespmem:$0x1FA00];
	[tilespmem:v9+s17+$0x0] =	vst.idx.msk $0xffff, v8  }
0x500: {  	v9 =	vor.u32 v20, v3;
	[tilespmem:v12+s17+$0x0] =	vst.idx.msk $0xffff, v11;
	v8 =	vld.idx.msk [tilespmem:v10+s14+$0x0], $0xffff  }
0x501: {  	v12 =	vor.u32 v20, v1;
	[tilespmem:v15+s17+$0x0] =	vst.idx.msk $0xffff, v14;
	v11 =	vld.idx.msk [tilespmem:v13+s14+$0x0], $0xffff  }
0x502: {  	v15 =	vor.u32 v20, v4;
	[tilespmem:v18+s17+$0x0] =	vst.idx.msk $0xffff, v17;
	v14 =	vld.idx.msk [tilespmem:v16+s14+$0x0], $0xffff  }
0x503: {  	v18 =	vor.u32 v20, v7;
	v17 =	vld.idx.msk [tilespmem:v19+s14+$0x0], $0xffff  }
0x504: {  	v10 =	vor.u32 v46, v2  }
0x505: {  	v20 =	vld [tilespmem:$0x1F560];
	v13 =	vor.u32 v46, v0;
	[tilespmem:v9+s17+$0x0] =	vst.idx.msk $0xffff, v8  }
0x506: {  	v16 =	vor.u32 v46, v5;
	v19 =	vor.u32 v46, v6;
	[tilespmem:v12+s17+$0x0] =	vst.idx.msk $0xffff, v11  }
0x507: {  	v31 =	vld [tilespmem:$0x1F580];
	v9 =	vor.u32 v21, v3;
	v12 =	vor.u32 v21, v1;
	[tilespmem:v15+s17+$0x0] =	vst.idx.msk $0xffff, v14  }
0x508: {  	v15 =	vor.u32 v21, v4;
	[tilespmem:v18+s17+$0x0] =	vst.idx.msk $0xffff, v17;
	v18 =	vor.u32 v21, v7;
	v21 =	vld [tilespmem:$0x1FA50]  }
0x509: {  	v8 =	vld.idx.msk [tilespmem:v10+s14+$0x0], $0xffff  }
0x50a: {  	v10 =	vor.u32 v20, v2;
	v11 =	vld.idx.msk [tilespmem:v13+s14+$0x0], $0xffff  }
0x50b: {  	v13 =	vor.u32 v20, v0;
	v14 =	vld.idx.msk [tilespmem:v16+s14+$0x0], $0xffff  }
0x50c: {  	v16 =	vor.u32 v20, v5;
	v17 =	vld.idx.msk [tilespmem:v19+s14+$0x0], $0xffff  }
0x50d: {  	v19 =	vor.u32 v20, v6  }
0x50e: {  	v23 =	vld [tilespmem:$0x1FA60];
	[tilespmem:v9+s17+$0x0] =	vst.idx.msk $0xffff, v8  }
0x50f: {  	v9 =	vor.u32 v21, v3;
	[tilespmem:v12+s17+$0x0] =	vst.idx.msk $0xffff, v11;
	v8 =	vld.idx.msk [tilespmem:v10+s14+$0x0], $0xffff  }
0x510: {  	v12 =	vor.u32 v21, v1;
	[tilespmem:v15+s17+$0x0] =	vst.idx.msk $0xffff, v14;
	v10 =	vor.u32 v31, v2;
	v11 =	vld.idx.msk [tilespmem:v13+s14+$0x0], $0xffff  }
0x511: {  	v15 =	vor.u32 v21, v4;
	[tilespmem:v18+s17+$0x0] =	vst.idx.msk $0xffff, v17;
	v13 =	vor.u32 v31, v0;
	v14 =	vld.idx.msk [tilespmem:v16+s14+$0x0], $0xffff  }
0x512: {  	v18 =	vor.u32 v21, v7;
	v16 =	vor.u32 v31, v5;
	v17 =	vld.idx.msk [tilespmem:v19+s14+$0x0], $0xffff  }
0x513: {  	v21 =	vld [tilespmem:$0x1F590];
	v19 =	vor.u32 v31, v6  }
0x514: {  	[tilespmem:v9+s17+$0x0] =	vst.idx.msk $0xffff, v8  }
0x515: {  	[tilespmem:v12+s17+$0x0] =	vst.idx.msk $0xffff, v11;
	v8 =	vld.idx.msk [tilespmem:v10+s14+$0x0], $0xffff  }
0x516: {  	[tilespmem:v15+s17+$0x0] =	vst.idx.msk $0xffff, v14;
	v11 =	vld.idx.msk [tilespmem:v13+s14+$0x0], $0xffff  }
0x517: {  	v9 =	vor.u32 v23, v3;
	[tilespmem:v18+s17+$0x0] =	vst.idx.msk $0xffff, v17;
	v14 =	vld.idx.msk [tilespmem:v16+s14+$0x0], $0xffff  }
0x518: {  	v12 =	vor.u32 v23, v1;
	v15 =	vor.u32 v23, v4;
	v10 =	vor.u32 v21, v2;
	v17 =	vld.idx.msk [tilespmem:v19+s14+$0x0], $0xffff  }
0x519: {  	v13 =	vor.u32 v21, v0;
	v16 =	vor.u32 v21, v5;
	v19 =	vor.u32 v21, v6;
	v21 =	vld [tilespmem:$0x1FA70]  }
0x51a: {  	v18 =	vor.u32 v23, v7;
	_ =	sdelay $0x1  }
0x51b: {  	[tilespmem:v9+s17+$0x0] =	vst.idx.msk $0xffff, v8  }
0x51c: {  	[tilespmem:v12+s17+$0x0] =	vst.idx.msk $0xffff, v11  }
0x51d: {  	v20 =	vld [tilespmem:$0x1F570];
	v9 =	vor.u32 v21, v3;
	v12 =	vor.u32 v21, v1;
	[tilespmem:v15+s17+$0x0] =	vst.idx.msk $0xffff, v14  }
0x51e: {  	v15 =	vor.u32 v21, v4;
	[tilespmem:v18+s17+$0x0] =	vst.idx.msk $0xffff, v17;
	v18 =	vor.u32 v21, v7;
	v21 =	vld [tilespmem:$0x1FA80]  }
0x51f: {  	v8 =	vld.idx.msk [tilespmem:v10+s14+$0x0], $0xffff  }
0x520: {  	v11 =	vld.idx.msk [tilespmem:v13+s14+$0x0], $0xffff  }
0x521: {  	v14 =	vld.idx.msk [tilespmem:v16+s14+$0x0], $0xffff  }
0x522: {  	v17 =	vld.idx.msk [tilespmem:v19+s14+$0x0], $0xffff  }
0x523: {  	v10 =	vor.u32 v20, v2  }
0x524: {  	v13 =	vor.u32 v20, v0;
	[tilespmem:v9+s17+$0x0] =	vst.idx.msk $0xffff, v8  }
0x525: {  	v16 =	vor.u32 v20, v5;
	v19 =	vor.u32 v20, v6;
	[tilespmem:v12+s17+$0x0] =	vst.idx.msk $0xffff, v11  }
0x526: {  	v23 =	vld [tilespmem:$0x1F5B0];
	v9 =	vor.u32 v21, v3;
	v12 =	vor.u32 v21, v1;
	[tilespmem:v15+s17+$0x0] =	vst.idx.msk $0xffff, v14  }
0x527: {  	v15 =	vor.u32 v21, v4;
	[tilespmem:v18+s17+$0x0] =	vst.idx.msk $0xffff, v17;
	v18 =	vor.u32 v21, v7;
	v21 =	vld [tilespmem:$0x1FA90]  }
0x528: {  	v8 =	vld.idx.msk [tilespmem:v10+s14+$0x0], $0xffff  }
0x529: {  	v11 =	vld.idx.msk [tilespmem:v13+s14+$0x0], $0xffff  }
0x52a: {  	v14 =	vld.idx.msk [tilespmem:v16+s14+$0x0], $0xffff  }
0x52b: {  	v17 =	vld.idx.msk [tilespmem:v19+s14+$0x0], $0xffff  }
0x52c: {  	v10 =	vor.u32 v23, v2  }
0x52d: {  	v13 =	vor.u32 v23, v0;
	[tilespmem:v9+s17+$0x0] =	vst.idx.msk $0xffff, v8  }
0x52e: {  	v16 =	vor.u32 v23, v5;
	v19 =	vor.u32 v23, v6;
	[tilespmem:v12+s17+$0x0] =	vst.idx.msk $0xffff, v11  }
0x52f: {  	v9 =	vor.u32 v21, v3;
	v12 =	vor.u32 v21, v1;
	[tilespmem:v15+s17+$0x0] =	vst.idx.msk $0xffff, v14  }
0x530: {  	v15 =	vor.u32 v21, v4;
	[tilespmem:v18+s17+$0x0] =	vst.idx.msk $0xffff, v17;
	v18 =	vor.u32 v21, v7;
	v21 =	vld [tilespmem:$0x1FAA0]  }
0x531: {  	v8 =	vld.idx.msk [tilespmem:v10+s14+$0x0], $0xffff  }
0x532: {  	v11 =	vld.idx.msk [tilespmem:v13+s14+$0x0], $0xffff  }
0x533: {  	v14 =	vld.idx.msk [tilespmem:v16+s14+$0x0], $0xffff  }
0x534: {  	v17 =	vld.idx.msk [tilespmem:v19+s14+$0x0], $0xffff  }
0x535: {  	v10 =	vor.u32 v63, v2  }
0x536: {  	v13 =	vor.u32 v63, v0;
	[tilespmem:v9+s17+$0x0] =	vst.idx.msk $0xffff, v8  }
0x537: {  	v16 =	vor.u32 v63, v5;
	v19 =	vor.u32 v63, v6;
	[tilespmem:v12+s17+$0x0] =	vst.idx.msk $0xffff, v11  }
0x538: {  	v25 =	vmov v41;
	v41 =	vld [tilespmem:$0x1F5D0];
	v9 =	vor.u32 v21, v3;
	v12 =	vor.u32 v21, v1;
	[tilespmem:v15+s17+$0x0] =	vst.idx.msk $0xffff, v14  }
0x539: {  	v15 =	vor.u32 v21, v4;
	[tilespmem:v18+s17+$0x0] =	vst.idx.msk $0xffff, v17;
	v18 =	vor.u32 v21, v7;
	v21 =	vld [tilespmem:$0x1FAB0]  }
0x53a: {  	v8 =	vld.idx.msk [tilespmem:v10+s14+$0x0], $0xffff  }
0x53b: {  	v11 =	vld.idx.msk [tilespmem:v13+s14+$0x0], $0xffff  }
0x53c: {  	v14 =	vld.idx.msk [tilespmem:v16+s14+$0x0], $0xffff  }
0x53d: {  	v17 =	vld.idx.msk [tilespmem:v19+s14+$0x0], $0xffff  }
0x53e: {  	v10 =	vor.u32 v41, v2  }
0x53f: {  	v13 =	vor.u32 v41, v0;
	[tilespmem:v9+s17+$0x0] =	vst.idx.msk $0xffff, v8  }
0x540: {  	v16 =	vor.u32 v41, v5;
	v19 =	vor.u32 v41, v6;
	[tilespmem:v12+s17+$0x0] =	vst.idx.msk $0xffff, v11  }
0x541: {  	v9 =	vor.u32 v21, v3;
	v12 =	vor.u32 v21, v1;
	[tilespmem:v15+s17+$0x0] =	vst.idx.msk $0xffff, v14  }
0x542: {  	v15 =	vor.u32 v21, v4;
	[tilespmem:v18+s17+$0x0] =	vst.idx.msk $0xffff, v17;
	v18 =	vor.u32 v21, v7;
	v21 =	vld [tilespmem:$0x1FAC0]  }
0x543: {  	v8 =	vld.idx.msk [tilespmem:v10+s14+$0x0], $0xffff  }
0x544: {  	v11 =	vld.idx.msk [tilespmem:v13+s14+$0x0], $0xffff  }
0x545: {  	v14 =	vld.idx.msk [tilespmem:v16+s14+$0x0], $0xffff  }
0x546: {  	v17 =	vld.idx.msk [tilespmem:v19+s14+$0x0], $0xffff  }
0x547: {  	v10 =	vor.u32 v22, v2  }
0x548: {  	v13 =	vor.u32 v22, v0;
	[tilespmem:v9+s17+$0x0] =	vst.idx.msk $0xffff, v8  }
0x549: {  	v16 =	vor.u32 v22, v5;
	v19 =	vor.u32 v22, v6;
	[tilespmem:v12+s17+$0x0] =	vst.idx.msk $0xffff, v11  }
0x54a: {  	v45 =	vld [tilespmem:$0x1F5F0];
	v9 =	vor.u32 v21, v3;
	v12 =	vor.u32 v21, v1;
	[tilespmem:v15+s17+$0x0] =	vst.idx.msk $0xffff, v14  }
0x54b: {  	v15 =	vor.u32 v21, v4;
	[tilespmem:v18+s17+$0x0] =	vst.idx.msk $0xffff, v17;
	v18 =	vor.u32 v21, v7;
	v21 =	vld [tilespmem:$0x1FAD0]  }
0x54c: {  	v8 =	vld.idx.msk [tilespmem:v10+s14+$0x0], $0xffff  }
0x54d: {  	v10 =	vor.u32 v62, v2;
	v11 =	vld.idx.msk [tilespmem:v13+s14+$0x0], $0xffff  }
0x54e: {  	v13 =	vor.u32 v62, v0;
	v14 =	vld.idx.msk [tilespmem:v16+s14+$0x0], $0xffff  }
0x54f: {  	v16 =	vor.u32 v62, v5;
	v17 =	vld.idx.msk [tilespmem:v19+s14+$0x0], $0xffff  }
0x550: {  	v19 =	vor.u32 v62, v6  }
0x551: {  	v22 =	vld [tilespmem:$0x1FAE0];
	[tilespmem:v9+s17+$0x0] =	vst.idx.msk $0xffff, v8  }
0x552: {  	v9 =	vor.u32 v21, v3;
	[tilespmem:v12+s17+$0x0] =	vst.idx.msk $0xffff, v11;
	v8 =	vld.idx.msk [tilespmem:v10+s14+$0x0], $0xffff  }
0x553: {  	v12 =	vor.u32 v21, v1;
	[tilespmem:v15+s17+$0x0] =	vst.idx.msk $0xffff, v14;
	v10 =	vor.u32 v45, v2;
	v11 =	vld.idx.msk [tilespmem:v13+s14+$0x0], $0xffff  }
0x554: {  	v15 =	vor.u32 v21, v4;
	[tilespmem:v18+s17+$0x0] =	vst.idx.msk $0xffff, v17;
	v13 =	vor.u32 v45, v0;
	v14 =	vld.idx.msk [tilespmem:v16+s14+$0x0], $0xffff  }
0x555: {  	v18 =	vor.u32 v21, v7;
	v16 =	vor.u32 v45, v5;
	v17 =	vld.idx.msk [tilespmem:v19+s14+$0x0], $0xffff  }
0x556: {  	[tilespmem:$0x1F550] =	vst v46;
	v46 =	vld [tilespmem:$0x1F610];
	v19 =	vor.u32 v45, v6  }
0x557: {  	v21 =	vld [tilespmem:$0x1FAF0];
	[tilespmem:v9+s17+$0x0] =	vst.idx.msk $0xffff, v8  }
0x558: {  	v9 =	vor.u32 v22, v3;
	[tilespmem:v12+s17+$0x0] =	vst.idx.msk $0xffff, v11;
	v8 =	vld.idx.msk [tilespmem:v10+s14+$0x0], $0xffff  }
0x559: {  	v12 =	vor.u32 v22, v1;
	[tilespmem:v15+s17+$0x0] =	vst.idx.msk $0xffff, v14;
	v10 =	vor.u32 v61, v2;
	v11 =	vld.idx.msk [tilespmem:v13+s14+$0x0], $0xffff  }
0x55a: {  	v15 =	vor.u32 v22, v4;
	[tilespmem:v18+s17+$0x0] =	vst.idx.msk $0xffff, v17;
	v13 =	vor.u32 v61, v0;
	v14 =	vld.idx.msk [tilespmem:v16+s14+$0x0], $0xffff  }
0x55b: {  	v18 =	vor.u32 v22, v7;
	v16 =	vor.u32 v61, v5;
	v17 =	vld.idx.msk [tilespmem:v19+s14+$0x0], $0xffff  }
0x55c: {  	v42 =	vld [tilespmem:$0x1FB00];
	v19 =	vor.u32 v61, v6  }
0x55d: {  	v41 =	vld [tilespmem:$0x1F630];
	[tilespmem:v9+s17+$0x0] =	vst.idx.msk $0xffff, v8  }
0x55e: {  	v9 =	vor.u32 v21, v3;
	[tilespmem:v12+s17+$0x0] =	vst.idx.msk $0xffff, v11;
	v8 =	vld.idx.msk [tilespmem:v10+s14+$0x0], $0xffff  }
0x55f: {  	v12 =	vor.u32 v21, v1;
	[tilespmem:v15+s17+$0x0] =	vst.idx.msk $0xffff, v14;
	v10 =	vor.u32 v46, v2;
	v11 =	vld.idx.msk [tilespmem:v13+s14+$0x0], $0xffff  }
0x560: {  	v15 =	vor.u32 v21, v4;
	[tilespmem:v18+s17+$0x0] =	vst.idx.msk $0xffff, v17;
	v13 =	vor.u32 v46, v0;
	v14 =	vld.idx.msk [tilespmem:v16+s14+$0x0], $0xffff  }
0x561: {  	v18 =	vor.u32 v21, v7;
	v16 =	vor.u32 v46, v5;
	v17 =	vld.idx.msk [tilespmem:v19+s14+$0x0], $0xffff  }
0x562: {  	v19 =	vor.u32 v46, v6  }
0x563: {  	v21 =	vld [tilespmem:$0x1FB10];
	[tilespmem:v9+s17+$0x0] =	vst.idx.msk $0xffff, v8  }
0x564: {  	v9 =	vor.u32 v42, v3;
	[tilespmem:v12+s17+$0x0] =	vst.idx.msk $0xffff, v11;
	v8 =	vld.idx.msk [tilespmem:v10+s14+$0x0], $0xffff  }
0x565: {  	v12 =	vor.u32 v42, v1;
	[tilespmem:v15+s17+$0x0] =	vst.idx.msk $0xffff, v14;
	v10 =	vor.u32 v41, v2;
	v11 =	vld.idx.msk [tilespmem:v13+s14+$0x0], $0xffff  }
0x566: {  	v15 =	vor.u32 v42, v4;
	[tilespmem:v18+s17+$0x0] =	vst.idx.msk $0xffff, v17;
	v13 =	vor.u32 v41, v0;
	v14 =	vld.idx.msk [tilespmem:v16+s14+$0x0], $0xffff  }
0x567: {  	v18 =	vor.u32 v42, v7;
	v16 =	vor.u32 v41, v5;
	v17 =	vld.idx.msk [tilespmem:v19+s14+$0x0], $0xffff  }
0x568: {  	v26 =	vld [tilespmem:$0x1F620];
	v19 =	vor.u32 v41, v6  }
0x569: {  	v44 =	vld [tilespmem:$0x1FB20];
	[tilespmem:v9+s17+$0x0] =	vst.idx.msk $0xffff, v8  }
0x56a: {  	v9 =	vor.u32 v21, v3;
	[tilespmem:v12+s17+$0x0] =	vst.idx.msk $0xffff, v11;
	v8 =	vld.idx.msk [tilespmem:v10+s14+$0x0], $0xffff  }
0x56b: {  	v12 =	vor.u32 v21, v1;
	[tilespmem:v15+s17+$0x0] =	vst.idx.msk $0xffff, v14;
	v10 =	vor.u32 v54, v2;
	v11 =	vld.idx.msk [tilespmem:v13+s14+$0x0], $0xffff  }
0x56c: {  	v15 =	vor.u32 v21, v4;
	[tilespmem:v18+s17+$0x0] =	vst.idx.msk $0xffff, v17;
	v13 =	vor.u32 v54, v0;
	v14 =	vld.idx.msk [tilespmem:v16+s14+$0x0], $0xffff  }
0x56d: {  	v18 =	vor.u32 v21, v7;
	v16 =	vor.u32 v54, v5;
	v17 =	vld.idx.msk [tilespmem:v19+s14+$0x0], $0xffff  }
0x56e: {  	v45 =	vld [tilespmem:$0x1FB30];
	v19 =	vor.u32 v54, v6  }
0x56f: {  	v21 =	vld [tilespmem:$0x1F650];
	[tilespmem:v9+s17+$0x0] =	vst.idx.msk $0xffff, v8  }
0x570: {  	v9 =	vor.u32 v44, v3;
	[tilespmem:v12+s17+$0x0] =	vst.idx.msk $0xffff, v11;
	v8 =	vld.idx.msk [tilespmem:v10+s14+$0x0], $0xffff  }
0x571: {  	v12 =	vor.u32 v44, v1;
	[tilespmem:v15+s17+$0x0] =	vst.idx.msk $0xffff, v14;
	v10 =	vor.u32 v26, v2;
	v11 =	vld.idx.msk [tilespmem:v13+s14+$0x0], $0xffff  }
0x572: {  	v15 =	vor.u32 v44, v4;
	[tilespmem:v18+s17+$0x0] =	vst.idx.msk $0xffff, v17;
	v13 =	vor.u32 v26, v0;
	v14 =	vld.idx.msk [tilespmem:v16+s14+$0x0], $0xffff  }
0x573: {  	v18 =	vor.u32 v44, v7;
	v16 =	vor.u32 v26, v5;
	v17 =	vld.idx.msk [tilespmem:v19+s14+$0x0], $0xffff  }
0x574: {  	v19 =	vor.u32 v26, v6  }
0x575: {  	v46 =	vld [tilespmem:$0x1FB40];
	[tilespmem:v9+s17+$0x0] =	vst.idx.msk $0xffff, v8  }
0x576: {  	v9 =	vor.u32 v45, v3;
	[tilespmem:v12+s17+$0x0] =	vst.idx.msk $0xffff, v11;
	v8 =	vld.idx.msk [tilespmem:v10+s14+$0x0], $0xffff  }
0x577: {  	v12 =	vor.u32 v45, v1;
	[tilespmem:v15+s17+$0x0] =	vst.idx.msk $0xffff, v14;
	v10 =	vor.u32 v21, v2;
	v11 =	vld.idx.msk [tilespmem:v13+s14+$0x0], $0xffff  }
0x578: {  	v15 =	vor.u32 v45, v4;
	[tilespmem:v18+s17+$0x0] =	vst.idx.msk $0xffff, v17;
	v13 =	vor.u32 v21, v0;
	v14 =	vld.idx.msk [tilespmem:v16+s14+$0x0], $0xffff  }
0x579: {  	v18 =	vor.u32 v45, v7;
	v16 =	vor.u32 v21, v5;
	v17 =	vld.idx.msk [tilespmem:v19+s14+$0x0], $0xffff  }
0x57a: {  	v19 =	vor.u32 v21, v6  }
0x57b: {  	v21 =	vld [tilespmem:$0x1FB50];
	[tilespmem:v9+s17+$0x0] =	vst.idx.msk $0xffff, v8  }
0x57c: {  	v9 =	vor.u32 v46, v3;
	[tilespmem:v12+s17+$0x0] =	vst.idx.msk $0xffff, v11;
	v8 =	vld.idx.msk [tilespmem:v10+s14+$0x0], $0xffff  }
0x57d: {  	v12 =	vor.u32 v46, v1;
	[tilespmem:v15+s17+$0x0] =	vst.idx.msk $0xffff, v14;
	v11 =	vld.idx.msk [tilespmem:v13+s14+$0x0], $0xffff  }
0x57e: {  	v15 =	vor.u32 v46, v4;
	[tilespmem:v18+s17+$0x0] =	vst.idx.msk $0xffff, v17;
	v14 =	vld.idx.msk [tilespmem:v16+s14+$0x0], $0xffff  }
0x57f: {  	v18 =	vor.u32 v46, v7;
	v17 =	vld.idx.msk [tilespmem:v19+s14+$0x0], $0xffff  }
0x580: {  	[tilespmem:$0x1F640] =	vst v54;
	v10 =	vor.u32 v53, v2  }
0x581: {  	v13 =	vor.u32 v53, v0;
	[tilespmem:v9+s17+$0x0] =	vst.idx.msk $0xffff, v8  }
0x582: {  	v16 =	vor.u32 v53, v5;
	v19 =	vor.u32 v53, v6;
	[tilespmem:v12+s17+$0x0] =	vst.idx.msk $0xffff, v11  }
0x583: {  	v54 =	vld [tilespmem:$0x1F680];
	v9 =	vor.u32 v21, v3;
	v12 =	vor.u32 v21, v1;
	[tilespmem:v15+s17+$0x0] =	vst.idx.msk $0xffff, v14  }
0x584: {  	v15 =	vor.u32 v21, v4;
	[tilespmem:v18+s17+$0x0] =	vst.idx.msk $0xffff, v17;
	v18 =	vor.u32 v21, v7;
	v21 =	vld [tilespmem:$0x1FB60]  }
0x585: {  	v8 =	vld.idx.msk [tilespmem:v10+s14+$0x0], $0xffff  }
0x586: {  	v10 =	vor.u32 v25, v2;
	v11 =	vld.idx.msk [tilespmem:v13+s14+$0x0], $0xffff  }
0x587: {  	v13 =	vor.u32 v25, v0;
	v17 =	vld.idx.msk [tilespmem:v19+s14+$0x0], $0xffff  }
0x588: {  	v14 =	vld.idx.msk [tilespmem:v16+s14+$0x0], $0xffff;
	v19 =	vor.u32 v25, v6  }
0x589: {  	[tilespmem:$0x1F660] =	vst v53;
	v16 =	vor.u32 v25, v5  }
0x58a: {  	v53 =	vld [tilespmem:$0x1F670];
	[tilespmem:v9+s17+$0x0] =	vst.idx.msk $0xffff, v8  }
0x58b: {  	v9 =	vor.u32 v21, v3;
	[tilespmem:v12+s17+$0x0] =	vst.idx.msk $0xffff, v11;
	v8 =	vld.idx.msk [tilespmem:v10+s14+$0x0], $0xffff  }
0x58c: {  	v12 =	vor.u32 v21, v1;
	[tilespmem:v18+s17+$0x0] =	vst.idx.msk $0xffff, v17;
	v10 =	vor.u32 v54, v2;
	v11 =	vld.idx.msk [tilespmem:v13+s14+$0x0], $0xffff  }
0x58d: {  	[tilespmem:v15+s17+$0x0] =	vst.idx.msk $0xffff, v14;
	v18 =	vor.u32 v21, v7;
	v13 =	vor.u32 v54, v0;
	v17 =	vld.idx.msk [tilespmem:v19+s14+$0x0], $0xffff  }
0x58e: {  	v15 =	vor.u32 v21, v4;
	v14 =	vld.idx.msk [tilespmem:v16+s14+$0x0], $0xffff;
	v19 =	vor.u32 v54, v6  }
0x58f: {  	v49 =	vld [tilespmem:$0x1F5A0];
	v16 =	vor.u32 v54, v5  }
0x590: {  	v41 =	vld [tilespmem:$0x1FB80];
	[tilespmem:v9+s17+$0x0] =	vst.idx.msk $0xffff, v8  }
0x591: {  	v9 =	vor.u32 v29, v3;
	[tilespmem:v12+s17+$0x0] =	vst.idx.msk $0xffff, v11;
	v8 =	vld.idx.msk [tilespmem:v10+s14+$0x0], $0xffff  }
0x592: {  	v12 =	vor.u32 v29, v1;
	[tilespmem:v18+s17+$0x0] =	vst.idx.msk $0xffff, v17;
	v10 =	vor.u32 v53, v2;
	v11 =	vld.idx.msk [tilespmem:v13+s14+$0x0], $0xffff  }
0x593: {  	[tilespmem:v15+s17+$0x0] =	vst.idx.msk $0xffff, v14;
	v18 =	vor.u32 v29, v7;
	v13 =	vor.u32 v53, v0;
	v17 =	vld.idx.msk [tilespmem:v19+s14+$0x0], $0xffff  }
0x594: {  	v15 =	vor.u32 v29, v4;
	v14 =	vld.idx.msk [tilespmem:v16+s14+$0x0], $0xffff;
	v19 =	vor.u32 v53, v6  }
0x595: {  	v28 =	vld [tilespmem:$0x1F690];
	v16 =	vor.u32 v53, v5  }
0x596: {  	v30 =	vld [tilespmem:$0x1FB90];
	[tilespmem:v9+s17+$0x0] =	vst.idx.msk $0xffff, v8  }
0x597: {  	v9 =	vor.u32 v41, v3;
	[tilespmem:v12+s17+$0x0] =	vst.idx.msk $0xffff, v11;
	v8 =	vld.idx.msk [tilespmem:v10+s14+$0x0], $0xffff  }
0x598: {  	v12 =	vor.u32 v41, v1;
	[tilespmem:v18+s17+$0x0] =	vst.idx.msk $0xffff, v17;
	v10 =	vor.u32 v49, v2;
	v11 =	vld.idx.msk [tilespmem:v13+s14+$0x0], $0xffff  }
0x599: {  	[tilespmem:v15+s17+$0x0] =	vst.idx.msk $0xffff, v14;
	v18 =	vor.u32 v41, v7;
	v13 =	vor.u32 v49, v0;
	v17 =	vld.idx.msk [tilespmem:v19+s14+$0x0], $0xffff  }
0x59a: {  	v15 =	vor.u32 v41, v4;
	v14 =	vld.idx.msk [tilespmem:v16+s14+$0x0], $0xffff;
	v19 =	vor.u32 v49, v6  }
0x59b: {  	v16 =	vor.u32 v49, v5  }
0x59c: {  	v42 =	vld [tilespmem:$0x1FBA0];
	[tilespmem:v9+s17+$0x0] =	vst.idx.msk $0xffff, v8  }
0x59d: {  	v9 =	vor.u32 v30, v3;
	[tilespmem:v12+s17+$0x0] =	vst.idx.msk $0xffff, v11;
	v8 =	vld.idx.msk [tilespmem:v10+s14+$0x0], $0xffff  }
0x59e: {  	v12 =	vor.u32 v30, v1;
	[tilespmem:v18+s17+$0x0] =	vst.idx.msk $0xffff, v17;
	v10 =	vor.u32 v28, v2;
	v11 =	vld.idx.msk [tilespmem:v13+s14+$0x0], $0xffff  }
0x59f: {  	[tilespmem:v15+s17+$0x0] =	vst.idx.msk $0xffff, v14;
	v18 =	vor.u32 v30, v7;
	v13 =	vor.u32 v28, v0;
	v17 =	vld.idx.msk [tilespmem:v19+s14+$0x0], $0xffff  }
0x5a0: {  	v15 =	vor.u32 v30, v4;
	v14 =	vld.idx.msk [tilespmem:v16+s14+$0x0], $0xffff;
	v19 =	vor.u32 v28, v6  }
0x5a1: {  	v16 =	vor.u32 v28, v5  }
0x5a2: {  	v44 =	vld [tilespmem:$0x1FBB0];
	[tilespmem:v9+s17+$0x0] =	vst.idx.msk $0xffff, v8  }
0x5a3: {  	v9 =	vor.u32 v42, v3;
	[tilespmem:v12+s17+$0x0] =	vst.idx.msk $0xffff, v11;
	v8 =	vld.idx.msk [tilespmem:v10+s14+$0x0], $0xffff  }
0x5a4: {  	v12 =	vor.u32 v42, v1;
	[tilespmem:v18+s17+$0x0] =	vst.idx.msk $0xffff, v17;
	v10 =	vor.u32 v57, v2;
	v11 =	vld.idx.msk [tilespmem:v13+s14+$0x0], $0xffff  }
0x5a5: {  	[tilespmem:v15+s17+$0x0] =	vst.idx.msk $0xffff, v14;
	v18 =	vor.u32 v42, v7;
	v13 =	vor.u32 v57, v0;
	v17 =	vld.idx.msk [tilespmem:v19+s14+$0x0], $0xffff  }
0x5a6: {  	v15 =	vor.u32 v42, v4;
	v14 =	vld.idx.msk [tilespmem:v16+s14+$0x0], $0xffff;
	v19 =	vor.u32 v57, v6  }
0x5a7: {  	v31 =	vld [tilespmem:$0x1F6B0];
	v16 =	vor.u32 v57, v5  }
0x5a8: {  	v46 =	vld [tilespmem:$0x1FBC0];
	[tilespmem:v9+s17+$0x0] =	vst.idx.msk $0xffff, v8  }
0x5a9: {  	v9 =	vor.u32 v44, v3;
	[tilespmem:v12+s17+$0x0] =	vst.idx.msk $0xffff, v11;
	v8 =	vld.idx.msk [tilespmem:v10+s14+$0x0], $0xffff  }
0x5aa: {  	v12 =	vor.u32 v44, v1;
	[tilespmem:v18+s17+$0x0] =	vst.idx.msk $0xffff, v17;
	v10 =	vor.u32 v60, v2;
	v11 =	vld.idx.msk [tilespmem:v13+s14+$0x0], $0xffff  }
0x5ab: {  	[tilespmem:v15+s17+$0x0] =	vst.idx.msk $0xffff, v14;
	v18 =	vor.u32 v44, v7;
	v13 =	vor.u32 v60, v0;
	v17 =	vld.idx.msk [tilespmem:v19+s14+$0x0], $0xffff  }
0x5ac: {  	v15 =	vor.u32 v44, v4;
	v14 =	vld.idx.msk [tilespmem:v16+s14+$0x0], $0xffff;
	v19 =	vor.u32 v60, v6  }
0x5ad: {  	v45 =	vld [tilespmem:$0x1F6D0];
	v16 =	vor.u32 v60, v5  }
0x5ae: {  	v49 =	vld [tilespmem:$0x1FBD0];
	[tilespmem:v9+s17+$0x0] =	vst.idx.msk $0xffff, v8  }
0x5af: {  	v9 =	vor.u32 v46, v3;
	[tilespmem:v12+s17+$0x0] =	vst.idx.msk $0xffff, v11;
	v8 =	vld.idx.msk [tilespmem:v10+s14+$0x0], $0xffff  }
0x5b0: {  	v12 =	vor.u32 v46, v1;
	[tilespmem:v18+s17+$0x0] =	vst.idx.msk $0xffff, v17;
	v10 =	vor.u32 v31, v2;
	v11 =	vld.idx.msk [tilespmem:v13+s14+$0x0], $0xffff  }
0x5b1: {  	[tilespmem:v15+s17+$0x0] =	vst.idx.msk $0xffff, v14;
	v18 =	vor.u32 v46, v7;
	v13 =	vor.u32 v31, v0;
	v17 =	vld.idx.msk [tilespmem:v19+s14+$0x0], $0xffff  }
0x5b2: {  	v15 =	vor.u32 v46, v4;
	v14 =	vld.idx.msk [tilespmem:v16+s14+$0x0], $0xffff;
	v19 =	vor.u32 v31, v6  }
0x5b3: {  	v16 =	vor.u32 v31, v5  }
0x5b4: {  	v54 =	vld [tilespmem:$0x1FBE0];
	[tilespmem:v9+s17+$0x0] =	vst.idx.msk $0xffff, v8  }
0x5b5: {  	v9 =	vor.u32 v49, v3;
	[tilespmem:v12+s17+$0x0] =	vst.idx.msk $0xffff, v11;
	v8 =	vld.idx.msk [tilespmem:v10+s14+$0x0], $0xffff  }
0x5b6: {  	v12 =	vor.u32 v49, v1;
	[tilespmem:v18+s17+$0x0] =	vst.idx.msk $0xffff, v17;
	v10 =	vor.u32 v45, v2;
	v11 =	vld.idx.msk [tilespmem:v13+s14+$0x0], $0xffff  }
0x5b7: {  	[tilespmem:v15+s17+$0x0] =	vst.idx.msk $0xffff, v14;
	v18 =	vor.u32 v49, v7;
	v13 =	vor.u32 v45, v0;
	v17 =	vld.idx.msk [tilespmem:v19+s14+$0x0], $0xffff  }
0x5b8: {  	v15 =	vor.u32 v49, v4;
	v14 =	vld.idx.msk [tilespmem:v16+s14+$0x0], $0xffff;
	v19 =	vor.u32 v45, v6  }
0x5b9: {  	[tilespmem:$0x1F6C0] =	vst v57;
	v16 =	vor.u32 v45, v5  }
0x5ba: {  	v57 =	vld [tilespmem:$0x1FBF0];
	[tilespmem:v9+s17+$0x0] =	vst.idx.msk $0xffff, v8  }
0x5bb: {  	v9 =	vor.u32 v54, v3;
	[tilespmem:v12+s17+$0x0] =	vst.idx.msk $0xffff, v11;
	v8 =	vld.idx.msk [tilespmem:v10+s14+$0x0], $0xffff  }
0x5bc: {  	v12 =	vor.u32 v54, v1;
	[tilespmem:v18+s17+$0x0] =	vst.idx.msk $0xffff, v17;
	v10 =	vor.u32 v55, v2;
	v11 =	vld.idx.msk [tilespmem:v13+s14+$0x0], $0xffff  }
0x5bd: {  	[tilespmem:v15+s17+$0x0] =	vst.idx.msk $0xffff, v14;
	v18 =	vor.u32 v54, v7;
	v13 =	vor.u32 v55, v0;
	v17 =	vld.idx.msk [tilespmem:v19+s14+$0x0], $0xffff  }
0x5be: {  	v15 =	vor.u32 v54, v4;
	v14 =	vld.idx.msk [tilespmem:v16+s14+$0x0], $0xffff;
	v19 =	vor.u32 v55, v6  }
0x5bf: {  	v16 =	vor.u32 v55, v5  }
0x5c0: {  	v26 =	vld [tilespmem:$0x1F700];
	[tilespmem:v9+s17+$0x0] =	vst.idx.msk $0xffff, v8  }
0x5c1: {  	v9 =	vor.u32 v57, v3;
	[tilespmem:v12+s17+$0x0] =	vst.idx.msk $0xffff, v11;
	v8 =	vld.idx.msk [tilespmem:v10+s14+$0x0], $0xffff  }
0x5c2: {  	v12 =	vor.u32 v57, v1;
	[tilespmem:v18+s17+$0x0] =	vst.idx.msk $0xffff, v17;
	v10 =	vor.u32 v52, v2;
	v11 =	vld.idx.msk [tilespmem:v13+s14+$0x0], $0xffff  }
0x5c3: {  	[tilespmem:v15+s17+$0x0] =	vst.idx.msk $0xffff, v14;
	v18 =	vor.u32 v57, v7;
	v13 =	vor.u32 v52, v0;
	v17 =	vld.idx.msk [tilespmem:v19+s14+$0x0], $0xffff  }
0x5c4: {  	v15 =	vor.u32 v57, v4;
	v14 =	vld.idx.msk [tilespmem:v16+s14+$0x0], $0xffff;
	v19 =	vor.u32 v52, v6  }
0x5c5: {  	v16 =	vor.u32 v52, v5  }
0x5c6: {  	v41 =	vld [tilespmem:$0x1FC10];
	[tilespmem:v9+s17+$0x0] =	vst.idx.msk $0xffff, v8  }
0x5c7: {  	v9 =	vor.u32 v32, v3;
	[tilespmem:v12+s17+$0x0] =	vst.idx.msk $0xffff, v11;
	v8 =	vld.idx.msk [tilespmem:v10+s14+$0x0], $0xffff  }
0x5c8: {  	v12 =	vor.u32 v32, v1;
	[tilespmem:v18+s17+$0x0] =	vst.idx.msk $0xffff, v17;
	v10 =	vor.u32 v26, v2;
	v11 =	vld.idx.msk [tilespmem:v13+s14+$0x0], $0xffff  }
0x5c9: {  	[tilespmem:v15+s17+$0x0] =	vst.idx.msk $0xffff, v14;
	v18 =	vor.u32 v32, v7;
	v13 =	vor.u32 v26, v0;
	v17 =	vld.idx.msk [tilespmem:v19+s14+$0x0], $0xffff  }
0x5ca: {  	v15 =	vor.u32 v32, v4;
	v14 =	vld.idx.msk [tilespmem:v16+s14+$0x0], $0xffff;
	v19 =	vor.u32 v26, v6  }
0x5cb: {  	[tilespmem:$0x1F6E0] =	vst v60;
	v16 =	vor.u32 v26, v5  }
0x5cc: {  	v60 =	vmov v21;
	v21 =	vmov v52;
	v52 =	vld [tilespmem:$0x1F710];
	[tilespmem:v9+s17+$0x0] =	vst.idx.msk $0xffff, v8  }
0x5cd: {  	v9 =	vor.u32 v41, v3;
	[tilespmem:v12+s17+$0x0] =	vst.idx.msk $0xffff, v11;
	v8 =	vld.idx.msk [tilespmem:v10+s14+$0x0], $0xffff  }
0x5ce: {  	v12 =	vor.u32 v41, v1;
	[tilespmem:v18+s17+$0x0] =	vst.idx.msk $0xffff, v17;
	v10 =	vor.u32 v33, v2;
	v11 =	vld.idx.msk [tilespmem:v13+s14+$0x0], $0xffff  }
0x5cf: {  	[tilespmem:v15+s17+$0x0] =	vst.idx.msk $0xffff, v14;
	v18 =	vor.u32 v41, v7;
	v13 =	vor.u32 v33, v0;
	v17 =	vld.idx.msk [tilespmem:v19+s14+$0x0], $0xffff  }
0x5d0: {  	v15 =	vor.u32 v41, v4;
	v14 =	vld.idx.msk [tilespmem:v16+s14+$0x0], $0xffff;
	v19 =	vor.u32 v33, v6  }
0x5d1: {  	v42 =	vld [tilespmem:$0x1F730];
	v16 =	vor.u32 v33, v5  }
0x5d2: {  	v44 =	vld [tilespmem:$0x1FC30];
	[tilespmem:v9+s17+$0x0] =	vst.idx.msk $0xffff, v8  }
0x5d3: {  	v9 =	vor.u32 v58, v3;
	[tilespmem:v12+s17+$0x0] =	vst.idx.msk $0xffff, v11;
	v8 =	vld.idx.msk [tilespmem:v10+s14+$0x0], $0xffff  }
0x5d4: {  	v12 =	vor.u32 v58, v1;
	[tilespmem:v18+s17+$0x0] =	vst.idx.msk $0xffff, v17;
	v10 =	vor.u32 v52, v2;
	v11 =	vld.idx.msk [tilespmem:v13+s14+$0x0], $0xffff  }
0x5d5: {  	[tilespmem:v15+s17+$0x0] =	vst.idx.msk $0xffff, v14;
	v18 =	vor.u32 v58, v7;
	v13 =	vor.u32 v52, v0;
	v17 =	vld.idx.msk [tilespmem:v19+s14+$0x0], $0xffff  }
0x5d6: {  	v15 =	vor.u32 v58, v4;
	v14 =	vld.idx.msk [tilespmem:v16+s14+$0x0], $0xffff;
	v19 =	vor.u32 v52, v6  }
0x5d7: {  	v16 =	vor.u32 v52, v5  }
0x5d8: {  	[tilespmem:v9+s17+$0x0] =	vst.idx.msk $0xffff, v8  }
0x5d9: {  	v9 =	vor.u32 v44, v3;
	[tilespmem:v12+s17+$0x0] =	vst.idx.msk $0xffff, v11;
	v8 =	vld.idx.msk [tilespmem:v10+s14+$0x0], $0xffff  }
0x5da: {  	v12 =	vor.u32 v44, v1;
	[tilespmem:v18+s17+$0x0] =	vst.idx.msk $0xffff, v17;
	v10 =	vor.u32 v42, v2;
	v11 =	vld.idx.msk [tilespmem:v13+s14+$0x0], $0xffff  }
0x5db: {  	[tilespmem:v15+s17+$0x0] =	vst.idx.msk $0xffff, v14;
	v18 =	vor.u32 v44, v7;
	v13 =	vor.u32 v42, v0;
	v17 =	vld.idx.msk [tilespmem:v19+s14+$0x0], $0xffff  }
0x5dc: {  	v15 =	vor.u32 v44, v4;
	v14 =	vld.idx.msk [tilespmem:v16+s14+$0x0], $0xffff;
	v19 =	vor.u32 v42, v6  }
0x5dd: {  	v16 =	vor.u32 v42, v5  }
0x5de: {  	v45 =	vld [tilespmem:$0x1FC50];
	[tilespmem:v9+s17+$0x0] =	vst.idx.msk $0xffff, v8  }
0x5df: {  	v9 =	vor.u32 v34, v3;
	[tilespmem:v12+s17+$0x0] =	vst.idx.msk $0xffff, v11;
	v8 =	vld.idx.msk [tilespmem:v10+s14+$0x0], $0xffff  }
0x5e0: {  	v12 =	vor.u32 v34, v1;
	[tilespmem:v18+s17+$0x0] =	vst.idx.msk $0xffff, v17;
	v10 =	vor.u32 v51, v2;
	v11 =	vld.idx.msk [tilespmem:v13+s14+$0x0], $0xffff  }
0x5e1: {  	[tilespmem:v15+s17+$0x0] =	vst.idx.msk $0xffff, v14;
	v18 =	vor.u32 v34, v7;
	v13 =	vor.u32 v51, v0;
	v17 =	vld.idx.msk [tilespmem:v19+s14+$0x0], $0xffff  }
0x5e2: {  	v15 =	vor.u32 v34, v4;
	v14 =	vld.idx.msk [tilespmem:v16+s14+$0x0], $0xffff;
	v19 =	vor.u32 v51, v6  }
0x5e3: {  	v46 =	vld [tilespmem:$0x1FC60];
	v16 =	vor.u32 v51, v5  }
0x5e4: {  	v49 =	vld [tilespmem:$0x1F750];
	[tilespmem:v9+s17+$0x0] =	vst.idx.msk $0xffff, v8  }
0x5e5: {  	v9 =	vor.u32 v45, v3;
	[tilespmem:v12+s17+$0x0] =	vst.idx.msk $0xffff, v11;
	v8 =	vld.idx.msk [tilespmem:v10+s14+$0x0], $0xffff  }
0x5e6: {  	v12 =	vor.u32 v45, v1;
	[tilespmem:v18+s17+$0x0] =	vst.idx.msk $0xffff, v17;
	v10 =	vor.u32 v35, v2;
	v11 =	vld.idx.msk [tilespmem:v13+s14+$0x0], $0xffff  }
0x5e7: {  	[tilespmem:v15+s17+$0x0] =	vst.idx.msk $0xffff, v14;
	v18 =	vor.u32 v45, v7;
	v13 =	vor.u32 v35, v0;
	v17 =	vld.idx.msk [tilespmem:v19+s14+$0x0], $0xffff  }
0x5e8: {  	v15 =	vor.u32 v45, v4;
	v14 =	vld.idx.msk [tilespmem:v16+s14+$0x0], $0xffff;
	v19 =	vor.u32 v35, v6  }
0x5e9: {  	v16 =	vor.u32 v35, v5  }
0x5ea: {  	v54 =	vld [tilespmem:$0x1FC70];
	[tilespmem:v9+s17+$0x0] =	vst.idx.msk $0xffff, v8  }
0x5eb: {  	v9 =	vor.u32 v46, v3;
	[tilespmem:v12+s17+$0x0] =	vst.idx.msk $0xffff, v11;
	v8 =	vld.idx.msk [tilespmem:v10+s14+$0x0], $0xffff  }
0x5ec: {  	v12 =	vor.u32 v46, v1;
	[tilespmem:v18+s17+$0x0] =	vst.idx.msk $0xffff, v17;
	v10 =	vor.u32 v49, v2;
	v11 =	vld.idx.msk [tilespmem:v13+s14+$0x0], $0xffff  }
0x5ed: {  	[tilespmem:v15+s17+$0x0] =	vst.idx.msk $0xffff, v14;
	v18 =	vor.u32 v46, v7;
	v13 =	vor.u32 v49, v0;
	v17 =	vld.idx.msk [tilespmem:v19+s14+$0x0], $0xffff  }
0x5ee: {  	v15 =	vor.u32 v46, v4;
	v14 =	vld.idx.msk [tilespmem:v16+s14+$0x0], $0xffff;
	v19 =	vor.u32 v49, v6  }
0x5ef: {  	v16 =	vor.u32 v49, v5  }
0x5f0: {  	v57 =	vld [tilespmem:$0x1FC80];
	[tilespmem:v9+s17+$0x0] =	vst.idx.msk $0xffff, v8  }
0x5f1: {  	v9 =	vor.u32 v54, v3;
	[tilespmem:v12+s17+$0x0] =	vst.idx.msk $0xffff, v11;
	v8 =	vld.idx.msk [tilespmem:v10+s14+$0x0], $0xffff  }
0x5f2: {  	v12 =	vor.u32 v54, v1;
	[tilespmem:v18+s17+$0x0] =	vst.idx.msk $0xffff, v17;
	v10 =	vor.u32 v37, v2;
	v11 =	vld.idx.msk [tilespmem:v13+s14+$0x0], $0xffff  }
0x5f3: {  	[tilespmem:v15+s17+$0x0] =	vst.idx.msk $0xffff, v14;
	v18 =	vor.u32 v54, v7;
	v13 =	vor.u32 v37, v0;
	v17 =	vld.idx.msk [tilespmem:v19+s14+$0x0], $0xffff  }
0x5f4: {  	v15 =	vor.u32 v54, v4;
	v14 =	vld.idx.msk [tilespmem:v16+s14+$0x0], $0xffff;
	v19 =	vor.u32 v37, v6  }
0x5f5: {  	v16 =	vor.u32 v37, v5  }
0x5f6: {  	v58 =	vld [tilespmem:$0x1FC90];
	[tilespmem:v9+s17+$0x0] =	vst.idx.msk $0xffff, v8  }
0x5f7: {  	v9 =	vor.u32 v57, v3;
	[tilespmem:v12+s17+$0x0] =	vst.idx.msk $0xffff, v11;
	v8 =	vld.idx.msk [tilespmem:v10+s14+$0x0], $0xffff  }
0x5f8: {  	v12 =	vor.u32 v57, v1;
	[tilespmem:v18+s17+$0x0] =	vst.idx.msk $0xffff, v17;
	v10 =	vor.u32 v59, v2;
	v11 =	vld.idx.msk [tilespmem:v13+s14+$0x0], $0xffff  }
0x5f9: {  	[tilespmem:v15+s17+$0x0] =	vst.idx.msk $0xffff, v14;
	v18 =	vor.u32 v57, v7;
	v13 =	vor.u32 v59, v0;
	v17 =	vld.idx.msk [tilespmem:v19+s14+$0x0], $0xffff  }
0x5fa: {  	v15 =	vor.u32 v57, v4;
	v14 =	vld.idx.msk [tilespmem:v16+s14+$0x0], $0xffff;
	v19 =	vor.u32 v59, v6  }
0x5fb: {  	v16 =	vor.u32 v59, v5  }
0x5fc: {  	[tilespmem:v9+s17+$0x0] =	vst.idx.msk $0xffff, v8  }
0x5fd: {  	v9 =	vor.u32 v58, v3;
	[tilespmem:v12+s17+$0x0] =	vst.idx.msk $0xffff, v11;
	v8 =	vld.idx.msk [tilespmem:v10+s14+$0x0], $0xffff  }
0x5fe: {  	v12 =	vor.u32 v58, v1;
	[tilespmem:v18+s17+$0x0] =	vst.idx.msk $0xffff, v17;
	v10 =	vor.u32 v43, v2;
	v11 =	vld.idx.msk [tilespmem:v13+s14+$0x0], $0xffff  }
0x5ff: {  	[tilespmem:v15+s17+$0x0] =	vst.idx.msk $0xffff, v14;
	v18 =	vor.u32 v58, v7;
	v13 =	vor.u32 v43, v0;
	v17 =	vld.idx.msk [tilespmem:v19+s14+$0x0], $0xffff  }
0x600: {  	[tilespmem:$0x1F5E0] =	vst v62;
	v15 =	vor.u32 v58, v4;
	v14 =	vld.idx.msk [tilespmem:v16+s14+$0x0], $0xffff;
	v19 =	vor.u32 v43, v6  }
0x601: {  	[tilespmem:$0x1F600] =	vst v61;
	v62 =	vld [tilespmem:$0x1FCB0];
	v16 =	vor.u32 v43, v5  }
0x602: {  	v61 =	vld [tilespmem:$0x1F780];
	[tilespmem:v9+s17+$0x0] =	vst.idx.msk $0xffff, v8  }
0x603: {  	v9 =	vor.u32 v38, v3;
	[tilespmem:v12+s17+$0x0] =	vst.idx.msk $0xffff, v11;
	v8 =	vld.idx.msk [tilespmem:v10+s14+$0x0], $0xffff  }
0x604: {  	v12 =	vor.u32 v38, v1;
	[tilespmem:v18+s17+$0x0] =	vst.idx.msk $0xffff, v17;
	v10 =	vor.u32 v56, v2;
	v11 =	vld.idx.msk [tilespmem:v13+s14+$0x0], $0xffff  }
0x605: {  	[tilespmem:v15+s17+$0x0] =	vst.idx.msk $0xffff, v14;
	v18 =	vor.u32 v38, v7;
	v13 =	vor.u32 v56, v0;
	v17 =	vld.idx.msk [tilespmem:v19+s14+$0x0], $0xffff  }
0x606: {  	v15 =	vor.u32 v38, v4;
	v14 =	vld.idx.msk [tilespmem:v16+s14+$0x0], $0xffff;
	v19 =	vor.u32 v56, v6  }
0x607: {  	v16 =	vor.u32 v56, v5  }
0x608: {  	[tilespmem:v9+s17+$0x0] =	vst.idx.msk $0xffff, v8  }
0x609: {  	v9 =	vor.u32 v62, v3;
	[tilespmem:v12+s17+$0x0] =	vst.idx.msk $0xffff, v11;
	v8 =	vld.idx.msk [tilespmem:v10+s14+$0x0], $0xffff  }
0x60a: {  	v12 =	vor.u32 v62, v1;
	[tilespmem:v18+s17+$0x0] =	vst.idx.msk $0xffff, v17;
	v10 =	vor.u32 v61, v2;
	v11 =	vld.idx.msk [tilespmem:v13+s14+$0x0], $0xffff  }
0x60b: {  	[tilespmem:v15+s17+$0x0] =	vst.idx.msk $0xffff, v14;
	v18 =	vor.u32 v62, v7;
	v13 =	vor.u32 v61, v0;
	v17 =	vld.idx.msk [tilespmem:v19+s14+$0x0], $0xffff  }
0x60c: {  	v15 =	vor.u32 v62, v4;
	v14 =	vld.idx.msk [tilespmem:v16+s14+$0x0], $0xffff;
	v19 =	vor.u32 v61, v6  }
0x60d: {  	[tilespmem:$0x1F5C0] =	vst v63;
	v16 =	vor.u32 v61, v5  }
0x60e: {  	v63 =	vld [tilespmem:$0x1FCD0];
	[tilespmem:v9+s17+$0x0] =	vst.idx.msk $0xffff, v8  }
0x60f: {  	v9 =	vor.u32 v39, v3;
	[tilespmem:v12+s17+$0x0] =	vst.idx.msk $0xffff, v11;
	v8 =	vld.idx.msk [tilespmem:v10+s14+$0x0], $0xffff  }
0x610: {  	v12 =	vor.u32 v39, v1;
	[tilespmem:v18+s17+$0x0] =	vst.idx.msk $0xffff, v17;
	v10 =	vor.u32 v47, v2;
	v11 =	vld.idx.msk [tilespmem:v13+s14+$0x0], $0xffff  }
0x611: {  	[tilespmem:v15+s17+$0x0] =	vst.idx.msk $0xffff, v14;
	v18 =	vor.u32 v39, v7;
	v13 =	vor.u32 v47, v0;
	v17 =	vld.idx.msk [tilespmem:v19+s14+$0x0], $0xffff  }
0x612: {  	v15 =	vor.u32 v39, v4;
	v14 =	vld.idx.msk [tilespmem:v16+s14+$0x0], $0xffff;
	v19 =	vor.u32 v47, v6  }
0x613: {  	v16 =	vor.u32 v47, v5  }
0x614: {  	[tilespmem:v9+s17+$0x0] =	vst.idx.msk $0xffff, v8  }
0x615: {  	v9 =	vor.u32 v63, v3;
	[tilespmem:v12+s17+$0x0] =	vst.idx.msk $0xffff, v11;
	v8 =	vld.idx.msk [tilespmem:v10+s14+$0x0], $0xffff  }
0x616: {  	v12 =	vor.u32 v63, v1;
	[tilespmem:v18+s17+$0x0] =	vst.idx.msk $0xffff, v17;
	v10 =	vor.u32 v48, v2;
	v11 =	vld.idx.msk [tilespmem:v13+s14+$0x0], $0xffff  }
0x617: {  	[tilespmem:v15+s17+$0x0] =	vst.idx.msk $0xffff, v14;
	v18 =	vor.u32 v63, v7;
	v13 =	vor.u32 v48, v0;
	v17 =	vld.idx.msk [tilespmem:v19+s14+$0x0], $0xffff  }
0x618: {  	v15 =	vor.u32 v63, v4;
	v14 =	vld.idx.msk [tilespmem:v16+s14+$0x0], $0xffff;
	v19 =	vor.u32 v48, v6  }
0x619: {  	v16 =	vor.u32 v48, v5  }
0x61a: {  	[tilespmem:v9+s17+$0x0] =	vst.idx.msk $0xffff, v8  }
0x61b: {  	v9 =	vor.u32 v27, v3;
	[tilespmem:v12+s17+$0x0] =	vst.idx.msk $0xffff, v11;
	v8 =	vld.idx.msk [tilespmem:v10+s14+$0x0], $0xffff  }
0x61c: {  	v12 =	vor.u32 v27, v1;
	[tilespmem:v18+s17+$0x0] =	vst.idx.msk $0xffff, v17;
	v11 =	vld.idx.msk [tilespmem:v13+s14+$0x0], $0xffff  }
0x61d: {  	[tilespmem:v15+s17+$0x0] =	vst.idx.msk $0xffff, v14;
	v18 =	vor.u32 v27, v7;
	v17 =	vld.idx.msk [tilespmem:v19+s14+$0x0], $0xffff  }
0x61e: {  	v15 =	vor.u32 v27, v4;
	v10 =	vor.u32 v36, v2;
	v14 =	vld.idx.msk [tilespmem:v16+s14+$0x0], $0xffff  }
0x61f: {  	v16 =	vor.u32 v36, v5  }
0x620: {  	[tilespmem:v9+s17+$0x0] =	vst.idx.msk $0xffff, v8;
	v9 =	vld [tilespmem:$0x1FFD0]  }
0x621: {  	[tilespmem:v12+s17+$0x0] =	vst.idx.msk $0xffff, v11;
	v11 =	vld [tilespmem:$0x1FFD0]  }
0x622: {  	v13 =	vor.u32 v36, v0;
	[tilespmem:v18+s17+$0x0] =	vst.idx.msk $0xffff, v17;
	v18 =	vld [tilespmem:$0x1F8D0]  }
0x623: {  	v19 =	vor.u32 v36, v6;
	[tilespmem:v15+s17+$0x0] =	vst.idx.msk $0xffff, v14;
	v8 =	vld.idx.msk [tilespmem:v10+s14+$0x0], $0xffff  }
0x624: {  	v12 =	vld.idx.msk [tilespmem:v16+s14+$0x0], $0xffff  }
0x625: {  	v16 =	vld [tilespmem:$0x1FFD0];
	v9 =	vor.u32 v9, v3  }
0x626: {  	v17 =	vld [tilespmem:$0x1F8C0]  }
0x627: {  	v10 =	vld.idx.msk [tilespmem:v13+s14+$0x0], $0xffff;
	v11 =	vor.u32 v11, v1  }
0x628: {  	v14 =	vld.idx.msk [tilespmem:v19+s14+$0x0], $0xffff  }
0x629: {  	v2 =	vor.u32 v50, v2;
	v19 =	vld [tilespmem:$0x1F8E0]  }
0x62a: {  	v13 =	vor.u32 v16, v4;
	[tilespmem:v9+s17+$0x0] =	vst.idx.msk $0xffff, v8;
	v9 =	vld [tilespmem:$0x1F850]  }
0x62b: {  	[tilespmem:$0x1F6A0] =	vst v25;
	v8 =	vld [tilespmem:$0x1FFE0]  }
0x62c: {  	v5 =	vor.u32 v50, v5;
	v15 =	vor.u32 v16, v7;
	[tilespmem:v11+s17+$0x0] =	vst.idx.msk $0xffff, v10;
	v11 =	vld [tilespmem:$0x1F870]  }
0x62d: {  	[tilespmem:$0x1F6F0] =	vst v55;
	v6 =	vor.u32 v50, v6;
	v10 =	vld [tilespmem:$0x1F860]  }
0x62e: {  	[tilespmem:$0x1F720] =	vst v33;
	v0 =	vor.u32 v50, v0;
	v2 =	vld.idx.msk [tilespmem:v2+s14+$0x0], $0xffff  }
0x62f: {  	[tilespmem:v13+s17+$0x0] =	vst.idx.msk $0xffff, v12;
	v13 =	vld [tilespmem:$0x1F890]  }
0x630: {  	[tilespmem:$0x1F740] =	vst v51;
	v12 =	vld [tilespmem:$0x1F880];
	v3 =	vor.u32 v8, v3  }
0x631: {  	[tilespmem:v15+s17+$0x0] =	vst.idx.msk $0xffff, v14;
	v5 =	vld.idx.msk [tilespmem:v5+s14+$0x0], $0xffff;
	v4 =	vor.u32 v8, v4  }
0x632: {  	[tilespmem:$0x1F760] =	vst v37;
	v6 =	vld.idx.msk [tilespmem:v6+s14+$0x0], $0xffff;
	v7 =	vor.u32 v8, v7  }
0x633: {  	p2 =	por p1, p1;
	[tilespmem:$0x1F770] =	vst v43;
	v0 =	vld.idx.msk [tilespmem:v0+s14+$0x0], $0xffff;
	v1 =	vor.u32 v8, v1  }
.Ltmp0:
0x634: {  	[tilespmem:$0x1F790] =	vst v47;
	v15 =	vld [tilespmem:$0x1F8B0];
	(pc) =	sbr.rel @p2 .LBB2_3-.Ltmp0, $4  }
0x635: {  	v14 =	vld [tilespmem:$0x1F8A0];
	[tilespmem:v3+s17+$0x0] =	vst.idx.msk $0xffff, v2  }
0x636: {  	[tilespmem:v4+s17+$0x0] =	vst.idx.msk $0xffff, v5;
	v5 =	vld [tilespmem:$0x1F820]  }
0x637: {  	[tilespmem:v7+s17+$0x0] =	vst.idx.msk $0xffff, v6;
	v7 =	vld [tilespmem:$0x1F840]  }
0x638: {  	p1 =	por $0x0, $0x0;
	s26 =	simm.s32 $0x80;
	v51 =	vmov v35;
	[tilespmem:v1+s17+$0x0] =	vst.idx.msk $0xffff, v0;
	v6 =	vld [tilespmem:$0x1F830]  }
0x639: {  	p1 =	seq.s32 s24, $0x31  }
0x63a: {  	s26 =	sadd.s32 @!p1 s25, s9  }
0x63b: {  	s26 =	sshll.u32 @!p1 s26, $0x5  }
0x63c: {  	s26 =	sand.u32 @!p1 $0xFFFFFC0, s26  }
0x63d: {  	s28 =	simm.s32 @!p1 $0x0;
	s26 =	sadd.s32 @!p1 s1, s26  }
0x63e: {  	[tilespmem:s28], [sflag:$0x5] =	stream.linear.gather @!p1 [hbm4b:s26+s28], $0x100, $0x38;
	[tilespmem:$0x10200] =	vst v63  }
0x63f: {  	s26 =	simm.s32 @!p1 $0x5  }
0x640: {  	_ =	swait.ge @!p1 [sflag:s26], $0x100  }
0x641: {  	s31 =	sadd.s32 s5, s25;
	[sflag:s26] =	ssyncset.done @!p1 $0x0  }
0x642: {  	s29 =	simm.s32 @!p1 $0x200;
	[sflag:s26] =	ssyncadd.s32 @!p1 $0xFFFFFF00;
	s26 =	simm.s32 @!p1 $0x100  }
0x643: {  	[tilespmem:s29], [sflag:$0x1] =	stream.indirect.gather @!p1 [hbm4b:s4+s26], $0x40, s28, s26, $0xb8;
	[tilespmem:$0x10200] =	vst v63  }
0x644: {  	s28 =	sshll.u32 s31, $0x5  }
0x645: {  	s26 =	sshll.u32 s31, $0xB;
	s28 =	sand.u32 $0x7C0, s28  }
0x646: {  	s26 =	sand.u32 $0xFFE0000, s26;
	s28 =	sadd.s32 s7, s28  }
0x647: {  	s26 =	sadd.s32 s26, s28  }
0x648: {  	[hbm4b:s26+s13] =	stream.strided.scatter [tilespmem:s17], [sflag:$0x3], $0x4000, s18, s13, $0x38;
	[tilespmem:$0x10200] =	vst v63  }
0x649: {  	_ =	swait.ge [sflag:s19], $0x4000  }
0x64a: {  	[sflag:s19] =	ssyncset.done $0x0  }
0x64b: {  	s28 =	simm.s32 @!p0 $0x4;
	[sflag:s19] =	ssyncadd.s32 $0xFFFFC000  }
0x64c: {  	v35 =	vmov v21;
	_ =	swait.ge @!p0 [sflag:s28], $0x4000  }
0x64d: {  	[tilespmem:$0x1F4D0] =	vst v35  }
0x64e: {  	[tilespmem:$0x1F4E0] =	vst v51  }
0x64f: {  	v20 =	vmov v56;
	[tilespmem:$0x1F4F0] =	vst v59  }
0x650: {  	[tilespmem:$0x1F500] =	vst v20  }
0x651: {  	[tilespmem:$0x1F510] =	vst v48  }
0x652: {  	v42 =	vmov v53;
	s26 =	sor.u32 $0x1, s25;
	[sflag:s28] =	ssyncset.done @!p0 $0x0;
	[tilespmem:$0x1F520] =	vst v36  }
0x653: {  	v28 =	vmovc v52;
	v27 =	vmovc v51;
	v21 =	vmov v59;
	v24 =	vmov v48;
	v56 =	vmov v36;
	v38 =	vld [tilespmem:$0x1F6E0];
	[tilespmem:$0x1F530] =	vst v50;
	[sflag:s28] =	ssyncadd.s32 @!p0 $0xFFFFC000;
	s28 =	simm.s32 $0x0;
	p0 =	por $0x1, $0x1  }
.LBB2_5:
0x654: {  	v44 =	vlaneseq.u32  }
0x655: {  	v0 =	vor.u32 s28, v44  }
0x656: {  	v3 =	vshll.u32 v0, $0x6  }
0x657: {  	v57 =	vld [tilespmem:$0x1F7A0];
	v1 =	vor.u32 v44, v3  }
0x658: {  	v25 =	vld [tilespmem:$0x1F7B0];
	_ =	sdelay $0x2  }
0x659: {  	v2 =	vand.u32 $0x88, v0  }
0x65a: {  	v61 =	vor.u32 v57, v2;
	v60 =	vld.idx.msk [tilespmem:v1+s15+$0x0], $0xffff  }
0x65b: {  	v46 =	vld [tilespmem:$0x1F7C0];
	v4 =	vor.u32 v25, v3  }
0x65c: {  	v33 =	vmov v27;
	v27 =	vld [tilespmem:$0x1F7D0];
	_ =	sdelay $0x2  }
0x65d: {  	[tilespmem:v61+s20+$0x0] =	vst.idx.msk $0xffff, v60  }
0x65e: {  	v62 =	vor.u32 v46, v2;
	v0 =	vld.idx.msk [tilespmem:v4+s15+$0x0], $0xffff  }
0x65f: {  	v26 =	vmov v20;
	v20 =	vld [tilespmem:$0x1F7E0];
	v4 =	vor.u32 v27, v3  }
0x660: {  	v34 =	vmov v21;
	v21 =	vld [tilespmem:$0x1F7F0];
	_ =	sdelay $0x2  }
0x661: {  	[tilespmem:v62+s20+$0x0] =	vst.idx.msk $0xffff, v0  }
0x662: {  	v63 =	vor.u32 v20, v2;
	v0 =	vld.idx.msk [tilespmem:v4+s15+$0x0], $0xffff  }
0x663: {  	v22 =	vld [tilespmem:$0x1F800];
	v4 =	vor.u32 v21, v3  }
0x664: {  	v23 =	vld [tilespmem:$0x1F810];
	_ =	sdelay $0x2  }
0x665: {  	[tilespmem:v63+s20+$0x0] =	vst.idx.msk $0xffff, v0  }
0x666: {  	v32 =	vor.u32 v22, v2;
	v0 =	vld.idx.msk [tilespmem:v4+s15+$0x0], $0xffff  }
0x667: {  	v4 =	vor.u32 v23, v3;
	_ =	sdelay $0x3  }
0x668: {  	[tilespmem:v32+s20+$0x0] =	vst.idx.msk $0xffff, v0  }
0x669: {  	v36 =	vor.u32 v5, v2;
	v0 =	vld.idx.msk [tilespmem:v4+s15+$0x0], $0xffff  }
0x66a: {  	v4 =	vor.u32 v6, v3;
	_ =	sdelay $0x3  }
0x66b: {  	[tilespmem:v36+s20+$0x0] =	vst.idx.msk $0xffff, v0  }
0x66c: {  	v37 =	vor.u32 v7, v2;
	v0 =	vld.idx.msk [tilespmem:v4+s15+$0x0], $0xffff  }
0x66d: {  	v4 =	vor.u32 v9, v3;
	_ =	sdelay $0x3  }
0x66e: {  	[tilespmem:v37+s20+$0x0] =	vst.idx.msk $0xffff, v0  }
0x66f: {  	v39 =	vor.u32 v10, v2;
	v0 =	vld.idx.msk [tilespmem:v4+s15+$0x0], $0xffff  }
0x670: {  	v4 =	vor.u32 v11, v3;
	_ =	sdelay $0x3  }
0x671: {  	[tilespmem:v39+s20+$0x0] =	vst.idx.msk $0xffff, v0  }
0x672: {  	v41 =	vor.u32 v12, v2;
	v0 =	vld.idx.msk [tilespmem:v4+s15+$0x0], $0xffff  }
0x673: {  	v4 =	vor.u32 v13, v3;
	_ =	sdelay $0x3  }
0x674: {  	[tilespmem:v41+s20+$0x0] =	vst.idx.msk $0xffff, v0  }
0x675: {  	v43 =	vor.u32 v14, v2;
	v0 =	vld.idx.msk [tilespmem:v4+s15+$0x0], $0xffff  }
0x676: {  	v4 =	vor.u32 v15, v3;
	_ =	sdelay $0x3  }
0x677: {  	[tilespmem:v43+s20+$0x0] =	vst.idx.msk $0xffff, v0  }
0x678: {  	v45 =	vor.u32 v17, v2;
	v0 =	vld.idx.msk [tilespmem:v4+s15+$0x0], $0xffff  }
0x679: {  	v4 =	vor.u32 v18, v3  }
0x67a: {  	v51 =	vld [tilespmem:$0x1F8F0];
	_ =	sdelay $0x2  }
0x67b: {  	[tilespmem:v45+s20+$0x0] =	vst.idx.msk $0xffff, v0  }
0x67c: {  	v47 =	vor.u32 v19, v2;
	v0 =	vld.idx.msk [tilespmem:v4+s15+$0x0], $0xffff  }
0x67d: {  	v54 =	vld [tilespmem:$0x1F900];
	v4 =	vor.u32 v51, v3  }
0x67e: {  	v29 =	vld [tilespmem:$0x1F910];
	_ =	sdelay $0x2  }
0x67f: {  	s29 =	sor.u32 $0x10, s28;
	[tilespmem:v47+s20+$0x0] =	vst.idx.msk $0xffff, v0  }
0x680: {  	s31 =	sor.u32 $0x20, s28;
	v1 =	vor.u32 v54, v2;
	v0 =	vld.idx.msk [tilespmem:v4+s15+$0x0], $0xffff;
	v4 =	vor.u32 s29, v44  }
0x681: {  	s30 =	sor.u32 $0x30, s28;
	v5 =	vor.u32 v29, v3;
	v6 =	vor.u32 s31, v44;
	v7 =	vshll.u32 v4, $0x6  }
0x682: {  	v9 =	vshll.u32 v6, $0x6;
	v11 =	vor.u32 s30, v44;
	v10 =	vor.u32 v44, v7  }
0x683: {  	v12 =	vor.u32 v44, v9;
	v8 =	vshll.u32 v11, $0x6  }
0x684: {  	v13 =	vor.u32 v44, v8  }
0x685: {  	[tilespmem:v1+s20+$0x0] =	vst.idx.msk $0xffff, v0  }
0x686: {  	v4 =	vand.u32 $0x98, v4;
	v0 =	vld.idx.msk [tilespmem:v5+s15+$0x0], $0xffff  }
0x687: {  	v5 =	vand.u32 $0xA8, v6;
	v55 =	vld.idx.msk [tilespmem:v10+s15+$0x0], $0xffff;
	v10 =	vor.u32 v57, v4  }
0x688: {  	v12 =	vld.idx.msk [tilespmem:v12+s15+$0x0], $0xffff;
	v14 =	vor.u32 v25, v7;
	v6 =	vand.u32 $0xB8, v11;
	v15 =	vor.u32 v57, v5  }
0x689: {  	v13 =	vld.idx.msk [tilespmem:v13+s15+$0x0], $0xffff;
	v11 =	vor.u32 v25, v9;
	v16 =	vor.u32 v57, v6  }
0x68a: {  	v17 =	vor.u32 v25, v8;
	_ =	sdelay $0x1  }
0x68b: {  	[tilespmem:v10+s20+$0x0] =	vst.idx.msk $0xffff, v55  }
0x68c: {  	v10 =	vor.u32 v46, v4;
	[tilespmem:v15+s20+$0x0] =	vst.idx.msk $0xffff, v12;
	v1 =	vld.idx.msk [tilespmem:v14+s15+$0x0], $0xffff  }
0x68d: {  	v12 =	vor.u32 v27, v7;
	[tilespmem:v16+s20+$0x0] =	vst.idx.msk $0xffff, v13;
	v11 =	vld.idx.msk [tilespmem:v11+s15+$0x0], $0xffff;
	v14 =	vor.u32 v46, v5  }
0x68e: {  	v13 =	vor.u32 v27, v9;
	v16 =	vor.u32 v46, v6;
	v15 =	vld.idx.msk [tilespmem:v17+s15+$0x0], $0xffff  }
0x68f: {  	v17 =	vor.u32 v27, v8;
	_ =	sdelay $0x1  }
0x690: {  	[tilespmem:v10+s20+$0x0] =	vst.idx.msk $0xffff, v1  }
0x691: {  	v10 =	vor.u32 v20, v4;
	[tilespmem:v14+s20+$0x0] =	vst.idx.msk $0xffff, v11;
	v1 =	vld.idx.msk [tilespmem:v12+s15+$0x0], $0xffff  }
0x692: {  	v11 =	vor.u32 v21, v7;
	[tilespmem:v16+s20+$0x0] =	vst.idx.msk $0xffff, v15;
	v12 =	vld.idx.msk [tilespmem:v13+s15+$0x0], $0xffff;
	v13 =	vor.u32 v20, v5  }
0x693: {  	v14 =	vor.u32 v21, v9;
	v16 =	vor.u32 v20, v6;
	v15 =	vld.idx.msk [tilespmem:v17+s15+$0x0], $0xffff  }
0x694: {  	v17 =	vor.u32 v21, v8;
	_ =	sdelay $0x1  }
0x695: {  	[tilespmem:v10+s20+$0x0] =	vst.idx.msk $0xffff, v1  }
0x696: {  	v10 =	vor.u32 v22, v4;
	[tilespmem:v13+s20+$0x0] =	vst.idx.msk $0xffff, v12;
	v1 =	vld.idx.msk [tilespmem:v11+s15+$0x0], $0xffff  }
0x697: {  	v13 =	vor.u32 v22, v5;
	[tilespmem:v16+s20+$0x0] =	vst.idx.msk $0xffff, v15;
	v12 =	vld.idx.msk [tilespmem:v14+s15+$0x0], $0xffff  }
0x698: {  	v16 =	vor.u32 v22, v6;
	v15 =	vld.idx.msk [tilespmem:v17+s15+$0x0], $0xffff  }
0x699: {  	v11 =	vor.u32 v23, v7;
	_ =	sdelay $0x1  }
0x69a: {  	v14 =	vor.u32 v23, v9;
	[tilespmem:v10+s20+$0x0] =	vst.idx.msk $0xffff, v1;
	v10 =	vld [tilespmem:$0x1F820]  }
0x69b: {  	[tilespmem:v13+s20+$0x0] =	vst.idx.msk $0xffff, v12;
	v13 =	vld [tilespmem:$0x1F820]  }
0x69c: {  	v17 =	vor.u32 v23, v8;
	[tilespmem:v16+s20+$0x0] =	vst.idx.msk $0xffff, v15;
	v16 =	vld [tilespmem:$0x1F820]  }
0x69d: {  	v1 =	vld.idx.msk [tilespmem:v11+s15+$0x0], $0xffff  }
0x69e: {  	v11 =	vld [tilespmem:$0x1F830]  }
0x69f: {  	v12 =	vld.idx.msk [tilespmem:v14+s15+$0x0], $0xffff  }
0x6a0: {  	v14 =	vld [tilespmem:$0x1F830];
	v10 =	vor.u32 v10, v4  }
0x6a1: {  	v15 =	vld.idx.msk [tilespmem:v17+s15+$0x0], $0xffff;
	v13 =	vor.u32 v13, v5  }
0x6a2: {  	v17 =	vld [tilespmem:$0x1F830];
	v16 =	vor.u32 v16, v6  }
0x6a3: {  	v11 =	vor.u32 v11, v7;
	_ =	sdelay $0x1  }
0x6a4: {  	v14 =	vor.u32 v14, v9;
	[tilespmem:v10+s20+$0x0] =	vst.idx.msk $0xffff, v1;
	v10 =	vld [tilespmem:$0x1F840]  }
0x6a5: {  	[tilespmem:v13+s20+$0x0] =	vst.idx.msk $0xffff, v12;
	v13 =	vld [tilespmem:$0x1F840]  }
0x6a6: {  	v17 =	vor.u32 v17, v8;
	[tilespmem:v16+s20+$0x0] =	vst.idx.msk $0xffff, v15;
	v16 =	vld [tilespmem:$0x1F840]  }
0x6a7: {  	v1 =	vld.idx.msk [tilespmem:v11+s15+$0x0], $0xffff  }
0x6a8: {  	v11 =	vld [tilespmem:$0x1F850]  }
0x6a9: {  	v12 =	vld.idx.msk [tilespmem:v14+s15+$0x0], $0xffff  }
0x6aa: {  	v14 =	vld [tilespmem:$0x1F850];
	v10 =	vor.u32 v10, v4  }
0x6ab: {  	v15 =	vld.idx.msk [tilespmem:v17+s15+$0x0], $0xffff;
	v13 =	vor.u32 v13, v5  }
0x6ac: {  	v17 =	vld [tilespmem:$0x1F850];
	v16 =	vor.u32 v16, v6  }
0x6ad: {  	v11 =	vor.u32 v11, v7;
	_ =	sdelay $0x1  }
0x6ae: {  	v14 =	vor.u32 v14, v9;
	[tilespmem:v10+s20+$0x0] =	vst.idx.msk $0xffff, v1;
	v10 =	vld [tilespmem:$0x1F860]  }
0x6af: {  	[tilespmem:v13+s20+$0x0] =	vst.idx.msk $0xffff, v12;
	v13 =	vld [tilespmem:$0x1F860]  }
0x6b0: {  	v17 =	vor.u32 v17, v8;
	[tilespmem:v16+s20+$0x0] =	vst.idx.msk $0xffff, v15;
	v16 =	vld [tilespmem:$0x1F860]  }
0x6b1: {  	v1 =	vld.idx.msk [tilespmem:v11+s15+$0x0], $0xffff  }
0x6b2: {  	v11 =	vld [tilespmem:$0x1F870]  }
0x6b3: {  	v12 =	vld.idx.msk [tilespmem:v14+s15+$0x0], $0xffff  }
0x6b4: {  	v14 =	vld [tilespmem:$0x1F870];
	v10 =	vor.u32 v10, v4  }
0x6b5: {  	v15 =	vld.idx.msk [tilespmem:v17+s15+$0x0], $0xffff;
	v13 =	vor.u32 v13, v5  }
0x6b6: {  	v17 =	vld [tilespmem:$0x1F870];
	v16 =	vor.u32 v16, v6  }
0x6b7: {  	v11 =	vor.u32 v11, v7;
	_ =	sdelay $0x1  }
0x6b8: {  	v14 =	vor.u32 v14, v9;
	[tilespmem:v10+s20+$0x0] =	vst.idx.msk $0xffff, v1;
	v10 =	vld [tilespmem:$0x1F880]  }
0x6b9: {  	[tilespmem:v13+s20+$0x0] =	vst.idx.msk $0xffff, v12;
	v13 =	vld [tilespmem:$0x1F880]  }
0x6ba: {  	v17 =	vor.u32 v17, v8;
	[tilespmem:v16+s20+$0x0] =	vst.idx.msk $0xffff, v15;
	v16 =	vld [tilespmem:$0x1F880]  }
0x6bb: {  	v1 =	vld.idx.msk [tilespmem:v11+s15+$0x0], $0xffff  }
0x6bc: {  	v11 =	vld [tilespmem:$0x1F890]  }
0x6bd: {  	v12 =	vld.idx.msk [tilespmem:v14+s15+$0x0], $0xffff;
	v10 =	vor.u32 v10, v4  }
0x6be: {  	v14 =	vld [tilespmem:$0x1F890]  }
0x6bf: {  	v15 =	vld.idx.msk [tilespmem:v17+s15+$0x0], $0xffff;
	v13 =	vor.u32 v13, v5  }
0x6c0: {  	v17 =	vld [tilespmem:$0x1F890];
	v16 =	vor.u32 v16, v6  }
0x6c1: {  	v11 =	vor.u32 v11, v7  }
0x6c2: {  	[tilespmem:v10+s20+$0x0] =	vst.idx.msk $0xffff, v1;
	v10 =	vld [tilespmem:$0x1F8A0]  }
0x6c3: {  	v14 =	vor.u32 v14, v9  }
0x6c4: {  	[tilespmem:v13+s20+$0x0] =	vst.idx.msk $0xffff, v12;
	v13 =	vld [tilespmem:$0x1F8A0]  }
0x6c5: {  	v17 =	vor.u32 v17, v8;
	[tilespmem:v16+s20+$0x0] =	vst.idx.msk $0xffff, v15;
	v16 =	vld [tilespmem:$0x1F8A0]  }
0x6c6: {  	v1 =	vld.idx.msk [tilespmem:v11+s15+$0x0], $0xffff  }
0x6c7: {  	v11 =	vld [tilespmem:$0x1F8B0];
	v10 =	vor.u32 v10, v4  }
0x6c8: {  	v12 =	vld.idx.msk [tilespmem:v14+s15+$0x0], $0xffff  }
0x6c9: {  	v14 =	vld [tilespmem:$0x1F8B0];
	v13 =	vor.u32 v13, v5  }
0x6ca: {  	v15 =	vld.idx.msk [tilespmem:v17+s15+$0x0], $0xffff  }
0x6cb: {  	v17 =	vld [tilespmem:$0x1F8B0];
	v16 =	vor.u32 v16, v6  }
0x6cc: {  	v11 =	vor.u32 v11, v7;
	[tilespmem:v10+s20+$0x0] =	vst.idx.msk $0xffff, v1;
	v10 =	vld [tilespmem:$0x1F8C0];
	_ =	sdelay $0x1  }
0x6cd: {  	v14 =	vor.u32 v14, v9;
	[tilespmem:v13+s20+$0x0] =	vst.idx.msk $0xffff, v12;
	v13 =	vld [tilespmem:$0x1F8C0];
	_ =	sdelay $0x1  }
0x6ce: {  	v17 =	vor.u32 v17, v8;
	[tilespmem:v16+s20+$0x0] =	vst.idx.msk $0xffff, v15;
	v16 =	vld [tilespmem:$0x1F8C0]  }
0x6cf: {  	v1 =	vld.idx.msk [tilespmem:v11+s15+$0x0], $0xffff;
	v10 =	vor.u32 v10, v4  }
0x6d0: {  	v11 =	vor.u32 v18, v7  }
0x6d1: {  	v12 =	vld.idx.msk [tilespmem:v14+s15+$0x0], $0xffff;
	v13 =	vor.u32 v13, v5  }
0x6d2: {  	v14 =	vor.u32 v18, v9  }
0x6d3: {  	v15 =	vld.idx.msk [tilespmem:v17+s15+$0x0], $0xffff;
	v16 =	vor.u32 v16, v6  }
0x6d4: {  	v17 =	vor.u32 v18, v8;
	[tilespmem:v10+s20+$0x0] =	vst.idx.msk $0xffff, v1  }
0x6d5: {  	v10 =	vor.u32 v19, v4;
	v1 =	vld.idx.msk [tilespmem:v11+s15+$0x0], $0xffff  }
0x6d6: {  	[tilespmem:v13+s20+$0x0] =	vst.idx.msk $0xffff, v12  }
0x6d7: {  	v13 =	vor.u32 v19, v5;
	v12 =	vld.idx.msk [tilespmem:v14+s15+$0x0], $0xffff  }
0x6d8: {  	[tilespmem:v16+s20+$0x0] =	vst.idx.msk $0xffff, v15  }
0x6d9: {  	v16 =	vor.u32 v19, v6;
	v15 =	vld.idx.msk [tilespmem:v17+s15+$0x0], $0xffff  }
0x6da: {  	v11 =	vor.u32 v51, v7;
	[tilespmem:v10+s20+$0x0] =	vst.idx.msk $0xffff, v1;
	v10 =	vld [tilespmem:$0x1F900];
	_ =	sdelay $0x1  }
0x6db: {  	v14 =	vor.u32 v51, v9;
	[tilespmem:v13+s20+$0x0] =	vst.idx.msk $0xffff, v12;
	v13 =	vld [tilespmem:$0x1F900];
	_ =	sdelay $0x1  }
0x6dc: {  	[tilespmem:v16+s20+$0x0] =	vst.idx.msk $0xffff, v15;
	v16 =	vld [tilespmem:$0x1F900]  }
0x6dd: {  	v17 =	vor.u32 v51, v8;
	v1 =	vld.idx.msk [tilespmem:v11+s15+$0x0], $0xffff;
	v10 =	vor.u32 v10, v4  }
0x6de: {  	v11 =	vor.u32 v29, v7  }
0x6df: {  	v12 =	vld.idx.msk [tilespmem:v14+s15+$0x0], $0xffff;
	v13 =	vor.u32 v13, v5  }
0x6e0: {  	v52 =	vld [tilespmem:$0x1F930];
	v14 =	vor.u32 v29, v9  }
0x6e1: {  	v18 =	vld [tilespmem:$0x1F920]  }
0x6e2: {  	v15 =	vld.idx.msk [tilespmem:v17+s15+$0x0], $0xffff;
	v16 =	vor.u32 v16, v6;
	[tilespmem:v10+s20+$0x0] =	vst.idx.msk $0xffff, v1  }
0x6e3: {  	v17 =	vor.u32 v29, v8;
	v10 =	vld.idx.msk [tilespmem:v11+s15+$0x0], $0xffff  }
0x6e4: {  	[tilespmem:v13+s20+$0x0] =	vst.idx.msk $0xffff, v12;
	v11 =	vld [tilespmem:$0x1F920]  }
0x6e5: {  	v13 =	vld.idx.msk [tilespmem:v14+s15+$0x0], $0xffff  }
0x6e6: {  	v14 =	vld [tilespmem:$0x1F920]  }
0x6e7: {  	[tilespmem:v16+s20+$0x0] =	vst.idx.msk $0xffff, v15  }
0x6e8: {  	v18 =	vor.u32 v18, v2;
	v16 =	vld.idx.msk [tilespmem:v17+s15+$0x0], $0xffff  }
0x6e9: {  	v58 =	vor.u32 v52, v3;
	v17 =	vld [tilespmem:$0x1F920];
	v11 =	vor.u32 v11, v4  }
0x6ea: {  	v59 =	vld [tilespmem:$0x1F940];
	v12 =	vor.u32 v52, v7  }
0x6eb: {  	v53 =	vld [tilespmem:$0x1F950];
	v14 =	vor.u32 v14, v5  }
0x6ec: {  	v60 =	vld [tilespmem:$0x1F960];
	v15 =	vor.u32 v52, v9  }
0x6ed: {  	[tilespmem:v18+s20+$0x0] =	vst.idx.msk $0xffff, v0;
	v18 =	vld [tilespmem:$0x1F940]  }
0x6ee: {  	v0 =	vld.idx.msk [tilespmem:v58+s15+$0x0], $0xffff;
	v17 =	vor.u32 v17, v6;
	[tilespmem:v11+s20+$0x0] =	vst.idx.msk $0xffff, v10  }
0x6ef: {  	v19 =	vor.u32 v52, v8;
	v1 =	vor.u32 v59, v2;
	v11 =	vld.idx.msk [tilespmem:v12+s15+$0x0], $0xffff  }
0x6f0: {  	v10 =	vor.u32 v53, v3;
	[tilespmem:v14+s20+$0x0] =	vst.idx.msk $0xffff, v13;
	v12 =	vld [tilespmem:$0x1F940]  }
0x6f1: {  	v14 =	vld.idx.msk [tilespmem:v15+s15+$0x0], $0xffff  }
0x6f2: {  	v15 =	vld [tilespmem:$0x1F940]  }
0x6f3: {  	v54 =	vld [tilespmem:$0x1F970];
	[tilespmem:v17+s20+$0x0] =	vst.idx.msk $0xffff, v16  }
0x6f4: {  	v18 =	vor.u32 v18, v6;
	[tilespmem:v1+s20+$0x0] =	vst.idx.msk $0xffff, v0;
	v17 =	vld.idx.msk [tilespmem:v19+s15+$0x0], $0xffff  }
0x6f5: {  	v1 =	vor.u32 v60, v2;
	v19 =	vor.u32 v53, v8;
	v0 =	vld.idx.msk [tilespmem:v10+s15+$0x0], $0xffff  }
0x6f6: {  	v12 =	vor.u32 v12, v4  }
0x6f7: {  	v15 =	vor.u32 v15, v5  }
0x6f8: {  	v61 =	vld [tilespmem:$0x1F980];
	v10 =	vor.u32 v54, v3  }
0x6f9: {  	[tilespmem:v18+s20+$0x0] =	vst.idx.msk $0xffff, v17;
	v18 =	vld [tilespmem:$0x1F960]  }
0x6fa: {  	v17 =	vld.idx.msk [tilespmem:v19+s15+$0x0], $0xffff;
	[tilespmem:v1+s20+$0x0] =	vst.idx.msk $0xffff, v0  }
0x6fb: {  	[tilespmem:v12+s20+$0x0] =	vst.idx.msk $0xffff, v11;
	v12 =	vld [tilespmem:$0x1F960]  }
0x6fc: {  	v13 =	vor.u32 v53, v7;
	[tilespmem:v15+s20+$0x0] =	vst.idx.msk $0xffff, v14;
	v15 =	vld [tilespmem:$0x1F960]  }
0x6fd: {  	v16 =	vor.u32 v53, v9;
	v0 =	vld.idx.msk [tilespmem:v10+s15+$0x0], $0xffff  }
0x6fe: {  	v18 =	vor.u32 v18, v6;
	v10 =	vld [tilespmem:$0x1FFF0]  }
0x6ff: {  	v19 =	vor.u32 v54, v8  }
0x700: {  	v55 =	vld [tilespmem:$0x1F990];
	v1 =	vor.u32 v61, v2  }
0x701: {  	v11 =	vld.idx.msk [tilespmem:v13+s15+$0x0], $0xffff;
	v12 =	vor.u32 v12, v4  }
0x702: {  	v14 =	vld.idx.msk [tilespmem:v16+s15+$0x0], $0xffff;
	v15 =	vor.u32 v15, v5  }
0x703: {  	v10 =	vor.u32 v10, v3;
	[tilespmem:v18+s20+$0x0] =	vst.idx.msk $0xffff, v17;
	v18 =	vld [tilespmem:$0x1F980]  }
0x704: {  	v13 =	vor.u32 v54, v7;
	v17 =	vld.idx.msk [tilespmem:v19+s15+$0x0], $0xffff  }
0x705: {  	[tilespmem:v1+s20+$0x0] =	vst.idx.msk $0xffff, v0;
	v19 =	vld [tilespmem:$0x1FFF0]  }
0x706: {  	v16 =	vor.u32 v54, v9;
	[tilespmem:v12+s20+$0x0] =	vst.idx.msk $0xffff, v11;
	v12 =	vld [tilespmem:$0x1F980]  }
0x707: {  	[tilespmem:v15+s20+$0x0] =	vst.idx.msk $0xffff, v14;
	v15 =	vld [tilespmem:$0x1F980]  }
0x708: {  	v0 =	vld.idx.msk [tilespmem:v10+s15+$0x0], $0xffff  }
0x709: {  	v11 =	vld.idx.msk [tilespmem:v13+s15+$0x0], $0xffff  }
0x70a: {  	v13 =	vld [tilespmem:$0x1FFF0]  }
0x70b: {  	v18 =	vor.u32 v18, v6;
	v14 =	vld.idx.msk [tilespmem:v16+s15+$0x0], $0xffff  }
0x70c: {  	v62 =	vor.u32 v55, v2;
	v16 =	vld [tilespmem:$0x1FFF0];
	v19 =	vor.u32 v19, v8  }
0x70d: {  	v63 =	vld [tilespmem:$0x1F9A0];
	v10 =	vor.u32 v40, v3  }
0x70e: {  	v30 =	vmov v42;
	v42 =	vld [tilespmem:$0x1FFC0]  }
0x70f: {  	v12 =	vor.u32 v12, v4  }
0x710: {  	v15 =	vor.u32 v15, v5;
	[tilespmem:v18+s20+$0x0] =	vst.idx.msk $0xffff, v17;
	v13 =	vor.u32 v13, v7  }
0x711: {  	v18 =	vor.u32 v55, v6;
	[tilespmem:v62+s20+$0x0] =	vst.idx.msk $0xffff, v0;
	v16 =	vor.u32 v16, v9;
	v17 =	vld.idx.msk [tilespmem:v19+s15+$0x0], $0xffff  }
0x712: {  	v1 =	vor.u32 v63, v2;
	v0 =	vld.idx.msk [tilespmem:v10+s15+$0x0], $0xffff  }
0x713: {  	v36 =	vld [tilespmem:$0x1FA00];
	v10 =	vor.u32 v42, v3  }
0x714: {  	v60 =	vld [tilespmem:$0x1F9B0];
	[tilespmem:v12+s20+$0x0] =	vst.idx.msk $0xffff, v11  }
0x715: {  	v12 =	vor.u32 v55, v4;
	[tilespmem:v15+s20+$0x0] =	vst.idx.msk $0xffff, v14;
	v11 =	vld.idx.msk [tilespmem:v13+s15+$0x0], $0xffff  }
0x716: {  	v19 =	vor.u32 v40, v8;
	v14 =	vld.idx.msk [tilespmem:v16+s15+$0x0], $0xffff;
	[tilespmem:v18+s20+$0x0] =	vst.idx.msk $0xffff, v17  }
0x717: {  	v15 =	vor.u32 v55, v5;
	v18 =	vld [tilespmem:$0x1F9A0];
	[tilespmem:v1+s20+$0x0] =	vst.idx.msk $0xffff, v0  }
0x718: {  	v0 =	vld.idx.msk [tilespmem:v10+s15+$0x0], $0xffff  }
0x719: {  	v10 =	vld [tilespmem:$0x1F550]  }
0x71a: {  	v13 =	vor.u32 v40, v7;
	[tilespmem:v12+s20+$0x0] =	vst.idx.msk $0xffff, v11;
	v12 =	vld [tilespmem:$0x1F9A0]  }
0x71b: {  	v17 =	vld.idx.msk [tilespmem:v19+s15+$0x0], $0xffff  }
0x71c: {  	v16 =	vor.u32 v40, v9;
	[tilespmem:v15+s20+$0x0] =	vst.idx.msk $0xffff, v14;
	v15 =	vld [tilespmem:$0x1F9A0];
	v18 =	vor.u32 v18, v6  }
0x71d: {  	v43 =	vld [tilespmem:$0x1F560];
	v19 =	vor.u32 v42, v8  }
0x71e: {  	v20 =	vmov v28;
	v28 =	vld [tilespmem:$0x1F580];
	v32 =	vor.u32 v60, v2  }
0x71f: {  	v11 =	vld.idx.msk [tilespmem:v13+s15+$0x0], $0xffff;
	v10 =	vor.u32 v10, v3;
	v12 =	vor.u32 v12, v4  }
0x720: {  	v61 =	vld [tilespmem:$0x1FA50];
	v13 =	vor.u32 v42, v7  }
0x721: {  	v14 =	vld.idx.msk [tilespmem:v16+s15+$0x0], $0xffff;
	v15 =	vor.u32 v15, v5;
	[tilespmem:v18+s20+$0x0] =	vst.idx.msk $0xffff, v17  }
0x722: {  	v16 =	vor.u32 v42, v9;
	v17 =	vld.idx.msk [tilespmem:v19+s15+$0x0], $0xffff  }
0x723: {  	[tilespmem:v32+s20+$0x0] =	vst.idx.msk $0xffff, v0;
	v18 =	vor.u32 v60, v6;
	v19 =	vld [tilespmem:$0x1F550]  }
0x724: {  	v1 =	vor.u32 v36, v2;
	v0 =	vld.idx.msk [tilespmem:v10+s15+$0x0], $0xffff;
	[tilespmem:v12+s20+$0x0] =	vst.idx.msk $0xffff, v11  }
0x725: {  	v10 =	vor.u32 v43, v3;
	v11 =	vld.idx.msk [tilespmem:v13+s15+$0x0], $0xffff  }
0x726: {  	[tilespmem:v15+s20+$0x0] =	vst.idx.msk $0xffff, v14;
	v13 =	vld [tilespmem:$0x1F550]  }
0x727: {  	v14 =	vld.idx.msk [tilespmem:v16+s15+$0x0], $0xffff  }
0x728: {  	v12 =	vor.u32 v60, v4;
	v16 =	vld [tilespmem:$0x1F550];
	[tilespmem:v18+s20+$0x0] =	vst.idx.msk $0xffff, v17  }
0x729: {  	v15 =	vor.u32 v60, v5;
	v18 =	vld [tilespmem:$0x1FA00];
	[tilespmem:v1+s20+$0x0] =	vst.idx.msk $0xffff, v0  }
0x72a: {  	v37 =	vor.u32 v61, v2;
	v19 =	vor.u32 v19, v8;
	v0 =	vld.idx.msk [tilespmem:v10+s15+$0x0], $0xffff  }
0x72b: {  	v39 =	vld [tilespmem:$0x1FA60];
	v10 =	vor.u32 v28, v3  }
0x72c: {  	v45 =	vld [tilespmem:$0x1F590]  }
0x72d: {  	[tilespmem:v12+s20+$0x0] =	vst.idx.msk $0xffff, v11;
	v12 =	vld [tilespmem:$0x1FA00]  }
0x72e: {  	v13 =	vor.u32 v13, v7;
	[tilespmem:v15+s20+$0x0] =	vst.idx.msk $0xffff, v14;
	v15 =	vld [tilespmem:$0x1FA00]  }
0x72f: {  	v16 =	vor.u32 v16, v9;
	v17 =	vld.idx.msk [tilespmem:v19+s15+$0x0], $0xffff;
	v18 =	vor.u32 v18, v6;
	[tilespmem:v37+s20+$0x0] =	vst.idx.msk $0xffff, v0  }
0x730: {  	v1 =	vor.u32 v39, v2;
	v19 =	vor.u32 v43, v8;
	v0 =	vld.idx.msk [tilespmem:v10+s15+$0x0], $0xffff  }
0x731: {  	v62 =	vld [tilespmem:$0x1FA70];
	v10 =	vor.u32 v45, v3  }
0x732: {  	v29 =	vld [tilespmem:$0x1F570]  }
0x733: {  	v11 =	vld.idx.msk [tilespmem:v13+s15+$0x0], $0xffff;
	v12 =	vor.u32 v12, v4  }
0x734: {  	v13 =	vor.u32 v43, v7;
	v14 =	vld.idx.msk [tilespmem:v16+s15+$0x0], $0xffff;
	v15 =	vor.u32 v15, v5;
	[tilespmem:v18+s20+$0x0] =	vst.idx.msk $0xffff, v17  }
0x735: {  	v16 =	vor.u32 v43, v9;
	v18 =	vor.u32 v61, v6;
	v17 =	vld.idx.msk [tilespmem:v19+s15+$0x0], $0xffff;
	[tilespmem:v1+s20+$0x0] =	vst.idx.msk $0xffff, v0  }
0x736: {  	v40 =	vor.u32 v62, v2;
	v0 =	vld.idx.msk [tilespmem:v10+s15+$0x0], $0xffff  }
0x737: {  	v10 =	vor.u32 v29, v3  }
0x738: {  	v41 =	vld [tilespmem:$0x1FA80];
	[tilespmem:v12+s20+$0x0] =	vst.idx.msk $0xffff, v11  }
0x739: {  	v12 =	vor.u32 v61, v4;
	[tilespmem:v15+s20+$0x0] =	vst.idx.msk $0xffff, v14;
	v11 =	vld.idx.msk [tilespmem:v13+s15+$0x0], $0xffff  }
0x73a: {  	v15 =	vor.u32 v61, v5;
	v14 =	vld.idx.msk [tilespmem:v16+s15+$0x0], $0xffff;
	[tilespmem:v18+s20+$0x0] =	vst.idx.msk $0xffff, v17  }
0x73b: {  	v19 =	vor.u32 v28, v8;
	v18 =	vld [tilespmem:$0x1FA60];
	[tilespmem:v40+s20+$0x0] =	vst.idx.msk $0xffff, v0  }
0x73c: {  	v0 =	vld.idx.msk [tilespmem:v10+s15+$0x0], $0xffff  }
0x73d: {  	v10 =	vld [tilespmem:$0x1F5B0]  }
0x73e: {  	v13 =	vor.u32 v28, v7;
	[tilespmem:v12+s20+$0x0] =	vst.idx.msk $0xffff, v11;
	v12 =	vld [tilespmem:$0x1FA60]  }
0x73f: {  	v16 =	vor.u32 v28, v9;
	[tilespmem:v15+s20+$0x0] =	vst.idx.msk $0xffff, v14;
	v15 =	vld [tilespmem:$0x1FA60]  }
0x740: {  	v17 =	vld.idx.msk [tilespmem:v19+s15+$0x0], $0xffff;
	v18 =	vor.u32 v18, v6  }
0x741: {  	v48 =	vld [tilespmem:$0x1F5C0];
	v19 =	vor.u32 v45, v8  }
0x742: {  	v63 =	vld [tilespmem:$0x1FA90];
	v1 =	vor.u32 v41, v2  }
0x743: {  	v11 =	vld.idx.msk [tilespmem:v13+s15+$0x0], $0xffff;
	v10 =	vor.u32 v10, v3;
	v12 =	vor.u32 v12, v4  }
0x744: {  	v13 =	vor.u32 v45, v7;
	v14 =	vld.idx.msk [tilespmem:v16+s15+$0x0], $0xffff;
	v15 =	vor.u32 v15, v5  }
0x745: {  	v16 =	vor.u32 v45, v9;
	[tilespmem:v18+s20+$0x0] =	vst.idx.msk $0xffff, v17  }
0x746: {  	v18 =	vor.u32 v62, v6;
	v17 =	vld.idx.msk [tilespmem:v19+s15+$0x0], $0xffff  }
0x747: {  	v49 =	vld [tilespmem:$0x1FAA0];
	[tilespmem:v1+s20+$0x0] =	vst.idx.msk $0xffff, v0;
	v19 =	vor.u32 v29, v8  }
0x748: {  	v47 =	vor.u32 v63, v2;
	v0 =	vld.idx.msk [tilespmem:v10+s15+$0x0], $0xffff;
	[tilespmem:v12+s20+$0x0] =	vst.idx.msk $0xffff, v11  }
0x749: {  	v10 =	vor.u32 v48, v3;
	[tilespmem:v15+s20+$0x0] =	vst.idx.msk $0xffff, v14;
	v11 =	vld.idx.msk [tilespmem:v13+s15+$0x0], $0xffff  }
0x74a: {  	v14 =	vld.idx.msk [tilespmem:v16+s15+$0x0], $0xffff  }
0x74b: {  	v12 =	vor.u32 v62, v4;
	[tilespmem:v18+s20+$0x0] =	vst.idx.msk $0xffff, v17;
	v18 =	vld [tilespmem:$0x1FA80]  }
0x74c: {  	v15 =	vor.u32 v62, v5;
	v17 =	vld.idx.msk [tilespmem:v19+s15+$0x0], $0xffff  }
0x74d: {  	v13 =	vor.u32 v29, v7;
	v19 =	vld [tilespmem:$0x1F5B0];
	[tilespmem:v47+s20+$0x0] =	vst.idx.msk $0xffff, v0  }
0x74e: {  	v0 =	vld.idx.msk [tilespmem:v10+s15+$0x0], $0xffff  }
0x74f: {  	v16 =	vor.u32 v29, v9;
	v10 =	vld [tilespmem:$0x1F5D0]  }
0x750: {  	[tilespmem:v12+s20+$0x0] =	vst.idx.msk $0xffff, v11;
	v12 =	vld [tilespmem:$0x1FA80]  }
0x751: {  	[tilespmem:v15+s20+$0x0] =	vst.idx.msk $0xffff, v14;
	v15 =	vld [tilespmem:$0x1FA80]  }
0x752: {  	v11 =	vld.idx.msk [tilespmem:v13+s15+$0x0], $0xffff  }
0x753: {  	v13 =	vld [tilespmem:$0x1F5B0]  }
0x754: {  	v14 =	vld.idx.msk [tilespmem:v16+s15+$0x0], $0xffff  }
0x755: {  	v18 =	vor.u32 v18, v6;
	v16 =	vld [tilespmem:$0x1F5B0]  }
0x756: {  	v1 =	vor.u32 v49, v2;
	v19 =	vor.u32 v19, v8  }
0x757: {  	v10 =	vor.u32 v10, v3  }
0x758: {  	v12 =	vor.u32 v12, v4  }
0x759: {  	v15 =	vor.u32 v15, v5;
	v13 =	vor.u32 v13, v7  }
0x75a: {  	v21 =	vld [tilespmem:$0x1FAB0];
	[tilespmem:v18+s20+$0x0] =	vst.idx.msk $0xffff, v17;
	v16 =	vor.u32 v16, v9  }
0x75b: {  	[tilespmem:v1+s20+$0x0] =	vst.idx.msk $0xffff, v0;
	v18 =	vor.u32 v63, v6;
	v17 =	vld.idx.msk [tilespmem:v19+s15+$0x0], $0xffff  }
0x75c: {  	v19 =	vor.u32 v48, v8;
	v0 =	vld.idx.msk [tilespmem:v10+s15+$0x0], $0xffff  }
0x75d: {  	v10 =	vld [tilespmem:$0x1F540];
	[tilespmem:v12+s20+$0x0] =	vst.idx.msk $0xffff, v11  }
0x75e: {  	v12 =	vor.u32 v63, v4;
	[tilespmem:v15+s20+$0x0] =	vst.idx.msk $0xffff, v14;
	v11 =	vld.idx.msk [tilespmem:v13+s15+$0x0], $0xffff  }
0x75f: {  	v15 =	vor.u32 v63, v5;
	v14 =	vld.idx.msk [tilespmem:v16+s15+$0x0], $0xffff  }
0x760: {  	v13 =	vor.u32 v48, v7;
	[tilespmem:v18+s20+$0x0] =	vst.idx.msk $0xffff, v17;
	v18 =	vld [tilespmem:$0x1FAA0]  }
0x761: {  	v17 =	vld.idx.msk [tilespmem:v19+s15+$0x0], $0xffff  }
0x762: {  	v16 =	vor.u32 v48, v9;
	v19 =	vld [tilespmem:$0x1F5D0]  }
0x763: {  	[tilespmem:v12+s20+$0x0] =	vst.idx.msk $0xffff, v11;
	v12 =	vld [tilespmem:$0x1FAA0]  }
0x764: {  	[tilespmem:v15+s20+$0x0] =	vst.idx.msk $0xffff, v14;
	v15 =	vld [tilespmem:$0x1FAA0]  }
0x765: {  	v11 =	vld.idx.msk [tilespmem:v13+s15+$0x0], $0xffff  }
0x766: {  	v58 =	vor.u32 v21, v2;
	v13 =	vld [tilespmem:$0x1F5D0]  }
0x767: {  	v10 =	vor.u32 v10, v3;
	v18 =	vor.u32 v18, v6;
	v14 =	vld.idx.msk [tilespmem:v16+s15+$0x0], $0xffff  }
0x768: {  	v16 =	vld [tilespmem:$0x1F5D0];
	v19 =	vor.u32 v19, v8  }
0x769: {  	v59 =	vld [tilespmem:$0x1FAC0];
	v12 =	vor.u32 v12, v4  }
0x76a: {  	v15 =	vor.u32 v15, v5  }
0x76b: {  	v36 =	vld [tilespmem:$0x1F5E0];
	[tilespmem:v58+s20+$0x0] =	vst.idx.msk $0xffff, v0;
	v13 =	vor.u32 v13, v7  }
0x76c: {  	v0 =	vld.idx.msk [tilespmem:v10+s15+$0x0], $0xffff;
	[tilespmem:v18+s20+$0x0] =	vst.idx.msk $0xffff, v17  }
0x76d: {  	v16 =	vor.u32 v16, v9;
	v17 =	vld.idx.msk [tilespmem:v19+s15+$0x0], $0xffff  }
0x76e: {  	v1 =	vor.u32 v59, v2;
	v18 =	vor.u32 v21, v6;
	v19 =	vld [tilespmem:$0x1F540];
	[tilespmem:v12+s20+$0x0] =	vst.idx.msk $0xffff, v11  }
0x76f: {  	v12 =	vor.u32 v21, v4;
	[tilespmem:v15+s20+$0x0] =	vst.idx.msk $0xffff, v14;
	v15 =	vor.u32 v21, v5;
	v21 =	vld [tilespmem:$0x1FAD0]  }
0x770: {  	v10 =	vor.u32 v36, v3;
	v11 =	vld.idx.msk [tilespmem:v13+s15+$0x0], $0xffff  }
0x771: {  	v13 =	vld [tilespmem:$0x1F540]  }
0x772: {  	v14 =	vld.idx.msk [tilespmem:v16+s15+$0x0], $0xffff  }
0x773: {  	v16 =	vld [tilespmem:$0x1F540]  }
0x774: {  	v22 =	vmov v38;
	v38 =	vld [tilespmem:$0x1F5F0];
	[tilespmem:v1+s20+$0x0] =	vst.idx.msk $0xffff, v0  }
0x775: {  	v0 =	vld.idx.msk [tilespmem:v10+s15+$0x0], $0xffff  }
0x776: {  	v19 =	vor.u32 v19, v8;
	[tilespmem:v18+s20+$0x0] =	vst.idx.msk $0xffff, v17;
	v18 =	vld [tilespmem:$0x1FAC0]  }
0x777: {  	v13 =	vor.u32 v13, v7;
	[tilespmem:v12+s20+$0x0] =	vst.idx.msk $0xffff, v11;
	v12 =	vld [tilespmem:$0x1FAC0]  }
0x778: {  	v32 =	vor.u32 v21, v2;
	v16 =	vor.u32 v16, v9;
	[tilespmem:v15+s20+$0x0] =	vst.idx.msk $0xffff, v14;
	v15 =	vld [tilespmem:$0x1FAC0]  }
0x779: {  	v39 =	vld [tilespmem:$0x1FAE0];
	v10 =	vor.u32 v38, v3  }
0x77a: {  	v49 =	vmov v50;
	v50 =	vld [tilespmem:$0x1F600]  }
0x77b: {  	v17 =	vld.idx.msk [tilespmem:v19+s15+$0x0], $0xffff;
	v18 =	vor.u32 v18, v6  }
0x77c: {  	v19 =	vor.u32 v36, v8;
	v11 =	vld.idx.msk [tilespmem:v13+s15+$0x0], $0xffff;
	v12 =	vor.u32 v12, v4  }
0x77d: {  	[tilespmem:v32+s20+$0x0] =	vst.idx.msk $0xffff, v0;
	v14 =	vld.idx.msk [tilespmem:v16+s15+$0x0], $0xffff;
	v15 =	vor.u32 v15, v5  }
0x77e: {  	v1 =	vor.u32 v39, v2;
	v13 =	vor.u32 v36, v7;
	v0 =	vld.idx.msk [tilespmem:v10+s15+$0x0], $0xffff  }
0x77f: {  	v10 =	vor.u32 v50, v3  }
0x780: {  	[tilespmem:v18+s20+$0x0] =	vst.idx.msk $0xffff, v17  }
0x781: {  	v16 =	vor.u32 v36, v9;
	v18 =	vor.u32 v21, v6;
	v17 =	vld.idx.msk [tilespmem:v19+s15+$0x0], $0xffff;
	[tilespmem:v12+s20+$0x0] =	vst.idx.msk $0xffff, v11  }
0x782: {  	v12 =	vor.u32 v21, v4;
	[tilespmem:v15+s20+$0x0] =	vst.idx.msk $0xffff, v14;
	v15 =	vor.u32 v21, v5;
	v21 =	vld [tilespmem:$0x1FAF0]  }
0x783: {  	[tilespmem:v1+s20+$0x0] =	vst.idx.msk $0xffff, v0;
	v11 =	vld.idx.msk [tilespmem:v13+s15+$0x0], $0xffff  }
0x784: {  	v0 =	vld.idx.msk [tilespmem:v10+s15+$0x0], $0xffff  }
0x785: {  	v10 =	vld [tilespmem:$0x1F610]  }
0x786: {  	v14 =	vld.idx.msk [tilespmem:v16+s15+$0x0], $0xffff  }
0x787: {  	v19 =	vor.u32 v38, v8;
	[tilespmem:v18+s20+$0x0] =	vst.idx.msk $0xffff, v17;
	v18 =	vld [tilespmem:$0x1FAE0]  }
0x788: {  	v23 =	vld [tilespmem:$0x1FB10];
	v13 =	vor.u32 v38, v7  }
0x789: {  	v16 =	vor.u32 v38, v9;
	v40 =	vor.u32 v21, v2;
	[tilespmem:v12+s20+$0x0] =	vst.idx.msk $0xffff, v11;
	v12 =	vld [tilespmem:$0x1FAE0]  }
0x78a: {  	v41 =	vld [tilespmem:$0x1FB00];
	v10 =	vor.u32 v10, v3  }
0x78b: {  	[tilespmem:v15+s20+$0x0] =	vst.idx.msk $0xffff, v14;
	v15 =	vld [tilespmem:$0x1FAE0]  }
0x78c: {  	v17 =	vld.idx.msk [tilespmem:v19+s15+$0x0], $0xffff;
	v18 =	vor.u32 v18, v6  }
0x78d: {  	v19 =	vor.u32 v50, v8;
	v11 =	vld.idx.msk [tilespmem:v13+s15+$0x0], $0xffff  }
0x78e: {  	v14 =	vld.idx.msk [tilespmem:v16+s15+$0x0], $0xffff;
	[tilespmem:v40+s20+$0x0] =	vst.idx.msk $0xffff, v0;
	v12 =	vor.u32 v12, v4  }
0x78f: {  	v13 =	vor.u32 v50, v7;
	v0 =	vld.idx.msk [tilespmem:v10+s15+$0x0], $0xffff  }
0x790: {  	v15 =	vor.u32 v15, v5;
	v10 =	vld [tilespmem:$0x1F630]  }
0x791: {  	v58 =	vld [tilespmem:$0x1FB20];
	v16 =	vor.u32 v50, v9;
	[tilespmem:v18+s20+$0x0] =	vst.idx.msk $0xffff, v17  }
0x792: {  	v17 =	vld.idx.msk [tilespmem:v19+s15+$0x0], $0xffff  }
0x793: {  	v1 =	vor.u32 v41, v2;
	v19 =	vld [tilespmem:$0x1F610];
	[tilespmem:v12+s20+$0x0] =	vst.idx.msk $0xffff, v11  }
0x794: {  	v18 =	vor.u32 v21, v6;
	v11 =	vld.idx.msk [tilespmem:v13+s15+$0x0], $0xffff  }
0x795: {  	[tilespmem:v15+s20+$0x0] =	vst.idx.msk $0xffff, v14;
	v10 =	vor.u32 v10, v3;
	v13 =	vld [tilespmem:$0x1F610]  }
0x796: {  	v12 =	vor.u32 v21, v4;
	v14 =	vld.idx.msk [tilespmem:v16+s15+$0x0], $0xffff  }
0x797: {  	v15 =	vor.u32 v21, v5;
	v16 =	vld [tilespmem:$0x1F610]  }
0x798: {  	[tilespmem:v1+s20+$0x0] =	vst.idx.msk $0xffff, v0;
	v21 =	vmov v35;
	v35 =	vld [tilespmem:$0x1F640];
	v19 =	vor.u32 v19, v8  }
0x799: {  	[tilespmem:v18+s20+$0x0] =	vst.idx.msk $0xffff, v17;
	v18 =	vld [tilespmem:$0x1FB00]  }
0x79a: {  	v0 =	vld.idx.msk [tilespmem:v10+s15+$0x0], $0xffff;
	v13 =	vor.u32 v13, v7  }
0x79b: {  	[tilespmem:v12+s20+$0x0] =	vst.idx.msk $0xffff, v11;
	v12 =	vld [tilespmem:$0x1FB00]  }
0x79c: {  	v16 =	vor.u32 v16, v9;
	[tilespmem:v15+s20+$0x0] =	vst.idx.msk $0xffff, v14;
	v15 =	vld [tilespmem:$0x1FB00]  }
0x79d: {  	v47 =	vor.u32 v23, v2;
	v17 =	vld.idx.msk [tilespmem:v19+s15+$0x0], $0xffff  }
0x79e: {  	v10 =	vor.u32 v35, v3;
	v19 =	vld [tilespmem:$0x1F630]  }
0x79f: {  	v11 =	vld.idx.msk [tilespmem:v13+s15+$0x0], $0xffff  }
0x7a0: {  	v13 =	vld [tilespmem:$0x1F630]  }
0x7a1: {  	v14 =	vld.idx.msk [tilespmem:v16+s15+$0x0], $0xffff  }
0x7a2: {  	v18 =	vor.u32 v18, v6;
	[tilespmem:v47+s20+$0x0] =	vst.idx.msk $0xffff, v0;
	v16 =	vld [tilespmem:$0x1F630]  }
0x7a3: {  	v19 =	vor.u32 v19, v8;
	v0 =	vld.idx.msk [tilespmem:v10+s15+$0x0], $0xffff  }
0x7a4: {  	v12 =	vor.u32 v12, v4;
	v10 =	vld [tilespmem:$0x1F620]  }
0x7a5: {  	v15 =	vor.u32 v15, v5  }
0x7a6: {  	v13 =	vor.u32 v13, v7  }
0x7a7: {  	v1 =	vor.u32 v58, v2;
	[tilespmem:v18+s20+$0x0] =	vst.idx.msk $0xffff, v17;
	v16 =	vor.u32 v16, v9  }
0x7a8: {  	v18 =	vor.u32 v23, v6;
	v17 =	vld.idx.msk [tilespmem:v19+s15+$0x0], $0xffff  }
0x7a9: {  	[tilespmem:v12+s20+$0x0] =	vst.idx.msk $0xffff, v11;
	v10 =	vor.u32 v10, v3  }
0x7aa: {  	v12 =	vor.u32 v23, v4;
	[tilespmem:v15+s20+$0x0] =	vst.idx.msk $0xffff, v14;
	v15 =	vor.u32 v23, v5;
	v23 =	vld [tilespmem:$0x1FB30]  }
0x7ab: {  	v11 =	vld.idx.msk [tilespmem:v13+s15+$0x0], $0xffff  }
0x7ac: {  	[tilespmem:v1+s20+$0x0] =	vst.idx.msk $0xffff, v0;
	v14 =	vld.idx.msk [tilespmem:v16+s15+$0x0], $0xffff  }
0x7ad: {  	v13 =	vor.u32 v35, v7;
	[tilespmem:v18+s20+$0x0] =	vst.idx.msk $0xffff, v17;
	v18 =	vld [tilespmem:$0x1FB20]  }
0x7ae: {  	v0 =	vld.idx.msk [tilespmem:v10+s15+$0x0], $0xffff  }
0x7af: {  	v16 =	vor.u32 v35, v9;
	v10 =	vld [tilespmem:$0x1F650]  }
0x7b0: {  	[tilespmem:v12+s20+$0x0] =	vst.idx.msk $0xffff, v11;
	v12 =	vld [tilespmem:$0x1FB20]  }
0x7b1: {  	v19 =	vor.u32 v35, v8;
	[tilespmem:v15+s20+$0x0] =	vst.idx.msk $0xffff, v14;
	v15 =	vld [tilespmem:$0x1FB20]  }
0x7b2: {  	v11 =	vld.idx.msk [tilespmem:v13+s15+$0x0], $0xffff  }
0x7b3: {  	v13 =	vld [tilespmem:$0x1F620]  }
0x7b4: {  	v14 =	vld.idx.msk [tilespmem:v16+s15+$0x0], $0xffff  }
0x7b5: {  	v16 =	vld [tilespmem:$0x1F620]  }
0x7b6: {  	v59 =	vor.u32 v23, v2;
	v17 =	vld.idx.msk [tilespmem:v19+s15+$0x0], $0xffff  }
0x7b7: {  	v19 =	vld [tilespmem:$0x1F620];
	v10 =	vor.u32 v10, v3;
	v12 =	vor.u32 v12, v4  }
0x7b8: {  	v13 =	vor.u32 v13, v7  }
0x7b9: {  	v15 =	vor.u32 v15, v5  }
0x7ba: {  	v32 =	vld [tilespmem:$0x1FB40];
	v16 =	vor.u32 v16, v9  }
0x7bb: {  	v47 =	vld [tilespmem:$0x1F660];
	v18 =	vor.u32 v18, v6;
	[tilespmem:v59+s20+$0x0] =	vst.idx.msk $0xffff, v0  }
0x7bc: {  	v19 =	vor.u32 v19, v8;
	v0 =	vld.idx.msk [tilespmem:v10+s15+$0x0], $0xffff;
	[tilespmem:v12+s20+$0x0] =	vst.idx.msk $0xffff, v11  }
0x7bd: {  	v11 =	vld.idx.msk [tilespmem:v13+s15+$0x0], $0xffff  }
0x7be: {  	v12 =	vor.u32 v23, v4;
	[tilespmem:v15+s20+$0x0] =	vst.idx.msk $0xffff, v14;
	v13 =	vld [tilespmem:$0x1F650]  }
0x7bf: {  	v14 =	vld.idx.msk [tilespmem:v16+s15+$0x0], $0xffff  }
0x7c0: {  	[tilespmem:v18+s20+$0x0] =	vst.idx.msk $0xffff, v17;
	v15 =	vor.u32 v23, v5;
	v16 =	vld [tilespmem:$0x1F650]  }
0x7c1: {  	v1 =	vor.u32 v32, v2;
	v17 =	vld.idx.msk [tilespmem:v19+s15+$0x0], $0xffff  }
0x7c2: {  	v10 =	vor.u32 v47, v3;
	v19 =	vld [tilespmem:$0x1F650]  }
0x7c3: {  	v13 =	vor.u32 v13, v7;
	[tilespmem:v12+s20+$0x0] =	vst.idx.msk $0xffff, v11;
	v12 =	vld [tilespmem:$0x1FB40];
	_ =	sdelay $0x1  }
0x7c4: {  	v16 =	vor.u32 v16, v9;
	[tilespmem:v15+s20+$0x0] =	vst.idx.msk $0xffff, v14;
	v15 =	vld [tilespmem:$0x1FB40]  }
0x7c5: {  	v41 =	vld [tilespmem:$0x1FB50];
	v18 =	vor.u32 v23, v6;
	[tilespmem:v1+s20+$0x0] =	vst.idx.msk $0xffff, v0  }
0x7c6: {  	v0 =	vld.idx.msk [tilespmem:v10+s15+$0x0], $0xffff  }
0x7c7: {  	v19 =	vor.u32 v19, v8;
	v11 =	vld.idx.msk [tilespmem:v13+s15+$0x0], $0xffff;
	v12 =	vor.u32 v12, v4  }
0x7c8: {  	v10 =	vld [tilespmem:$0x1F6A0];
	v13 =	vor.u32 v47, v7  }
0x7c9: {  	v14 =	vld.idx.msk [tilespmem:v16+s15+$0x0], $0xffff;
	v15 =	vor.u32 v15, v5  }
0x7ca: {  	[tilespmem:v18+s20+$0x0] =	vst.idx.msk $0xffff, v17;
	v18 =	vld [tilespmem:$0x1FB40];
	v16 =	vor.u32 v47, v9;
	_ =	sdelay $0x1  }
0x7cb: {  	v17 =	vld.idx.msk [tilespmem:v19+s15+$0x0], $0xffff;
	[tilespmem:v12+s20+$0x0] =	vst.idx.msk $0xffff, v11  }
0x7cc: {  	v37 =	vor.u32 v41, v2;
	v11 =	vld.idx.msk [tilespmem:v13+s15+$0x0], $0xffff  }
0x7cd: {  	v10 =	vor.u32 v10, v3;
	[tilespmem:v15+s20+$0x0] =	vst.idx.msk $0xffff, v14;
	v13 =	vld [tilespmem:$0x1F6A0]  }
0x7ce: {  	v18 =	vor.u32 v18, v6;
	v14 =	vld.idx.msk [tilespmem:v16+s15+$0x0], $0xffff  }
0x7cf: {  	v19 =	vor.u32 v47, v8;
	v16 =	vld [tilespmem:$0x1F6A0];
	_ =	sdelay $0x1  }
0x7d0: {  	v39 =	vld [tilespmem:$0x1FB60];
	[tilespmem:v37+s20+$0x0] =	vst.idx.msk $0xffff, v0;
	v12 =	vor.u32 v41, v4  }
0x7d1: {  	v0 =	vld.idx.msk [tilespmem:v10+s15+$0x0], $0xffff;
	v13 =	vor.u32 v13, v7  }
0x7d2: {  	[tilespmem:v18+s20+$0x0] =	vst.idx.msk $0xffff, v17;
	v10 =	vld [tilespmem:$0x1F680];
	v15 =	vor.u32 v41, v5  }
0x7d3: {  	v17 =	vld.idx.msk [tilespmem:v19+s15+$0x0], $0xffff;
	v16 =	vor.u32 v16, v9  }
0x7d4: {  	v19 =	vld [tilespmem:$0x1F6A0]  }
0x7d5: {  	[tilespmem:v12+s20+$0x0] =	vst.idx.msk $0xffff, v11;
	v12 =	vld [tilespmem:$0x1FB60]  }
0x7d6: {  	v18 =	vor.u32 v41, v6;
	v11 =	vld.idx.msk [tilespmem:v13+s15+$0x0], $0xffff  }
0x7d7: {  	[tilespmem:v15+s20+$0x0] =	vst.idx.msk $0xffff, v14;
	v13 =	vld [tilespmem:$0x1F680]  }
0x7d8: {  	v14 =	vld.idx.msk [tilespmem:v16+s15+$0x0], $0xffff  }
0x7d9: {  	v19 =	vor.u32 v19, v8;
	v15 =	vld [tilespmem:$0x1FB60]  }
0x7da: {  	v16 =	vld [tilespmem:$0x1F680]  }
0x7db: {  	v1 =	vor.u32 v39, v2;
	[tilespmem:v18+s20+$0x0] =	vst.idx.msk $0xffff, v17;
	v18 =	vld [tilespmem:$0x1FB60]  }
0x7dc: {  	v10 =	vor.u32 v10, v3;
	v40 =	vld [tilespmem:$0x1FB70]  }
0x7dd: {  	v12 =	vor.u32 v12, v4;
	v58 =	vld [tilespmem:$0x1FB80]  }
0x7de: {  	v17 =	vld.idx.msk [tilespmem:v19+s15+$0x0], $0xffff  }
0x7df: {  	v19 =	vld [tilespmem:$0x1F680];
	v13 =	vor.u32 v13, v7  }
0x7e0: {  	[tilespmem:v1+s20+$0x0] =	vst.idx.msk $0xffff, v0;
	v59 =	vld [tilespmem:$0x1FB90];
	v15 =	vor.u32 v15, v5  }
0x7e1: {  	v0 =	vld.idx.msk [tilespmem:v10+s15+$0x0], $0xffff;
	v18 =	vor.u32 v18, v6  }
0x7e2: {  	v1 =	vor.u32 v40, v2;
	[tilespmem:v12+s20+$0x0] =	vst.idx.msk $0xffff, v11;
	v12 =	vld [tilespmem:$0x1FB70]  }
0x7e3: {  	v37 =	vld [tilespmem:$0x1F6C0];
	v16 =	vor.u32 v16, v9  }
0x7e4: {  	v19 =	vor.u32 v19, v8;
	v11 =	vld.idx.msk [tilespmem:v13+s15+$0x0], $0xffff  }
0x7e5: {  	v10 =	vor.u32 v30, v3;
	[tilespmem:v15+s20+$0x0] =	vst.idx.msk $0xffff, v14;
	v15 =	vld [tilespmem:$0x1FB70]  }
0x7e6: {  	[tilespmem:v18+s20+$0x0] =	vst.idx.msk $0xffff, v17;
	v18 =	vld [tilespmem:$0x1FB70]  }
0x7e7: {  	v12 =	vor.u32 v12, v4;
	[tilespmem:v1+s20+$0x0] =	vst.idx.msk $0xffff, v0;
	v1 =	vor.u32 v58, v2;
	v58 =	vld [tilespmem:$0x1FBA0]  }
0x7e8: {  	v13 =	vor.u32 v30, v7;
	v14 =	vld.idx.msk [tilespmem:v16+s15+$0x0], $0xffff  }
0x7e9: {  	v17 =	vld.idx.msk [tilespmem:v19+s15+$0x0], $0xffff  }
0x7ea: {  	v0 =	vld.idx.msk [tilespmem:v10+s15+$0x0], $0xffff;
	v15 =	vor.u32 v15, v5  }
0x7eb: {  	v10 =	vld [tilespmem:$0x1F5A0];
	v18 =	vor.u32 v18, v6  }
0x7ec: {  	v16 =	vor.u32 v30, v9;
	[tilespmem:v12+s20+$0x0] =	vst.idx.msk $0xffff, v11;
	v12 =	vld [tilespmem:$0x1FB80]  }
0x7ed: {  	v11 =	vld.idx.msk [tilespmem:v13+s15+$0x0], $0xffff  }
0x7ee: {  	v19 =	vor.u32 v30, v8;
	v13 =	vld [tilespmem:$0x1F5A0]  }
0x7ef: {  	[tilespmem:v15+s20+$0x0] =	vst.idx.msk $0xffff, v14;
	v15 =	vld [tilespmem:$0x1FB80]  }
0x7f0: {  	v10 =	vor.u32 v10, v3;
	[tilespmem:v18+s20+$0x0] =	vst.idx.msk $0xffff, v17;
	v18 =	vld [tilespmem:$0x1FB80]  }
0x7f1: {  	v14 =	vld.idx.msk [tilespmem:v16+s15+$0x0], $0xffff  }
0x7f2: {  	v12 =	vor.u32 v12, v4;
	v16 =	vld [tilespmem:$0x1F5A0]  }
0x7f3: {  	v13 =	vor.u32 v13, v7;
	v17 =	vld.idx.msk [tilespmem:v19+s15+$0x0], $0xffff  }
0x7f4: {  	[tilespmem:v1+s20+$0x0] =	vst.idx.msk $0xffff, v0;
	v19 =	vld [tilespmem:$0x1F5A0]  }
0x7f5: {  	v0 =	vld.idx.msk [tilespmem:v10+s15+$0x0], $0xffff;
	v15 =	vor.u32 v15, v5  }
0x7f6: {  	v10 =	vld [tilespmem:$0x1F690];
	v18 =	vor.u32 v18, v6  }
0x7f7: {  	[tilespmem:v12+s20+$0x0] =	vst.idx.msk $0xffff, v11;
	v12 =	vld [tilespmem:$0x1FB90];
	v16 =	vor.u32 v16, v9  }
0x7f8: {  	v11 =	vld.idx.msk [tilespmem:v13+s15+$0x0], $0xffff  }
0x7f9: {  	v19 =	vor.u32 v19, v8;
	v13 =	vld [tilespmem:$0x1F690]  }
0x7fa: {  	v1 =	vor.u32 v59, v2;
	[tilespmem:v15+s20+$0x0] =	vst.idx.msk $0xffff, v14;
	v15 =	vld [tilespmem:$0x1FB90]  }
0x7fb: {  	v10 =	vor.u32 v10, v3;
	[tilespmem:v18+s20+$0x0] =	vst.idx.msk $0xffff, v17;
	v18 =	vld [tilespmem:$0x1FB90]  }
0x7fc: {  	v14 =	vld.idx.msk [tilespmem:v16+s15+$0x0], $0xffff  }
0x7fd: {  	v12 =	vor.u32 v12, v4;
	v16 =	vld [tilespmem:$0x1F690]  }
0x7fe: {  	v13 =	vor.u32 v13, v7;
	v17 =	vld.idx.msk [tilespmem:v19+s15+$0x0], $0xffff  }
0x7ff: {  	[tilespmem:v1+s20+$0x0] =	vst.idx.msk $0xffff, v0;
	v19 =	vld [tilespmem:$0x1F690]  }
0x800: {  	v32 =	vor.u32 v58, v2;
	v0 =	vld.idx.msk [tilespmem:v10+s15+$0x0], $0xffff  }
0x801: {  	v10 =	vor.u32 v37, v3;
	v15 =	vor.u32 v15, v5  }
0x802: {  	v39 =	vld [tilespmem:$0x1FBB0];
	v18 =	vor.u32 v18, v6;
	[tilespmem:v12+s20+$0x0] =	vst.idx.msk $0xffff, v11;
	v16 =	vor.u32 v16, v9  }
0x803: {  	v12 =	vor.u32 v58, v4;
	v11 =	vld.idx.msk [tilespmem:v13+s15+$0x0], $0xffff  }
0x804: {  	v19 =	vor.u32 v19, v8  }
0x805: {  	[tilespmem:v32+s20+$0x0] =	vst.idx.msk $0xffff, v0  }
0x806: {  	v0 =	vld.idx.msk [tilespmem:v10+s15+$0x0], $0xffff;
	[tilespmem:v15+s20+$0x0] =	vst.idx.msk $0xffff, v14  }
0x807: {  	v15 =	vor.u32 v58, v5;
	[tilespmem:v18+s20+$0x0] =	vst.idx.msk $0xffff, v17;
	v14 =	vld.idx.msk [tilespmem:v16+s15+$0x0], $0xffff  }
0x808: {  	v1 =	vor.u32 v39, v2;
	v13 =	vor.u32 v37, v7;
	[tilespmem:v12+s20+$0x0] =	vst.idx.msk $0xffff, v11;
	v12 =	vld [tilespmem:$0x1FBB0]  }
0x809: {  	v18 =	vor.u32 v58, v6;
	v17 =	vld.idx.msk [tilespmem:v19+s15+$0x0], $0xffff  }
0x80a: {  	v10 =	vor.u32 v22, v3  }
0x80b: {  	v59 =	vld [tilespmem:$0x1FBC0]  }
0x80c: {  	v16 =	vor.u32 v37, v9;
	[tilespmem:v15+s20+$0x0] =	vst.idx.msk $0xffff, v14;
	v15 =	vld [tilespmem:$0x1FBB0]  }
0x80d: {  	v19 =	vor.u32 v37, v8;
	v11 =	vld.idx.msk [tilespmem:v13+s15+$0x0], $0xffff;
	[tilespmem:v1+s20+$0x0] =	vst.idx.msk $0xffff, v0;
	v12 =	vor.u32 v12, v4  }
0x80e: {  	v13 =	vor.u32 v22, v7;
	[tilespmem:v18+s20+$0x0] =	vst.idx.msk $0xffff, v17;
	v18 =	vld [tilespmem:$0x1FBB0]  }
0x80f: {  	v0 =	vld.idx.msk [tilespmem:v10+s15+$0x0], $0xffff  }
0x810: {  	v10 =	vld [tilespmem:$0x1F6B0]  }
0x811: {  	v14 =	vld.idx.msk [tilespmem:v16+s15+$0x0], $0xffff;
	v15 =	vor.u32 v15, v5  }
0x812: {  	v16 =	vor.u32 v22, v9;
	v17 =	vld.idx.msk [tilespmem:v19+s15+$0x0], $0xffff;
	[tilespmem:v12+s20+$0x0] =	vst.idx.msk $0xffff, v11  }
0x813: {  	v18 =	vor.u32 v18, v6;
	v11 =	vld.idx.msk [tilespmem:v13+s15+$0x0], $0xffff  }
0x814: {  	v19 =	vor.u32 v22, v8;
	v13 =	vld [tilespmem:$0x1F6B0]  }
0x815: {  	v40 =	vor.u32 v59, v2;
	v32 =	vld [tilespmem:$0x1FBD0]  }
0x816: {  	v22 =	vld [tilespmem:$0x1FBE0];
	v10 =	vor.u32 v10, v3;
	[tilespmem:v15+s20+$0x0] =	vst.idx.msk $0xffff, v14  }
0x817: {  	v14 =	vld.idx.msk [tilespmem:v16+s15+$0x0], $0xffff  }
0x818: {  	v12 =	vor.u32 v59, v4;
	[tilespmem:v18+s20+$0x0] =	vst.idx.msk $0xffff, v17;
	v16 =	vld [tilespmem:$0x1F6B0]  }
0x819: {  	v13 =	vor.u32 v13, v7;
	v17 =	vld.idx.msk [tilespmem:v19+s15+$0x0], $0xffff  }
0x81a: {  	[tilespmem:v40+s20+$0x0] =	vst.idx.msk $0xffff, v0;
	v19 =	vld [tilespmem:$0x1F6B0]  }
0x81b: {  	v0 =	vld.idx.msk [tilespmem:v10+s15+$0x0], $0xffff;
	v15 =	vor.u32 v59, v5  }
0x81c: {  	v10 =	vld [tilespmem:$0x1F6D0];
	v18 =	vor.u32 v59, v6  }
0x81d: {  	[tilespmem:v12+s20+$0x0] =	vst.idx.msk $0xffff, v11;
	v12 =	vld [tilespmem:$0x1FBD0];
	v16 =	vor.u32 v16, v9  }
0x81e: {  	v11 =	vld.idx.msk [tilespmem:v13+s15+$0x0], $0xffff  }
0x81f: {  	v19 =	vor.u32 v19, v8;
	v13 =	vld [tilespmem:$0x1F6D0]  }
0x820: {  	[tilespmem:v15+s20+$0x0] =	vst.idx.msk $0xffff, v14;
	v15 =	vld [tilespmem:$0x1FBD0]  }
0x821: {  	[tilespmem:v18+s20+$0x0] =	vst.idx.msk $0xffff, v17;
	v18 =	vld [tilespmem:$0x1FBD0]  }
0x822: {  	v14 =	vld.idx.msk [tilespmem:v16+s15+$0x0], $0xffff  }
0x823: {  	v16 =	vld [tilespmem:$0x1F6D0]  }
0x824: {  	v1 =	vor.u32 v32, v2;
	v17 =	vld.idx.msk [tilespmem:v19+s15+$0x0], $0xffff  }
0x825: {  	v10 =	vor.u32 v10, v3;
	v19 =	vld [tilespmem:$0x1F6D0]  }
0x826: {  	v30 =	vld [tilespmem:$0x1F6F0];
	v12 =	vor.u32 v12, v4  }
0x827: {  	v13 =	vor.u32 v13, v7  }
0x828: {  	v15 =	vor.u32 v15, v5  }
0x829: {  	[tilespmem:v1+s20+$0x0] =	vst.idx.msk $0xffff, v0;
	v18 =	vor.u32 v18, v6;
	v16 =	vor.u32 v16, v9  }
0x82a: {  	v39 =	vor.u32 v22, v2;
	v0 =	vld.idx.msk [tilespmem:v10+s15+$0x0], $0xffff;
	v19 =	vor.u32 v19, v8  }
0x82b: {  	v40 =	vld [tilespmem:$0x1FBF0];
	v10 =	vor.u32 v30, v3;
	[tilespmem:v12+s20+$0x0] =	vst.idx.msk $0xffff, v11  }
0x82c: {  	v12 =	vor.u32 v22, v4;
	v11 =	vld.idx.msk [tilespmem:v13+s15+$0x0], $0xffff  }
0x82d: {  	[tilespmem:v15+s20+$0x0] =	vst.idx.msk $0xffff, v14;
	v13 =	vor.u32 v30, v7  }
0x82e: {  	v15 =	vor.u32 v22, v5;
	[tilespmem:v18+s20+$0x0] =	vst.idx.msk $0xffff, v17;
	v14 =	vld.idx.msk [tilespmem:v16+s15+$0x0], $0xffff  }
0x82f: {  	[tilespmem:v39+s20+$0x0] =	vst.idx.msk $0xffff, v0;
	v18 =	vor.u32 v22, v6;
	v17 =	vld.idx.msk [tilespmem:v19+s15+$0x0], $0xffff  }
0x830: {  	v0 =	vld.idx.msk [tilespmem:v10+s15+$0x0], $0xffff;
	v16 =	vor.u32 v30, v9  }
0x831: {  	v1 =	vor.u32 v40, v2;
	v19 =	vor.u32 v30, v8;
	[tilespmem:v12+s20+$0x0] =	vst.idx.msk $0xffff, v11;
	v12 =	vld [tilespmem:$0x1FBF0]  }
0x832: {  	v11 =	vld.idx.msk [tilespmem:v13+s15+$0x0], $0xffff  }
0x833: {  	v10 =	vor.u32 v21, v3;
	[tilespmem:v15+s20+$0x0] =	vst.idx.msk $0xffff, v14;
	v15 =	vld [tilespmem:$0x1FBF0]  }
0x834: {  	[tilespmem:v18+s20+$0x0] =	vst.idx.msk $0xffff, v17;
	v18 =	vld [tilespmem:$0x1FBF0]  }
0x835: {  	v14 =	vld.idx.msk [tilespmem:v16+s15+$0x0], $0xffff  }
0x836: {  	[tilespmem:v1+s20+$0x0] =	vst.idx.msk $0xffff, v0;
	v12 =	vor.u32 v12, v4;
	v17 =	vld.idx.msk [tilespmem:v19+s15+$0x0], $0xffff  }
0x837: {  	v13 =	vor.u32 v21, v7;
	v16 =	vor.u32 v21, v9;
	v19 =	vor.u32 v21, v8;
	v21 =	vld [tilespmem:$0x1FC00]  }
0x838: {  	v0 =	vld.idx.msk [tilespmem:v10+s15+$0x0], $0xffff;
	v15 =	vor.u32 v15, v5  }
0x839: {  	v10 =	vld [tilespmem:$0x1F700]  }
0x83a: {  	v31 =	vld [tilespmem:$0x1F720];
	v18 =	vor.u32 v18, v6  }
0x83b: {  	v39 =	vld [tilespmem:$0x1FC10];
	[tilespmem:v12+s20+$0x0] =	vst.idx.msk $0xffff, v11  }
0x83c: {  	v32 =	vor.u32 v21, v2;
	v11 =	vld.idx.msk [tilespmem:v13+s15+$0x0], $0xffff  }
0x83d: {  	v12 =	vor.u32 v21, v4;
	v13 =	vld [tilespmem:$0x1F700];
	[tilespmem:v15+s20+$0x0] =	vst.idx.msk $0xffff, v14  }
0x83e: {  	v10 =	vor.u32 v10, v3;
	v14 =	vld.idx.msk [tilespmem:v16+s15+$0x0], $0xffff  }
0x83f: {  	[tilespmem:v18+s20+$0x0] =	vst.idx.msk $0xffff, v17;
	v16 =	vld [tilespmem:$0x1F700]  }
0x840: {  	v17 =	vld.idx.msk [tilespmem:v19+s15+$0x0], $0xffff  }
0x841: {  	v15 =	vor.u32 v21, v5;
	v19 =	vld [tilespmem:$0x1F700];
	[tilespmem:v32+s20+$0x0] =	vst.idx.msk $0xffff, v0  }
0x842: {  	v18 =	vor.u32 v21, v6;
	[tilespmem:v12+s20+$0x0] =	vst.idx.msk $0xffff, v11;
	v12 =	vld [tilespmem:$0x1FC10]  }
0x843: {  	v1 =	vor.u32 v39, v2;
	v13 =	vor.u32 v13, v7;
	v0 =	vld.idx.msk [tilespmem:v10+s15+$0x0], $0xffff  }
0x844: {  	v21 =	vld [tilespmem:$0x1FC20];
	v10 =	vor.u32 v31, v3;
	_ =	sdelay $0x1  }
0x845: {  	v16 =	vor.u32 v16, v9;
	[tilespmem:v15+s20+$0x0] =	vst.idx.msk $0xffff, v14;
	v15 =	vld [tilespmem:$0x1FC10]  }
0x846: {  	v19 =	vor.u32 v19, v8;
	[tilespmem:v18+s20+$0x0] =	vst.idx.msk $0xffff, v17;
	v18 =	vld [tilespmem:$0x1FC10]  }
0x847: {  	v11 =	vld.idx.msk [tilespmem:v13+s15+$0x0], $0xffff;
	v12 =	vor.u32 v12, v4;
	[tilespmem:v1+s20+$0x0] =	vst.idx.msk $0xffff, v0  }
0x848: {  	v40 =	vor.u32 v21, v2;
	v13 =	vor.u32 v31, v7;
	v0 =	vld.idx.msk [tilespmem:v10+s15+$0x0], $0xffff  }
0x849: {  	v10 =	vor.u32 v20, v3  }
0x84a: {  	v14 =	vld.idx.msk [tilespmem:v16+s15+$0x0], $0xffff;
	v15 =	vor.u32 v15, v5  }
0x84b: {  	v16 =	vor.u32 v31, v9;
	v17 =	vld.idx.msk [tilespmem:v19+s15+$0x0], $0xffff;
	v18 =	vor.u32 v18, v6  }
0x84c: {  	v32 =	vld [tilespmem:$0x1FC30];
	v19 =	vor.u32 v31, v8;
	[tilespmem:v12+s20+$0x0] =	vst.idx.msk $0xffff, v11  }
0x84d: {  	v12 =	vor.u32 v21, v4;
	v11 =	vld.idx.msk [tilespmem:v13+s15+$0x0], $0xffff;
	[tilespmem:v40+s20+$0x0] =	vst.idx.msk $0xffff, v0  }
0x84e: {  	v0 =	vld.idx.msk [tilespmem:v10+s15+$0x0], $0xffff  }
0x84f: {  	v13 =	vor.u32 v20, v7;
	v10 =	vld [tilespmem:$0x1F730];
	[tilespmem:v15+s20+$0x0] =	vst.idx.msk $0xffff, v14  }
0x850: {  	[tilespmem:v18+s20+$0x0] =	vst.idx.msk $0xffff, v17;
	v14 =	vld.idx.msk [tilespmem:v16+s15+$0x0], $0xffff  }
0x851: {  	v15 =	vor.u32 v21, v5;
	v17 =	vld.idx.msk [tilespmem:v19+s15+$0x0], $0xffff  }
0x852: {  	v18 =	vor.u32 v21, v6;
	[tilespmem:v12+s20+$0x0] =	vst.idx.msk $0xffff, v11;
	v12 =	vld [tilespmem:$0x1FC30]  }
0x853: {  	v16 =	vor.u32 v20, v9;
	v19 =	vor.u32 v20, v8;
	v20 =	vld [tilespmem:$0x1FC40]  }
0x854: {  	v11 =	vld.idx.msk [tilespmem:v13+s15+$0x0], $0xffff  }
0x855: {  	v13 =	vld [tilespmem:$0x1F730]  }
0x856: {  	[tilespmem:v15+s20+$0x0] =	vst.idx.msk $0xffff, v14;
	v15 =	vld [tilespmem:$0x1FC30]  }
0x857: {  	[tilespmem:v18+s20+$0x0] =	vst.idx.msk $0xffff, v17;
	v18 =	vld [tilespmem:$0x1FC30]  }
0x858: {  	v14 =	vld.idx.msk [tilespmem:v16+s15+$0x0], $0xffff  }
0x859: {  	v16 =	vld [tilespmem:$0x1F730]  }
0x85a: {  	v1 =	vor.u32 v32, v2;
	v17 =	vld.idx.msk [tilespmem:v19+s15+$0x0], $0xffff  }
0x85b: {  	v10 =	vor.u32 v10, v3;
	v12 =	vor.u32 v12, v4;
	v19 =	vld [tilespmem:$0x1F730]  }
0x85c: {  	v13 =	vor.u32 v13, v7  }
0x85d: {  	v32 =	vld [tilespmem:$0x1F740];
	v15 =	vor.u32 v15, v5  }
0x85e: {  	v16 =	vor.u32 v16, v9  }
0x85f: {  	[tilespmem:v1+s20+$0x0] =	vst.idx.msk $0xffff, v0;
	v18 =	vor.u32 v18, v6  }
0x860: {  	v39 =	vor.u32 v20, v2;
	v0 =	vld.idx.msk [tilespmem:v10+s15+$0x0], $0xffff;
	[tilespmem:v12+s20+$0x0] =	vst.idx.msk $0xffff, v11;
	v19 =	vor.u32 v19, v8  }
0x861: {  	v12 =	vor.u32 v20, v4;
	v11 =	vld.idx.msk [tilespmem:v13+s15+$0x0], $0xffff  }
0x862: {  	v40 =	vld [tilespmem:$0x1FC50];
	v10 =	vor.u32 v32, v3;
	[tilespmem:v15+s20+$0x0] =	vst.idx.msk $0xffff, v14  }
0x863: {  	v15 =	vor.u32 v20, v5;
	v14 =	vld.idx.msk [tilespmem:v16+s15+$0x0], $0xffff  }
0x864: {  	[tilespmem:v18+s20+$0x0] =	vst.idx.msk $0xffff, v17  }
0x865: {  	[tilespmem:v39+s20+$0x0] =	vst.idx.msk $0xffff, v0;
	v18 =	vor.u32 v20, v6;
	v17 =	vld.idx.msk [tilespmem:v19+s15+$0x0], $0xffff  }
0x866: {  	v13 =	vor.u32 v32, v7;
	[tilespmem:v12+s20+$0x0] =	vst.idx.msk $0xffff, v11;
	v12 =	vld [tilespmem:$0x1FC50]  }
0x867: {  	v0 =	vld.idx.msk [tilespmem:v10+s15+$0x0], $0xffff  }
0x868: {  	v1 =	vor.u32 v40, v2;
	v16 =	vor.u32 v32, v9;
	[tilespmem:v15+s20+$0x0] =	vst.idx.msk $0xffff, v14;
	v15 =	vld [tilespmem:$0x1FC50]  }
0x869: {  	v10 =	vor.u32 v33, v3  }
0x86a: {  	v19 =	vor.u32 v32, v8;
	[tilespmem:v18+s20+$0x0] =	vst.idx.msk $0xffff, v17;
	v18 =	vld [tilespmem:$0x1FC50]  }
0x86b: {  	v11 =	vld.idx.msk [tilespmem:v13+s15+$0x0], $0xffff;
	v12 =	vor.u32 v12, v4  }
0x86c: {  	v20 =	vld [tilespmem:$0x1FC60];
	v13 =	vor.u32 v33, v7  }
0x86d: {  	[tilespmem:v1+s20+$0x0] =	vst.idx.msk $0xffff, v0;
	v14 =	vld.idx.msk [tilespmem:v16+s15+$0x0], $0xffff;
	v15 =	vor.u32 v15, v5  }
0x86e: {  	v0 =	vld.idx.msk [tilespmem:v10+s15+$0x0], $0xffff;
	v16 =	vor.u32 v33, v9  }
0x86f: {  	v17 =	vld.idx.msk [tilespmem:v19+s15+$0x0], $0xffff;
	v18 =	vor.u32 v18, v6  }
0x870: {  	v10 =	vld [tilespmem:$0x1F750];
	v19 =	vor.u32 v33, v8;
	[tilespmem:v12+s20+$0x0] =	vst.idx.msk $0xffff, v11  }
0x871: {  	v11 =	vld.idx.msk [tilespmem:v13+s15+$0x0], $0xffff  }
0x872: {  	v13 =	vld [tilespmem:$0x1F750];
	[tilespmem:v15+s20+$0x0] =	vst.idx.msk $0xffff, v14  }
0x873: {  	v33 =	vor.u32 v20, v2;
	v14 =	vld.idx.msk [tilespmem:v16+s15+$0x0], $0xffff  }
0x874: {  	v12 =	vor.u32 v20, v4;
	[tilespmem:v18+s20+$0x0] =	vst.idx.msk $0xffff, v17;
	v16 =	vld [tilespmem:$0x1F750]  }
0x875: {  	v15 =	vor.u32 v20, v5;
	v17 =	vld.idx.msk [tilespmem:v19+s15+$0x0], $0xffff  }
0x876: {  	v18 =	vor.u32 v20, v6;
	v19 =	vld [tilespmem:$0x1F750]  }
0x877: {  	v39 =	vld [tilespmem:$0x1FC70]  }
0x878: {  	v10 =	vor.u32 v10, v3;
	[tilespmem:v33+s20+$0x0] =	vst.idx.msk $0xffff, v0;
	v33 =	vld [tilespmem:$0x1F760]  }
0x879: {  	v13 =	vor.u32 v13, v7;
	[tilespmem:v12+s20+$0x0] =	vst.idx.msk $0xffff, v11;
	v12 =	vld [tilespmem:$0x1FC70]  }
0x87a: {  	v16 =	vor.u32 v16, v9;
	[tilespmem:v15+s20+$0x0] =	vst.idx.msk $0xffff, v14;
	v15 =	vld [tilespmem:$0x1FC70]  }
0x87b: {  	v19 =	vor.u32 v19, v8;
	[tilespmem:v18+s20+$0x0] =	vst.idx.msk $0xffff, v17;
	v18 =	vld [tilespmem:$0x1FC70];
	_ =	sdelay $0x1  }
0x87c: {  	v1 =	vor.u32 v39, v2;
	v0 =	vld.idx.msk [tilespmem:v10+s15+$0x0], $0xffff  }
0x87d: {  	v10 =	vor.u32 v33, v3;
	v11 =	vld.idx.msk [tilespmem:v13+s15+$0x0], $0xffff;
	v12 =	vor.u32 v12, v4  }
0x87e: {  	v13 =	vor.u32 v33, v7;
	v14 =	vld.idx.msk [tilespmem:v16+s15+$0x0], $0xffff;
	v15 =	vor.u32 v15, v5  }
0x87f: {  	v16 =	vor.u32 v33, v9;
	v17 =	vld.idx.msk [tilespmem:v19+s15+$0x0], $0xffff;
	v18 =	vor.u32 v18, v6  }
0x880: {  	v20 =	vld [tilespmem:$0x1FC80];
	v19 =	vor.u32 v33, v8  }
0x881: {  	[tilespmem:v1+s20+$0x0] =	vst.idx.msk $0xffff, v0  }
0x882: {  	v0 =	vld.idx.msk [tilespmem:v10+s15+$0x0], $0xffff;
	[tilespmem:v12+s20+$0x0] =	vst.idx.msk $0xffff, v11  }
0x883: {  	v11 =	vld.idx.msk [tilespmem:v13+s15+$0x0], $0xffff;
	[tilespmem:v15+s20+$0x0] =	vst.idx.msk $0xffff, v14  }
0x884: {  	[tilespmem:v18+s20+$0x0] =	vst.idx.msk $0xffff, v17;
	v14 =	vld.idx.msk [tilespmem:v16+s15+$0x0], $0xffff  }
0x885: {  	v10 =	vor.u32 v34, v3;
	v12 =	vor.u32 v20, v4;
	v17 =	vld.idx.msk [tilespmem:v19+s15+$0x0], $0xffff  }
0x886: {  	v13 =	vor.u32 v34, v7;
	v16 =	vor.u32 v34, v9;
	v19 =	vor.u32 v34, v8;
	v34 =	vld [tilespmem:$0x1FC90]  }
0x887: {  	v15 =	vor.u32 v20, v5  }
0x888: {  	v18 =	vor.u32 v20, v6  }
0x889: {  	v40 =	vor.u32 v20, v2  }
0x88a: {  	[tilespmem:v12+s20+$0x0] =	vst.idx.msk $0xffff, v11;
	v12 =	vld [tilespmem:$0x1FC90]  }
0x88b: {  	v1 =	vor.u32 v34, v2;
	v34 =	vld [tilespmem:$0x1F770]  }
0x88c: {  	[tilespmem:v15+s20+$0x0] =	vst.idx.msk $0xffff, v14;
	v15 =	vld [tilespmem:$0x1FC90]  }
0x88d: {  	[tilespmem:v18+s20+$0x0] =	vst.idx.msk $0xffff, v17;
	v18 =	vld [tilespmem:$0x1FC90]  }
0x88e: {  	v39 =	vld [tilespmem:$0x1FCA0];
	[tilespmem:v40+s20+$0x0] =	vst.idx.msk $0xffff, v0  }
0x88f: {  	v0 =	vld.idx.msk [tilespmem:v10+s15+$0x0], $0xffff  }
0x890: {  	v11 =	vld.idx.msk [tilespmem:v13+s15+$0x0], $0xffff;
	v12 =	vor.u32 v12, v4;
	v10 =	vor.u32 v34, v3  }
0x891: {  	v14 =	vld.idx.msk [tilespmem:v16+s15+$0x0], $0xffff;
	v13 =	vor.u32 v34, v7;
	v15 =	vor.u32 v15, v5  }
0x892: {  	v17 =	vld.idx.msk [tilespmem:v19+s15+$0x0], $0xffff;
	v16 =	vor.u32 v34, v9;
	v18 =	vor.u32 v18, v6  }
0x893: {  	v19 =	vor.u32 v34, v8  }
0x894: {  	v40 =	vld [tilespmem:$0x1FCB0];
	[tilespmem:v1+s20+$0x0] =	vst.idx.msk $0xffff, v0  }
0x895: {  	[tilespmem:v12+s20+$0x0] =	vst.idx.msk $0xffff, v11;
	v1 =	vld.idx.msk [tilespmem:v10+s15+$0x0], $0xffff  }
0x896: {  	v12 =	vld.idx.msk [tilespmem:v13+s15+$0x0], $0xffff;
	[tilespmem:v15+s20+$0x0] =	vst.idx.msk $0xffff, v14  }
0x897: {  	v13 =	vor.u32 v39, v4;
	[tilespmem:v18+s20+$0x0] =	vst.idx.msk $0xffff, v17;
	v15 =	vld.idx.msk [tilespmem:v16+s15+$0x0], $0xffff  }
0x898: {  	v14 =	vor.u32 v26, v7;
	v18 =	vld.idx.msk [tilespmem:v19+s15+$0x0], $0xffff  }
0x899: {  	v10 =	vor.u32 v39, v2;
	v16 =	vor.u32 v39, v5;
	v19 =	vor.u32 v39, v6;
	v39 =	vld [tilespmem:$0x1F780]  }
0x89a: {  	v22 =	vor.u32 v40, v2;
	v40 =	vld [tilespmem:$0x1FCB0];
	_ =	sdelay $0x1  }
0x89b: {  	[tilespmem:v13+s20+$0x0] =	vst.idx.msk $0xffff, v12  }
0x89c: {  	v17 =	vor.u32 v26, v9;
	v13 =	vld.idx.msk [tilespmem:v14+s15+$0x0], $0xffff  }
0x89d: {  	v12 =	vor.u32 v39, v3;
	v39 =	vld [tilespmem:$0x1F780]  }
0x89e: {  	v14 =	vor.u32 v40, v4;
	v40 =	vld [tilespmem:$0x1FCB0];
	_ =	sdelay $0x1  }
0x89f: {  	v11 =	vor.u32 v26, v3;
	[tilespmem:v16+s20+$0x0] =	vst.idx.msk $0xffff, v15  }
0x8a0: {  	s31 =	sor.u32 $0x40, s28;
	v16 =	vld.idx.msk [tilespmem:v17+s15+$0x0], $0xffff  }
0x8a1: {  	v20 =	vor.u32 s31, v44;
	v15 =	vor.u32 v39, v7;
	v39 =	vld [tilespmem:$0x1F780]  }
0x8a2: {  	v21 =	vor.u32 v26, v8;
	v0 =	vshll.u32 v20, $0x6;
	v17 =	vor.u32 v40, v5;
	v40 =	vld [tilespmem:$0x1FCB0]  }
0x8a3: {  	[tilespmem:v10+s20+$0x0] =	vst.idx.msk $0xffff, v1;
	v10 =	vor.u32 v44, v0;
	v1 =	vand.u32 $0xC8, v20;
	v20 =	vld [tilespmem:$0x1F780]  }
0x8a4: {  	v11 =	vld.idx.msk [tilespmem:v11+s15+$0x0], $0xffff;
	_ =	sdelay $0x1  }
0x8a5: {  	[tilespmem:v19+s20+$0x0] =	vst.idx.msk $0xffff, v18;
	v18 =	vor.u32 v39, v9;
	v39 =	vld [tilespmem:$0x1FCC0]  }
0x8a6: {  	v19 =	vld.idx.msk [tilespmem:v21+s15+$0x0], $0xffff;
	v21 =	vor.u32 v40, v6  }
0x8a7: {  	v23 =	vor.u32 v57, v1;
	v20 =	vor.u32 v20, v8;
	v10 =	vld.idx.msk [tilespmem:v10+s15+$0x0], $0xffff  }
0x8a8: {  	v26 =	vld [tilespmem:$0x1F790];
	[tilespmem:v22+s20+$0x0] =	vst.idx.msk $0xffff, v11;
	v11 =	vor.u32 v25, v0;
	_ =	sdelay $0x1  }
0x8a9: {  	[tilespmem:v14+s20+$0x0] =	vst.idx.msk $0xffff, v13;
	v12 =	vld.idx.msk [tilespmem:v12+s15+$0x0], $0xffff;
	v22 =	vor.u32 v39, v2  }
0x8aa: {  	v14 =	vld.idx.msk [tilespmem:v15+s15+$0x0], $0xffff;
	v15 =	vor.u32 v39, v4;
	[tilespmem:v21+s20+$0x0] =	vst.idx.msk $0xffff, v19  }
0x8ab: {  	[tilespmem:v23+s20+$0x0] =	vst.idx.msk $0xffff, v10;
	v21 =	vor.u32 v39, v6;
	v20 =	vld.idx.msk [tilespmem:v20+s15+$0x0], $0xffff  }
0x8ac: {  	[tilespmem:v17+s20+$0x0] =	vst.idx.msk $0xffff, v16;
	v16 =	vor.u32 v26, v7;
	v11 =	vld.idx.msk [tilespmem:v11+s15+$0x0], $0xffff  }
0x8ad: {  	v17 =	vld.idx.msk [tilespmem:v18+s15+$0x0], $0xffff;
	v18 =	vor.u32 v39, v5  }
0x8ae: {  	v40 =	vld [tilespmem:$0x1FCE0];
	v19 =	vor.u32 v26, v9;
	[tilespmem:v22+s20+$0x0] =	vst.idx.msk $0xffff, v12  }
0x8af: {  	v22 =	vld [tilespmem:$0x1FCD0];
	[tilespmem:v15+s20+$0x0] =	vst.idx.msk $0xffff, v14  }
0x8b0: {  	v10 =	vor.u32 v26, v8;
	[tilespmem:v21+s20+$0x0] =	vst.idx.msk $0xffff, v20;
	v21 =	vld [tilespmem:$0x1FCD0]  }
0x8b1: {  	v13 =	vor.u32 v26, v3;
	v23 =	vor.u32 v46, v1;
	v15 =	vld.idx.msk [tilespmem:v16+s15+$0x0], $0xffff  }
0x8b2: {  	[tilespmem:v18+s20+$0x0] =	vst.idx.msk $0xffff, v17;
	v16 =	vld [tilespmem:$0x1FCD0]  }
0x8b3: {  	v18 =	vld.idx.msk [tilespmem:v19+s15+$0x0], $0xffff  }
0x8b4: {  	v19 =	vld [tilespmem:$0x1FCD0]  }
0x8b5: {  	v12 =	vor.u32 v27, v0;
	v10 =	vld.idx.msk [tilespmem:v10+s15+$0x0], $0xffff;
	v21 =	vor.u32 v21, v6  }
0x8b6: {  	[tilespmem:v23+s20+$0x0] =	vst.idx.msk $0xffff, v11;
	v11 =	vor.u32 v24, v8;
	v13 =	vld.idx.msk [tilespmem:v13+s15+$0x0], $0xffff;
	v22 =	vor.u32 v22, v2  }
0x8b7: {  	v23 =	vld [tilespmem:$0x1F7E0];
	v16 =	vor.u32 v16, v4  }
0x8b8: {  	v17 =	vor.u32 v24, v7  }
0x8b9: {  	v14 =	vor.u32 v24, v3;
	v19 =	vor.u32 v19, v5  }
0x8ba: {  	v20 =	vor.u32 v24, v9;
	v12 =	vld.idx.msk [tilespmem:v12+s15+$0x0], $0xffff;
	[tilespmem:v21+s20+$0x0] =	vst.idx.msk $0xffff, v10  }
0x8bb: {  	[tilespmem:v22+s20+$0x0] =	vst.idx.msk $0xffff, v13;
	v21 =	vor.u32 v40, v6;
	v11 =	vld.idx.msk [tilespmem:v11+s15+$0x0], $0xffff  }
0x8bc: {  	v23 =	vor.u32 v23, v1;
	v13 =	vld [tilespmem:$0x1F7F0];
	[tilespmem:v16+s20+$0x0] =	vst.idx.msk $0xffff, v15  }
0x8bd: {  	v16 =	vld.idx.msk [tilespmem:v17+s15+$0x0], $0xffff;
	v17 =	vor.u32 v40, v4  }
0x8be: {  	v22 =	vor.u32 v40, v2;
	v14 =	vld.idx.msk [tilespmem:v14+s15+$0x0], $0xffff;
	[tilespmem:v19+s20+$0x0] =	vst.idx.msk $0xffff, v18  }
0x8bf: {  	v19 =	vld.idx.msk [tilespmem:v20+s15+$0x0], $0xffff;
	v20 =	vor.u32 v40, v5  }
0x8c0: {  	v10 =	vor.u32 v56, v9;
	[tilespmem:v21+s20+$0x0] =	vst.idx.msk $0xffff, v11;
	v11 =	vld [tilespmem:$0x1FFD0]  }
0x8c1: {  	[tilespmem:v23+s20+$0x0] =	vst.idx.msk $0xffff, v12;
	v15 =	vor.u32 v56, v3  }
0x8c2: {  	[tilespmem:v17+s20+$0x0] =	vst.idx.msk $0xffff, v16;
	v16 =	vld [tilespmem:$0x1FFD0]  }
0x8c3: {  	v23 =	vld [tilespmem:$0x1F800];
	v13 =	vor.u32 v13, v0;
	[tilespmem:v22+s20+$0x0] =	vst.idx.msk $0xffff, v14  }
0x8c4: {  	v18 =	vor.u32 v56, v7;
	v14 =	vld [tilespmem:$0x1F810];
	[tilespmem:v20+s20+$0x0] =	vst.idx.msk $0xffff, v19  }
0x8c5: {  	v10 =	vld.idx.msk [tilespmem:v10+s15+$0x0], $0xffff;
	v11 =	vor.u32 v11, v5  }
0x8c6: {  	v15 =	vld.idx.msk [tilespmem:v15+s15+$0x0], $0xffff  }
0x8c7: {  	v19 =	vld [tilespmem:$0x1F820];
	v16 =	vor.u32 v16, v2  }
0x8c8: {  	v23 =	vor.u32 v23, v1;
	v13 =	vld.idx.msk [tilespmem:v13+s15+$0x0], $0xffff  }
0x8c9: {  	v17 =	vld.idx.msk [tilespmem:v18+s15+$0x0], $0xffff  }
0x8ca: {  	[tilespmem:v11+s20+$0x0] =	vst.idx.msk $0xffff, v10;
	v10 =	vld [tilespmem:$0x1FFE0]  }
0x8cb: {  	v18 =	vld [tilespmem:$0x1FFD0]  }
0x8cc: {  	[tilespmem:v16+s20+$0x0] =	vst.idx.msk $0xffff, v15;
	v16 =	vld [tilespmem:$0x1FFE0]  }
0x8cd: {  	v12 =	vor.u32 v56, v8;
	[tilespmem:v23+s20+$0x0] =	vst.idx.msk $0xffff, v13;
	v13 =	vld [tilespmem:$0x1FFD0]  }
0x8ce: {  	v14 =	vor.u32 v14, v0;
	v15 =	vld [tilespmem:$0x1F830]  }
0x8cf: {  	v10 =	vor.u32 v10, v5;
	v5 =	vld [tilespmem:$0x1FFE0]  }
0x8d0: {  	v3 =	vor.u32 v49, v3;
	v56 =	vld [tilespmem:$0x1F850];
	v18 =	vor.u32 v18, v4  }
0x8d1: {  	v7 =	vor.u32 v49, v7;
	v2 =	vor.u32 v16, v2;
	v16 =	vld [tilespmem:$0x1FFE0]  }
0x8d2: {  	v9 =	vor.u32 v49, v9;
	v12 =	vld.idx.msk [tilespmem:v12+s15+$0x0], $0xffff;
	v13 =	vor.u32 v13, v6  }
0x8d3: {  	v8 =	vor.u32 v49, v8;
	v19 =	vor.u32 v19, v1;
	v14 =	vld.idx.msk [tilespmem:v14+s15+$0x0], $0xffff  }
0x8d4: {  	v15 =	vor.u32 v15, v0;
	v11 =	vor.u32 v5, v6;
	v5 =	vld [tilespmem:$0x1F840]  }
0x8d5: {  	v3 =	vld.idx.msk [tilespmem:v3+s15+$0x0], $0xffff;
	[tilespmem:v18+s20+$0x0] =	vst.idx.msk $0xffff, v17  }
0x8d6: {  	v7 =	vld.idx.msk [tilespmem:v7+s15+$0x0], $0xffff;
	v4 =	vor.u32 v16, v4  }
0x8d7: {  	v9 =	vld.idx.msk [tilespmem:v9+s15+$0x0], $0xffff;
	[tilespmem:v13+s20+$0x0] =	vst.idx.msk $0xffff, v12  }
0x8d8: {  	s30 =	sor.u32 $0x50, s28;
	[tilespmem:v19+s20+$0x0] =	vst.idx.msk $0xffff, v14;
	v8 =	vld.idx.msk [tilespmem:v8+s15+$0x0], $0xffff  }
0x8d9: {  	v14 =	vor.u32 s30, v44;
	v12 =	vld.idx.msk [tilespmem:v15+s15+$0x0], $0xffff;
	v13 =	vor.u32 v5, v1  }
0x8da: {  	s31 =	sor.u32 $0x60, s28;
	[tilespmem:v2+s20+$0x0] =	vst.idx.msk $0xffff, v3;
	v3 =	vor.u32 v56, v0;
	v2 =	vshll.u32 v14, $0x6  }
0x8db: {  	s28 =	sor.u32 $0x70, s28;
	v15 =	vor.u32 s31, v44;
	[tilespmem:v4+s20+$0x0] =	vst.idx.msk $0xffff, v7;
	v4 =	vor.u32 v44, v2  }
0x8dc: {  	[tilespmem:v10+s20+$0x0] =	vst.idx.msk $0xffff, v9;
	v5 =	vshll.u32 v15, $0x6;
	v7 =	vor.u32 s28, v44  }
0x8dd: {  	[tilespmem:v11+s20+$0x0] =	vst.idx.msk $0xffff, v8;
	v9 =	vor.u32 v44, v5;
	v6 =	vshll.u32 v7, $0x6  }
0x8de: {  	v8 =	vor.u32 v44, v6;
	[tilespmem:v13+s20+$0x0] =	vst.idx.msk $0xffff, v12  }
0x8df: {  	v10 =	vld.idx.msk [tilespmem:v3+s15+$0x0], $0xffff;
	v3 =	vand.u32 $0xD8, v14  }
0x8e0: {  	v11 =	vld.idx.msk [tilespmem:v4+s15+$0x0], $0xffff;
	v12 =	vor.u32 v57, v3  }
0x8e1: {  	v4 =	vand.u32 $0xE8, v15;
	v13 =	vor.u32 v25, v2  }
0x8e2: {  	v7 =	vand.u32 $0xF8, v7;
	v9 =	vld.idx.msk [tilespmem:v9+s15+$0x0], $0xffff;
	v14 =	vor.u32 v57, v4  }
0x8e3: {  	v16 =	vor.u32 v57, v7;
	v15 =	vor.u32 v25, v5;
	v8 =	vld.idx.msk [tilespmem:v8+s15+$0x0], $0xffff  }
0x8e4: {  	v17 =	vor.u32 v25, v6  }
0x8e5: {  	v22 =	vld [tilespmem:$0x1F7E0];
	[tilespmem:v12+s20+$0x0] =	vst.idx.msk $0xffff, v11  }
0x8e6: {  	v12 =	vor.u32 v46, v3;
	v11 =	vld.idx.msk [tilespmem:v13+s15+$0x0], $0xffff  }
0x8e7: {  	v20 =	vld [tilespmem:$0x1F7F0];
	[tilespmem:v14+s20+$0x0] =	vst.idx.msk $0xffff, v9;
	v9 =	vor.u32 v27, v2  }
0x8e8: {  	v14 =	vor.u32 v46, v4;
	[tilespmem:v16+s20+$0x0] =	vst.idx.msk $0xffff, v8;
	v13 =	vld.idx.msk [tilespmem:v15+s15+$0x0], $0xffff  }
0x8e9: {  	v8 =	vor.u32 v27, v5;
	v16 =	vor.u32 v46, v7;
	v15 =	vld.idx.msk [tilespmem:v17+s15+$0x0], $0xffff  }
0x8ea: {  	v17 =	vor.u32 v27, v6  }
0x8eb: {  	[tilespmem:v12+s20+$0x0] =	vst.idx.msk $0xffff, v11  }
0x8ec: {  	v11 =	vor.u32 v22, v3;
	v9 =	vld.idx.msk [tilespmem:v9+s15+$0x0], $0xffff  }
0x8ed: {  	v24 =	vld [tilespmem:$0x1F800];
	[tilespmem:v14+s20+$0x0] =	vst.idx.msk $0xffff, v13;
	v12 =	vor.u32 v20, v2  }
0x8ee: {  	v13 =	vor.u32 v22, v4;
	[tilespmem:v16+s20+$0x0] =	vst.idx.msk $0xffff, v15;
	v8 =	vld.idx.msk [tilespmem:v8+s15+$0x0], $0xffff  }
0x8ef: {  	v14 =	vor.u32 v20, v5;
	v16 =	vor.u32 v22, v7;
	v15 =	vld.idx.msk [tilespmem:v17+s15+$0x0], $0xffff  }
0x8f0: {  	v17 =	vor.u32 v20, v6  }
0x8f1: {  	v21 =	vld [tilespmem:$0x1F810];
	[tilespmem:v11+s20+$0x0] =	vst.idx.msk $0xffff, v9  }
0x8f2: {  	v11 =	vor.u32 v24, v3;
	v9 =	vld.idx.msk [tilespmem:v12+s15+$0x0], $0xffff  }
0x8f3: {  	[tilespmem:v13+s20+$0x0] =	vst.idx.msk $0xffff, v8  }
0x8f4: {  	v13 =	vor.u32 v24, v4;
	[tilespmem:v16+s20+$0x0] =	vst.idx.msk $0xffff, v15;
	v12 =	vld.idx.msk [tilespmem:v14+s15+$0x0], $0xffff  }
0x8f5: {  	v16 =	vor.u32 v24, v7;
	v15 =	vld.idx.msk [tilespmem:v17+s15+$0x0], $0xffff  }
0x8f6: {  	v8 =	vor.u32 v21, v2  }
0x8f7: {  	v14 =	vor.u32 v21, v5;
	[tilespmem:v11+s20+$0x0] =	vst.idx.msk $0xffff, v9;
	v9 =	vld [tilespmem:$0x1F820]  }
0x8f8: {  	v11 =	vld [tilespmem:$0x1F830]  }
0x8f9: {  	v17 =	vor.u32 v21, v6;
	[tilespmem:v13+s20+$0x0] =	vst.idx.msk $0xffff, v12;
	v13 =	vld [tilespmem:$0x1F820]  }
0x8fa: {  	[tilespmem:v16+s20+$0x0] =	vst.idx.msk $0xffff, v15;
	v16 =	vld [tilespmem:$0x1F820]  }
0x8fb: {  	v8 =	vld.idx.msk [tilespmem:v8+s15+$0x0], $0xffff  }
0x8fc: {  	v12 =	vld.idx.msk [tilespmem:v14+s15+$0x0], $0xffff  }
0x8fd: {  	v14 =	vld [tilespmem:$0x1F830];
	v9 =	vor.u32 v9, v3  }
0x8fe: {  	v15 =	vld.idx.msk [tilespmem:v17+s15+$0x0], $0xffff;
	v13 =	vor.u32 v13, v4  }
0x8ff: {  	v17 =	vld [tilespmem:$0x1F830];
	v16 =	vor.u32 v16, v7  }
0x900: {  	v11 =	vor.u32 v11, v2  }
0x901: {  	v18 =	vld [tilespmem:$0x1FFF0]  }
0x902: {  	v14 =	vor.u32 v14, v5;
	[tilespmem:v9+s20+$0x0] =	vst.idx.msk $0xffff, v8;
	v9 =	vld [tilespmem:$0x1F840]  }
0x903: {  	[tilespmem:v13+s20+$0x0] =	vst.idx.msk $0xffff, v12;
	v13 =	vld [tilespmem:$0x1F840]  }
0x904: {  	v17 =	vor.u32 v17, v6;
	[tilespmem:v16+s20+$0x0] =	vst.idx.msk $0xffff, v15;
	v16 =	vld [tilespmem:$0x1F840]  }
0x905: {  	v8 =	vld.idx.msk [tilespmem:v11+s15+$0x0], $0xffff  }
0x906: {  	v11 =	vld [tilespmem:$0x1F850]  }
0x907: {  	v12 =	vld.idx.msk [tilespmem:v14+s15+$0x0], $0xffff  }
0x908: {  	v14 =	vld [tilespmem:$0x1F850];
	v9 =	vor.u32 v9, v3  }
0x909: {  	v15 =	vld.idx.msk [tilespmem:v17+s15+$0x0], $0xffff;
	v13 =	vor.u32 v13, v4  }
0x90a: {  	v17 =	vld [tilespmem:$0x1F850];
	v16 =	vor.u32 v16, v7  }
0x90b: {  	v11 =	vor.u32 v11, v2  }
0x90c: {  	v22 =	vmov v18;
	v18 =	vld [tilespmem:$0x1F860]  }
0x90d: {  	v14 =	vor.u32 v14, v5;
	[tilespmem:v9+s20+$0x0] =	vst.idx.msk $0xffff, v8;
	v8 =	vld [tilespmem:$0x1F870]  }
0x90e: {  	[tilespmem:v13+s20+$0x0] =	vst.idx.msk $0xffff, v12;
	v12 =	vld [tilespmem:$0x1F870]  }
0x90f: {  	v17 =	vor.u32 v17, v6;
	[tilespmem:v16+s20+$0x0] =	vst.idx.msk $0xffff, v15;
	v15 =	vld [tilespmem:$0x1F870]  }
0x910: {  	v9 =	vld.idx.msk [tilespmem:v11+s15+$0x0], $0xffff  }
0x911: {  	v11 =	vld [tilespmem:$0x1F860]  }
0x912: {  	v13 =	vld.idx.msk [tilespmem:v14+s15+$0x0], $0xffff  }
0x913: {  	v18 =	vor.u32 v18, v1;
	v14 =	vld [tilespmem:$0x1F860]  }
0x914: {  	v16 =	vld.idx.msk [tilespmem:v17+s15+$0x0], $0xffff  }
0x915: {  	v17 =	vld [tilespmem:$0x1F860];
	v8 =	vor.u32 v8, v0  }
0x916: {  	v19 =	vld [tilespmem:$0x1F870];
	v11 =	vor.u32 v11, v3  }
0x917: {  	v12 =	vor.u32 v12, v2  }
0x918: {  	[tilespmem:v18+s20+$0x0] =	vst.idx.msk $0xffff, v10;
	v10 =	vld [tilespmem:$0x1F880];
	v14 =	vor.u32 v14, v4  }
0x919: {  	v18 =	vld [tilespmem:$0x1F880];
	v15 =	vor.u32 v15, v5  }
0x91a: {  	v17 =	vor.u32 v17, v7;
	v8 =	vld.idx.msk [tilespmem:v8+s15+$0x0], $0xffff  }
0x91b: {  	v19 =	vor.u32 v19, v6;
	[tilespmem:v11+s20+$0x0] =	vst.idx.msk $0xffff, v9;
	v9 =	vld [tilespmem:$0x1F890]  }
0x91c: {  	v11 =	vld.idx.msk [tilespmem:v12+s15+$0x0], $0xffff  }
0x91d: {  	[tilespmem:v14+s20+$0x0] =	vst.idx.msk $0xffff, v13;
	v12 =	vld [tilespmem:$0x1F880]  }
0x91e: {  	v14 =	vld.idx.msk [tilespmem:v15+s15+$0x0], $0xffff  }
0x91f: {  	[tilespmem:v17+s20+$0x0] =	vst.idx.msk $0xffff, v16;
	v15 =	vld [tilespmem:$0x1F880]  }
0x920: {  	v10 =	vor.u32 v10, v1;
	v17 =	vld.idx.msk [tilespmem:v19+s15+$0x0], $0xffff  }
0x921: {  	v18 =	vor.u32 v18, v7;
	v19 =	vld [tilespmem:$0x1F890]  }
0x922: {  	v9 =	vor.u32 v9, v0  }
0x923: {  	v13 =	vld [tilespmem:$0x1F890]  }
0x924: {  	v16 =	vld [tilespmem:$0x1F890];
	v12 =	vor.u32 v12, v3  }
0x925: {  	[tilespmem:v10+s20+$0x0] =	vst.idx.msk $0xffff, v8;
	v10 =	vld [tilespmem:$0x1F8B0];
	v15 =	vor.u32 v15, v4  }
0x926: {  	v19 =	vor.u32 v19, v6;
	[tilespmem:v18+s20+$0x0] =	vst.idx.msk $0xffff, v17;
	v18 =	vld [tilespmem:$0x1F8A0]  }
0x927: {  	v8 =	vld.idx.msk [tilespmem:v9+s15+$0x0], $0xffff  }
0x928: {  	v13 =	vor.u32 v13, v2;
	v9 =	vld [tilespmem:$0x1F8A0]  }
0x929: {  	[tilespmem:v12+s20+$0x0] =	vst.idx.msk $0xffff, v11;
	v12 =	vld [tilespmem:$0x1F8A0]  }
0x92a: {  	v16 =	vor.u32 v16, v5;
	[tilespmem:v15+s20+$0x0] =	vst.idx.msk $0xffff, v14;
	v15 =	vld [tilespmem:$0x1F8A0]  }
0x92b: {  	v17 =	vld.idx.msk [tilespmem:v19+s15+$0x0], $0xffff  }
0x92c: {  	v18 =	vor.u32 v18, v7;
	v19 =	vld [tilespmem:$0x1F8B0]  }
0x92d: {  	v11 =	vld.idx.msk [tilespmem:v13+s15+$0x0], $0xffff;
	v9 =	vor.u32 v9, v1  }
0x92e: {  	v10 =	vor.u32 v10, v0;
	v13 =	vld [tilespmem:$0x1F8B0]  }
0x92f: {  	v14 =	vld.idx.msk [tilespmem:v16+s15+$0x0], $0xffff  }
0x930: {  	v16 =	vld [tilespmem:$0x1F8B0];
	v12 =	vor.u32 v12, v3  }
0x931: {  	v15 =	vor.u32 v15, v4;
	[tilespmem:v18+s20+$0x0] =	vst.idx.msk $0xffff, v17;
	v18 =	vld [tilespmem:$0x1F8C0]  }
0x932: {  	v19 =	vor.u32 v19, v6;
	[tilespmem:v9+s20+$0x0] =	vst.idx.msk $0xffff, v8;
	v9 =	vld [tilespmem:$0x1F8C0]  }
0x933: {  	v8 =	vld.idx.msk [tilespmem:v10+s15+$0x0], $0xffff  }
0x934: {  	v13 =	vor.u32 v13, v2;
	v10 =	vld [tilespmem:$0x1F8D0]  }
0x935: {  	[tilespmem:v12+s20+$0x0] =	vst.idx.msk $0xffff, v11;
	v12 =	vld [tilespmem:$0x1F8C0]  }
0x936: {  	v16 =	vor.u32 v16, v5;
	[tilespmem:v15+s20+$0x0] =	vst.idx.msk $0xffff, v14;
	v15 =	vld [tilespmem:$0x1F8C0]  }
0x937: {  	v17 =	vld.idx.msk [tilespmem:v19+s15+$0x0], $0xffff  }
0x938: {  	v19 =	vld [tilespmem:$0x1F8D0]  }
0x939: {  	v18 =	vor.u32 v18, v7;
	v11 =	vld.idx.msk [tilespmem:v13+s15+$0x0], $0xffff  }
0x93a: {  	v13 =	vld [tilespmem:$0x1F8D0];
	v9 =	vor.u32 v9, v1  }
0x93b: {  	v14 =	vld.idx.msk [tilespmem:v16+s15+$0x0], $0xffff;
	v12 =	vor.u32 v12, v3  }
0x93c: {  	v16 =	vld [tilespmem:$0x1F8D0];
	v15 =	vor.u32 v15, v4  }
0x93d: {  	v49 =	vld [tilespmem:$0x1F900]  }
0x93e: {  	v19 =	vor.u32 v19, v6;
	[tilespmem:v18+s20+$0x0] =	vst.idx.msk $0xffff, v17;
	v18 =	vld [tilespmem:$0x1F8E0]  }
0x93f: {  	v10 =	vor.u32 v10, v0;
	[tilespmem:v9+s20+$0x0] =	vst.idx.msk $0xffff, v8;
	v9 =	vld [tilespmem:$0x1F8E0]  }
0x940: {  	v13 =	vor.u32 v13, v2;
	[tilespmem:v12+s20+$0x0] =	vst.idx.msk $0xffff, v11;
	v12 =	vld [tilespmem:$0x1F8E0]  }
0x941: {  	v16 =	vor.u32 v16, v5;
	[tilespmem:v15+s20+$0x0] =	vst.idx.msk $0xffff, v14;
	v15 =	vld [tilespmem:$0x1F8E0]  }
0x942: {  	v21 =	vld [tilespmem:$0x1F910]  }
0x943: {  	v17 =	vld.idx.msk [tilespmem:v19+s15+$0x0], $0xffff;
	v18 =	vor.u32 v18, v7  }
0x944: {  	v8 =	vld.idx.msk [tilespmem:v10+s15+$0x0], $0xffff;
	v19 =	vor.u32 v51, v6;
	v9 =	vor.u32 v9, v1  }
0x945: {  	v10 =	vor.u32 v51, v0;
	v11 =	vld.idx.msk [tilespmem:v13+s15+$0x0], $0xffff;
	v12 =	vor.u32 v12, v3  }
0x946: {  	v13 =	vor.u32 v51, v2;
	v14 =	vld.idx.msk [tilespmem:v16+s15+$0x0], $0xffff;
	v15 =	vor.u32 v15, v4  }
0x947: {  	v16 =	vor.u32 v51, v5  }
0x948: {  	v23 =	vld [tilespmem:$0x1F5B0];
	[tilespmem:v18+s20+$0x0] =	vst.idx.msk $0xffff, v17  }
0x949: {  	v18 =	vor.u32 v49, v7;
	v17 =	vld.idx.msk [tilespmem:v19+s15+$0x0], $0xffff;
	[tilespmem:v9+s20+$0x0] =	vst.idx.msk $0xffff, v8  }
0x94a: {  	v19 =	vor.u32 v21, v6;
	v9 =	vor.u32 v49, v1;
	v8 =	vld.idx.msk [tilespmem:v10+s15+$0x0], $0xffff;
	[tilespmem:v12+s20+$0x0] =	vst.idx.msk $0xffff, v11  }
0x94b: {  	v10 =	vor.u32 v21, v0;
	v12 =	vor.u32 v49, v3;
	[tilespmem:v15+s20+$0x0] =	vst.idx.msk $0xffff, v14;
	v11 =	vld.idx.msk [tilespmem:v13+s15+$0x0], $0xffff  }
0x94c: {  	v15 =	vor.u32 v49, v4;
	v13 =	vor.u32 v21, v2;
	v14 =	vld.idx.msk [tilespmem:v16+s15+$0x0], $0xffff  }
0x94d: {  	v51 =	vld [tilespmem:$0x1F920];
	v16 =	vor.u32 v21, v5  }
0x94e: {  	v56 =	vld [tilespmem:$0x1FB70];
	[tilespmem:v18+s20+$0x0] =	vst.idx.msk $0xffff, v17  }
0x94f: {  	v17 =	vld.idx.msk [tilespmem:v19+s15+$0x0], $0xffff;
	[tilespmem:v9+s20+$0x0] =	vst.idx.msk $0xffff, v8  }
0x950: {  	v8 =	vld.idx.msk [tilespmem:v10+s15+$0x0], $0xffff;
	[tilespmem:v12+s20+$0x0] =	vst.idx.msk $0xffff, v11  }
0x951: {  	[tilespmem:v15+s20+$0x0] =	vst.idx.msk $0xffff, v14;
	v11 =	vld.idx.msk [tilespmem:v13+s15+$0x0], $0xffff  }
0x952: {  	v19 =	vor.u32 v52, v6;
	v9 =	vor.u32 v51, v1;
	v14 =	vld.idx.msk [tilespmem:v16+s15+$0x0], $0xffff  }
0x953: {  	v10 =	vor.u32 v52, v0;
	v13 =	vor.u32 v52, v2;
	v16 =	vor.u32 v52, v5;
	v52 =	vld [tilespmem:$0x1F940]  }
0x954: {  	v44 =	vld [tilespmem:$0x1F5D0];
	v18 =	vor.u32 v51, v7  }
0x955: {  	v57 =	vld [tilespmem:$0x1FB60];
	v12 =	vor.u32 v51, v3  }
0x956: {  	v20 =	vld [tilespmem:$0x1F6A0]  }
0x957: {  	v15 =	vor.u32 v51, v4;
	v51 =	vld [tilespmem:$0x1FB90];
	[tilespmem:v9+s20+$0x0] =	vst.idx.msk $0xffff, v8  }
0x958: {  	v8 =	vld.idx.msk [tilespmem:v10+s15+$0x0], $0xffff;
	v9 =	vor.u32 v52, v1  }
0x959: {  	[tilespmem:v18+s20+$0x0] =	vst.idx.msk $0xffff, v17;
	v10 =	vor.u32 v53, v0;
	v49 =	vld [tilespmem:$0x1F960]  }
0x95a: {  	[tilespmem:v12+s20+$0x0] =	vst.idx.msk $0xffff, v11;
	v17 =	vld.idx.msk [tilespmem:v19+s15+$0x0], $0xffff;
	v18 =	vor.u32 v52, v7  }
0x95b: {  	v12 =	vor.u32 v52, v3;
	v19 =	vor.u32 v53, v6;
	v11 =	vld.idx.msk [tilespmem:v13+s15+$0x0], $0xffff  }
0x95c: {  	[tilespmem:v15+s20+$0x0] =	vst.idx.msk $0xffff, v14;
	v13 =	vor.u32 v53, v2  }
0x95d: {  	v15 =	vor.u32 v52, v4;
	v14 =	vld.idx.msk [tilespmem:v16+s15+$0x0], $0xffff;
	[tilespmem:v9+s20+$0x0] =	vst.idx.msk $0xffff, v8  }
0x95e: {  	v16 =	vor.u32 v53, v5;
	v9 =	vor.u32 v49, v1;
	v8 =	vld.idx.msk [tilespmem:v10+s15+$0x0], $0xffff  }
0x95f: {  	v52 =	vld [tilespmem:$0x1F980];
	[tilespmem:v18+s20+$0x0] =	vst.idx.msk $0xffff, v17;
	v10 =	vor.u32 v54, v0  }
0x960: {  	v18 =	vor.u32 v49, v7;
	[tilespmem:v12+s20+$0x0] =	vst.idx.msk $0xffff, v11;
	v17 =	vld.idx.msk [tilespmem:v19+s15+$0x0], $0xffff  }
0x961: {  	v12 =	vor.u32 v49, v3;
	v19 =	vor.u32 v54, v6;
	v11 =	vld.idx.msk [tilespmem:v13+s15+$0x0], $0xffff  }
0x962: {  	[tilespmem:v15+s20+$0x0] =	vst.idx.msk $0xffff, v14;
	v13 =	vor.u32 v54, v2  }
0x963: {  	v15 =	vor.u32 v49, v4;
	v14 =	vld.idx.msk [tilespmem:v16+s15+$0x0], $0xffff;
	[tilespmem:v9+s20+$0x0] =	vst.idx.msk $0xffff, v8  }
0x964: {  	v16 =	vor.u32 v54, v5;
	v9 =	vor.u32 v52, v1;
	v8 =	vld.idx.msk [tilespmem:v10+s15+$0x0], $0xffff  }
0x965: {  	[tilespmem:v18+s20+$0x0] =	vst.idx.msk $0xffff, v17;
	v10 =	vor.u32 v22, v0  }
0x966: {  	v18 =	vor.u32 v52, v7;
	[tilespmem:v12+s20+$0x0] =	vst.idx.msk $0xffff, v11;
	v17 =	vld.idx.msk [tilespmem:v19+s15+$0x0], $0xffff  }
0x967: {  	v12 =	vor.u32 v52, v3;
	v19 =	vor.u32 v22, v6;
	v11 =	vld.idx.msk [tilespmem:v13+s15+$0x0], $0xffff  }
0x968: {  	v53 =	vld [tilespmem:$0x1F9A0];
	[tilespmem:v15+s20+$0x0] =	vst.idx.msk $0xffff, v14;
	v13 =	vor.u32 v22, v2  }
0x969: {  	v15 =	vor.u32 v52, v4;
	v14 =	vld.idx.msk [tilespmem:v16+s15+$0x0], $0xffff;
	[tilespmem:v9+s20+$0x0] =	vst.idx.msk $0xffff, v8  }
0x96a: {  	v16 =	vor.u32 v22, v5;
	v8 =	vld.idx.msk [tilespmem:v10+s15+$0x0], $0xffff  }
0x96b: {  	[tilespmem:v18+s20+$0x0] =	vst.idx.msk $0xffff, v17;
	v10 =	vld [tilespmem:$0x1FF90]  }
0x96c: {  	[tilespmem:v12+s20+$0x0] =	vst.idx.msk $0xffff, v11;
	v17 =	vld.idx.msk [tilespmem:v19+s15+$0x0], $0xffff  }
0x96d: {  	v11 =	vld.idx.msk [tilespmem:v13+s15+$0x0], $0xffff  }
0x96e: {  	[tilespmem:v15+s20+$0x0] =	vst.idx.msk $0xffff, v14;
	v13 =	vld [tilespmem:$0x1FF90]  }
0x96f: {  	v14 =	vld.idx.msk [tilespmem:v16+s15+$0x0], $0xffff  }
0x970: {  	v9 =	vor.u32 v55, v1;
	v16 =	vld [tilespmem:$0x1FF90]  }
0x971: {  	v19 =	vld [tilespmem:$0x1FF90];
	v10 =	vor.u32 v10, v0  }
0x972: {  	v12 =	vor.u32 v55, v3  }
0x973: {  	v13 =	vor.u32 v13, v2  }
0x974: {  	v15 =	vor.u32 v55, v4  }
0x975: {  	v18 =	vor.u32 v55, v7;
	[tilespmem:v9+s20+$0x0] =	vst.idx.msk $0xffff, v8;
	v16 =	vor.u32 v16, v5  }
0x976: {  	v19 =	vor.u32 v19, v6;
	v9 =	vor.u32 v53, v1;
	v8 =	vld.idx.msk [tilespmem:v10+s15+$0x0], $0xffff  }
0x977: {  	v25 =	vld [tilespmem:$0x1F550];
	[tilespmem:v12+s20+$0x0] =	vst.idx.msk $0xffff, v11;
	v10 =	vor.u32 v42, v0  }
0x978: {  	v12 =	vor.u32 v53, v3;
	v11 =	vld.idx.msk [tilespmem:v13+s15+$0x0], $0xffff  }
0x979: {  	[tilespmem:v15+s20+$0x0] =	vst.idx.msk $0xffff, v14;
	v13 =	vor.u32 v42, v2  }
0x97a: {  	[tilespmem:v18+s20+$0x0] =	vst.idx.msk $0xffff, v17;
	v15 =	vor.u32 v53, v4;
	v14 =	vld.idx.msk [tilespmem:v16+s15+$0x0], $0xffff  }
0x97b: {  	v18 =	vor.u32 v53, v7;
	v17 =	vld.idx.msk [tilespmem:v19+s15+$0x0], $0xffff;
	v16 =	vor.u32 v42, v5;
	[tilespmem:v9+s20+$0x0] =	vst.idx.msk $0xffff, v8  }
0x97c: {  	v19 =	vor.u32 v42, v6;
	v9 =	vor.u32 v60, v1;
	v8 =	vld.idx.msk [tilespmem:v10+s15+$0x0], $0xffff  }
0x97d: {  	v54 =	vld [tilespmem:$0x1FA00];
	[tilespmem:v12+s20+$0x0] =	vst.idx.msk $0xffff, v11;
	v10 =	vor.u32 v25, v0  }
0x97e: {  	v12 =	vor.u32 v60, v3;
	v11 =	vld.idx.msk [tilespmem:v13+s15+$0x0], $0xffff  }
0x97f: {  	[tilespmem:v15+s20+$0x0] =	vst.idx.msk $0xffff, v14;
	v13 =	vor.u32 v25, v2  }
0x980: {  	[tilespmem:v18+s20+$0x0] =	vst.idx.msk $0xffff, v17;
	v15 =	vor.u32 v60, v4;
	v14 =	vld.idx.msk [tilespmem:v16+s15+$0x0], $0xffff  }
0x981: {  	v18 =	vor.u32 v60, v7;
	v17 =	vld.idx.msk [tilespmem:v19+s15+$0x0], $0xffff;
	v16 =	vor.u32 v25, v5;
	[tilespmem:v9+s20+$0x0] =	vst.idx.msk $0xffff, v8  }
0x982: {  	v19 =	vor.u32 v25, v6;
	v9 =	vor.u32 v54, v1;
	v8 =	vld.idx.msk [tilespmem:v10+s15+$0x0], $0xffff  }
0x983: {  	[tilespmem:v12+s20+$0x0] =	vst.idx.msk $0xffff, v11;
	v10 =	vor.u32 v43, v0  }
0x984: {  	v12 =	vor.u32 v54, v3;
	v11 =	vld.idx.msk [tilespmem:v13+s15+$0x0], $0xffff  }
0x985: {  	[tilespmem:v15+s20+$0x0] =	vst.idx.msk $0xffff, v14;
	v13 =	vor.u32 v43, v2  }
0x986: {  	[tilespmem:v18+s20+$0x0] =	vst.idx.msk $0xffff, v17;
	v15 =	vor.u32 v54, v4;
	v14 =	vld.idx.msk [tilespmem:v16+s15+$0x0], $0xffff  }
0x987: {  	v18 =	vor.u32 v54, v7;
	v17 =	vld.idx.msk [tilespmem:v19+s15+$0x0], $0xffff;
	v16 =	vor.u32 v43, v5;
	[tilespmem:v9+s20+$0x0] =	vst.idx.msk $0xffff, v8  }
0x988: {  	v19 =	vor.u32 v43, v6;
	v9 =	vor.u32 v61, v1;
	v8 =	vld.idx.msk [tilespmem:v10+s15+$0x0], $0xffff  }
0x989: {  	v60 =	vld [tilespmem:$0x1FA60];
	[tilespmem:v12+s20+$0x0] =	vst.idx.msk $0xffff, v11;
	v10 =	vor.u32 v28, v0  }
0x98a: {  	v12 =	vor.u32 v61, v3;
	v11 =	vld.idx.msk [tilespmem:v13+s15+$0x0], $0xffff  }
0x98b: {  	[tilespmem:v15+s20+$0x0] =	vst.idx.msk $0xffff, v14;
	v13 =	vor.u32 v28, v2  }
0x98c: {  	[tilespmem:v18+s20+$0x0] =	vst.idx.msk $0xffff, v17;
	v15 =	vor.u32 v61, v4;
	v14 =	vld.idx.msk [tilespmem:v16+s15+$0x0], $0xffff  }
0x98d: {  	v18 =	vor.u32 v61, v7;
	v17 =	vld.idx.msk [tilespmem:v19+s15+$0x0], $0xffff;
	v16 =	vor.u32 v28, v5;
	[tilespmem:v9+s20+$0x0] =	vst.idx.msk $0xffff, v8  }
0x98e: {  	v19 =	vor.u32 v28, v6;
	v9 =	vor.u32 v60, v1;
	v8 =	vld.idx.msk [tilespmem:v10+s15+$0x0], $0xffff  }
0x98f: {  	[tilespmem:v12+s20+$0x0] =	vst.idx.msk $0xffff, v11;
	v10 =	vor.u32 v45, v0  }
0x990: {  	v12 =	vor.u32 v60, v3;
	v11 =	vld.idx.msk [tilespmem:v13+s15+$0x0], $0xffff  }
0x991: {  	[tilespmem:v15+s20+$0x0] =	vst.idx.msk $0xffff, v14;
	v13 =	vor.u32 v45, v2  }
0x992: {  	[tilespmem:v18+s20+$0x0] =	vst.idx.msk $0xffff, v17;
	v15 =	vor.u32 v60, v4;
	v14 =	vld.idx.msk [tilespmem:v16+s15+$0x0], $0xffff  }
0x993: {  	v18 =	vor.u32 v60, v7;
	v17 =	vld.idx.msk [tilespmem:v19+s15+$0x0], $0xffff;
	v16 =	vor.u32 v45, v5;
	[tilespmem:v9+s20+$0x0] =	vst.idx.msk $0xffff, v8  }
0x994: {  	v19 =	vor.u32 v45, v6;
	v9 =	vor.u32 v62, v1;
	v8 =	vld.idx.msk [tilespmem:v10+s15+$0x0], $0xffff  }
0x995: {  	v52 =	vld [tilespmem:$0x1FA80];
	[tilespmem:v12+s20+$0x0] =	vst.idx.msk $0xffff, v11;
	v10 =	vor.u32 v29, v0  }
0x996: {  	v12 =	vor.u32 v62, v3;
	v11 =	vld.idx.msk [tilespmem:v13+s15+$0x0], $0xffff  }
0x997: {  	[tilespmem:v15+s20+$0x0] =	vst.idx.msk $0xffff, v14;
	v13 =	vor.u32 v29, v2  }
0x998: {  	[tilespmem:v18+s20+$0x0] =	vst.idx.msk $0xffff, v17;
	v15 =	vor.u32 v62, v4;
	v14 =	vld.idx.msk [tilespmem:v16+s15+$0x0], $0xffff  }
0x999: {  	v18 =	vor.u32 v62, v7;
	v17 =	vld.idx.msk [tilespmem:v19+s15+$0x0], $0xffff;
	v16 =	vor.u32 v29, v5;
	[tilespmem:v9+s20+$0x0] =	vst.idx.msk $0xffff, v8  }
0x99a: {  	v19 =	vor.u32 v29, v6;
	v9 =	vor.u32 v52, v1;
	v8 =	vld.idx.msk [tilespmem:v10+s15+$0x0], $0xffff  }
0x99b: {  	[tilespmem:v12+s20+$0x0] =	vst.idx.msk $0xffff, v11;
	v10 =	vor.u32 v23, v0  }
0x99c: {  	v12 =	vor.u32 v52, v3;
	v11 =	vld.idx.msk [tilespmem:v13+s15+$0x0], $0xffff  }
0x99d: {  	[tilespmem:v15+s20+$0x0] =	vst.idx.msk $0xffff, v14;
	v13 =	vor.u32 v23, v2  }
0x99e: {  	[tilespmem:v18+s20+$0x0] =	vst.idx.msk $0xffff, v17;
	v15 =	vor.u32 v52, v4;
	v14 =	vld.idx.msk [tilespmem:v16+s15+$0x0], $0xffff  }
0x99f: {  	v18 =	vor.u32 v52, v7;
	v17 =	vld.idx.msk [tilespmem:v19+s15+$0x0], $0xffff;
	v16 =	vor.u32 v23, v5;
	[tilespmem:v9+s20+$0x0] =	vst.idx.msk $0xffff, v8  }
0x9a0: {  	v19 =	vor.u32 v23, v6;
	v9 =	vor.u32 v63, v1;
	v8 =	vld.idx.msk [tilespmem:v10+s15+$0x0], $0xffff  }
0x9a1: {  	v54 =	vld [tilespmem:$0x1FAA0];
	[tilespmem:v12+s20+$0x0] =	vst.idx.msk $0xffff, v11;
	v10 =	vor.u32 v48, v0  }
0x9a2: {  	v12 =	vor.u32 v63, v3;
	v11 =	vld.idx.msk [tilespmem:v13+s15+$0x0], $0xffff  }
0x9a3: {  	v27 =	vld [tilespmem:$0x1F540];
	[tilespmem:v15+s20+$0x0] =	vst.idx.msk $0xffff, v14;
	v13 =	vor.u32 v48, v2  }
0x9a4: {  	[tilespmem:v18+s20+$0x0] =	vst.idx.msk $0xffff, v17;
	v15 =	vor.u32 v63, v4;
	v14 =	vld.idx.msk [tilespmem:v16+s15+$0x0], $0xffff  }
0x9a5: {  	v18 =	vor.u32 v63, v7;
	v17 =	vld.idx.msk [tilespmem:v19+s15+$0x0], $0xffff;
	v16 =	vor.u32 v48, v5;
	[tilespmem:v9+s20+$0x0] =	vst.idx.msk $0xffff, v8  }
0x9a6: {  	v19 =	vor.u32 v48, v6;
	v9 =	vor.u32 v54, v1;
	v8 =	vld.idx.msk [tilespmem:v10+s15+$0x0], $0xffff  }
0x9a7: {  	v25 =	vld [tilespmem:$0x1FAB0];
	[tilespmem:v12+s20+$0x0] =	vst.idx.msk $0xffff, v11;
	v10 =	vor.u32 v44, v0  }
0x9a8: {  	v12 =	vor.u32 v54, v3;
	v11 =	vld.idx.msk [tilespmem:v13+s15+$0x0], $0xffff  }
0x9a9: {  	[tilespmem:v15+s20+$0x0] =	vst.idx.msk $0xffff, v14;
	v13 =	vor.u32 v44, v2  }
0x9aa: {  	[tilespmem:v18+s20+$0x0] =	vst.idx.msk $0xffff, v17;
	v15 =	vor.u32 v54, v4;
	v14 =	vld.idx.msk [tilespmem:v16+s15+$0x0], $0xffff  }
0x9ab: {  	v18 =	vor.u32 v54, v7;
	v17 =	vld.idx.msk [tilespmem:v19+s15+$0x0], $0xffff;
	v16 =	vor.u32 v44, v5;
	[tilespmem:v9+s20+$0x0] =	vst.idx.msk $0xffff, v8  }
0x9ac: {  	v19 =	vor.u32 v44, v6;
	v9 =	vor.u32 v25, v1;
	v8 =	vld.idx.msk [tilespmem:v10+s15+$0x0], $0xffff  }
0x9ad: {  	v28 =	vld [tilespmem:$0x1FAC0];
	[tilespmem:v12+s20+$0x0] =	vst.idx.msk $0xffff, v11;
	v10 =	vor.u32 v27, v0  }
0x9ae: {  	v12 =	vor.u32 v25, v3;
	v11 =	vld.idx.msk [tilespmem:v13+s15+$0x0], $0xffff  }
0x9af: {  	[tilespmem:v15+s20+$0x0] =	vst.idx.msk $0xffff, v14;
	v13 =	vor.u32 v27, v2  }
0x9b0: {  	[tilespmem:v18+s20+$0x0] =	vst.idx.msk $0xffff, v17;
	v15 =	vor.u32 v25, v4;
	v14 =	vld.idx.msk [tilespmem:v16+s15+$0x0], $0xffff  }
0x9b1: {  	v18 =	vor.u32 v25, v7;
	v17 =	vld.idx.msk [tilespmem:v19+s15+$0x0], $0xffff;
	v16 =	vor.u32 v27, v5;
	[tilespmem:v9+s20+$0x0] =	vst.idx.msk $0xffff, v8  }
0x9b2: {  	v19 =	vor.u32 v27, v6;
	v9 =	vor.u32 v28, v1;
	v8 =	vld.idx.msk [tilespmem:v10+s15+$0x0], $0xffff  }
0x9b3: {  	v25 =	vld [tilespmem:$0x1FAD0];
	[tilespmem:v12+s20+$0x0] =	vst.idx.msk $0xffff, v11;
	v10 =	vor.u32 v36, v0  }
0x9b4: {  	v12 =	vor.u32 v28, v3;
	v11 =	vld.idx.msk [tilespmem:v13+s15+$0x0], $0xffff  }
0x9b5: {  	[tilespmem:v15+s20+$0x0] =	vst.idx.msk $0xffff, v14;
	v13 =	vor.u32 v36, v2  }
0x9b6: {  	[tilespmem:v18+s20+$0x0] =	vst.idx.msk $0xffff, v17;
	v15 =	vor.u32 v28, v4;
	v14 =	vld.idx.msk [tilespmem:v16+s15+$0x0], $0xffff  }
0x9b7: {  	v18 =	vor.u32 v28, v7;
	v17 =	vld.idx.msk [tilespmem:v19+s15+$0x0], $0xffff;
	v16 =	vor.u32 v36, v5;
	[tilespmem:v9+s20+$0x0] =	vst.idx.msk $0xffff, v8  }
0x9b8: {  	v19 =	vor.u32 v36, v6;
	v9 =	vor.u32 v25, v1;
	v8 =	vld.idx.msk [tilespmem:v10+s15+$0x0], $0xffff  }
0x9b9: {  	v28 =	vld [tilespmem:$0x1FAE0];
	[tilespmem:v12+s20+$0x0] =	vst.idx.msk $0xffff, v11;
	v10 =	vor.u32 v38, v0  }
0x9ba: {  	v12 =	vor.u32 v25, v3;
	v11 =	vld.idx.msk [tilespmem:v13+s15+$0x0], $0xffff  }
0x9bb: {  	v21 =	vld [tilespmem:$0x1F610];
	[tilespmem:v15+s20+$0x0] =	vst.idx.msk $0xffff, v14;
	v13 =	vor.u32 v38, v2  }
0x9bc: {  	[tilespmem:v18+s20+$0x0] =	vst.idx.msk $0xffff, v17;
	v15 =	vor.u32 v25, v4;
	v14 =	vld.idx.msk [tilespmem:v16+s15+$0x0], $0xffff  }
0x9bd: {  	v18 =	vor.u32 v25, v7;
	v17 =	vld.idx.msk [tilespmem:v19+s15+$0x0], $0xffff;
	v16 =	vor.u32 v38, v5;
	[tilespmem:v9+s20+$0x0] =	vst.idx.msk $0xffff, v8  }
0x9be: {  	v19 =	vor.u32 v38, v6;
	v9 =	vor.u32 v28, v1;
	v8 =	vld.idx.msk [tilespmem:v10+s15+$0x0], $0xffff  }
0x9bf: {  	v25 =	vld [tilespmem:$0x1FAF0];
	[tilespmem:v12+s20+$0x0] =	vst.idx.msk $0xffff, v11;
	v10 =	vor.u32 v50, v0  }
0x9c0: {  	v12 =	vor.u32 v28, v3;
	v11 =	vld.idx.msk [tilespmem:v13+s15+$0x0], $0xffff  }
0x9c1: {  	v42 =	vld [tilespmem:$0x1F630];
	[tilespmem:v15+s20+$0x0] =	vst.idx.msk $0xffff, v14;
	v13 =	vor.u32 v50, v2  }
0x9c2: {  	[tilespmem:v18+s20+$0x0] =	vst.idx.msk $0xffff, v17;
	v15 =	vor.u32 v28, v4;
	v14 =	vld.idx.msk [tilespmem:v16+s15+$0x0], $0xffff  }
0x9c3: {  	v18 =	vor.u32 v28, v7;
	v17 =	vld.idx.msk [tilespmem:v19+s15+$0x0], $0xffff;
	v16 =	vor.u32 v50, v5;
	[tilespmem:v9+s20+$0x0] =	vst.idx.msk $0xffff, v8  }
0x9c4: {  	v19 =	vor.u32 v50, v6;
	v9 =	vor.u32 v25, v1;
	v8 =	vld.idx.msk [tilespmem:v10+s15+$0x0], $0xffff  }
0x9c5: {  	v28 =	vld [tilespmem:$0x1FB00];
	[tilespmem:v12+s20+$0x0] =	vst.idx.msk $0xffff, v11;
	v10 =	vor.u32 v21, v0  }
0x9c6: {  	v12 =	vor.u32 v25, v3;
	v11 =	vld.idx.msk [tilespmem:v13+s15+$0x0], $0xffff  }
0x9c7: {  	[tilespmem:v15+s20+$0x0] =	vst.idx.msk $0xffff, v14;
	v13 =	vor.u32 v21, v2  }
0x9c8: {  	[tilespmem:v18+s20+$0x0] =	vst.idx.msk $0xffff, v17;
	v15 =	vor.u32 v25, v4;
	v14 =	vld.idx.msk [tilespmem:v16+s15+$0x0], $0xffff  }
0x9c9: {  	v18 =	vor.u32 v25, v7;
	v17 =	vld.idx.msk [tilespmem:v19+s15+$0x0], $0xffff;
	v16 =	vor.u32 v21, v5;
	[tilespmem:v9+s20+$0x0] =	vst.idx.msk $0xffff, v8  }
0x9ca: {  	v19 =	vor.u32 v21, v6;
	v9 =	vor.u32 v28, v1;
	v8 =	vld.idx.msk [tilespmem:v10+s15+$0x0], $0xffff  }
0x9cb: {  	v21 =	vld [tilespmem:$0x1FB10];
	[tilespmem:v12+s20+$0x0] =	vst.idx.msk $0xffff, v11;
	v10 =	vor.u32 v42, v0  }
0x9cc: {  	v12 =	vor.u32 v28, v3;
	v11 =	vld.idx.msk [tilespmem:v13+s15+$0x0], $0xffff  }
0x9cd: {  	v53 =	vld [tilespmem:$0x1F620];
	[tilespmem:v15+s20+$0x0] =	vst.idx.msk $0xffff, v14;
	v13 =	vor.u32 v42, v2  }
0x9ce: {  	[tilespmem:v18+s20+$0x0] =	vst.idx.msk $0xffff, v17;
	v15 =	vor.u32 v28, v4;
	v14 =	vld.idx.msk [tilespmem:v16+s15+$0x0], $0xffff  }
0x9cf: {  	v18 =	vor.u32 v28, v7;
	v17 =	vld.idx.msk [tilespmem:v19+s15+$0x0], $0xffff;
	v16 =	vor.u32 v42, v5;
	[tilespmem:v9+s20+$0x0] =	vst.idx.msk $0xffff, v8  }
0x9d0: {  	v19 =	vor.u32 v42, v6;
	v9 =	vor.u32 v21, v1;
	v8 =	vld.idx.msk [tilespmem:v10+s15+$0x0], $0xffff  }
0x9d1: {  	v28 =	vld [tilespmem:$0x1FB20];
	[tilespmem:v12+s20+$0x0] =	vst.idx.msk $0xffff, v11;
	v10 =	vor.u32 v35, v0  }
0x9d2: {  	v12 =	vor.u32 v21, v3;
	v11 =	vld.idx.msk [tilespmem:v13+s15+$0x0], $0xffff  }
0x9d3: {  	v24 =	vld [tilespmem:$0x1F650];
	[tilespmem:v15+s20+$0x0] =	vst.idx.msk $0xffff, v14;
	v13 =	vor.u32 v35, v2  }
0x9d4: {  	[tilespmem:v18+s20+$0x0] =	vst.idx.msk $0xffff, v17;
	v15 =	vor.u32 v21, v4;
	v14 =	vld.idx.msk [tilespmem:v16+s15+$0x0], $0xffff  }
0x9d5: {  	v18 =	vor.u32 v21, v7;
	v17 =	vld.idx.msk [tilespmem:v19+s15+$0x0], $0xffff;
	v16 =	vor.u32 v35, v5;
	[tilespmem:v9+s20+$0x0] =	vst.idx.msk $0xffff, v8  }
0x9d6: {  	v19 =	vor.u32 v35, v6;
	v9 =	vor.u32 v28, v1;
	v8 =	vld.idx.msk [tilespmem:v10+s15+$0x0], $0xffff  }
0x9d7: {  	v21 =	vld [tilespmem:$0x1FB30];
	[tilespmem:v12+s20+$0x0] =	vst.idx.msk $0xffff, v11;
	v10 =	vor.u32 v53, v0  }
0x9d8: {  	v12 =	vor.u32 v28, v3;
	v11 =	vld.idx.msk [tilespmem:v13+s15+$0x0], $0xffff  }
0x9d9: {  	[tilespmem:v15+s20+$0x0] =	vst.idx.msk $0xffff, v14;
	v13 =	vor.u32 v53, v2  }
0x9da: {  	[tilespmem:v18+s20+$0x0] =	vst.idx.msk $0xffff, v17;
	v15 =	vor.u32 v28, v4;
	v14 =	vld.idx.msk [tilespmem:v16+s15+$0x0], $0xffff  }
0x9db: {  	v18 =	vor.u32 v28, v7;
	v17 =	vld.idx.msk [tilespmem:v19+s15+$0x0], $0xffff;
	v16 =	vor.u32 v53, v5;
	[tilespmem:v9+s20+$0x0] =	vst.idx.msk $0xffff, v8  }
0x9dc: {  	v19 =	vor.u32 v53, v6;
	v9 =	vor.u32 v21, v1;
	v8 =	vld.idx.msk [tilespmem:v10+s15+$0x0], $0xffff  }
0x9dd: {  	v28 =	vld [tilespmem:$0x1FB40];
	[tilespmem:v12+s20+$0x0] =	vst.idx.msk $0xffff, v11;
	v10 =	vor.u32 v24, v0  }
0x9de: {  	v12 =	vor.u32 v21, v3;
	v11 =	vld.idx.msk [tilespmem:v13+s15+$0x0], $0xffff  }
0x9df: {  	[tilespmem:v15+s20+$0x0] =	vst.idx.msk $0xffff, v14;
	v13 =	vor.u32 v24, v2  }
0x9e0: {  	[tilespmem:v18+s20+$0x0] =	vst.idx.msk $0xffff, v17;
	v15 =	vor.u32 v21, v4;
	v14 =	vld.idx.msk [tilespmem:v16+s15+$0x0], $0xffff  }
0x9e1: {  	v18 =	vor.u32 v21, v7;
	v17 =	vld.idx.msk [tilespmem:v19+s15+$0x0], $0xffff;
	v16 =	vor.u32 v24, v5;
	[tilespmem:v9+s20+$0x0] =	vst.idx.msk $0xffff, v8  }
0x9e2: {  	v19 =	vor.u32 v24, v6;
	v9 =	vor.u32 v28, v1;
	v8 =	vld.idx.msk [tilespmem:v10+s15+$0x0], $0xffff  }
0x9e3: {  	[tilespmem:v12+s20+$0x0] =	vst.idx.msk $0xffff, v11;
	v10 =	vor.u32 v47, v0  }
0x9e4: {  	v12 =	vor.u32 v28, v3;
	v11 =	vld.idx.msk [tilespmem:v13+s15+$0x0], $0xffff  }
0x9e5: {  	[tilespmem:v15+s20+$0x0] =	vst.idx.msk $0xffff, v14;
	v13 =	vor.u32 v47, v2  }
0x9e6: {  	[tilespmem:v18+s20+$0x0] =	vst.idx.msk $0xffff, v17;
	v15 =	vor.u32 v28, v4;
	v14 =	vld.idx.msk [tilespmem:v16+s15+$0x0], $0xffff  }
0x9e7: {  	v18 =	vor.u32 v28, v7;
	v17 =	vld.idx.msk [tilespmem:v19+s15+$0x0], $0xffff;
	v16 =	vor.u32 v47, v5;
	[tilespmem:v9+s20+$0x0] =	vst.idx.msk $0xffff, v8  }
0x9e8: {  	v19 =	vor.u32 v47, v6;
	v9 =	vor.u32 v41, v1;
	v8 =	vld.idx.msk [tilespmem:v10+s15+$0x0], $0xffff  }
0x9e9: {  	v60 =	vld [tilespmem:$0x1F680];
	[tilespmem:v12+s20+$0x0] =	vst.idx.msk $0xffff, v11;
	v10 =	vor.u32 v20, v0  }
0x9ea: {  	v12 =	vor.u32 v41, v3;
	v11 =	vld.idx.msk [tilespmem:v13+s15+$0x0], $0xffff  }
0x9eb: {  	[tilespmem:v15+s20+$0x0] =	vst.idx.msk $0xffff, v14;
	v13 =	vor.u32 v20, v2  }
0x9ec: {  	[tilespmem:v18+s20+$0x0] =	vst.idx.msk $0xffff, v17;
	v15 =	vor.u32 v41, v4;
	v14 =	vld.idx.msk [tilespmem:v16+s15+$0x0], $0xffff  }
0x9ed: {  	v18 =	vor.u32 v41, v7;
	v17 =	vld.idx.msk [tilespmem:v19+s15+$0x0], $0xffff;
	v16 =	vor.u32 v20, v5;
	[tilespmem:v9+s20+$0x0] =	vst.idx.msk $0xffff, v8  }
0x9ee: {  	v19 =	vor.u32 v20, v6;
	v9 =	vor.u32 v57, v1;
	v8 =	vld.idx.msk [tilespmem:v10+s15+$0x0], $0xffff  }
0x9ef: {  	[tilespmem:v12+s20+$0x0] =	vst.idx.msk $0xffff, v11;
	v10 =	vor.u32 v60, v0  }
0x9f0: {  	v12 =	vor.u32 v57, v3;
	v11 =	vld.idx.msk [tilespmem:v13+s15+$0x0], $0xffff  }
0x9f1: {  	v42 =	vld [tilespmem:$0x1F670];
	[tilespmem:v15+s20+$0x0] =	vst.idx.msk $0xffff, v14;
	v13 =	vor.u32 v60, v2  }
0x9f2: {  	[tilespmem:v18+s20+$0x0] =	vst.idx.msk $0xffff, v17;
	v15 =	vor.u32 v57, v4;
	v14 =	vld.idx.msk [tilespmem:v16+s15+$0x0], $0xffff  }
0x9f3: {  	v17 =	vld.idx.msk [tilespmem:v19+s15+$0x0], $0xffff;
	v16 =	vor.u32 v60, v5;
	[tilespmem:v9+s20+$0x0] =	vst.idx.msk $0xffff, v8  }
0x9f4: {  	v18 =	vor.u32 v57, v7;
	v8 =	vld.idx.msk [tilespmem:v10+s15+$0x0], $0xffff  }
0x9f5: {  	v19 =	vor.u32 v60, v6;
	[tilespmem:v12+s20+$0x0] =	vst.idx.msk $0xffff, v11;
	v10 =	vld [tilespmem:$0x1F670]  }
0x9f6: {  	v11 =	vld.idx.msk [tilespmem:v13+s15+$0x0], $0xffff  }
0x9f7: {  	[tilespmem:v15+s20+$0x0] =	vst.idx.msk $0xffff, v14;
	v13 =	vld [tilespmem:$0x1F670]  }
0x9f8: {  	v14 =	vld.idx.msk [tilespmem:v16+s15+$0x0], $0xffff  }
0x9f9: {  	[tilespmem:v18+s20+$0x0] =	vst.idx.msk $0xffff, v17;
	v16 =	vld [tilespmem:$0x1F670]  }
0x9fa: {  	v18 =	vor.u32 v56, v7;
	v17 =	vld.idx.msk [tilespmem:v19+s15+$0x0], $0xffff  }
0x9fb: {  	v25 =	vld [tilespmem:$0x1FB80];
	v9 =	vor.u32 v56, v1;
	v19 =	vor.u32 v42, v6  }
0x9fc: {  	v49 =	vld [tilespmem:$0x1F5A0];
	v12 =	vor.u32 v56, v3;
	v10 =	vor.u32 v10, v0  }
0x9fd: {  	v15 =	vor.u32 v56, v4;
	v13 =	vor.u32 v13, v2  }
0x9fe: {  	v16 =	vor.u32 v16, v5  }
0x9ff: {  	v61 =	vld [tilespmem:$0x1F690];
	[tilespmem:v18+s20+$0x0] =	vst.idx.msk $0xffff, v17  }
0xa00: {  	[tilespmem:v9+s20+$0x0] =	vst.idx.msk $0xffff, v8;
	v18 =	vor.u32 v25, v7;
	v17 =	vld.idx.msk [tilespmem:v19+s15+$0x0], $0xffff  }
0xa01: {  	v9 =	vor.u32 v25, v1;
	[tilespmem:v12+s20+$0x0] =	vst.idx.msk $0xffff, v11;
	v19 =	vor.u32 v49, v6;
	v8 =	vld.idx.msk [tilespmem:v10+s15+$0x0], $0xffff  }
0xa02: {  	v12 =	vor.u32 v25, v3;
	[tilespmem:v15+s20+$0x0] =	vst.idx.msk $0xffff, v14;
	v10 =	vor.u32 v49, v0;
	v11 =	vld.idx.msk [tilespmem:v13+s15+$0x0], $0xffff  }
0xa03: {  	v15 =	vor.u32 v25, v4;
	v13 =	vor.u32 v49, v2;
	v14 =	vld.idx.msk [tilespmem:v16+s15+$0x0], $0xffff  }
0xa04: {  	v16 =	vor.u32 v49, v5  }
0xa05: {  	[tilespmem:v18+s20+$0x0] =	vst.idx.msk $0xffff, v17  }
0xa06: {  	v18 =	vor.u32 v51, v7;
	v17 =	vld.idx.msk [tilespmem:v19+s15+$0x0], $0xffff;
	[tilespmem:v9+s20+$0x0] =	vst.idx.msk $0xffff, v8  }
0xa07: {  	v19 =	vor.u32 v61, v6;
	v9 =	vor.u32 v51, v1;
	v8 =	vld.idx.msk [tilespmem:v10+s15+$0x0], $0xffff;
	[tilespmem:v12+s20+$0x0] =	vst.idx.msk $0xffff, v11  }
0xa08: {  	v10 =	vor.u32 v61, v0;
	v12 =	vor.u32 v51, v3;
	[tilespmem:v15+s20+$0x0] =	vst.idx.msk $0xffff, v14;
	v11 =	vld.idx.msk [tilespmem:v13+s15+$0x0], $0xffff  }
0xa09: {  	v15 =	vor.u32 v51, v4;
	v13 =	vor.u32 v61, v2;
	v14 =	vld.idx.msk [tilespmem:v16+s15+$0x0], $0xffff  }
0xa0a: {  	v38 =	vld [tilespmem:$0x1F6E0];
	v16 =	vor.u32 v61, v5  }
0xa0b: {  	v24 =	vld [tilespmem:$0x1FBB0];
	[tilespmem:v18+s20+$0x0] =	vst.idx.msk $0xffff, v17  }
0xa0c: {  	v18 =	vor.u32 v58, v7;
	v17 =	vld.idx.msk [tilespmem:v19+s15+$0x0], $0xffff;
	[tilespmem:v9+s20+$0x0] =	vst.idx.msk $0xffff, v8  }
0xa0d: {  	v19 =	vor.u32 v37, v6;
	v9 =	vor.u32 v58, v1;
	v8 =	vld.idx.msk [tilespmem:v10+s15+$0x0], $0xffff;
	[tilespmem:v12+s20+$0x0] =	vst.idx.msk $0xffff, v11  }
0xa0e: {  	v10 =	vor.u32 v37, v0;
	v12 =	vor.u32 v58, v3;
	[tilespmem:v15+s20+$0x0] =	vst.idx.msk $0xffff, v14;
	v11 =	vld.idx.msk [tilespmem:v13+s15+$0x0], $0xffff  }
0xa0f: {  	v15 =	vor.u32 v58, v4;
	v13 =	vor.u32 v37, v2;
	v14 =	vld.idx.msk [tilespmem:v16+s15+$0x0], $0xffff  }
0xa10: {  	v16 =	vor.u32 v37, v5  }
0xa11: {  	v25 =	vld [tilespmem:$0x1F6B0];
	[tilespmem:v18+s20+$0x0] =	vst.idx.msk $0xffff, v17  }
0xa12: {  	v18 =	vor.u32 v24, v7;
	v17 =	vld.idx.msk [tilespmem:v19+s15+$0x0], $0xffff;
	[tilespmem:v9+s20+$0x0] =	vst.idx.msk $0xffff, v8  }
0xa13: {  	v19 =	vor.u32 v38, v6;
	v9 =	vor.u32 v24, v1;
	v8 =	vld.idx.msk [tilespmem:v10+s15+$0x0], $0xffff;
	[tilespmem:v12+s20+$0x0] =	vst.idx.msk $0xffff, v11  }
0xa14: {  	v10 =	vor.u32 v38, v0;
	v12 =	vor.u32 v24, v3;
	[tilespmem:v15+s20+$0x0] =	vst.idx.msk $0xffff, v14;
	v11 =	vld.idx.msk [tilespmem:v13+s15+$0x0], $0xffff  }
0xa15: {  	v15 =	vor.u32 v24, v4;
	v13 =	vor.u32 v38, v2;
	v14 =	vld.idx.msk [tilespmem:v16+s15+$0x0], $0xffff  }
0xa16: {  	v62 =	vld [tilespmem:$0x1F6D0];
	v16 =	vor.u32 v38, v5  }
0xa17: {  	v24 =	vld [tilespmem:$0x1FBD0];
	[tilespmem:v18+s20+$0x0] =	vst.idx.msk $0xffff, v17  }
0xa18: {  	v18 =	vor.u32 v59, v7;
	v17 =	vld.idx.msk [tilespmem:v19+s15+$0x0], $0xffff;
	[tilespmem:v9+s20+$0x0] =	vst.idx.msk $0xffff, v8  }
0xa19: {  	v19 =	vor.u32 v25, v6;
	v9 =	vor.u32 v59, v1;
	v8 =	vld.idx.msk [tilespmem:v10+s15+$0x0], $0xffff;
	[tilespmem:v12+s20+$0x0] =	vst.idx.msk $0xffff, v11  }
0xa1a: {  	v10 =	vor.u32 v25, v0;
	v12 =	vor.u32 v59, v3;
	[tilespmem:v15+s20+$0x0] =	vst.idx.msk $0xffff, v14;
	v11 =	vld.idx.msk [tilespmem:v13+s15+$0x0], $0xffff  }
0xa1b: {  	v15 =	vor.u32 v59, v4;
	v14 =	vld.idx.msk [tilespmem:v16+s15+$0x0], $0xffff  }
0xa1c: {  	v13 =	vor.u32 v25, v2  }
0xa1d: {  	v16 =	vor.u32 v25, v5;
	[tilespmem:v18+s20+$0x0] =	vst.idx.msk $0xffff, v17  }
0xa1e: {  	v18 =	vor.u32 v24, v7;
	v17 =	vld.idx.msk [tilespmem:v19+s15+$0x0], $0xffff;
	[tilespmem:v9+s20+$0x0] =	vst.idx.msk $0xffff, v8  }
0xa1f: {  	v19 =	vor.u32 v62, v6;
	v9 =	vor.u32 v24, v1;
	v8 =	vld.idx.msk [tilespmem:v10+s15+$0x0], $0xffff;
	[tilespmem:v12+s20+$0x0] =	vst.idx.msk $0xffff, v11  }
0xa20: {  	v12 =	vor.u32 v24, v3;
	[tilespmem:v15+s20+$0x0] =	vst.idx.msk $0xffff, v14;
	v15 =	vor.u32 v24, v4;
	v24 =	vld [tilespmem:$0x1FBE0]  }
0xa21: {  	v10 =	vor.u32 v62, v0;
	v11 =	vld.idx.msk [tilespmem:v13+s15+$0x0], $0xffff  }
0xa22: {  	v14 =	vld.idx.msk [tilespmem:v16+s15+$0x0], $0xffff  }
0xa23: {  	v13 =	vor.u32 v62, v2  }
0xa24: {  	v35 =	vld [tilespmem:$0x1F4D0];
	v16 =	vor.u32 v62, v5;
	[tilespmem:v18+s20+$0x0] =	vst.idx.msk $0xffff, v17  }
0xa25: {  	v17 =	vld.idx.msk [tilespmem:v19+s15+$0x0], $0xffff;
	v19 =	vor.u32 v30, v6;
	[tilespmem:v9+s20+$0x0] =	vst.idx.msk $0xffff, v8  }
0xa26: {  	v9 =	vor.u32 v24, v1;
	v18 =	vor.u32 v24, v7;
	v8 =	vld.idx.msk [tilespmem:v10+s15+$0x0], $0xffff;
	[tilespmem:v12+s20+$0x0] =	vst.idx.msk $0xffff, v11  }
0xa27: {  	v12 =	vor.u32 v24, v3;
	[tilespmem:v15+s20+$0x0] =	vst.idx.msk $0xffff, v14;
	v15 =	vor.u32 v24, v4;
	v24 =	vld [tilespmem:$0x1FBF0]  }
0xa28: {  	v10 =	vor.u32 v30, v0;
	v11 =	vld.idx.msk [tilespmem:v13+s15+$0x0], $0xffff  }
0xa29: {  	v14 =	vld.idx.msk [tilespmem:v16+s15+$0x0], $0xffff  }
0xa2a: {  	v13 =	vor.u32 v30, v2  }
0xa2b: {  	v29 =	vld [tilespmem:$0x1F700];
	v16 =	vor.u32 v30, v5;
	[tilespmem:v18+s20+$0x0] =	vst.idx.msk $0xffff, v17  }
0xa2c: {  	[tilespmem:v9+s20+$0x0] =	vst.idx.msk $0xffff, v8;
	v9 =	vor.u32 v24, v1;
	v17 =	vld.idx.msk [tilespmem:v19+s15+$0x0], $0xffff  }
0xa2d: {  	v18 =	vor.u32 v24, v7;
	v19 =	vor.u32 v35, v6;
	v8 =	vld.idx.msk [tilespmem:v10+s15+$0x0], $0xffff;
	[tilespmem:v12+s20+$0x0] =	vst.idx.msk $0xffff, v11  }
0xa2e: {  	v12 =	vor.u32 v24, v3;
	[tilespmem:v15+s20+$0x0] =	vst.idx.msk $0xffff, v14;
	v15 =	vor.u32 v24, v4;
	v24 =	vld [tilespmem:$0x1FC00]  }
0xa2f: {  	v10 =	vor.u32 v35, v0;
	v11 =	vld.idx.msk [tilespmem:v13+s15+$0x0], $0xffff  }
0xa30: {  	v14 =	vld.idx.msk [tilespmem:v16+s15+$0x0], $0xffff  }
0xa31: {  	v13 =	vor.u32 v35, v2  }
0xa32: {  	v16 =	vor.u32 v35, v5;
	[tilespmem:v18+s20+$0x0] =	vst.idx.msk $0xffff, v17  }
0xa33: {  	[tilespmem:v9+s20+$0x0] =	vst.idx.msk $0xffff, v8;
	v9 =	vor.u32 v24, v1;
	v17 =	vld.idx.msk [tilespmem:v19+s15+$0x0], $0xffff  }
0xa34: {  	v18 =	vor.u32 v24, v7;
	v19 =	vor.u32 v29, v6;
	v8 =	vld.idx.msk [tilespmem:v10+s15+$0x0], $0xffff;
	[tilespmem:v12+s20+$0x0] =	vst.idx.msk $0xffff, v11  }
0xa35: {  	v12 =	vor.u32 v24, v3;
	[tilespmem:v15+s20+$0x0] =	vst.idx.msk $0xffff, v14;
	v15 =	vor.u32 v24, v4;
	v24 =	vld [tilespmem:$0x1FC10]  }
0xa36: {  	v10 =	vor.u32 v29, v0;
	v11 =	vld.idx.msk [tilespmem:v13+s15+$0x0], $0xffff  }
0xa37: {  	v14 =	vld.idx.msk [tilespmem:v16+s15+$0x0], $0xffff  }
0xa38: {  	v13 =	vor.u32 v29, v2  }
0xa39: {  	v28 =	vld [tilespmem:$0x1F710];
	v16 =	vor.u32 v29, v5;
	[tilespmem:v18+s20+$0x0] =	vst.idx.msk $0xffff, v17  }
0xa3a: {  	[tilespmem:v9+s20+$0x0] =	vst.idx.msk $0xffff, v8;
	v9 =	vor.u32 v24, v1;
	v17 =	vld.idx.msk [tilespmem:v19+s15+$0x0], $0xffff  }
0xa3b: {  	v18 =	vor.u32 v24, v7;
	v19 =	vor.u32 v31, v6;
	v8 =	vld.idx.msk [tilespmem:v10+s15+$0x0], $0xffff;
	[tilespmem:v12+s20+$0x0] =	vst.idx.msk $0xffff, v11  }
0xa3c: {  	v12 =	vor.u32 v24, v3;
	[tilespmem:v15+s20+$0x0] =	vst.idx.msk $0xffff, v14;
	v15 =	vor.u32 v24, v4;
	v24 =	vld [tilespmem:$0x1FC20]  }
0xa3d: {  	v10 =	vor.u32 v31, v0;
	v11 =	vld.idx.msk [tilespmem:v13+s15+$0x0], $0xffff  }
0xa3e: {  	v14 =	vld.idx.msk [tilespmem:v16+s15+$0x0], $0xffff  }
0xa3f: {  	v13 =	vor.u32 v31, v2  }
0xa40: {  	v63 =	vld [tilespmem:$0x1F730];
	v16 =	vor.u32 v31, v5;
	[tilespmem:v18+s20+$0x0] =	vst.idx.msk $0xffff, v17  }
0xa41: {  	[tilespmem:v9+s20+$0x0] =	vst.idx.msk $0xffff, v8;
	v9 =	vor.u32 v24, v1;
	v17 =	vld.idx.msk [tilespmem:v19+s15+$0x0], $0xffff  }
0xa42: {  	v18 =	vor.u32 v24, v7;
	v19 =	vor.u32 v28, v6;
	v8 =	vld.idx.msk [tilespmem:v10+s15+$0x0], $0xffff;
	[tilespmem:v12+s20+$0x0] =	vst.idx.msk $0xffff, v11  }
0xa43: {  	v12 =	vor.u32 v24, v3;
	[tilespmem:v15+s20+$0x0] =	vst.idx.msk $0xffff, v14;
	v15 =	vor.u32 v24, v4;
	v24 =	vld [tilespmem:$0x1FC30]  }
0xa44: {  	v10 =	vor.u32 v28, v0;
	v11 =	vld.idx.msk [tilespmem:v13+s15+$0x0], $0xffff  }
0xa45: {  	v14 =	vld.idx.msk [tilespmem:v16+s15+$0x0], $0xffff  }
0xa46: {  	v13 =	vor.u32 v28, v2  }
0xa47: {  	v16 =	vor.u32 v28, v5;
	[tilespmem:v18+s20+$0x0] =	vst.idx.msk $0xffff, v17  }
0xa48: {  	[tilespmem:v9+s20+$0x0] =	vst.idx.msk $0xffff, v8;
	v9 =	vor.u32 v24, v1;
	v17 =	vld.idx.msk [tilespmem:v19+s15+$0x0], $0xffff  }
0xa49: {  	v18 =	vor.u32 v24, v7;
	v19 =	vor.u32 v63, v6;
	v8 =	vld.idx.msk [tilespmem:v10+s15+$0x0], $0xffff;
	[tilespmem:v12+s20+$0x0] =	vst.idx.msk $0xffff, v11  }
0xa4a: {  	v12 =	vor.u32 v24, v3;
	[tilespmem:v15+s20+$0x0] =	vst.idx.msk $0xffff, v14;
	v15 =	vor.u32 v24, v4;
	v24 =	vld [tilespmem:$0x1FC40]  }
0xa4b: {  	v10 =	vor.u32 v63, v0;
	v11 =	vld.idx.msk [tilespmem:v13+s15+$0x0], $0xffff  }
0xa4c: {  	v14 =	vld.idx.msk [tilespmem:v16+s15+$0x0], $0xffff  }
0xa4d: {  	v13 =	vor.u32 v63, v2  }
0xa4e: {  	v27 =	vld [tilespmem:$0x1F4E0];
	v16 =	vor.u32 v63, v5;
	[tilespmem:v18+s20+$0x0] =	vst.idx.msk $0xffff, v17  }
0xa4f: {  	[tilespmem:v9+s20+$0x0] =	vst.idx.msk $0xffff, v8;
	v9 =	vor.u32 v24, v1;
	v17 =	vld.idx.msk [tilespmem:v19+s15+$0x0], $0xffff  }
0xa50: {  	v18 =	vor.u32 v24, v7;
	v19 =	vor.u32 v32, v6;
	v8 =	vld.idx.msk [tilespmem:v10+s15+$0x0], $0xffff;
	[tilespmem:v12+s20+$0x0] =	vst.idx.msk $0xffff, v11  }
0xa51: {  	v12 =	vor.u32 v24, v3;
	[tilespmem:v15+s20+$0x0] =	vst.idx.msk $0xffff, v14;
	v15 =	vor.u32 v24, v4;
	v24 =	vld [tilespmem:$0x1FC50]  }
0xa52: {  	v10 =	vor.u32 v32, v0;
	v11 =	vld.idx.msk [tilespmem:v13+s15+$0x0], $0xffff  }
0xa53: {  	v14 =	vld.idx.msk [tilespmem:v16+s15+$0x0], $0xffff  }
0xa54: {  	v13 =	vor.u32 v32, v2  }
0xa55: {  	v55 =	vld [tilespmem:$0x1F750];
	v16 =	vor.u32 v32, v5;
	[tilespmem:v18+s20+$0x0] =	vst.idx.msk $0xffff, v17  }
0xa56: {  	[tilespmem:v9+s20+$0x0] =	vst.idx.msk $0xffff, v8;
	v9 =	vor.u32 v24, v1;
	v17 =	vld.idx.msk [tilespmem:v19+s15+$0x0], $0xffff  }
0xa57: {  	v18 =	vor.u32 v24, v7;
	v19 =	vor.u32 v27, v6;
	v8 =	vld.idx.msk [tilespmem:v10+s15+$0x0], $0xffff;
	[tilespmem:v12+s20+$0x0] =	vst.idx.msk $0xffff, v11  }
0xa58: {  	v12 =	vor.u32 v24, v3;
	[tilespmem:v15+s20+$0x0] =	vst.idx.msk $0xffff, v14;
	v15 =	vor.u32 v24, v4;
	v24 =	vld [tilespmem:$0x1FC60]  }
0xa59: {  	v10 =	vor.u32 v27, v0;
	v11 =	vld.idx.msk [tilespmem:v13+s15+$0x0], $0xffff  }
0xa5a: {  	v14 =	vld.idx.msk [tilespmem:v16+s15+$0x0], $0xffff  }
0xa5b: {  	v13 =	vor.u32 v27, v2  }
0xa5c: {  	v16 =	vor.u32 v27, v5;
	[tilespmem:v18+s20+$0x0] =	vst.idx.msk $0xffff, v17  }
0xa5d: {  	[tilespmem:v9+s20+$0x0] =	vst.idx.msk $0xffff, v8;
	v9 =	vor.u32 v24, v1;
	v17 =	vld.idx.msk [tilespmem:v19+s15+$0x0], $0xffff  }
0xa5e: {  	v18 =	vor.u32 v24, v7;
	v19 =	vor.u32 v55, v6;
	v8 =	vld.idx.msk [tilespmem:v10+s15+$0x0], $0xffff;
	[tilespmem:v12+s20+$0x0] =	vst.idx.msk $0xffff, v11  }
0xa5f: {  	v12 =	vor.u32 v24, v3;
	[tilespmem:v15+s20+$0x0] =	vst.idx.msk $0xffff, v14;
	v15 =	vor.u32 v24, v4;
	v24 =	vld [tilespmem:$0x1FC70]  }
0xa60: {  	v10 =	vor.u32 v55, v0;
	v11 =	vld.idx.msk [tilespmem:v13+s15+$0x0], $0xffff  }
0xa61: {  	v14 =	vld.idx.msk [tilespmem:v16+s15+$0x0], $0xffff  }
0xa62: {  	v13 =	vor.u32 v55, v2  }
0xa63: {  	v21 =	vld [tilespmem:$0x1F4F0];
	v16 =	vor.u32 v55, v5;
	[tilespmem:v18+s20+$0x0] =	vst.idx.msk $0xffff, v17  }
0xa64: {  	[tilespmem:v9+s20+$0x0] =	vst.idx.msk $0xffff, v8;
	v9 =	vor.u32 v24, v1;
	v17 =	vld.idx.msk [tilespmem:v19+s15+$0x0], $0xffff  }
0xa65: {  	v18 =	vor.u32 v24, v7;
	v19 =	vor.u32 v33, v6;
	v8 =	vld.idx.msk [tilespmem:v10+s15+$0x0], $0xffff;
	[tilespmem:v12+s20+$0x0] =	vst.idx.msk $0xffff, v11  }
0xa66: {  	v12 =	vor.u32 v24, v3;
	[tilespmem:v15+s20+$0x0] =	vst.idx.msk $0xffff, v14;
	v15 =	vor.u32 v24, v4;
	v24 =	vld [tilespmem:$0x1FC80]  }
0xa67: {  	v10 =	vor.u32 v33, v0;
	v11 =	vld.idx.msk [tilespmem:v13+s15+$0x0], $0xffff  }
0xa68: {  	v14 =	vld.idx.msk [tilespmem:v16+s15+$0x0], $0xffff  }
0xa69: {  	v13 =	vor.u32 v33, v2  }
0xa6a: {  	v16 =	vor.u32 v33, v5;
	[tilespmem:v18+s20+$0x0] =	vst.idx.msk $0xffff, v17  }
0xa6b: {  	[tilespmem:v9+s20+$0x0] =	vst.idx.msk $0xffff, v8;
	v9 =	vor.u32 v24, v1;
	v17 =	vld.idx.msk [tilespmem:v19+s15+$0x0], $0xffff  }
0xa6c: {  	v18 =	vor.u32 v24, v7;
	v19 =	vor.u32 v21, v6;
	v8 =	vld.idx.msk [tilespmem:v10+s15+$0x0], $0xffff;
	[tilespmem:v12+s20+$0x0] =	vst.idx.msk $0xffff, v11  }
0xa6d: {  	v12 =	vor.u32 v24, v3;
	[tilespmem:v15+s20+$0x0] =	vst.idx.msk $0xffff, v14;
	v15 =	vor.u32 v24, v4;
	v24 =	vld [tilespmem:$0x1FC90]  }
0xa6e: {  	v10 =	vor.u32 v21, v0;
	v11 =	vld.idx.msk [tilespmem:v13+s15+$0x0], $0xffff  }
0xa6f: {  	v14 =	vld.idx.msk [tilespmem:v16+s15+$0x0], $0xffff  }
0xa70: {  	v13 =	vor.u32 v21, v2  }
0xa71: {  	v20 =	vld [tilespmem:$0x1F500];
	v16 =	vor.u32 v21, v5;
	[tilespmem:v18+s20+$0x0] =	vst.idx.msk $0xffff, v17  }
0xa72: {  	[tilespmem:v9+s20+$0x0] =	vst.idx.msk $0xffff, v8;
	v9 =	vor.u32 v24, v1;
	v17 =	vld.idx.msk [tilespmem:v19+s15+$0x0], $0xffff  }
0xa73: {  	v18 =	vor.u32 v24, v7;
	v19 =	vor.u32 v34, v6;
	v8 =	vld.idx.msk [tilespmem:v10+s15+$0x0], $0xffff;
	[tilespmem:v12+s20+$0x0] =	vst.idx.msk $0xffff, v11  }
0xa74: {  	v12 =	vor.u32 v24, v3;
	[tilespmem:v15+s20+$0x0] =	vst.idx.msk $0xffff, v14;
	v15 =	vor.u32 v24, v4;
	v24 =	vld [tilespmem:$0x1FCA0]  }
0xa75: {  	v10 =	vor.u32 v34, v0;
	v11 =	vld.idx.msk [tilespmem:v13+s15+$0x0], $0xffff  }
0xa76: {  	v14 =	vld.idx.msk [tilespmem:v16+s15+$0x0], $0xffff  }
0xa77: {  	v13 =	vor.u32 v34, v2  }
0xa78: {  	v43 =	vld [tilespmem:$0x1F780];
	v16 =	vor.u32 v34, v5;
	[tilespmem:v18+s20+$0x0] =	vst.idx.msk $0xffff, v17  }
0xa79: {  	[tilespmem:v9+s20+$0x0] =	vst.idx.msk $0xffff, v8;
	v9 =	vor.u32 v24, v1;
	v17 =	vld.idx.msk [tilespmem:v19+s15+$0x0], $0xffff  }
0xa7a: {  	v18 =	vor.u32 v24, v7;
	v8 =	vld.idx.msk [tilespmem:v10+s15+$0x0], $0xffff;
	[tilespmem:v12+s20+$0x0] =	vst.idx.msk $0xffff, v11;
	v10 =	vor.u32 v20, v0  }
0xa7b: {  	v12 =	vor.u32 v24, v3;
	[tilespmem:v15+s20+$0x0] =	vst.idx.msk $0xffff, v14;
	v15 =	vor.u32 v24, v4;
	v24 =	vld [tilespmem:$0x1FCB0]  }
0xa7c: {  	v19 =	vor.u32 v20, v6;
	v11 =	vld.idx.msk [tilespmem:v13+s15+$0x0], $0xffff  }
0xa7d: {  	v13 =	vor.u32 v20, v2;
	v14 =	vld.idx.msk [tilespmem:v16+s15+$0x0], $0xffff  }
0xa7e: {  	v16 =	vor.u32 v20, v5  }
0xa7f: {  	[tilespmem:v9+s20+$0x0] =	vst.idx.msk $0xffff, v8  }
0xa80: {  	[tilespmem:v18+s20+$0x0] =	vst.idx.msk $0xffff, v17;
	v9 =	vor.u32 v24, v1;
	v8 =	vld.idx.msk [tilespmem:v10+s15+$0x0], $0xffff  }
0xa81: {  	v17 =	vld.idx.msk [tilespmem:v19+s15+$0x0], $0xffff;
	v18 =	vor.u32 v24, v7;
	[tilespmem:v12+s20+$0x0] =	vst.idx.msk $0xffff, v11;
	v10 =	vor.u32 v43, v0  }
0xa82: {  	v19 =	vor.u32 v43, v6;
	v12 =	vor.u32 v24, v3;
	[tilespmem:v15+s20+$0x0] =	vst.idx.msk $0xffff, v14;
	v11 =	vld.idx.msk [tilespmem:v13+s15+$0x0], $0xffff  }
0xa83: {  	v15 =	vor.u32 v24, v4;
	v13 =	vor.u32 v43, v2;
	v14 =	vld.idx.msk [tilespmem:v16+s15+$0x0], $0xffff  }
0xa84: {  	v16 =	vor.u32 v43, v5  }
0xa85: {  	v24 =	vld [tilespmem:$0x1FCD0];
	[tilespmem:v9+s20+$0x0] =	vst.idx.msk $0xffff, v8  }
0xa86: {  	[tilespmem:v18+s20+$0x0] =	vst.idx.msk $0xffff, v17;
	v9 =	vor.u32 v39, v1;
	v8 =	vld.idx.msk [tilespmem:v10+s15+$0x0], $0xffff  }
0xa87: {  	v18 =	vor.u32 v39, v7;
	v17 =	vld.idx.msk [tilespmem:v19+s15+$0x0], $0xffff;
	[tilespmem:v12+s20+$0x0] =	vst.idx.msk $0xffff, v11;
	v10 =	vor.u32 v26, v0  }
0xa88: {  	v12 =	vor.u32 v39, v3;
	[tilespmem:v15+s20+$0x0] =	vst.idx.msk $0xffff, v14;
	v11 =	vld.idx.msk [tilespmem:v13+s15+$0x0], $0xffff  }
0xa89: {  	v15 =	vor.u32 v39, v4;
	v14 =	vld.idx.msk [tilespmem:v16+s15+$0x0], $0xffff  }
0xa8a: {  	v13 =	vor.u32 v26, v2  }
0xa8b: {  	[tilespmem:v9+s20+$0x0] =	vst.idx.msk $0xffff, v8  }
0xa8c: {  	v16 =	vor.u32 v26, v5;
	[tilespmem:v18+s20+$0x0] =	vst.idx.msk $0xffff, v17;
	v8 =	vld.idx.msk [tilespmem:v10+s15+$0x0], $0xffff  }
0xa8d: {  	v18 =	vor.u32 v24, v7;
	v9 =	vor.u32 v24, v1;
	[tilespmem:v12+s20+$0x0] =	vst.idx.msk $0xffff, v11;
	v10 =	vld [tilespmem:$0x1F510]  }
0xa8e: {  	v12 =	vor.u32 v24, v3;
	[tilespmem:v15+s20+$0x0] =	vst.idx.msk $0xffff, v14;
	v15 =	vor.u32 v24, v4;
	v24 =	vld [tilespmem:$0x1F510]  }
0xa8f: {  	v19 =	vor.u32 v26, v6;
	v11 =	vld.idx.msk [tilespmem:v13+s15+$0x0], $0xffff  }
0xa90: {  	v13 =	vld [tilespmem:$0x1F510]  }
0xa91: {  	v14 =	vld.idx.msk [tilespmem:v16+s15+$0x0], $0xffff  }
0xa92: {  	v16 =	vld [tilespmem:$0x1F510];
	_ =	sdelay $0x1  }
0xa93: {  	v17 =	vld.idx.msk [tilespmem:v19+s15+$0x0], $0xffff;
	v10 =	vor.u32 v10, v0  }
0xa94: {  	v19 =	vor.u32 v24, v6  }
0xa95: {  	v13 =	vor.u32 v13, v2  }
0xa96: {  	v56 =	vld [tilespmem:$0x1F520];
	v16 =	vor.u32 v16, v5  }
0xa97: {  	v50 =	vld [tilespmem:$0x1F530];
	[tilespmem:v9+s20+$0x0] =	vst.idx.msk $0xffff, v8  }
0xa98: {  	[tilespmem:v18+s20+$0x0] =	vst.idx.msk $0xffff, v17;
	v9 =	vor.u32 v40, v1;
	v8 =	vld.idx.msk [tilespmem:v10+s15+$0x0], $0xffff  }
0xa99: {  	v18 =	vor.u32 v40, v7;
	[tilespmem:v12+s20+$0x0] =	vst.idx.msk $0xffff, v11;
	v17 =	vld.idx.msk [tilespmem:v19+s15+$0x0], $0xffff  }
0xa9a: {  	v12 =	vor.u32 v40, v3;
	[tilespmem:v15+s20+$0x0] =	vst.idx.msk $0xffff, v14;
	v11 =	vld.idx.msk [tilespmem:v13+s15+$0x0], $0xffff  }
0xa9b: {  	v15 =	vor.u32 v40, v4;
	v10 =	vor.u32 v56, v0;
	v14 =	vld.idx.msk [tilespmem:v16+s15+$0x0], $0xffff  }
0xa9c: {  	v40 =	vld [tilespmem:$0x1FF90];
	v16 =	vor.u32 v56, v5  }
0xa9d: {  	[tilespmem:v9+s20+$0x0] =	vst.idx.msk $0xffff, v8;
	v9 =	vld [tilespmem:$0x1FFD0]  }
0xa9e: {  	[tilespmem:v18+s20+$0x0] =	vst.idx.msk $0xffff, v17;
	v18 =	vld [tilespmem:$0x1F8D0]  }
0xa9f: {  	v13 =	vor.u32 v56, v2;
	[tilespmem:v12+s20+$0x0] =	vst.idx.msk $0xffff, v11;
	v11 =	vld [tilespmem:$0x1FFD0]  }
0xaa0: {  	v19 =	vor.u32 v56, v6;
	v8 =	vld.idx.msk [tilespmem:v10+s15+$0x0], $0xffff;
	[tilespmem:v15+s20+$0x0] =	vst.idx.msk $0xffff, v14  }
0xaa1: {  	v12 =	vld.idx.msk [tilespmem:v16+s15+$0x0], $0xffff  }
0xaa2: {  	v16 =	vld [tilespmem:$0x1FFD0];
	v9 =	vor.u32 v9, v1  }
0xaa3: {  	v17 =	vld [tilespmem:$0x1F8C0]  }
0xaa4: {  	v10 =	vld.idx.msk [tilespmem:v13+s15+$0x0], $0xffff;
	v11 =	vor.u32 v11, v3  }
0xaa5: {  	v14 =	vld.idx.msk [tilespmem:v19+s15+$0x0], $0xffff  }
0xaa6: {  	v0 =	vor.u32 v50, v0;
	v19 =	vld [tilespmem:$0x1F8E0]  }
0xaa7: {  	v13 =	vor.u32 v16, v4;
	[tilespmem:v9+s20+$0x0] =	vst.idx.msk $0xffff, v8;
	v9 =	vld [tilespmem:$0x1F850]  }
0xaa8: {  	v8 =	vld [tilespmem:$0x1FFE0]  }
0xaa9: {  	v5 =	vor.u32 v50, v5;
	v15 =	vor.u32 v16, v7;
	[tilespmem:v11+s20+$0x0] =	vst.idx.msk $0xffff, v10;
	v11 =	vld [tilespmem:$0x1F870]  }
0xaaa: {  	v6 =	vor.u32 v50, v6;
	v10 =	vld [tilespmem:$0x1F860]  }
0xaab: {  	v2 =	vor.u32 v50, v2;
	v0 =	vld.idx.msk [tilespmem:v0+s15+$0x0], $0xffff  }
0xaac: {  	[tilespmem:v13+s20+$0x0] =	vst.idx.msk $0xffff, v12;
	v13 =	vld [tilespmem:$0x1F890]  }
0xaad: {  	v12 =	vld [tilespmem:$0x1F880];
	v1 =	vor.u32 v8, v1  }
0xaae: {  	[tilespmem:v15+s20+$0x0] =	vst.idx.msk $0xffff, v14;
	v5 =	vld.idx.msk [tilespmem:v5+s15+$0x0], $0xffff;
	v4 =	vor.u32 v8, v4  }
0xaaf: {  	v6 =	vld.idx.msk [tilespmem:v6+s15+$0x0], $0xffff;
	v7 =	vor.u32 v8, v7  }
0xab0: {  	p2 =	por p0, p0;
	v2 =	vld.idx.msk [tilespmem:v2+s15+$0x0], $0xffff;
	v3 =	vor.u32 v8, v3  }
.Ltmp1:
0xab1: {  	v15 =	vld [tilespmem:$0x1F8B0];
	(pc) =	sbr.rel @p2 .LBB2_5-.Ltmp1, $4  }
0xab2: {  	v14 =	vld [tilespmem:$0x1F8A0];
	[tilespmem:v1+s20+$0x0] =	vst.idx.msk $0xffff, v0  }
0xab3: {  	[tilespmem:v4+s20+$0x0] =	vst.idx.msk $0xffff, v5;
	v5 =	vld [tilespmem:$0x1F820]  }
0xab4: {  	[tilespmem:v7+s20+$0x0] =	vst.idx.msk $0xffff, v6;
	v7 =	vld [tilespmem:$0x1F840]  }
0xab5: {  	p0 =	por $0x0, $0x0;
	s28 =	simm.s32 $0x80;
	[tilespmem:v3+s20+$0x0] =	vst.idx.msk $0xffff, v2;
	v6 =	vld [tilespmem:$0x1F830]  }
0xab6: {  	s25 =	sadd.s32 @!p1 s25, s10  }
0xab7: {  	s25 =	sshll.u32 @!p1 s25, $0x5  }
0xab8: {  	s25 =	sand.u32 @!p1 $0xFFFFFE0, s25  }
0xab9: {  	s28 =	simm.s32 @!p1 $0x0;
	s29 =	simm.s32 @!p1 $0x100;
	s25 =	sadd.s32 @!p1 s1, s25  }
0xaba: {  	[tilespmem:s29], [sflag:$0x5] =	stream.linear.gather @!p1 [hbm4b:s25+s28], $0x100, $0x38;
	[tilespmem:$0x10200] =	vst v63  }
0xabb: {  	s25 =	simm.s32 @!p1 $0x5  }
0xabc: {  	_ =	swait.ge @!p1 [sflag:s25], $0x100  }
0xabd: {  	s31 =	sadd.s32 s5, s26;
	s24 =	sadd.s32 $0x1, s24;
	[sflag:s25] =	ssyncset.done @!p1 $0x0  }
0xabe: {  	p0 =	sne.s32 s24, $0x32;
	[sflag:s25] =	ssyncadd.s32 @!p1 $0xFFFFFF00;
	s25 =	simm.s32 @!p1 $0x4200  }
0xabf: {  	[tilespmem:s25], [sflag:$0x2] =	stream.indirect.gather @!p1 [hbm4b:s4+s29], $0x40, s29, s29, $0xb8;
	[tilespmem:$0x10200] =	vst v63  }
.Ltmp2:
0xac0: {  	s26 =	sshll.u32 s31, $0x5;
	(pc) =	sbr.rel @p0 .LBB2_2-.Ltmp2, $4  }
0xac1: {  	s26 =	sand.u32 $0x7E0, s26;
	s25 =	sshll.u32 s31, $0xB  }
0xac2: {  	s26 =	sadd.s32 s7, s26;
	s25 =	sand.u32 $0xFFE0000, s25  }
0xac3: {  	s25 =	sadd.s32 s25, s26  }
0xac4: {  	[hbm4b:s25+s13] =	stream.strided.scatter [tilespmem:s20], [sflag:$0x4], $0x4000, s18, s13, $0x38;
	[tilespmem:$0x10200] =	vst v63  }
0xac5: {  	s23 =	sadd.s32 $0x1, s23  }
0xac6: {  	_ =	swait.ge [sflag:s21], $0x4000;
	p0 =	sne.s32 s23, s11  }
.Ltmp3:
0xac7: {  	[sflag:s21] =	ssyncset.done $0x0;
	(pc) =	sbr.rel @p0 .LBB2_1-.Ltmp3, $4  }
0xac8: {  	[sflag:s21] =	ssyncadd.s32 $0xFFFFC000  }
0xac9: {  	_ =	swait.ge [sflag:s22], $0x4000  }
0xaca: {  	[sflag:s22] =	ssyncset.done $0x0  }
0xacb: {  	[sflag:s22] =	ssyncadd.s32 $0xFFFFC000  }
0xacc: {  	_ =	sfence.sel $0x180000  }
0xacd: {  	[bflag:$0x0] =	sbarrier.arrive $0xFFFF  }
0xace: {  	p0 =	sne.s32 s0, $0x0;
	_ =	strace $0x90000047  }
0xacf: {  	s0 =	sadd.s32 @!p0 $0x100000, s3;
	[bflag:$0x2] =	sbarrier.arrive $0xFFFF  }
0xad0: {  	[sflag:s0] =	ssyncadd.tile.s32 @!p0 $0x1;
	_ =	shalt  }
.Lfunc_end2:
_tile_overlayer_lowered:
.L_overlay_start_2:
0xad1: {  	(tag) =	ssettag $0x2  }
0xad2: {  	s0 =	rddreg [dreg:$0x0];
	s2 =	stileid.u32  }
0xad3: {  	s1 =	rddreg [dreg:$0x1];
	p0 =	sne.s32 s2, $0x0  }
0xad4: {  	s3 =	rddreg [dreg:$0x2];
	[bflag:$0x3] =	sbarrier.arrive $0xFFFF;
	s2 =	simm.s32 @!p0 $0x1C05  }
0xad5: {  	[timem:s3], [sflag:s2] =	dma.local @!p0 [hbm:s0], s1  }
0xad6: {  	s0 =	simm.s32 @!p0 $0x5  }
0xad7: {  	_ =	swait.ge @!p0 [sflag:s0], s1  }
0xad8: {  	s1 =	ssub.s32 @!p0 $0x0, s1;
	[sflag:s0] =	ssyncset.done @!p0 $0x0  }
0xad9: {  	[sflag:s0] =	ssyncadd.s32 @!p0 s1  }
0xada: {  	[bflag:$0x3] =	sbarrier.arrive $0xFFFF  }
0xadb: {  	_ =	shalt  }

</sc_bundles>
